<compile_context>
chip_gen: v7x
topology: tpu7x:2x2x1
jax: 0.10.2.dev20260603
libtpu: 0.0.44.dev20260713+nightly
codegen_flags: <defaults>
</compile_context>

<pallas_src>
import jax
import jax.numpy as jnp
from jax import lax
from jax.experimental import pallas as pl
from jax.experimental.pallas import tpu as pltpu
from jax.experimental.pallas import tpu_sc as plsc

_N_NODES = 100000
_N_EDGES = 3200000

N_TILES = 32
B = 1024
BLK = 128
N_BLK = B // BLK
N_CHUNKS = _N_EDGES // B
BASE_CHUNKS = N_CHUNKS // N_TILES
EXTRA = N_CHUNKS - BASE_CHUNKS * N_TILES

_LANES = 16


def _rsqrt_newton(x):
    i = lax.bitcast_convert_type(x, jnp.int32)
    i = jnp.int32(0x5F3759DF) - lax.shift_right_arithmetic(i, jnp.int32(1))
    y = lax.bitcast_convert_type(i, jnp.float32)
    for _ in range(2):
        y = y * (1.5 - 0.5 * x * y * y)
    return y


def _body(pos_hbm, bond_hbm, pbc_hbm, lat_hbm, out_hbm,
          idx_v, gi_v, gj_v, po_v, out_v, lat_v, gsem, osem, isem):
    wid = lax.axis_index("s") * 2 + lax.axis_index("c")
    pltpu.sync_copy(lat_hbm, lat_v)
    lane0 = lax.iota(jnp.int32, _LANES)
    lat = [lat_v[k] for k in range(9)]
    nchunks = jnp.int32(BASE_CHUNKS) + jnp.where(wid < EXTRA, 1, 0).astype(jnp.int32)

    def _gather_descs(p):
        descs = []
        for b in range(N_BLK):
            descs.append(pltpu.make_async_copy(
                pos_hbm.at[idx_v.at[p, b, 0]],
                gi_v.at[p].at[pl.ds(b * BLK, BLK)], gsem))
            descs.append(pltpu.make_async_copy(
                pos_hbm.at[idx_v.at[p, b, 1]],
                gj_v.at[p].at[pl.ds(b * BLK, BLK)], gsem))
        return descs

    def _pbc_descs(cid, p):
        return [
            pltpu.make_async_copy(
                pbc_hbm.at[pl.ds(cid * N_BLK, N_BLK)], po_v.at[p], gsem),
        ]

    def idx_desc(cid, p):
        return pltpu.make_async_copy(
            bond_hbm.at[pl.ds(cid * N_BLK, N_BLK)], idx_v.at[p], isem)

    def load_and_start(cid, p):
        pltpu.sync_copy(bond_hbm.at[pl.ds(cid * N_BLK, N_BLK)], idx_v.at[p])
        for d in _gather_descs(p) + _pbc_descs(cid, p):
            d.start()

    def start_after_idx(cid, p):
        idx_desc(cid, p).wait()
        for d in _gather_descs(p) + _pbc_descs(cid, p):
            d.start()

    def wait_chunk(cid, p):
        for d in _gather_descs(p) + _pbc_descs(cid, p):
            d.wait()

    def out_desc(cid, p):
        return pltpu.make_async_copy(
            out_v.at[p], out_hbm.at[pl.ds(cid * B, B)], osem)

    def compute(cid, p):
        gi = gi_v.at[p]
        gj = gj_v.at[p]
        po = po_v.at[p]
        ov = out_v.at[p]

        def step(s, c2):
            ids = lane0 + s * _LANES
            c0 = jnp.full((_LANES,), 0, jnp.int32)
            c1 = jnp.full((_LANES,), 1, jnp.int32)
            c2c = jnp.full((_LANES,), 2, jnp.int32)
            xi = plsc.load_gather(gi, [ids, c0])
            yi = plsc.load_gather(gi, [ids, c1])
            zi = plsc.load_gather(gi, [ids, c2c])
            xj = plsc.load_gather(gj, [ids, c0])
            yj = plsc.load_gather(gj, [ids, c1])
            zj = plsc.load_gather(gj, [ids, c2c])
            blk = s // 8
            off = pl.ds((s % 8) * _LANES, _LANES)
            ox = po[blk, 0, off]
            oy = po[blk, 1, off]
            oz = po[blk, 2, off]
            sl = pl.ds(s * _LANES, _LANES)
            dx = xj - xi + (ox * lat[0] + oy * lat[3] + oz * lat[6])
            dy = yj - yi + (ox * lat[1] + oy * lat[4] + oz * lat[7])
            dz = zj - zi + (ox * lat[2] + oy * lat[5] + oz * lat[8])
            ss = dx * dx + dy * dy + dz * dz
            ss = jnp.maximum(ss, jnp.float32(1e-30))
            ov[sl] = ss * _rsqrt_newton(ss)
            return c2

        lax.fori_loop(0, B // _LANES, step, jnp.int32(0), unroll=2)
        out_desc(cid, p).start()

    load_and_start(wid, 0)
    npairs = (nchunks + 1) // 2

    def pair_body(k, carry):
        c_a = wid + (2 * k) * N_TILES
        c_b = c_a + N_TILES
        has_b = (2 * k + 1) < nchunks

        @pl.when(has_b)
        def _():
            idx_desc(c_b, 1).start()

        wait_chunk(c_a, 0)

        @pl.when(has_b)
        def _():
            start_after_idx(c_b, 1)

        @pl.when(k > 0)
        def _():
            out_desc(c_a, 0).wait()

        compute(c_a, 0)

        @pl.when(has_b)
        def _():
            has_n = (2 * k + 2) < nchunks
            c_n = wid + (2 * k + 2) * N_TILES

            @pl.when(has_n)
            def _():
                idx_desc(c_n, 0).start()

            wait_chunk(c_b, 1)

            @pl.when(has_n)
            def _():
                start_after_idx(c_n, 0)

            @pl.when(k > 0)
            def _():
                out_desc(c_b, 1).wait()

            compute(c_b, 1)

        return carry

    lax.fori_loop(0, npairs, pair_body, jnp.int32(0))
    out_desc(wid, 0).wait()
    out_desc(wid, 1).wait()


_sc_call = pl.kernel(
    _body,
    out_type=jax.ShapeDtypeStruct((_N_EDGES,), jnp.float32),
    mesh=plsc.VectorSubcoreMesh(core_axis_name="c", subcore_axis_name="s",
                                num_cores=2, num_subcores=16),
    scratch_types=[
        pltpu.VMEM((2, N_BLK, 2, BLK), jnp.int32),
        pltpu.VMEM((2, B, 8), jnp.float32),
        pltpu.VMEM((2, B, 8), jnp.float32),
        pltpu.VMEM((2, N_BLK, 4, BLK), jnp.float32),
        pltpu.VMEM((2, B), jnp.float32),
        pltpu.VMEM((9, _LANES), jnp.float32),
        pltpu.SemaphoreType.DMA,
        pltpu.SemaphoreType.DMA,
        pltpu.SemaphoreType.DMA,
    ],
    compiler_params=pltpu.CompilerParams(
        needs_layout_passes=False, use_tc_tiling_on_sc=False),
)


def kernel(atom_positions, bond_atom_indices, pbc_offsets, lattices):
    pos8 = jnp.pad(atom_positions, ((0, 0), (0, 5)))
    bond_blocks = jnp.transpose(
        bond_atom_indices.reshape(_N_EDGES // BLK, BLK, 2), (0, 2, 1))
    pbc_soa = jnp.transpose(
        jnp.pad(pbc_offsets, ((0, 0), (0, 1))).reshape(
            _N_EDGES // BLK, BLK, 4), (0, 2, 1))
    lat_b = jnp.broadcast_to(lattices.reshape(9, 1), (9, 16))
    return _sc_call(pos8, bond_blocks, pbc_soa, lat_b)

# --- scband reference (transcript-rebuilt; emitter-appended) ---
"""Pipeline reference for scband-pair-distance-53558242181352 (READ-ONLY COPY).

The authoritative reference and input builder live on the scoring server;
editing this copy changes nothing except your own understanding.
"""

import jax, jax.numpy as jnp
import numpy as np

N_NODES = 100000
N_EDGES = 3200000


def setup_inputs(seed: int = 0) -> dict:
    key = jax.random.key(seed)
    k1, k2, k3, k4 = jax.random.split(key, 4)
    atom_positions = jax.random.normal(k1, (N_NODES, 3), dtype=jnp.float32) * 10.0
    bond_atom_indices = jax.random.randint(k2, (N_EDGES, 2), 0, N_NODES, dtype=jnp.int32)
    pbc_offsets = jax.random.normal(k3, (N_EDGES, 3), dtype=jnp.float32)
    lattices = jax.random.normal(k4, (1, 3, 3), dtype=jnp.float32) * 5.0
    return {
        "atom_positions": atom_positions,
        "bond_atom_indices": bond_atom_indices,
        "pbc_offsets": pbc_offsets,
        "lattices": lattices,
    }


def reference(atom_positions, bond_atom_indices, pbc_offsets, lattices):
    # get_pair_vector_from_graph: gather endpoint positions, add periodic
    # offsets expressed in lattice coordinates (single structure, so the
    # per-bond lattice repeat is a broadcast of lattices[0]).
    # offset_vec[e, j] = sum_i pbc_offsets[e, i] * lattices[0, i, j]
    offset_vec = jnp.sum(pbc_offsets[:, :, None] * lattices, axis=1)
    pos_j = jnp.take(atom_positions, bond_atom_indices[:, 1], axis=0)
    pos_i = jnp.take(atom_positions, bond_atom_indices[:, 0], axis=0)
    pair_vectors = pos_j + offset_vec - pos_i
    # get_length: Euclidean norm over the last axis
    return jnp.sqrt(jnp.sum(pair_vectors * pair_vectors, axis=1))

if __name__ == "__main__":
    import jax
    _d = setup_inputs()
    print(jax.jit(kernel)(*tuple(_d.values())))

</pallas_src>

<mosaic_0001>
#map = affine_map<(d0, d1) -> (0, 0)>
#map1 = affine_map<(d0, d1) -> (0, 0, 0)>
#map2 = affine_map<(d0, d1) -> (0)>
module attributes {stable_mosaic.version = 14 : i64} {
  func.func @_body(%arg0: i32, %arg1: i32, %arg2: memref<100000x8xf32, #tpu.memory_space<hbm>>, %arg3: memref<25000x2x128xi32, #tpu.memory_space<hbm>>, %arg4: memref<25000x4x128xf32, #tpu.memory_space<hbm>>, %arg5: memref<9x16xf32, #tpu.memory_space<hbm>>, %arg6: memref<3200000xf32, #tpu.memory_space<hbm>>, %arg7: memref<2x8x2x128xi32, #tpu.memory_space<vmem>>, %arg8: memref<2x1024x8xf32, #tpu.memory_space<vmem>>, %arg9: memref<2x1024x8xf32, #tpu.memory_space<vmem>>, %arg10: memref<2x8x4x128xf32, #tpu.memory_space<vmem>>, %arg11: memref<2x1024xf32, #tpu.memory_space<vmem>>, %arg12: memref<9x16xf32, #tpu.memory_space<vmem>>, %arg13: memref<!tpu.dma_semaphore, #tpu.memory_space<semaphore_mem>>, %arg14: memref<!tpu.dma_semaphore, #tpu.memory_space<semaphore_mem>>, %arg15: memref<!tpu.dma_semaphore, #tpu.memory_space<semaphore_mem>>) attributes {dimension_semantics = [#tpu.dimension_semantics<core_parallel>, #tpu.dimension_semantics<subcore_parallel>], iteration_bounds = array<i64: 2, 16>, scalar_prefetch = 0 : i64, scratch_operands = 9 : i64, tpu.core_type = #tpu.core_type<sc_vector_subcore>, window_params = [{transform_indices = #map}, {transform_indices = #map1}, {transform_indices = #map1}, {transform_indices = #map}, {transform_indices = #map2}]} {
    %mul3A = arith.constant 2 : i32
    %mul3A_0 = arith.muli %arg1, %mul3A : i32
    %add3A = arith.addi %mul3A_0, %arg0 : i32
    "tpu.region"() ({
      %run_scoped3A_382 = tpu.sem_alloc : memref<!tpu.dma_semaphore, #tpu.memory_space<semaphore_mem>>
      tpu.enqueue_dma source(%arg5 : memref<9x16xf32, #tpu.memory_space<hbm>>) target(%arg12 : memref<9x16xf32, #tpu.memory_space<vmem>>) target_semaphore(%run_scoped3A_382 : memref<!tpu.dma_semaphore, #tpu.memory_space<semaphore_mem>>)
      tpu.wait_dma2 semaphore(%run_scoped3A_382 : memref<!tpu.dma_semaphore, #tpu.memory_space<semaphore_mem>>) src(%arg5 : memref<9x16xf32, #tpu.memory_space<hbm>>) dst(%arg12 : memref<9x16xf32, #tpu.memory_space<vmem>>)
      tpu.yield
    }) : () -> ()
    %iota3A = tpu.iota {dimensions = array<i32: 0>} : vector<16xi32>
    %get3A = arith.constant 0 : i32
    %get3A_1 = arith.index_cast %get3A : i32 to index
    %get3A_2 = arith.constant 0 : index
    %get3A_3 = tpu.vector_load %arg12[%get3A_1, %get3A_2] {strides = array<i32>} : memref<9x16xf32, #tpu.memory_space<vmem>>, vector<16xf32>,
    %get3A_4 = arith.constant 1 : i32
    %get3A_5 = arith.index_cast %get3A_4 : i32 to index
    %get3A_6 = arith.constant 0 : index
    %get3A_7 = tpu.vector_load %arg12[%get3A_5, %get3A_6] {strides = array<i32>} : memref<9x16xf32, #tpu.memory_space<vmem>>, vector<16xf32>,
    %get3A_8 = arith.constant 2 : i32
    %get3A_9 = arith.index_cast %get3A_8 : i32 to index
    %get3A_10 = arith.constant 0 : index
    %get3A_11 = tpu.vector_load %arg12[%get3A_9, %get3A_10] {strides = array<i32>} : memref<9x16xf32, #tpu.memory_space<vmem>>, vector<16xf32>,
    %get3A_12 = arith.constant 3 : i32
    %get3A_13 = arith.index_cast %get3A_12 : i32 to index
    %get3A_14 = arith.constant 0 : index
    %get3A_15 = tpu.vector_load %arg12[%get3A_13, %get3A_14] {strides = array<i32>} : memref<9x16xf32, #tpu.memory_space<vmem>>, vector<16xf32>,
    %get3A_16 = arith.constant 4 : i32
    %get3A_17 = arith.index_cast %get3A_16 : i32 to index
    %get3A_18 = arith.constant 0 : index
    %get3A_19 = tpu.vector_load %arg12[%get3A_17, %get3A_18] {strides = array<i32>} : memref<9x16xf32, #tpu.memory_space<vmem>>, vector<16xf32>,
    %get3A_20 = arith.constant 5 : i32
    %get3A_21 = arith.index_cast %get3A_20 : i32 to index
    %get3A_22 = arith.constant 0 : index
    %get3A_23 = tpu.vector_load %arg12[%get3A_21, %get3A_22] {strides = array<i32>} : memref<9x16xf32, #tpu.memory_space<vmem>>, vector<16xf32>,
    %get3A_24 = arith.constant 6 : i32
    %get3A_25 = arith.index_cast %get3A_24 : i32 to index
    %get3A_26 = arith.constant 0 : index
    %get3A_27 = tpu.vector_load %arg12[%get3A_25, %get3A_26] {strides = array<i32>} : memref<9x16xf32, #tpu.memory_space<vmem>>, vector<16xf32>,
    %get3A_28 = arith.constant 7 : i32
    %get3A_29 = arith.index_cast %get3A_28 : i32 to index
    %get3A_30 = arith.constant 0 : index
    %get3A_31 = tpu.vector_load %arg12[%get3A_29, %get3A_30] {strides = array<i32>} : memref<9x16xf32, #tpu.memory_space<vmem>>, vector<16xf32>,
    %get3A_32 = arith.constant 8 : i32
    %get3A_33 = arith.index_cast %get3A_32 : i32 to index
    %get3A_34 = arith.constant 0 : index
    %get3A_35 = tpu.vector_load %arg12[%get3A_33, %get3A_34] {strides = array<i32>} : memref<9x16xf32, #tpu.memory_space<vmem>>, vector<16xf32>,
    %lt3A = arith.constant 21 : i32
    %lt3A_36 = arith.cmpi slt, %add3A, %lt3A : i32
    %jit3A = arith.constant 1 : i32
    %jit3A_37 = arith.constant 0 : i32
    %select_n3A = arith.select %lt3A_36, %jit3A, %jit3A_37 : i32
    %add3A_38 = arith.constant 97 : i32
    %add3A_39 = arith.addi %add3A_38, %select_n3A : i32
    %mul3A_40 = arith.constant 8 : i32
    %mul3A_41 = arith.muli %add3A, %mul3A_40 : i32
    %run_scoped3A = arith.constant 0 : i32
    "tpu.region"() ({
      %run_scoped3A_382 = tpu.sem_alloc : memref<!tpu.dma_semaphore, #tpu.memory_space<semaphore_mem>>
      %dma_start3A_383 = arith.constant 0 : i32
      %dma_start3A_384 = arith.constant 0 : i32
      %dma_start3A_385 = arith.constant 0 : i32
      %dma_start3A_386 = tpu.memref_slice %arg7[%run_scoped3A, %dma_start3A_383, %dma_start3A_384, %dma_start3A_385] : memref<2x8x2x128xi32, #tpu.memory_space<vmem>> -> memref<1x8x2x128xi32, #tpu.memory_space<vmem>>
      %dma_start3A_387 = tpu.memref_squeeze %dma_start3A_386 : memref<1x8x2x128xi32, #tpu.memory_space<vmem>> -> memref<8x2x128xi32, #tpu.memory_space<vmem>>
      %dma_start3A_388 = arith.constant 0 : i32
      %dma_start3A_389 = arith.constant 0 : i32
      %dma_start3A_390 = tpu.memref_slice %arg3[%mul3A_41, %dma_start3A_388, %dma_start3A_389] : memref<25000x2x128xi32, #tpu.memory_space<hbm>> -> memref<8x2x128xi32, #tpu.memory_space<hbm>>
      %dma_start3A_391 = arith.constant 0 : i32
      %dma_start3A_392 = arith.constant 0 : i32
      %dma_start3A_393 = arith.constant 0 : i32
      %dma_start3A_394 = tpu.memref_slice %arg7[%run_scoped3A, %dma_start3A_391, %dma_start3A_392, %dma_start3A_393] : memref<2x8x2x128xi32, #tpu.memory_space<vmem>> -> memref<1x8x2x128xi32, #tpu.memory_space<vmem>>
      %dma_start3A_395 = tpu.memref_squeeze %dma_start3A_394 : memref<1x8x2x128xi32, #tpu.memory_space<vmem>> -> memref<8x2x128xi32, #tpu.memory_space<vmem>>
      %dma_start3A_396 = arith.constant 0 : i32
      %dma_start3A_397 = arith.constant 0 : i32
      %dma_start3A_398 = tpu.memref_slice %arg3[%mul3A_41, %dma_start3A_396, %dma_start3A_397] : memref<25000x2x128xi32, #tpu.memory_space<hbm>> -> memref<8x2x128xi32, #tpu.memory_space<hbm>>
      tpu.enqueue_dma source(%dma_start3A_398 : memref<8x2x128xi32, #tpu.memory_space<hbm>>) target(%dma_start3A_395 : memref<8x2x128xi32, #tpu.memory_space<vmem>>) target_semaphore(%run_scoped3A_382 : memref<!tpu.dma_semaphore, #tpu.memory_space<semaphore_mem>>)
      %dma_wait3A_399 = arith.constant 0 : i32
      %dma_wait3A_400 = arith.constant 0 : i32
      %dma_wait3A_401 = arith.constant 0 : i32
      %dma_wait3A_402 = tpu.memref_slice %arg7[%run_scoped3A, %dma_wait3A_399, %dma_wait3A_400, %dma_wait3A_401] : memref<2x8x2x128xi32, #tpu.memory_space<vmem>> -> memref<1x8x2x128xi32, #tpu.memory_space<vmem>>
      %dma_wait3A_403 = tpu.memref_squeeze %dma_wait3A_402 : memref<1x8x2x128xi32, #tpu.memory_space<vmem>> -> memref<8x2x128xi32, #tpu.memory_space<vmem>>
      %dma_wait3A_404 = arith.constant 0 : i32
      %dma_wait3A_405 = arith.constant 0 : i32
      %dma_wait3A_406 = tpu.memref_slice %arg3[%mul3A_41, %dma_wait3A_404, %dma_wait3A_405] : memref<25000x2x128xi32, #tpu.memory_space<hbm>> -> memref<8x2x128xi32, #tpu.memory_space<hbm>>
      %dma_wait3A_407 = arith.constant 0 : i32
      %dma_wait3A_408 = arith.constant 0 : i32
      %dma_wait3A_409 = arith.constant 0 : i32
      %dma_wait3A_410 = tpu.memref_slice %arg7[%run_scoped3A, %dma_wait3A_407, %dma_wait3A_408, %dma_wait3A_409] : memref<2x8x2x128xi32, #tpu.memory_space<vmem>> -> memref<1x8x2x128xi32, #tpu.memory_space<vmem>>
      %dma_wait3A_411 = tpu.memref_squeeze %dma_wait3A_410 : memref<1x8x2x128xi32, #tpu.memory_space<vmem>> -> memref<8x2x128xi32, #tpu.memory_space<vmem>>
      %dma_wait3A_412 = arith.constant 0 : i32
      %dma_wait3A_413 = arith.constant 0 : i32
      %dma_wait3A_414 = tpu.memref_slice %arg3[%mul3A_41, %dma_wait3A_412, %dma_wait3A_413] : memref<25000x2x128xi32, #tpu.memory_space<hbm>> -> memref<8x2x128xi32, #tpu.memory_space<hbm>>
      tpu.wait_dma2 semaphore(%run_scoped3A_382 : memref<!tpu.dma_semaphore, #tpu.memory_space<semaphore_mem>>) src(%dma_wait3A_414 : memref<8x2x128xi32, #tpu.memory_space<hbm>>) dst(%dma_wait3A_411 : memref<8x2x128xi32, #tpu.memory_space<vmem>>)
      tpu.yield
    }) : () -> ()
    %mul3A_42 = arith.constant 8 : i32
    %mul3A_43 = arith.muli %add3A, %mul3A_42 : i32
    %dma_start3A = arith.constant 0 : i32
    %dma_start3A_44 = arith.constant 0 : i32
    %dma_start3A_45 = arith.constant 0 : i32
    %dma_start3A_46 = arith.constant 0 : i32
    %dma_start3A_47 = arith.constant 0 : i32
    %dma_start3A_48 = arith.constant 0 : i32
    %dma_start3A_49 = tpu.memref_slice %arg8[%dma_start3A_46, %dma_start3A_47, %dma_start3A_48] : memref<2x1024x8xf32, #tpu.memory_space<vmem>> -> memref<1x1024x8xf32, #tpu.memory_space<vmem>>
    %dma_start3A_50 = tpu.memref_squeeze %dma_start3A_49 : memref<1x1024x8xf32, #tpu.memory_space<vmem>> -> memref<1024x8xf32, #tpu.memory_space<vmem>>
    %dma_start3A_51 = arith.constant 0 : i32
    %dma_start3A_52 = arith.constant 0 : i32
    %dma_start3A_53 = tpu.memref_slice %dma_start3A_50[%dma_start3A_51, %dma_start3A_52] : memref<1024x8xf32, #tpu.memory_space<vmem>> -> memref<128x8xf32, #tpu.memory_space<vmem>>
    %dma_start3A_54 = arith.constant 0 : i32
    %dma_start3A_55 = tpu.memref_slice %arg7[%dma_start3A, %dma_start3A_44, %dma_start3A_45, %dma_start3A_54] : memref<2x8x2x128xi32, #tpu.memory_space<vmem>> -> memref<1x1x1x128xi32, #tpu.memory_space<vmem>>
    %dma_start3A_56 = tpu.memref_squeeze %dma_start3A_55 : memref<1x1x1x128xi32, #tpu.memory_space<vmem>> -> memref<128xi32, #tpu.memory_space<vmem>>
    %dma_start3A_57 = arith.constant 0 : i32
    %dma_start3A_58 = arith.constant 0 : i32
    %dma_start3A_59 = tpu.memref_slice %arg2[%dma_start3A_57, %dma_start3A_58] : memref<100000x8xf32, #tpu.memory_space<hbm>> -> memref<100000x8xf32, #tpu.memory_space<hbm>>
    tpu.enqueue_indirect_dma source(%dma_start3A_59 : memref<100000x8xf32, #tpu.memory_space<hbm>>) target(%dma_start3A_53 : memref<128x8xf32, #tpu.memory_space<vmem>>) offsets(%dma_start3A_56 : memref<128xi32, #tpu.memory_space<vmem>>) semaphore(%arg13 : memref<!tpu.dma_semaphore, #tpu.memory_space<semaphore_mem>>)
    %dma_start3A_60 = arith.constant 0 : i32
    %dma_start3A_61 = arith.constant 0 : i32
    %dma_start3A_62 = arith.constant 1 : i32
    %dma_start3A_63 = arith.constant 0 : i32
    %dma_start3A_64 = arith.constant 0 : i32
    %dma_start3A_65 = arith.constant 0 : i32
    %dma_start3A_66 = tpu.memref_slice %arg9[%dma_start3A_63, %dma_start3A_64, %dma_start3A_65] : memref<2x1024x8xf32, #tpu.memory_space<vmem>> -> memref<1x1024x8xf32, #tpu.memory_space<vmem>>
    %dma_start3A_67 = tpu.memref_squeeze %dma_start3A_66 : memref<1x1024x8xf32, #tpu.memory_space<vmem>> -> memref<1024x8xf32, #tpu.memory_space<vmem>>
    %dma_start3A_68 = arith.constant 0 : i32
    %dma_start3A_69 = arith.constant 0 : i32
    %dma_start3A_70 = tpu.memref_slice %dma_start3A_67[%dma_start3A_68, %dma_start3A_69] : memref<1024x8xf32, #tpu.memory_space<vmem>> -> memref<128x8xf32, #tpu.memory_space<vmem>>
    %dma_start3A_71 = arith.constant 0 : i32
    %dma_start3A_72 = tpu.memref_slice %arg7[%dma_start3A_60, %dma_start3A_61, %dma_start3A_62, %dma_start3A_71] : memref<2x8x2x128xi32, #tpu.memory_space<vmem>> -> memref<1x1x1x128xi32, #tpu.memory_space<vmem>>
    %dma_start3A_73 = tpu.memref_squeeze %dma_start3A_72 : memref<1x1x1x128xi32, #tpu.memory_space<vmem>> -> memref<128xi32, #tpu.memory_space<vmem>>
    %dma_start3A_74 = arith.constant 0 : i32
    %dma_start3A_75 = arith.constant 0 : i32
    %dma_start3A_76 = tpu.memref_slice %arg2[%dma_start3A_74, %dma_start3A_75] : memref<100000x8xf32, #tpu.memory_space<hbm>> -> memref<100000x8xf32, #tpu.memory_space<hbm>>
    tpu.enqueue_indirect_dma source(%dma_start3A_76 : memref<100000x8xf32, #tpu.memory_space<hbm>>) target(%dma_start3A_70 : memref<128x8xf32, #tpu.memory_space<vmem>>) offsets(%dma_start3A_73 : memref<128xi32, #tpu.memory_space<vmem>>) semaphore(%arg13 : memref<!tpu.dma_semaphore, #tpu.memory_space<semaphore_mem>>)
    %dma_start3A_77 = arith.constant 0 : i32
    %dma_start3A_78 = arith.constant 1 : i32
    %dma_start3A_79 = arith.constant 0 : i32
    %dma_start3A_80 = arith.constant 0 : i32
    %dma_start3A_81 = arith.constant 0 : i32
    %dma_start3A_82 = arith.constant 0 : i32
    %dma_start3A_83 = tpu.memref_slice %arg8[%dma_start3A_80, %dma_start3A_81, %dma_start3A_82] : memref<2x1024x8xf32, #tpu.memory_space<vmem>> -> memref<1x1024x8xf32, #tpu.memory_space<vmem>>
    %dma_start3A_84 = tpu.memref_squeeze %dma_start3A_83 : memref<1x1024x8xf32, #tpu.memory_space<vmem>> -> memref<1024x8xf32, #tpu.memory_space<vmem>>
    %dma_start3A_85 = arith.constant 128 : i32
    %dma_start3A_86 = arith.constant 0 : i32
    %dma_start3A_87 = tpu.memref_slice %dma_start3A_84[%dma_start3A_85, %dma_start3A_86] : memref<1024x8xf32, #tpu.memory_space<vmem>> -> memref<128x8xf32, #tpu.memory_space<vmem>>
    %dma_start3A_88 = arith.constant 0 : i32
    %dma_start3A_89 = tpu.memref_slice %arg7[%dma_start3A_77, %dma_start3A_78, %dma_start3A_79, %dma_start3A_88] : memref<2x8x2x128xi32, #tpu.memory_space<vmem>> -> memref<1x1x1x128xi32, #tpu.memory_space<vmem>>
    %dma_start3A_90 = tpu.memref_squeeze %dma_start3A_89 : memref<1x1x1x128xi32, #tpu.memory_space<vmem>> -> memref<128xi32, #tpu.memory_space<vmem>>
    %dma_start3A_91 = arith.constant 0 : i32
    %dma_start3A_92 = arith.constant 0 : i32
    %dma_start3A_93 = tpu.memref_slice %arg2[%dma_start3A_91, %dma_start3A_92] : memref<100000x8xf32, #tpu.memory_space<hbm>> -> memref<100000x8xf32, #tpu.memory_space<hbm>>
    tpu.enqueue_indirect_dma source(%dma_start3A_93 : memref<100000x8xf32, #tpu.memory_space<hbm>>) target(%dma_start3A_87 : memref<128x8xf32, #tpu.memory_space<vmem>>) offsets(%dma_start3A_90 : memref<128xi32, #tpu.memory_space<vmem>>) semaphore(%arg13 : memref<!tpu.dma_semaphore, #tpu.memory_space<semaphore_mem>>)
    %dma_start3A_94 = arith.constant 0 : i32
    %dma_start3A_95 = arith.constant 1 : i32
    %dma_start3A_96 = arith.constant 1 : i32
    %dma_start3A_97 = arith.constant 0 : i32
    %dma_start3A_98 = arith.constant 0 : i32
    %dma_start3A_99 = arith.constant 0 : i32
    %dma_start3A_100 = tpu.memref_slice %arg9[%dma_start3A_97, %dma_start3A_98, %dma_start3A_99] : memref<2x1024x8xf32, #tpu.memory_space<vmem>> -> memref<1x1024x8xf32, #tpu.memory_space<vmem>>
    %dma_start3A_101 = tpu.memref_squeeze %dma_start3A_100 : memref<1x1024x8xf32, #tpu.memory_space<vmem>> -> memref<1024x8xf32, #tpu.memory_space<vmem>>
    %dma_start3A_102 = arith.constant 128 : i32
    %dma_start3A_103 = arith.constant 0 : i32
    %dma_start3A_104 = tpu.memref_slice %dma_start3A_101[%dma_start3A_102, %dma_start3A_103] : memref<1024x8xf32, #tpu.memory_space<vmem>> -> memref<128x8xf32, #tpu.memory_space<vmem>>
    %dma_start3A_105 = arith.constant 0 : i32
    %dma_start3A_106 = tpu.memref_slice %arg7[%dma_start3A_94, %dma_start3A_95, %dma_start3A_96, %dma_start3A_105] : memref<2x8x2x128xi32, #tpu.memory_space<vmem>> -> memref<1x1x1x128xi32, #tpu.memory_space<vmem>>
    %dma_start3A_107 = tpu.memref_squeeze %dma_start3A_106 : memref<1x1x1x128xi32, #tpu.memory_space<vmem>> -> memref<128xi32, #tpu.memory_space<vmem>>
    %dma_start3A_108 = arith.constant 0 : i32
    %dma_start3A_109 = arith.constant 0 : i32
    %dma_start3A_110 = tpu.memref_slice %arg2[%dma_start3A_108, %dma_start3A_109] : memref<100000x8xf32, #tpu.memory_space<hbm>> -> memref<100000x8xf32, #tpu.memory_space<hbm>>
    tpu.enqueue_indirect_dma source(%dma_start3A_110 : memref<100000x8xf32, #tpu.memory_space<hbm>>) target(%dma_start3A_104 : memref<128x8xf32, #tpu.memory_space<vmem>>) offsets(%dma_start3A_107 : memref<128xi32, #tpu.memory_space<vmem>>) semaphore(%arg13 : memref<!tpu.dma_semaphore, #tpu.memory_space<semaphore_mem>>)
    %dma_start3A_111 = arith.constant 0 : i32
    %dma_start3A_112 = arith.constant 2 : i32
    %dma_start3A_113 = arith.constant 0 : i32
    %dma_start3A_114 = arith.constant 0 : i32
    %dma_start3A_115 = arith.constant 0 : i32
    %dma_start3A_116 = arith.constant 0 : i32
    %dma_start3A_117 = tpu.memref_slice %arg8[%dma_start3A_114, %dma_start3A_115, %dma_start3A_116] : memref<2x1024x8xf32, #tpu.memory_space<vmem>> -> memref<1x1024x8xf32, #tpu.memory_space<vmem>>
    %dma_start3A_118 = tpu.memref_squeeze %dma_start3A_117 : memref<1x1024x8xf32, #tpu.memory_space<vmem>> -> memref<1024x8xf32, #tpu.memory_space<vmem>>
    %dma_start3A_119 = arith.constant 256 : i32
    %dma_start3A_120 = arith.constant 0 : i32
    %dma_start3A_121 = tpu.memref_slice %dma_start3A_118[%dma_start3A_119, %dma_start3A_120] : memref<1024x8xf32, #tpu.memory_space<vmem>> -> memref<128x8xf32, #tpu.memory_space<vmem>>
    %dma_start3A_122 = arith.constant 0 : i32
    %dma_start3A_123 = tpu.memref_slice %arg7[%dma_start3A_111, %dma_start3A_112, %dma_start3A_113, %dma_start3A_122] : memref<2x8x2x128xi32, #tpu.memory_space<vmem>> -> memref<1x1x1x128xi32, #tpu.memory_space<vmem>>
    %dma_start3A_124 = tpu.memref_squeeze %dma_start3A_123 : memref<1x1x1x128xi32, #tpu.memory_space<vmem>> -> memref<128xi32, #tpu.memory_space<vmem>>
    %dma_start3A_125 = arith.constant 0 : i32
    %dma_start3A_126 = arith.constant 0 : i32
    %dma_start3A_127 = tpu.memref_slice %arg2[%dma_start3A_125, %dma_start3A_126] : memref<100000x8xf32, #tpu.memory_space<hbm>> -> memref<100000x8xf32, #tpu.memory_space<hbm>>
    tpu.enqueue_indirect_dma source(%dma_start3A_127 : memref<100000x8xf32, #tpu.memory_space<hbm>>) target(%dma_start3A_121 : memref<128x8xf32, #tpu.memory_space<vmem>>) offsets(%dma_start3A_124 : memref<128xi32, #tpu.memory_space<vmem>>) semaphore(%arg13 : memref<!tpu.dma_semaphore, #tpu.memory_space<semaphore_mem>>)
    %dma_start3A_128 = arith.constant 0 : i32
    %dma_start3A_129 = arith.constant 2 : i32
    %dma_start3A_130 = arith.constant 1 : i32
    %dma_start3A_131 = arith.constant 0 : i32
    %dma_start3A_132 = arith.constant 0 : i32
    %dma_start3A_133 = arith.constant 0 : i32
    %dma_start3A_134 = tpu.memref_slice %arg9[%dma_start3A_131, %dma_start3A_132, %dma_start3A_133] : memref<2x1024x8xf32, #tpu.memory_space<vmem>> -> memref<1x1024x8xf32, #tpu.memory_space<vmem>>
    %dma_start3A_135 = tpu.memref_squeeze %dma_start3A_134 : memref<1x1024x8xf32, #tpu.memory_space<vmem>> -> memref<1024x8xf32, #tpu.memory_space<vmem>>
    %dma_start3A_136 = arith.constant 256 : i32
    %dma_start3A_137 = arith.constant 0 : i32
    %dma_start3A_138 = tpu.memref_slice %dma_start3A_135[%dma_start3A_136, %dma_start3A_137] : memref<1024x8xf32, #tpu.memory_space<vmem>> -> memref<128x8xf32, #tpu.memory_space<vmem>>
    %dma_start3A_139 = arith.constant 0 : i32
    %dma_start3A_140 = tpu.memref_slice %arg7[%dma_start3A_128, %dma_start3A_129, %dma_start3A_130, %dma_start3A_139] : memref<2x8x2x128xi32, #tpu.memory_space<vmem>> -> memref<1x1x1x128xi32, #tpu.memory_space<vmem>>
    %dma_start3A_141 = tpu.memref_squeeze %dma_start3A_140 : memref<1x1x1x128xi32, #tpu.memory_space<vmem>> -> memref<128xi32, #tpu.memory_space<vmem>>
    %dma_start3A_142 = arith.constant 0 : i32
    %dma_start3A_143 = arith.constant 0 : i32
    %dma_start3A_144 = tpu.memref_slice %arg2[%dma_start3A_142, %dma_start3A_143] : memref<100000x8xf32, #tpu.memory_space<hbm>> -> memref<100000x8xf32, #tpu.memory_space<hbm>>
    tpu.enqueue_indirect_dma source(%dma_start3A_144 : memref<100000x8xf32, #tpu.memory_space<hbm>>) target(%dma_start3A_138 : memref<128x8xf32, #tpu.memory_space<vmem>>) offsets(%dma_start3A_141 : memref<128xi32, #tpu.memory_space<vmem>>) semaphore(%arg13 : memref<!tpu.dma_semaphore, #tpu.memory_space<semaphore_mem>>)
    %dma_start3A_145 = arith.constant 0 : i32
    %dma_start3A_146 = arith.constant 3 : i32
    %dma_start3A_147 = arith.constant 0 : i32
    %dma_start3A_148 = arith.constant 0 : i32
    %dma_start3A_149 = arith.constant 0 : i32
    %dma_start3A_150 = arith.constant 0 : i32
    %dma_start3A_151 = tpu.memref_slice %arg8[%dma_start3A_148, %dma_start3A_149, %dma_start3A_150] : memref<2x1024x8xf32, #tpu.memory_space<vmem>> -> memref<1x1024x8xf32, #tpu.memory_space<vmem>>
    %dma_start3A_152 = tpu.memref_squeeze %dma_start3A_151 : memref<1x1024x8xf32, #tpu.memory_space<vmem>> -> memref<1024x8xf32, #tpu.memory_space<vmem>>
    %dma_start3A_153 = arith.constant 384 : i32
    %dma_start3A_154 = arith.constant 0 : i32
    %dma_start3A_155 = tpu.memref_slice %dma_start3A_152[%dma_start3A_153, %dma_start3A_154] : memref<1024x8xf32, #tpu.memory_space<vmem>> -> memref<128x8xf32, #tpu.memory_space<vmem>>
    %dma_start3A_156 = arith.constant 0 : i32
    %dma_start3A_157 = tpu.memref_slice %arg7[%dma_start3A_145, %dma_start3A_146, %dma_start3A_147, %dma_start3A_156] : memref<2x8x2x128xi32, #tpu.memory_space<vmem>> -> memref<1x1x1x128xi32, #tpu.memory_space<vmem>>
    %dma_start3A_158 = tpu.memref_squeeze %dma_start3A_157 : memref<1x1x1x128xi32, #tpu.memory_space<vmem>> -> memref<128xi32, #tpu.memory_space<vmem>>
    %dma_start3A_159 = arith.constant 0 : i32
    %dma_start3A_160 = arith.constant 0 : i32
    %dma_start3A_161 = tpu.memref_slice %arg2[%dma_start3A_159, %dma_start3A_160] : memref<100000x8xf32, #tpu.memory_space<hbm>> -> memref<100000x8xf32, #tpu.memory_space<hbm>>
    tpu.enqueue_indirect_dma source(%dma_start3A_161 : memref<100000x8xf32, #tpu.memory_space<hbm>>) target(%dma_start3A_155 : memref<128x8xf32, #tpu.memory_space<vmem>>) offsets(%dma_start3A_158 : memref<128xi32, #tpu.memory_space<vmem>>) semaphore(%arg13 : memref<!tpu.dma_semaphore, #tpu.memory_space<semaphore_mem>>)
    %dma_start3A_162 = arith.constant 0 : i32
    %dma_start3A_163 = arith.constant 3 : i32
    %dma_start3A_164 = arith.constant 1 : i32
    %dma_start3A_165 = arith.constant 0 : i32
    %dma_start3A_166 = arith.constant 0 : i32
    %dma_start3A_167 = arith.constant 0 : i32
    %dma_start3A_168 = tpu.memref_slice %arg9[%dma_start3A_165, %dma_start3A_166, %dma_start3A_167] : memref<2x1024x8xf32, #tpu.memory_space<vmem>> -> memref<1x1024x8xf32, #tpu.memory_space<vmem>>
    %dma_start3A_169 = tpu.memref_squeeze %dma_start3A_168 : memref<1x1024x8xf32, #tpu.memory_space<vmem>> -> memref<1024x8xf32, #tpu.memory_space<vmem>>
    %dma_start3A_170 = arith.constant 384 : i32
    %dma_start3A_171 = arith.constant 0 : i32
    %dma_start3A_172 = tpu.memref_slice %dma_start3A_169[%dma_start3A_170, %dma_start3A_171] : memref<1024x8xf32, #tpu.memory_space<vmem>> -> memref<128x8xf32, #tpu.memory_space<vmem>>
    %dma_start3A_173 = arith.constant 0 : i32
    %dma_start3A_174 = tpu.memref_slice %arg7[%dma_start3A_162, %dma_start3A_163, %dma_start3A_164, %dma_start3A_173] : memref<2x8x2x128xi32, #tpu.memory_space<vmem>> -> memref<1x1x1x128xi32, #tpu.memory_space<vmem>>
    %dma_start3A_175 = tpu.memref_squeeze %dma_start3A_174 : memref<1x1x1x128xi32, #tpu.memory_space<vmem>> -> memref<128xi32, #tpu.memory_space<vmem>>
    %dma_start3A_176 = arith.constant 0 : i32
    %dma_start3A_177 = arith.constant 0 : i32
    %dma_start3A_178 = tpu.memref_slice %arg2[%dma_start3A_176, %dma_start3A_177] : memref<100000x8xf32, #tpu.memory_space<hbm>> -> memref<100000x8xf32, #tpu.memory_space<hbm>>
    tpu.enqueue_indirect_dma source(%dma_start3A_178 : memref<100000x8xf32, #tpu.memory_space<hbm>>) target(%dma_start3A_172 : memref<128x8xf32, #tpu.memory_space<vmem>>) offsets(%dma_start3A_175 : memref<128xi32, #tpu.memory_space<vmem>>) semaphore(%arg13 : memref<!tpu.dma_semaphore, #tpu.memory_space<semaphore_mem>>)
    %dma_start3A_179 = arith.constant 0 : i32
    %dma_start3A_180 = arith.constant 4 : i32
    %dma_start3A_181 = arith.constant 0 : i32
    %dma_start3A_182 = arith.constant 0 : i32
    %dma_start3A_183 = arith.constant 0 : i32
    %dma_start3A_184 = arith.constant 0 : i32
    %dma_start3A_185 = tpu.memref_slice %arg8[%dma_start3A_182, %dma_start3A_183, %dma_start3A_184] : memref<2x1024x8xf32, #tpu.memory_space<vmem>> -> memref<1x1024x8xf32, #tpu.memory_space<vmem>>
    %dma_start3A_186 = tpu.memref_squeeze %dma_start3A_185 : memref<1x1024x8xf32, #tpu.memory_space<vmem>> -> memref<1024x8xf32, #tpu.memory_space<vmem>>
    %dma_start3A_187 = arith.constant 512 : i32
    %dma_start3A_188 = arith.constant 0 : i32
    %dma_start3A_189 = tpu.memref_slice %dma_start3A_186[%dma_start3A_187, %dma_start3A_188] : memref<1024x8xf32, #tpu.memory_space<vmem>> -> memref<128x8xf32, #tpu.memory_space<vmem>>
    %dma_start3A_190 = arith.constant 0 : i32
    %dma_start3A_191 = tpu.memref_slice %arg7[%dma_start3A_179, %dma_start3A_180, %dma_start3A_181, %dma_start3A_190] : memref<2x8x2x128xi32, #tpu.memory_space<vmem>> -> memref<1x1x1x128xi32, #tpu.memory_space<vmem>>
    %dma_start3A_192 = tpu.memref_squeeze %dma_start3A_191 : memref<1x1x1x128xi32, #tpu.memory_space<vmem>> -> memref<128xi32, #tpu.memory_space<vmem>>
    %dma_start3A_193 = arith.constant 0 : i32
    %dma_start3A_194 = arith.constant 0 : i32
    %dma_start3A_195 = tpu.memref_slice %arg2[%dma_start3A_193, %dma_start3A_194] : memref<100000x8xf32, #tpu.memory_space<hbm>> -> memref<100000x8xf32, #tpu.memory_space<hbm>>
    tpu.enqueue_indirect_dma source(%dma_start3A_195 : memref<100000x8xf32, #tpu.memory_space<hbm>>) target(%dma_start3A_189 : memref<128x8xf32, #tpu.memory_space<vmem>>) offsets(%dma_start3A_192 : memref<128xi32, #tpu.memory_space<vmem>>) semaphore(%arg13 : memref<!tpu.dma_semaphore, #tpu.memory_space<semaphore_mem>>)
    %dma_start3A_196 = arith.constant 0 : i32
    %dma_start3A_197 = arith.constant 4 : i32
    %dma_start3A_198 = arith.constant 1 : i32
    %dma_start3A_199 = arith.constant 0 : i32
    %dma_start3A_200 = arith.constant 0 : i32
    %dma_start3A_201 = arith.constant 0 : i32
    %dma_start3A_202 = tpu.memref_slice %arg9[%dma_start3A_199, %dma_start3A_200, %dma_start3A_201] : memref<2x1024x8xf32, #tpu.memory_space<vmem>> -> memref<1x1024x8xf32, #tpu.memory_space<vmem>>
    %dma_start3A_203 = tpu.memref_squeeze %dma_start3A_202 : memref<1x1024x8xf32, #tpu.memory_space<vmem>> -> memref<1024x8xf32, #tpu.memory_space<vmem>>
    %dma_start3A_204 = arith.constant 512 : i32
    %dma_start3A_205 = arith.constant 0 : i32
    %dma_start3A_206 = tpu.memref_slice %dma_start3A_203[%dma_start3A_204, %dma_start3A_205] : memref<1024x8xf32, #tpu.memory_space<vmem>> -> memref<128x8xf32, #tpu.memory_space<vmem>>
    %dma_start3A_207 = arith.constant 0 : i32
    %dma_start3A_208 = tpu.memref_slice %arg7[%dma_start3A_196, %dma_start3A_197, %dma_start3A_198, %dma_start3A_207] : memref<2x8x2x128xi32, #tpu.memory_space<vmem>> -> memref<1x1x1x128xi32, #tpu.memory_space<vmem>>
    %dma_start3A_209 = tpu.memref_squeeze %dma_start3A_208 : memref<1x1x1x128xi32, #tpu.memory_space<vmem>> -> memref<128xi32, #tpu.memory_space<vmem>>
    %dma_start3A_210 = arith.constant 0 : i32
    %dma_start3A_211 = arith.constant 0 : i32
    %dma_start3A_212 = tpu.memref_slice %arg2[%dma_start3A_210, %dma_start3A_211] : memref<100000x8xf32, #tpu.memory_space<hbm>> -> memref<100000x8xf32, #tpu.memory_space<hbm>>
    tpu.enqueue_indirect_dma source(%dma_start3A_212 : memref<100000x8xf32, #tpu.memory_space<hbm>>) target(%dma_start3A_206 : memref<128x8xf32, #tpu.memory_space<vmem>>) offsets(%dma_start3A_209 : memref<128xi32, #tpu.memory_space<vmem>>) semaphore(%arg13 : memref<!tpu.dma_semaphore, #tpu.memory_space<semaphore_mem>>)
    %dma_start3A_213 = arith.constant 0 : i32
    %dma_start3A_214 = arith.constant 5 : i32
    %dma_start3A_215 = arith.constant 0 : i32
    %dma_start3A_216 = arith.constant 0 : i32
    %dma_start3A_217 = arith.constant 0 : i32
    %dma_start3A_218 = arith.constant 0 : i32
    %dma_start3A_219 = tpu.memref_slice %arg8[%dma_start3A_216, %dma_start3A_217, %dma_start3A_218] : memref<2x1024x8xf32, #tpu.memory_space<vmem>> -> memref<1x1024x8xf32, #tpu.memory_space<vmem>>
    %dma_start3A_220 = tpu.memref_squeeze %dma_start3A_219 : memref<1x1024x8xf32, #tpu.memory_space<vmem>> -> memref<1024x8xf32, #tpu.memory_space<vmem>>
    %dma_start3A_221 = arith.constant 640 : i32
    %dma_start3A_222 = arith.constant 0 : i32
    %dma_start3A_223 = tpu.memref_slice %dma_start3A_220[%dma_start3A_221, %dma_start3A_222] : memref<1024x8xf32, #tpu.memory_space<vmem>> -> memref<128x8xf32, #tpu.memory_space<vmem>>
    %dma_start3A_224 = arith.constant 0 : i32
    %dma_start3A_225 = tpu.memref_slice %arg7[%dma_start3A_213, %dma_start3A_214, %dma_start3A_215, %dma_start3A_224] : memref<2x8x2x128xi32, #tpu.memory_space<vmem>> -> memref<1x1x1x128xi32, #tpu.memory_space<vmem>>
    %dma_start3A_226 = tpu.memref_squeeze %dma_start3A_225 : memref<1x1x1x128xi32, #tpu.memory_space<vmem>> -> memref<128xi32, #tpu.memory_space<vmem>>
    %dma_start3A_227 = arith.constant 0 : i32
    %dma_start3A_228 = arith.constant 0 : i32
    %dma_start3A_229 = tpu.memref_slice %arg2[%dma_start3A_227, %dma_start3A_228] : memref<100000x8xf32, #tpu.memory_space<hbm>> -> memref<100000x8xf32, #tpu.memory_space<hbm>>
    tpu.enqueue_indirect_dma source(%dma_start3A_229 : memref<100000x8xf32, #tpu.memory_space<hbm>>) target(%dma_start3A_223 : memref<128x8xf32, #tpu.memory_space<vmem>>) offsets(%dma_start3A_226 : memref<128xi32, #tpu.memory_space<vmem>>) semaphore(%arg13 : memref<!tpu.dma_semaphore, #tpu.memory_space<semaphore_mem>>)
    %dma_start3A_230 = arith.constant 0 : i32
    %dma_start3A_231 = arith.constant 5 : i32
    %dma_start3A_232 = arith.constant 1 : i32
    %dma_start3A_233 = arith.constant 0 : i32
    %dma_start3A_234 = arith.constant 0 : i32
    %dma_start3A_235 = arith.constant 0 : i32
    %dma_start3A_236 = tpu.memref_slice %arg9[%dma_start3A_233, %dma_start3A_234, %dma_start3A_235] : memref<2x1024x8xf32, #tpu.memory_space<vmem>> -> memref<1x1024x8xf32, #tpu.memory_space<vmem>>
    %dma_start3A_237 = tpu.memref_squeeze %dma_start3A_236 : memref<1x1024x8xf32, #tpu.memory_space<vmem>> -> memref<1024x8xf32, #tpu.memory_space<vmem>>
    %dma_start3A_238 = arith.constant 640 : i32
    %dma_start3A_239 = arith.constant 0 : i32
    %dma_start3A_240 = tpu.memref_slice %dma_start3A_237[%dma_start3A_238, %dma_start3A_239] : memref<1024x8xf32, #tpu.memory_space<vmem>> -> memref<128x8xf32, #tpu.memory_space<vmem>>
    %dma_start3A_241 = arith.constant 0 : i32
    %dma_start3A_242 = tpu.memref_slice %arg7[%dma_start3A_230, %dma_start3A_231, %dma_start3A_232, %dma_start3A_241] : memref<2x8x2x128xi32, #tpu.memory_space<vmem>> -> memref<1x1x1x128xi32, #tpu.memory_space<vmem>>
    %dma_start3A_243 = tpu.memref_squeeze %dma_start3A_242 : memref<1x1x1x128xi32, #tpu.memory_space<vmem>> -> memref<128xi32, #tpu.memory_space<vmem>>
    %dma_start3A_244 = arith.constant 0 : i32
    %dma_start3A_245 = arith.constant 0 : i32
    %dma_start3A_246 = tpu.memref_slice %arg2[%dma_start3A_244, %dma_start3A_245] : memref<100000x8xf32, #tpu.memory_space<hbm>> -> memref<100000x8xf32, #tpu.memory_space<hbm>>
    tpu.enqueue_indirect_dma source(%dma_start3A_246 : memref<100000x8xf32, #tpu.memory_space<hbm>>) target(%dma_start3A_240 : memref<128x8xf32, #tpu.memory_space<vmem>>) offsets(%dma_start3A_243 : memref<128xi32, #tpu.memory_space<vmem>>) semaphore(%arg13 : memref<!tpu.dma_semaphore, #tpu.memory_space<semaphore_mem>>)
    %dma_start3A_247 = arith.constant 0 : i32
    %dma_start3A_248 = arith.constant 6 : i32
    %dma_start3A_249 = arith.constant 0 : i32
    %dma_start3A_250 = arith.constant 0 : i32
    %dma_start3A_251 = arith.constant 0 : i32
    %dma_start3A_252 = arith.constant 0 : i32
    %dma_start3A_253 = tpu.memref_slice %arg8[%dma_start3A_250, %dma_start3A_251, %dma_start3A_252] : memref<2x1024x8xf32, #tpu.memory_space<vmem>> -> memref<1x1024x8xf32, #tpu.memory_space<vmem>>
    %dma_start3A_254 = tpu.memref_squeeze %dma_start3A_253 : memref<1x1024x8xf32, #tpu.memory_space<vmem>> -> memref<1024x8xf32, #tpu.memory_space<vmem>>
    %dma_start3A_255 = arith.constant 768 : i32
    %dma_start3A_256 = arith.constant 0 : i32
    %dma_start3A_257 = tpu.memref_slice %dma_start3A_254[%dma_start3A_255, %dma_start3A_256] : memref<1024x8xf32, #tpu.memory_space<vmem>> -> memref<128x8xf32, #tpu.memory_space<vmem>>
    %dma_start3A_258 = arith.constant 0 : i32
    %dma_start3A_259 = tpu.memref_slice %arg7[%dma_start3A_247, %dma_start3A_248, %dma_start3A_249, %dma_start3A_258] : memref<2x8x2x128xi32, #tpu.memory_space<vmem>> -> memref<1x1x1x128xi32, #tpu.memory_space<vmem>>
    %dma_start3A_260 = tpu.memref_squeeze %dma_start3A_259 : memref<1x1x1x128xi32, #tpu.memory_space<vmem>> -> memref<128xi32, #tpu.memory_space<vmem>>
    %dma_start3A_261 = arith.constant 0 : i32
    %dma_start3A_262 = arith.constant 0 : i32
    %dma_start3A_263 = tpu.memref_slice %arg2[%dma_start3A_261, %dma_start3A_262] : memref<100000x8xf32, #tpu.memory_space<hbm>> -> memref<100000x8xf32, #tpu.memory_space<hbm>>
    tpu.enqueue_indirect_dma source(%dma_start3A_263 : memref<100000x8xf32, #tpu.memory_space<hbm>>) target(%dma_start3A_257 : memref<128x8xf32, #tpu.memory_space<vmem>>) offsets(%dma_start3A_260 : memref<128xi32, #tpu.memory_space<vmem>>) semaphore(%arg13 : memref<!tpu.dma_semaphore, #tpu.memory_space<semaphore_mem>>)
    %dma_start3A_264 = arith.constant 0 : i32
    %dma_start3A_265 = arith.constant 6 : i32
    %dma_start3A_266 = arith.constant 1 : i32
    %dma_start3A_267 = arith.constant 0 : i32
    %dma_start3A_268 = arith.constant 0 : i32
    %dma_start3A_269 = arith.constant 0 : i32
    %dma_start3A_270 = tpu.memref_slice %arg9[%dma_start3A_267, %dma_start3A_268, %dma_start3A_269] : memref<2x1024x8xf32, #tpu.memory_space<vmem>> -> memref<1x1024x8xf32, #tpu.memory_space<vmem>>
    %dma_start3A_271 = tpu.memref_squeeze %dma_start3A_270 : memref<1x1024x8xf32, #tpu.memory_space<vmem>> -> memref<1024x8xf32, #tpu.memory_space<vmem>>
    %dma_start3A_272 = arith.constant 768 : i32
    %dma_start3A_273 = arith.constant 0 : i32
    %dma_start3A_274 = tpu.memref_slice %dma_start3A_271[%dma_start3A_272, %dma_start3A_273] : memref<1024x8xf32, #tpu.memory_space<vmem>> -> memref<128x8xf32, #tpu.memory_space<vmem>>
    %dma_start3A_275 = arith.constant 0 : i32
    %dma_start3A_276 = tpu.memref_slice %arg7[%dma_start3A_264, %dma_start3A_265, %dma_start3A_266, %dma_start3A_275] : memref<2x8x2x128xi32, #tpu.memory_space<vmem>> -> memref<1x1x1x128xi32, #tpu.memory_space<vmem>>
    %dma_start3A_277 = tpu.memref_squeeze %dma_start3A_276 : memref<1x1x1x128xi32, #tpu.memory_space<vmem>> -> memref<128xi32, #tpu.memory_space<vmem>>
    %dma_start3A_278 = arith.constant 0 : i32
    %dma_start3A_279 = arith.constant 0 : i32
    %dma_start3A_280 = tpu.memref_slice %arg2[%dma_start3A_278, %dma_start3A_279] : memref<100000x8xf32, #tpu.memory_space<hbm>> -> memref<100000x8xf32, #tpu.memory_space<hbm>>
    tpu.enqueue_indirect_dma source(%dma_start3A_280 : memref<100000x8xf32, #tpu.memory_space<hbm>>) target(%dma_start3A_274 : memref<128x8xf32, #tpu.memory_space<vmem>>) offsets(%dma_start3A_277 : memref<128xi32, #tpu.memory_space<vmem>>) semaphore(%arg13 : memref<!tpu.dma_semaphore, #tpu.memory_space<semaphore_mem>>)
    %dma_start3A_281 = arith.constant 0 : i32
    %dma_start3A_282 = arith.constant 7 : i32
    %dma_start3A_283 = arith.constant 0 : i32
    %dma_start3A_284 = arith.constant 0 : i32
    %dma_start3A_285 = arith.constant 0 : i32
    %dma_start3A_286 = arith.constant 0 : i32
    %dma_start3A_287 = tpu.memref_slice %arg8[%dma_start3A_284, %dma_start3A_285, %dma_start3A_286] : memref<2x1024x8xf32, #tpu.memory_space<vmem>> -> memref<1x1024x8xf32, #tpu.memory_space<vmem>>
    %dma_start3A_288 = tpu.memref_squeeze %dma_start3A_287 : memref<1x1024x8xf32, #tpu.memory_space<vmem>> -> memref<1024x8xf32, #tpu.memory_space<vmem>>
    %dma_start3A_289 = arith.constant 896 : i32
    %dma_start3A_290 = arith.constant 0 : i32
    %dma_start3A_291 = tpu.memref_slice %dma_start3A_288[%dma_start3A_289, %dma_start3A_290] : memref<1024x8xf32, #tpu.memory_space<vmem>> -> memref<128x8xf32, #tpu.memory_space<vmem>>
    %dma_start3A_292 = arith.constant 0 : i32
    %dma_start3A_293 = tpu.memref_slice %arg7[%dma_start3A_281, %dma_start3A_282, %dma_start3A_283, %dma_start3A_292] : memref<2x8x2x128xi32, #tpu.memory_space<vmem>> -> memref<1x1x1x128xi32, #tpu.memory_space<vmem>>
    %dma_start3A_294 = tpu.memref_squeeze %dma_start3A_293 : memref<1x1x1x128xi32, #tpu.memory_space<vmem>> -> memref<128xi32, #tpu.memory_space<vmem>>
    %dma_start3A_295 = arith.constant 0 : i32
    %dma_start3A_296 = arith.constant 0 : i32
    %dma_start3A_297 = tpu.memref_slice %arg2[%dma_start3A_295, %dma_start3A_296] : memref<100000x8xf32, #tpu.memory_space<hbm>> -> memref<100000x8xf32, #tpu.memory_space<hbm>>
    tpu.enqueue_indirect_dma source(%dma_start3A_297 : memref<100000x8xf32, #tpu.memory_space<hbm>>) target(%dma_start3A_291 : memref<128x8xf32, #tpu.memory_space<vmem>>) offsets(%dma_start3A_294 : memref<128xi32, #tpu.memory_space<vmem>>) semaphore(%arg13 : memref<!tpu.dma_semaphore, #tpu.memory_space<semaphore_mem>>)
    %dma_start3A_298 = arith.constant 0 : i32
    %dma_start3A_299 = arith.constant 7 : i32
    %dma_start3A_300 = arith.constant 1 : i32
    %dma_start3A_301 = arith.constant 0 : i32
    %dma_start3A_302 = arith.constant 0 : i32
    %dma_start3A_303 = arith.constant 0 : i32
    %dma_start3A_304 = tpu.memref_slice %arg9[%dma_start3A_301, %dma_start3A_302, %dma_start3A_303] : memref<2x1024x8xf32, #tpu.memory_space<vmem>> -> memref<1x1024x8xf32, #tpu.memory_space<vmem>>
    %dma_start3A_305 = tpu.memref_squeeze %dma_start3A_304 : memref<1x1024x8xf32, #tpu.memory_space<vmem>> -> memref<1024x8xf32, #tpu.memory_space<vmem>>
    %dma_start3A_306 = arith.constant 896 : i32
    %dma_start3A_307 = arith.constant 0 : i32
    %dma_start3A_308 = tpu.memref_slice %dma_start3A_305[%dma_start3A_306, %dma_start3A_307] : memref<1024x8xf32, #tpu.memory_space<vmem>> -> memref<128x8xf32, #tpu.memory_space<vmem>>
    %dma_start3A_309 = arith.constant 0 : i32
    %dma_start3A_310 = tpu.memref_slice %arg7[%dma_start3A_298, %dma_start3A_299, %dma_start3A_300, %dma_start3A_309] : memref<2x8x2x128xi32, #tpu.memory_space<vmem>> -> memref<1x1x1x128xi32, #tpu.memory_space<vmem>>
    %dma_start3A_311 = tpu.memref_squeeze %dma_start3A_310 : memref<1x1x1x128xi32, #tpu.memory_space<vmem>> -> memref<128xi32, #tpu.memory_space<vmem>>
    %dma_start3A_312 = arith.constant 0 : i32
    %dma_start3A_313 = arith.constant 0 : i32
    %dma_start3A_314 = tpu.memref_slice %arg2[%dma_start3A_312, %dma_start3A_313] : memref<100000x8xf32, #tpu.memory_space<hbm>> -> memref<100000x8xf32, #tpu.memory_space<hbm>>
    tpu.enqueue_indirect_dma source(%dma_start3A_314 : memref<100000x8xf32, #tpu.memory_space<hbm>>) target(%dma_start3A_308 : memref<128x8xf32, #tpu.memory_space<vmem>>) offsets(%dma_start3A_311 : memref<128xi32, #tpu.memory_space<vmem>>) semaphore(%arg13 : memref<!tpu.dma_semaphore, #tpu.memory_space<semaphore_mem>>)
    %dma_start3A_315 = arith.constant 0 : i32
    %dma_start3A_316 = arith.constant 0 : i32
    %dma_start3A_317 = arith.constant 0 : i32
    %dma_start3A_318 = arith.constant 0 : i32
    %dma_start3A_319 = tpu.memref_slice %arg10[%dma_start3A_315, %dma_start3A_316, %dma_start3A_317, %dma_start3A_318] : memref<2x8x4x128xf32, #tpu.memory_space<vmem>> -> memref<1x8x4x128xf32, #tpu.memory_space<vmem>>
    %dma_start3A_320 = tpu.memref_squeeze %dma_start3A_319 : memref<1x8x4x128xf32, #tpu.memory_space<vmem>> -> memref<8x4x128xf32, #tpu.memory_space<vmem>>
    %dma_start3A_321 = arith.constant 0 : i32
    %dma_start3A_322 = arith.constant 0 : i32
    %dma_start3A_323 = tpu.memref_slice %arg4[%mul3A_43, %dma_start3A_321, %dma_start3A_322] : memref<25000x4x128xf32, #tpu.memory_space<hbm>> -> memref<8x4x128xf32, #tpu.memory_space<hbm>>
    %dma_start3A_324 = arith.constant 0 : i32
    %dma_start3A_325 = arith.constant 0 : i32
    %dma_start3A_326 = arith.constant 0 : i32
    %dma_start3A_327 = tpu.memref_slice %arg10[%dma_start3A_315, %dma_start3A_324, %dma_start3A_325, %dma_start3A_326] : memref<2x8x4x128xf32, #tpu.memory_space<vmem>> -> memref<1x8x4x128xf32, #tpu.memory_space<vmem>>
    %dma_start3A_328 = tpu.memref_squeeze %dma_start3A_327 : memref<1x8x4x128xf32, #tpu.memory_space<vmem>> -> memref<8x4x128xf32, #tpu.memory_space<vmem>>
    %dma_start3A_329 = arith.constant 0 : i32
    %dma_start3A_330 = arith.constant 0 : i32
    %dma_start3A_331 = tpu.memref_slice %arg4[%mul3A_43, %dma_start3A_329, %dma_start3A_330] : memref<25000x4x128xf32, #tpu.memory_space<hbm>> -> memref<8x4x128xf32, #tpu.memory_space<hbm>>
    tpu.enqueue_dma source(%dma_start3A_331 : memref<8x4x128xf32, #tpu.memory_space<hbm>>) target(%dma_start3A_328 : memref<8x4x128xf32, #tpu.memory_space<vmem>>) target_semaphore(%arg13 : memref<!tpu.dma_semaphore, #tpu.memory_space<semaphore_mem>>)
    %add3A_332 = arith.constant 1 : i32
    %add3A_333 = arith.addi %add3A_39, %add3A_332 : i32
    %jit3A_334 = arith.constant 2 : i32
    %div3A = arith.divsi %add3A_333, %jit3A_334 : i32
    %sign3A = arith.constant 0 : i32
    %sign3A_335 = arith.cmpi sgt, %add3A_333, %sign3A : i32
    %sign3A_336 = arith.extui %sign3A_335 : i1 to i32
    %sign3A_337 = arith.constant 0 : i32
    %sign3A_338 = arith.cmpi slt, %add3A_333, %sign3A_337 : i32
    %sign3A_339 = arith.extui %sign3A_338 : i1 to i32
    %sign3A_340 = arith.subi %sign3A_336, %sign3A_339 : i32
    %sign3A_341 = arith.constant 0 : i32
    %sign3A_342 = arith.cmpi sgt, %jit3A_334, %sign3A_341 : i32
    %sign3A_343 = arith.extui %sign3A_342 : i1 to i32
    %sign3A_344 = arith.constant 0 : i32
    %sign3A_345 = arith.cmpi slt, %jit3A_334, %sign3A_344 : i32
    %sign3A_346 = arith.extui %sign3A_345 : i1 to i32
    %sign3A_347 = arith.subi %sign3A_343, %sign3A_346 : i32
    %ne3A = arith.cmpi ne, %sign3A_340, %sign3A_347 : i32
    %rem3A = arith.remsi %add3A_333, %jit3A_334 : i32
    %ne3A_348 = arith.constant 0 : i32
    %ne3A_349 = arith.cmpi ne, %rem3A, %ne3A_348 : i32
    %and3A = arith.andi %ne3A, %ne3A_349 : i1
    %sub3A = arith.constant 1 : i32
    %sub3A_350 = arith.subi %div3A, %sub3A : i32
    %select_n3A_351 = arith.select %and3A, %sub3A_350, %div3A : i32
    %while3A = arith.constant 0 : i32
    %while3A_352 = arith.constant 0 : i32
    %while3A_353 = arith.subi %select_n3A_351, %while3A_352 : i32
    %while3A_354 = arith.addi %while3A_352, %while3A_353 : i32
    %while3A_355 = arith.constant 1 : i32
    %while3A_356 = arith.divsi %while3A_353, %while3A_355 : i32
    %while3A_357 = arith.muli %while3A_356, %while3A_355 : i32
    %while3A_358 = arith.addi %while3A_352, %while3A_357 : i32
    %while3A_359 = arith.constant 1 : i32
    scf.for %while3A_382 = %while3A_352 to %while3A_358 step %while3A_359  : i32 {
      %mul3A_383 = arith.constant 2 : i32
      %mul3A_384 = arith.muli %mul3A_383, %while3A_382 : i32
      %mul3A_385 = arith.constant 32 : i32
      %mul3A_386 = arith.muli %mul3A_384, %mul3A_385 : i32
      %add3A_387 = arith.addi %add3A, %mul3A_386 : i32
      %add3A_388 = arith.constant 32 : i32
      %add3A_389 = arith.addi %add3A_387, %add3A_388 : i32
      %mul3A_390 = arith.constant 2 : i32
      %mul3A_391 = arith.muli %mul3A_390, %while3A_382 : i32
      %add3A_392 = arith.constant 1 : i32
      %add3A_393 = arith.addi %mul3A_391, %add3A_392 : i32
      %lt3A_394 = arith.cmpi slt, %add3A_393, %add3A_39 : i32
      %convert_element_type3A = arith.extui %lt3A_394 : i1 to i32
      %cond3A = arith.constant 0 : i32
      %cond3A_395 = arith.cmpi ne, %convert_element_type3A, %cond3A : i32
      scf.if %cond3A_395 {
        %mul3A_717 = arith.constant 8 : i32
        %mul3A_718 = arith.muli %add3A_389, %mul3A_717 : i32
        %dma_start3A_719 = arith.constant 1 : i32
        %dma_start3A_720 = arith.constant 0 : i32
        %dma_start3A_721 = arith.constant 0 : i32
        %dma_start3A_722 = arith.constant 0 : i32
        %dma_start3A_723 = tpu.memref_slice %arg7[%dma_start3A_719, %dma_start3A_720, %dma_start3A_721, %dma_start3A_722] : memref<2x8x2x128xi32, #tpu.memory_space<vmem>> -> memref<1x8x2x128xi32, #tpu.memory_space<vmem>>
        %dma_start3A_724 = tpu.memref_squeeze %dma_start3A_723 : memref<1x8x2x128xi32, #tpu.memory_space<vmem>> -> memref<8x2x128xi32, #tpu.memory_space<vmem>>
        %dma_start3A_725 = arith.constant 0 : i32
        %dma_start3A_726 = arith.constant 0 : i32
        %dma_start3A_727 = tpu.memref_slice %arg3[%mul3A_718, %dma_start3A_725, %dma_start3A_726] : memref<25000x2x128xi32, #tpu.memory_space<hbm>> -> memref<8x2x128xi32, #tpu.memory_space<hbm>>
        %dma_start3A_728 = arith.constant 0 : i32
        %dma_start3A_729 = arith.constant 0 : i32
        %dma_start3A_730 = arith.constant 0 : i32
        %dma_start3A_731 = tpu.memref_slice %arg7[%dma_start3A_719, %dma_start3A_728, %dma_start3A_729, %dma_start3A_730] : memref<2x8x2x128xi32, #tpu.memory_space<vmem>> -> memref<1x8x2x128xi32, #tpu.memory_space<vmem>>
        %dma_start3A_732 = tpu.memref_squeeze %dma_start3A_731 : memref<1x8x2x128xi32, #tpu.memory_space<vmem>> -> memref<8x2x128xi32, #tpu.memory_space<vmem>>
        %dma_start3A_733 = arith.constant 0 : i32
        %dma_start3A_734 = arith.constant 0 : i32
        %dma_start3A_735 = tpu.memref_slice %arg3[%mul3A_718, %dma_start3A_733, %dma_start3A_734] : memref<25000x2x128xi32, #tpu.memory_space<hbm>> -> memref<8x2x128xi32, #tpu.memory_space<hbm>>
        tpu.enqueue_dma source(%dma_start3A_735 : memref<8x2x128xi32, #tpu.memory_space<hbm>>) target(%dma_start3A_732 : memref<8x2x128xi32, #tpu.memory_space<vmem>>) target_semaphore(%arg15 : memref<!tpu.dma_semaphore, #tpu.memory_space<semaphore_mem>>)
      } else {
      }
      %mul3A_396 = arith.constant 8 : i32
      %mul3A_397 = arith.muli %add3A_387, %mul3A_396 : i32
      %dma_wait3A_398 = arith.constant 0 : i32
      %dma_wait3A_399 = arith.constant 0 : i32
      %dma_wait3A_400 = arith.constant 0 : i32
      %dma_wait3A_401 = arith.constant 0 : i32
      %dma_wait3A_402 = arith.constant 0 : i32
      %dma_wait3A_403 = arith.constant 0 : i32
      %dma_wait3A_404 = tpu.memref_slice %arg8[%dma_wait3A_401, %dma_wait3A_402, %dma_wait3A_403] : memref<2x1024x8xf32, #tpu.memory_space<vmem>> -> memref<1x1024x8xf32, #tpu.memory_space<vmem>>
      %dma_wait3A_405 = tpu.memref_squeeze %dma_wait3A_404 : memref<1x1024x8xf32, #tpu.memory_space<vmem>> -> memref<1024x8xf32, #tpu.memory_space<vmem>>
      %dma_wait3A_406 = arith.constant 0 : i32
      %dma_wait3A_407 = arith.constant 0 : i32
      %dma_wait3A_408 = tpu.memref_slice %dma_wait3A_405[%dma_wait3A_406, %dma_wait3A_407] : memref<1024x8xf32, #tpu.memory_space<vmem>> -> memref<128x8xf32, #tpu.memory_space<vmem>>
      %dma_wait3A_409 = arith.constant 0 : i32
      %dma_wait3A_410 = tpu.memref_slice %arg7[%dma_wait3A_398, %dma_wait3A_399, %dma_wait3A_400, %dma_wait3A_409] : memref<2x8x2x128xi32, #tpu.memory_space<vmem>> -> memref<1x1x1x128xi32, #tpu.memory_space<vmem>>
      %dma_wait3A_411 = tpu.memref_squeeze %dma_wait3A_410 : memref<1x1x1x128xi32, #tpu.memory_space<vmem>> -> memref<128xi32, #tpu.memory_space<vmem>>
      %dma_wait3A_412 = arith.constant 0 : i32
      %dma_wait3A_413 = arith.constant 0 : i32
      %dma_wait3A_414 = tpu.memref_slice %arg2[%dma_wait3A_412, %dma_wait3A_413] : memref<100000x8xf32, #tpu.memory_space<hbm>> -> memref<100000x8xf32, #tpu.memory_space<hbm>>
      tpu.wait_indirect_dma semaphore(%arg13 : memref<!tpu.dma_semaphore, #tpu.memory_space<semaphore_mem>>) src(%dma_wait3A_414 : memref<100000x8xf32, #tpu.memory_space<hbm>>) dst(%dma_wait3A_408 : memref<128x8xf32, #tpu.memory_space<vmem>>)
      %dma_wait3A_415 = arith.constant 0 : i32
      %dma_wait3A_416 = arith.constant 0 : i32
      %dma_wait3A_417 = arith.constant 1 : i32
      %dma_wait3A_418 = arith.constant 0 : i32
      %dma_wait3A_419 = arith.constant 0 : i32
      %dma_wait3A_420 = arith.constant 0 : i32
      %dma_wait3A_421 = tpu.memref_slice %arg9[%dma_wait3A_418, %dma_wait3A_419, %dma_wait3A_420] : memref<2x1024x8xf32, #tpu.memory_space<vmem>> -> memref<1x1024x8xf32, #tpu.memory_space<vmem>>
      %dma_wait3A_422 = tpu.memref_squeeze %dma_wait3A_421 : memref<1x1024x8xf32, #tpu.memory_space<vmem>> -> memref<1024x8xf32, #tpu.memory_space<vmem>>
      %dma_wait3A_423 = arith.constant 0 : i32
      %dma_wait3A_424 = arith.constant 0 : i32
      %dma_wait3A_425 = tpu.memref_slice %dma_wait3A_422[%dma_wait3A_423, %dma_wait3A_424] : memref<1024x8xf32, #tpu.memory_space<vmem>> -> memref<128x8xf32, #tpu.memory_space<vmem>>
      %dma_wait3A_426 = arith.constant 0 : i32
      %dma_wait3A_427 = tpu.memref_slice %arg7[%dma_wait3A_415, %dma_wait3A_416, %dma_wait3A_417, %dma_wait3A_426] : memref<2x8x2x128xi32, #tpu.memory_space<vmem>> -> memref<1x1x1x128xi32, #tpu.memory_space<vmem>>
      %dma_wait3A_428 = tpu.memref_squeeze %dma_wait3A_427 : memref<1x1x1x128xi32, #tpu.memory_space<vmem>> -> memref<128xi32, #tpu.memory_space<vmem>>
      %dma_wait3A_429 = arith.constant 0 : i32
      %dma_wait3A_430 = arith.constant 0 : i32
      %dma_wait3A_431 = tpu.memref_slice %arg2[%dma_wait3A_429, %dma_wait3A_430] : memref<100000x8xf32, #tpu.memory_space<hbm>> -> memref<100000x8xf32, #tpu.memory_space<hbm>>
      tpu.wait_indirect_dma semaphore(%arg13 : memref<!tpu.dma_semaphore, #tpu.memory_space<semaphore_mem>>) src(%dma_wait3A_431 : memref<100000x8xf32, #tpu.memory_space<hbm>>) dst(%dma_wait3A_425 : memref<128x8xf32, #tpu.memory_space<vmem>>)
      %dma_wait3A_432 = arith.constant 0 : i32
      %dma_wait3A_433 = arith.constant 1 : i32
      %dma_wait3A_434 = arith.constant 0 : i32
      %dma_wait3A_435 = arith.constant 0 : i32
      %dma_wait3A_436 = arith.constant 0 : i32
      %dma_wait3A_437 = arith.constant 0 : i32
      %dma_wait3A_438 = tpu.memref_slice %arg8[%dma_wait3A_435, %dma_wait3A_436, %dma_wait3A_437] : memref<2x1024x8xf32, #tpu.memory_space<vmem>> -> memref<1x1024x8xf32, #tpu.memory_space<vmem>>
      %dma_wait3A_439 = tpu.memref_squeeze %dma_wait3A_438 : memref<1x1024x8xf32, #tpu.memory_space<vmem>> -> memref<1024x8xf32, #tpu.memory_space<vmem>>
      %dma_wait3A_440 = arith.constant 128 : i32
      %dma_wait3A_441 = arith.constant 0 : i32
      %dma_wait3A_442 = tpu.memref_slice %dma_wait3A_439[%dma_wait3A_440, %dma_wait3A_441] : memref<1024x8xf32, #tpu.memory_space<vmem>> -> memref<128x8xf32, #tpu.memory_space<vmem>>
      %dma_wait3A_443 = arith.constant 0 : i32
      %dma_wait3A_444 = tpu.memref_slice %arg7[%dma_wait3A_432, %dma_wait3A_433, %dma_wait3A_434, %dma_wait3A_443] : memref<2x8x2x128xi32, #tpu.memory_space<vmem>> -> memref<1x1x1x128xi32, #tpu.memory_space<vmem>>
      %dma_wait3A_445 = tpu.memref_squeeze %dma_wait3A_444 : memref<1x1x1x128xi32, #tpu.memory_space<vmem>> -> memref<128xi32, #tpu.memory_space<vmem>>
      %dma_wait3A_446 = arith.constant 0 : i32
      %dma_wait3A_447 = arith.constant 0 : i32
      %dma_wait3A_448 = tpu.memref_slice %arg2[%dma_wait3A_446, %dma_wait3A_447] : memref<100000x8xf32, #tpu.memory_space<hbm>> -> memref<100000x8xf32, #tpu.memory_space<hbm>>
      tpu.wait_indirect_dma semaphore(%arg13 : memref<!tpu.dma_semaphore, #tpu.memory_space<semaphore_mem>>) src(%dma_wait3A_448 : memref<100000x8xf32, #tpu.memory_space<hbm>>) dst(%dma_wait3A_442 : memref<128x8xf32, #tpu.memory_space<vmem>>)
      %dma_wait3A_449 = arith.constant 0 : i32
      %dma_wait3A_450 = arith.constant 1 : i32
      %dma_wait3A_451 = arith.constant 1 : i32
      %dma_wait3A_452 = arith.constant 0 : i32
      %dma_wait3A_453 = arith.constant 0 : i32
      %dma_wait3A_454 = arith.constant 0 : i32
      %dma_wait3A_455 = tpu.memref_slice %arg9[%dma_wait3A_452, %dma_wait3A_453, %dma_wait3A_454] : memref<2x1024x8xf32, #tpu.memory_space<vmem>> -> memref<1x1024x8xf32, #tpu.memory_space<vmem>>
      %dma_wait3A_456 = tpu.memref_squeeze %dma_wait3A_455 : memref<1x1024x8xf32, #tpu.memory_space<vmem>> -> memref<1024x8xf32, #tpu.memory_space<vmem>>
      %dma_wait3A_457 = arith.constant 128 : i32
      %dma_wait3A_458 = arith.constant 0 : i32
      %dma_wait3A_459 = tpu.memref_slice %dma_wait3A_456[%dma_wait3A_457, %dma_wait3A_458] : memref<1024x8xf32, #tpu.memory_space<vmem>> -> memref<128x8xf32, #tpu.memory_space<vmem>>
      %dma_wait3A_460 = arith.constant 0 : i32
      %dma_wait3A_461 = tpu.memref_slice %arg7[%dma_wait3A_449, %dma_wait3A_450, %dma_wait3A_451, %dma_wait3A_460] : memref<2x8x2x128xi32, #tpu.memory_space<vmem>> -> memref<1x1x1x128xi32, #tpu.memory_space<vmem>>
      %dma_wait3A_462 = tpu.memref_squeeze %dma_wait3A_461 : memref<1x1x1x128xi32, #tpu.memory_space<vmem>> -> memref<128xi32, #tpu.memory_space<vmem>>
      %dma_wait3A_463 = arith.constant 0 : i32
      %dma_wait3A_464 = arith.constant 0 : i32
      %dma_wait3A_465 = tpu.memref_slice %arg2[%dma_wait3A_463, %dma_wait3A_464] : memref<100000x8xf32, #tpu.memory_space<hbm>> -> memref<100000x8xf32, #tpu.memory_space<hbm>>
      tpu.wait_indirect_dma semaphore(%arg13 : memref<!tpu.dma_semaphore, #tpu.memory_space<semaphore_mem>>) src(%dma_wait3A_465 : memref<100000x8xf32, #tpu.memory_space<hbm>>) dst(%dma_wait3A_459 : memref<128x8xf32, #tpu.memory_space<vmem>>)
      %dma_wait3A_466 = arith.constant 0 : i32
      %dma_wait3A_467 = arith.constant 2 : i32
      %dma_wait3A_468 = arith.constant 0 : i32
      %dma_wait3A_469 = arith.constant 0 : i32
      %dma_wait3A_470 = arith.constant 0 : i32
      %dma_wait3A_471 = arith.constant 0 : i32
      %dma_wait3A_472 = tpu.memref_slice %arg8[%dma_wait3A_469, %dma_wait3A_470, %dma_wait3A_471] : memref<2x1024x8xf32, #tpu.memory_space<vmem>> -> memref<1x1024x8xf32, #tpu.memory_space<vmem>>
      %dma_wait3A_473 = tpu.memref_squeeze %dma_wait3A_472 : memref<1x1024x8xf32, #tpu.memory_space<vmem>> -> memref<1024x8xf32, #tpu.memory_space<vmem>>
      %dma_wait3A_474 = arith.constant 256 : i32
      %dma_wait3A_475 = arith.constant 0 : i32
      %dma_wait3A_476 = tpu.memref_slice %dma_wait3A_473[%dma_wait3A_474, %dma_wait3A_475] : memref<1024x8xf32, #tpu.memory_space<vmem>> -> memref<128x8xf32, #tpu.memory_space<vmem>>
      %dma_wait3A_477 = arith.constant 0 : i32
      %dma_wait3A_478 = tpu.memref_slice %arg7[%dma_wait3A_466, %dma_wait3A_467, %dma_wait3A_468, %dma_wait3A_477] : memref<2x8x2x128xi32, #tpu.memory_space<vmem>> -> memref<1x1x1x128xi32, #tpu.memory_space<vmem>>
      %dma_wait3A_479 = tpu.memref_squeeze %dma_wait3A_478 : memref<1x1x1x128xi32, #tpu.memory_space<vmem>> -> memref<128xi32, #tpu.memory_space<vmem>>
      %dma_wait3A_480 = arith.constant 0 : i32
      %dma_wait3A_481 = arith.constant 0 : i32
      %dma_wait3A_482 = tpu.memref_slice %arg2[%dma_wait3A_480, %dma_wait3A_481] : memref<100000x8xf32, #tpu.memory_space<hbm>> -> memref<100000x8xf32, #tpu.memory_space<hbm>>
      tpu.wait_indirect_dma semaphore(%arg13 : memref<!tpu.dma_semaphore, #tpu.memory_space<semaphore_mem>>) src(%dma_wait3A_482 : memref<100000x8xf32, #tpu.memory_space<hbm>>) dst(%dma_wait3A_476 : memref<128x8xf32, #tpu.memory_space<vmem>>)
      %dma_wait3A_483 = arith.constant 0 : i32
      %dma_wait3A_484 = arith.constant 2 : i32
      %dma_wait3A_485 = arith.constant 1 : i32
      %dma_wait3A_486 = arith.constant 0 : i32
      %dma_wait3A_487 = arith.constant 0 : i32
      %dma_wait3A_488 = arith.constant 0 : i32
      %dma_wait3A_489 = tpu.memref_slice %arg9[%dma_wait3A_486, %dma_wait3A_487, %dma_wait3A_488] : memref<2x1024x8xf32, #tpu.memory_space<vmem>> -> memref<1x1024x8xf32, #tpu.memory_space<vmem>>
      %dma_wait3A_490 = tpu.memref_squeeze %dma_wait3A_489 : memref<1x1024x8xf32, #tpu.memory_space<vmem>> -> memref<1024x8xf32, #tpu.memory_space<vmem>>
      %dma_wait3A_491 = arith.constant 256 : i32
      %dma_wait3A_492 = arith.constant 0 : i32
      %dma_wait3A_493 = tpu.memref_slice %dma_wait3A_490[%dma_wait3A_491, %dma_wait3A_492] : memref<1024x8xf32, #tpu.memory_space<vmem>> -> memref<128x8xf32, #tpu.memory_space<vmem>>
      %dma_wait3A_494 = arith.constant 0 : i32
      %dma_wait3A_495 = tpu.memref_slice %arg7[%dma_wait3A_483, %dma_wait3A_484, %dma_wait3A_485, %dma_wait3A_494] : memref<2x8x2x128xi32, #tpu.memory_space<vmem>> -> memref<1x1x1x128xi32, #tpu.memory_space<vmem>>
      %dma_wait3A_496 = tpu.memref_squeeze %dma_wait3A_495 : memref<1x1x1x128xi32, #tpu.memory_space<vmem>> -> memref<128xi32, #tpu.memory_space<vmem>>
      %dma_wait3A_497 = arith.constant 0 : i32
      %dma_wait3A_498 = arith.constant 0 : i32
      %dma_wait3A_499 = tpu.memref_slice %arg2[%dma_wait3A_497, %dma_wait3A_498] : memref<100000x8xf32, #tpu.memory_space<hbm>> -> memref<100000x8xf32, #tpu.memory_space<hbm>>
      tpu.wait_indirect_dma semaphore(%arg13 : memref<!tpu.dma_semaphore, #tpu.memory_space<semaphore_mem>>) src(%dma_wait3A_499 : memref<100000x8xf32, #tpu.memory_space<hbm>>) dst(%dma_wait3A_493 : memref<128x8xf32, #tpu.memory_space<vmem>>)
      %dma_wait3A_500 = arith.constant 0 : i32
      %dma_wait3A_501 = arith.constant 3 : i32
      %dma_wait3A_502 = arith.constant 0 : i32
      %dma_wait3A_503 = arith.constant 0 : i32
      %dma_wait3A_504 = arith.constant 0 : i32
      %dma_wait3A_505 = arith.constant 0 : i32
      %dma_wait3A_506 = tpu.memref_slice %arg8[%dma_wait3A_503, %dma_wait3A_504, %dma_wait3A_505] : memref<2x1024x8xf32, #tpu.memory_space<vmem>> -> memref<1x1024x8xf32, #tpu.memory_space<vmem>>
      %dma_wait3A_507 = tpu.memref_squeeze %dma_wait3A_506 : memref<1x1024x8xf32, #tpu.memory_space<vmem>> -> memref<1024x8xf32, #tpu.memory_space<vmem>>
      %dma_wait3A_508 = arith.constant 384 : i32
      %dma_wait3A_509 = arith.constant 0 : i32
      %dma_wait3A_510 = tpu.memref_slice %dma_wait3A_507[%dma_wait3A_508, %dma_wait3A_509] : memref<1024x8xf32, #tpu.memory_space<vmem>> -> memref<128x8xf32, #tpu.memory_space<vmem>>
      %dma_wait3A_511 = arith.constant 0 : i32
      %dma_wait3A_512 = tpu.memref_slice %arg7[%dma_wait3A_500, %dma_wait3A_501, %dma_wait3A_502, %dma_wait3A_511] : memref<2x8x2x128xi32, #tpu.memory_space<vmem>> -> memref<1x1x1x128xi32, #tpu.memory_space<vmem>>
      %dma_wait3A_513 = tpu.memref_squeeze %dma_wait3A_512 : memref<1x1x1x128xi32, #tpu.memory_space<vmem>> -> memref<128xi32, #tpu.memory_space<vmem>>
      %dma_wait3A_514 = arith.constant 0 : i32
      %dma_wait3A_515 = arith.constant 0 : i32
      %dma_wait3A_516 = tpu.memref_slice %arg2[%dma_wait3A_514, %dma_wait3A_515] : memref<100000x8xf32, #tpu.memory_space<hbm>> -> memref<100000x8xf32, #tpu.memory_space<hbm>>
      tpu.wait_indirect_dma semaphore(%arg13 : memref<!tpu.dma_semaphore, #tpu.memory_space<semaphore_mem>>) src(%dma_wait3A_516 : memref<100000x8xf32, #tpu.memory_space<hbm>>) dst(%dma_wait3A_510 : memref<128x8xf32, #tpu.memory_space<vmem>>)
      %dma_wait3A_517 = arith.constant 0 : i32
      %dma_wait3A_518 = arith.constant 3 : i32
      %dma_wait3A_519 = arith.constant 1 : i32
      %dma_wait3A_520 = arith.constant 0 : i32
      %dma_wait3A_521 = arith.constant 0 : i32
      %dma_wait3A_522 = arith.constant 0 : i32
      %dma_wait3A_523 = tpu.memref_slice %arg9[%dma_wait3A_520, %dma_wait3A_521, %dma_wait3A_522] : memref<2x1024x8xf32, #tpu.memory_space<vmem>> -> memref<1x1024x8xf32, #tpu.memory_space<vmem>>
      %dma_wait3A_524 = tpu.memref_squeeze %dma_wait3A_523 : memref<1x1024x8xf32, #tpu.memory_space<vmem>> -> memref<1024x8xf32, #tpu.memory_space<vmem>>
      %dma_wait3A_525 = arith.constant 384 : i32
      %dma_wait3A_526 = arith.constant 0 : i32
      %dma_wait3A_527 = tpu.memref_slice %dma_wait3A_524[%dma_wait3A_525, %dma_wait3A_526] : memref<1024x8xf32, #tpu.memory_space<vmem>> -> memref<128x8xf32, #tpu.memory_space<vmem>>
      %dma_wait3A_528 = arith.constant 0 : i32
      %dma_wait3A_529 = tpu.memref_slice %arg7[%dma_wait3A_517, %dma_wait3A_518, %dma_wait3A_519, %dma_wait3A_528] : memref<2x8x2x128xi32, #tpu.memory_space<vmem>> -> memref<1x1x1x128xi32, #tpu.memory_space<vmem>>
      %dma_wait3A_530 = tpu.memref_squeeze %dma_wait3A_529 : memref<1x1x1x128xi32, #tpu.memory_space<vmem>> -> memref<128xi32, #tpu.memory_space<vmem>>
      %dma_wait3A_531 = arith.constant 0 : i32
      %dma_wait3A_532 = arith.constant 0 : i32
      %dma_wait3A_533 = tpu.memref_slice %arg2[%dma_wait3A_531, %dma_wait3A_532] : memref<100000x8xf32, #tpu.memory_space<hbm>> -> memref<100000x8xf32, #tpu.memory_space<hbm>>
      tpu.wait_indirect_dma semaphore(%arg13 : memref<!tpu.dma_semaphore, #tpu.memory_space<semaphore_mem>>) src(%dma_wait3A_533 : memref<100000x8xf32, #tpu.memory_space<hbm>>) dst(%dma_wait3A_527 : memref<128x8xf32, #tpu.memory_space<vmem>>)
      %dma_wait3A_534 = arith.constant 0 : i32
      %dma_wait3A_535 = arith.constant 4 : i32
      %dma_wait3A_536 = arith.constant 0 : i32
      %dma_wait3A_537 = arith.constant 0 : i32
      %dma_wait3A_538 = arith.constant 0 : i32
      %dma_wait3A_539 = arith.constant 0 : i32
      %dma_wait3A_540 = tpu.memref_slice %arg8[%dma_wait3A_537, %dma_wait3A_538, %dma_wait3A_539] : memref<2x1024x8xf32, #tpu.memory_space<vmem>> -> memref<1x1024x8xf32, #tpu.memory_space<vmem>>
      %dma_wait3A_541 = tpu.memref_squeeze %dma_wait3A_540 : memref<1x1024x8xf32, #tpu.memory_space<vmem>> -> memref<1024x8xf32, #tpu.memory_space<vmem>>
      %dma_wait3A_542 = arith.constant 512 : i32
      %dma_wait3A_543 = arith.constant 0 : i32
      %dma_wait3A_544 = tpu.memref_slice %dma_wait3A_541[%dma_wait3A_542, %dma_wait3A_543] : memref<1024x8xf32, #tpu.memory_space<vmem>> -> memref<128x8xf32, #tpu.memory_space<vmem>>
      %dma_wait3A_545 = arith.constant 0 : i32
      %dma_wait3A_546 = tpu.memref_slice %arg7[%dma_wait3A_534, %dma_wait3A_535, %dma_wait3A_536, %dma_wait3A_545] : memref<2x8x2x128xi32, #tpu.memory_space<vmem>> -> memref<1x1x1x128xi32, #tpu.memory_space<vmem>>
      %dma_wait3A_547 = tpu.memref_squeeze %dma_wait3A_546 : memref<1x1x1x128xi32, #tpu.memory_space<vmem>> -> memref<128xi32, #tpu.memory_space<vmem>>
      %dma_wait3A_548 = arith.constant 0 : i32
      %dma_wait3A_549 = arith.constant 0 : i32
      %dma_wait3A_550 = tpu.memref_slice %arg2[%dma_wait3A_548, %dma_wait3A_549] : memref<100000x8xf32, #tpu.memory_space<hbm>> -> memref<100000x8xf32, #tpu.memory_space<hbm>>
      tpu.wait_indirect_dma semaphore(%arg13 : memref<!tpu.dma_semaphore, #tpu.memory_space<semaphore_mem>>) src(%dma_wait3A_550 : memref<100000x8xf32, #tpu.memory_space<hbm>>) dst(%dma_wait3A_544 : memref<128x8xf32, #tpu.memory_space<vmem>>)
      %dma_wait3A_551 = arith.constant 0 : i32
      %dma_wait3A_552 = arith.constant 4 : i32
      %dma_wait3A_553 = arith.constant 1 : i32
      %dma_wait3A_554 = arith.constant 0 : i32
      %dma_wait3A_555 = arith.constant 0 : i32
      %dma_wait3A_556 = arith.constant 0 : i32
      %dma_wait3A_557 = tpu.memref_slice %arg9[%dma_wait3A_554, %dma_wait3A_555, %dma_wait3A_556] : memref<2x1024x8xf32, #tpu.memory_space<vmem>> -> memref<1x1024x8xf32, #tpu.memory_space<vmem>>
      %dma_wait3A_558 = tpu.memref_squeeze %dma_wait3A_557 : memref<1x1024x8xf32, #tpu.memory_space<vmem>> -> memref<1024x8xf32, #tpu.memory_space<vmem>>
      %dma_wait3A_559 = arith.constant 512 : i32
      %dma_wait3A_560 = arith.constant 0 : i32
      %dma_wait3A_561 = tpu.memref_slice %dma_wait3A_558[%dma_wait3A_559, %dma_wait3A_560] : memref<1024x8xf32, #tpu.memory_space<vmem>> -> memref<128x8xf32, #tpu.memory_space<vmem>>
      %dma_wait3A_562 = arith.constant 0 : i32
      %dma_wait3A_563 = tpu.memref_slice %arg7[%dma_wait3A_551, %dma_wait3A_552, %dma_wait3A_553, %dma_wait3A_562] : memref<2x8x2x128xi32, #tpu.memory_space<vmem>> -> memref<1x1x1x128xi32, #tpu.memory_space<vmem>>
      %dma_wait3A_564 = tpu.memref_squeeze %dma_wait3A_563 : memref<1x1x1x128xi32, #tpu.memory_space<vmem>> -> memref<128xi32, #tpu.memory_space<vmem>>
      %dma_wait3A_565 = arith.constant 0 : i32
      %dma_wait3A_566 = arith.constant 0 : i32
      %dma_wait3A_567 = tpu.memref_slice %arg2[%dma_wait3A_565, %dma_wait3A_566] : memref<100000x8xf32, #tpu.memory_space<hbm>> -> memref<100000x8xf32, #tpu.memory_space<hbm>>
      tpu.wait_indirect_dma semaphore(%arg13 : memref<!tpu.dma_semaphore, #tpu.memory_space<semaphore_mem>>) src(%dma_wait3A_567 : memref<100000x8xf32, #tpu.memory_space<hbm>>) dst(%dma_wait3A_561 : memref<128x8xf32, #tpu.memory_space<vmem>>)
      %dma_wait3A_568 = arith.constant 0 : i32
      %dma_wait3A_569 = arith.constant 5 : i32
      %dma_wait3A_570 = arith.constant 0 : i32
      %dma_wait3A_571 = arith.constant 0 : i32
      %dma_wait3A_572 = arith.constant 0 : i32
      %dma_wait3A_573 = arith.constant 0 : i32
      %dma_wait3A_574 = tpu.memref_slice %arg8[%dma_wait3A_571, %dma_wait3A_572, %dma_wait3A_573] : memref<2x1024x8xf32, #tpu.memory_space<vmem>> -> memref<1x1024x8xf32, #tpu.memory_space<vmem>>
      %dma_wait3A_575 = tpu.memref_squeeze %dma_wait3A_574 : memref<1x1024x8xf32, #tpu.memory_space<vmem>> -> memref<1024x8xf32, #tpu.memory_space<vmem>>
      %dma_wait3A_576 = arith.constant 640 : i32
      %dma_wait3A_577 = arith.constant 0 : i32
      %dma_wait3A_578 = tpu.memref_slice %dma_wait3A_575[%dma_wait3A_576, %dma_wait3A_577] : memref<1024x8xf32, #tpu.memory_space<vmem>> -> memref<128x8xf32, #tpu.memory_space<vmem>>
      %dma_wait3A_579 = arith.constant 0 : i32
      %dma_wait3A_580 = tpu.memref_slice %arg7[%dma_wait3A_568, %dma_wait3A_569, %dma_wait3A_570, %dma_wait3A_579] : memref<2x8x2x128xi32, #tpu.memory_space<vmem>> -> memref<1x1x1x128xi32, #tpu.memory_space<vmem>>
      %dma_wait3A_581 = tpu.memref_squeeze %dma_wait3A_580 : memref<1x1x1x128xi32, #tpu.memory_space<vmem>> -> memref<128xi32, #tpu.memory_space<vmem>>
      %dma_wait3A_582 = arith.constant 0 : i32
      %dma_wait3A_583 = arith.constant 0 : i32
      %dma_wait3A_584 = tpu.memref_slice %arg2[%dma_wait3A_582, %dma_wait3A_583] : memref<100000x8xf32, #tpu.memory_space<hbm>> -> memref<100000x8xf32, #tpu.memory_space<hbm>>
      tpu.wait_indirect_dma semaphore(%arg13 : memref<!tpu.dma_semaphore, #tpu.memory_space<semaphore_mem>>) src(%dma_wait3A_584 : memref<100000x8xf32, #tpu.memory_space<hbm>>) dst(%dma_wait3A_578 : memref<128x8xf32, #tpu.memory_space<vmem>>)
      %dma_wait3A_585 = arith.constant 0 : i32
      %dma_wait3A_586 = arith.constant 5 : i32
      %dma_wait3A_587 = arith.constant 1 : i32
      %dma_wait3A_588 = arith.constant 0 : i32
      %dma_wait3A_589 = arith.constant 0 : i32
      %dma_wait3A_590 = arith.constant 0 : i32
      %dma_wait3A_591 = tpu.memref_slice %arg9[%dma_wait3A_588, %dma_wait3A_589, %dma_wait3A_590] : memref<2x1024x8xf32, #tpu.memory_space<vmem>> -> memref<1x1024x8xf32, #tpu.memory_space<vmem>>
      %dma_wait3A_592 = tpu.memref_squeeze %dma_wait3A_591 : memref<1x1024x8xf32, #tpu.memory_space<vmem>> -> memref<1024x8xf32, #tpu.memory_space<vmem>>
      %dma_wait3A_593 = arith.constant 640 : i32
      %dma_wait3A_594 = arith.constant 0 : i32
      %dma_wait3A_595 = tpu.memref_slice %dma_wait3A_592[%dma_wait3A_593, %dma_wait3A_594] : memref<1024x8xf32, #tpu.memory_space<vmem>> -> memref<128x8xf32, #tpu.memory_space<vmem>>
      %dma_wait3A_596 = arith.constant 0 : i32
      %dma_wait3A_597 = tpu.memref_slice %arg7[%dma_wait3A_585, %dma_wait3A_586, %dma_wait3A_587, %dma_wait3A_596] : memref<2x8x2x128xi32, #tpu.memory_space<vmem>> -> memref<1x1x1x128xi32, #tpu.memory_space<vmem>>
      %dma_wait3A_598 = tpu.memref_squeeze %dma_wait3A_597 : memref<1x1x1x128xi32, #tpu.memory_space<vmem>> -> memref<128xi32, #tpu.memory_space<vmem>>
      %dma_wait3A_599 = arith.constant 0 : i32
      %dma_wait3A_600 = arith.constant 0 : i32
      %dma_wait3A_601 = tpu.memref_slice %arg2[%dma_wait3A_599, %dma_wait3A_600] : memref<100000x8xf32, #tpu.memory_space<hbm>> -> memref<100000x8xf32, #tpu.memory_space<hbm>>
      tpu.wait_indirect_dma semaphore(%arg13 : memref<!tpu.dma_semaphore, #tpu.memory_space<semaphore_mem>>) src(%dma_wait3A_601 : memref<100000x8xf32, #tpu.memory_space<hbm>>) dst(%dma_wait3A_595 : memref<128x8xf32, #tpu.memory_space<vmem>>)
      %dma_wait3A_602 = arith.constant 0 : i32
      %dma_wait3A_603 = arith.constant 6 : i32
      %dma_wait3A_604 = arith.constant 0 : i32
      %dma_wait3A_605 = arith.constant 0 : i32
      %dma_wait3A_606 = arith.constant 0 : i32
      %dma_wait3A_607 = arith.constant 0 : i32
      %dma_wait3A_608 = tpu.memref_slice %arg8[%dma_wait3A_605, %dma_wait3A_606, %dma_wait3A_607] : memref<2x1024x8xf32, #tpu.memory_space<vmem>> -> memref<1x1024x8xf32, #tpu.memory_space<vmem>>
      %dma_wait3A_609 = tpu.memref_squeeze %dma_wait3A_608 : memref<1x1024x8xf32, #tpu.memory_space<vmem>> -> memref<1024x8xf32, #tpu.memory_space<vmem>>
      %dma_wait3A_610 = arith.constant 768 : i32
      %dma_wait3A_611 = arith.constant 0 : i32
      %dma_wait3A_612 = tpu.memref_slice %dma_wait3A_609[%dma_wait3A_610, %dma_wait3A_611] : memref<1024x8xf32, #tpu.memory_space<vmem>> -> memref<128x8xf32, #tpu.memory_space<vmem>>
      %dma_wait3A_613 = arith.constant 0 : i32
      %dma_wait3A_614 = tpu.memref_slice %arg7[%dma_wait3A_602, %dma_wait3A_603, %dma_wait3A_604, %dma_wait3A_613] : memref<2x8x2x128xi32, #tpu.memory_space<vmem>> -> memref<1x1x1x128xi32, #tpu.memory_space<vmem>>
      %dma_wait3A_615 = tpu.memref_squeeze %dma_wait3A_614 : memref<1x1x1x128xi32, #tpu.memory_space<vmem>> -> memref<128xi32, #tpu.memory_space<vmem>>
      %dma_wait3A_616 = arith.constant 0 : i32
      %dma_wait3A_617 = arith.constant 0 : i32
      %dma_wait3A_618 = tpu.memref_slice %arg2[%dma_wait3A_616, %dma_wait3A_617] : memref<100000x8xf32, #tpu.memory_space<hbm>> -> memref<100000x8xf32, #tpu.memory_space<hbm>>
      tpu.wait_indirect_dma semaphore(%arg13 : memref<!tpu.dma_semaphore, #tpu.memory_space<semaphore_mem>>) src(%dma_wait3A_618 : memref<100000x8xf32, #tpu.memory_space<hbm>>) dst(%dma_wait3A_612 : memref<128x8xf32, #tpu.memory_space<vmem>>)
      %dma_wait3A_619 = arith.constant 0 : i32
      %dma_wait3A_620 = arith.constant 6 : i32
      %dma_wait3A_621 = arith.constant 1 : i32
      %dma_wait3A_622 = arith.constant 0 : i32
      %dma_wait3A_623 = arith.constant 0 : i32
      %dma_wait3A_624 = arith.constant 0 : i32
      %dma_wait3A_625 = tpu.memref_slice %arg9[%dma_wait3A_622, %dma_wait3A_623, %dma_wait3A_624] : memref<2x1024x8xf32, #tpu.memory_space<vmem>> -> memref<1x1024x8xf32, #tpu.memory_space<vmem>>
      %dma_wait3A_626 = tpu.memref_squeeze %dma_wait3A_625 : memref<1x1024x8xf32, #tpu.memory_space<vmem>> -> memref<1024x8xf32, #tpu.memory_space<vmem>>
      %dma_wait3A_627 = arith.constant 768 : i32
      %dma_wait3A_628 = arith.constant 0 : i32
      %dma_wait3A_629 = tpu.memref_slice %dma_wait3A_626[%dma_wait3A_627, %dma_wait3A_628] : memref<1024x8xf32, #tpu.memory_space<vmem>> -> memref<128x8xf32, #tpu.memory_space<vmem>>
      %dma_wait3A_630 = arith.constant 0 : i32
      %dma_wait3A_631 = tpu.memref_slice %arg7[%dma_wait3A_619, %dma_wait3A_620, %dma_wait3A_621, %dma_wait3A_630] : memref<2x8x2x128xi32, #tpu.memory_space<vmem>> -> memref<1x1x1x128xi32, #tpu.memory_space<vmem>>
      %dma_wait3A_632 = tpu.memref_squeeze %dma_wait3A_631 : memref<1x1x1x128xi32, #tpu.memory_space<vmem>> -> memref<128xi32, #tpu.memory_space<vmem>>
      %dma_wait3A_633 = arith.constant 0 : i32
      %dma_wait3A_634 = arith.constant 0 : i32
      %dma_wait3A_635 = tpu.memref_slice %arg2[%dma_wait3A_633, %dma_wait3A_634] : memref<100000x8xf32, #tpu.memory_space<hbm>> -> memref<100000x8xf32, #tpu.memory_space<hbm>>
      tpu.wait_indirect_dma semaphore(%arg13 : memref<!tpu.dma_semaphore, #tpu.memory_space<semaphore_mem>>) src(%dma_wait3A_635 : memref<100000x8xf32, #tpu.memory_space<hbm>>) dst(%dma_wait3A_629 : memref<128x8xf32, #tpu.memory_space<vmem>>)
      %dma_wait3A_636 = arith.constant 0 : i32
      %dma_wait3A_637 = arith.constant 7 : i32
      %dma_wait3A_638 = arith.constant 0 : i32
      %dma_wait3A_639 = arith.constant 0 : i32
      %dma_wait3A_640 = arith.constant 0 : i32
      %dma_wait3A_641 = arith.constant 0 : i32
      %dma_wait3A_642 = tpu.memref_slice %arg8[%dma_wait3A_639, %dma_wait3A_640, %dma_wait3A_641] : memref<2x1024x8xf32, #tpu.memory_space<vmem>> -> memref<1x1024x8xf32, #tpu.memory_space<vmem>>
      %dma_wait3A_643 = tpu.memref_squeeze %dma_wait3A_642 : memref<1x1024x8xf32, #tpu.memory_space<vmem>> -> memref<1024x8xf32, #tpu.memory_space<vmem>>
      %dma_wait3A_644 = arith.constant 896 : i32
      %dma_wait3A_645 = arith.constant 0 : i32
      %dma_wait3A_646 = tpu.memref_slice %dma_wait3A_643[%dma_wait3A_644, %dma_wait3A_645] : memref<1024x8xf32, #tpu.memory_space<vmem>> -> memref<128x8xf32, #tpu.memory_space<vmem>>
      %dma_wait3A_647 = arith.constant 0 : i32
      %dma_wait3A_648 = tpu.memref_slice %arg7[%dma_wait3A_636, %dma_wait3A_637, %dma_wait3A_638, %dma_wait3A_647] : memref<2x8x2x128xi32, #tpu.memory_space<vmem>> -> memref<1x1x1x128xi32, #tpu.memory_space<vmem>>
      %dma_wait3A_649 = tpu.memref_squeeze %dma_wait3A_648 : memref<1x1x1x128xi32, #tpu.memory_space<vmem>> -> memref<128xi32, #tpu.memory_space<vmem>>
      %dma_wait3A_650 = arith.constant 0 : i32
      %dma_wait3A_651 = arith.constant 0 : i32
      %dma_wait3A_652 = tpu.memref_slice %arg2[%dma_wait3A_650, %dma_wait3A_651] : memref<100000x8xf32, #tpu.memory_space<hbm>> -> memref<100000x8xf32, #tpu.memory_space<hbm>>
      tpu.wait_indirect_dma semaphore(%arg13 : memref<!tpu.dma_semaphore, #tpu.memory_space<semaphore_mem>>) src(%dma_wait3A_652 : memref<100000x8xf32, #tpu.memory_space<hbm>>) dst(%dma_wait3A_646 : memref<128x8xf32, #tpu.memory_space<vmem>>)
      %dma_wait3A_653 = arith.constant 0 : i32
      %dma_wait3A_654 = arith.constant 7 : i32
      %dma_wait3A_655 = arith.constant 1 : i32
      %dma_wait3A_656 = arith.constant 0 : i32
      %dma_wait3A_657 = arith.constant 0 : i32
      %dma_wait3A_658 = arith.constant 0 : i32
      %dma_wait3A_659 = tpu.memref_slice %arg9[%dma_wait3A_656, %dma_wait3A_657, %dma_wait3A_658] : memref<2x1024x8xf32, #tpu.memory_space<vmem>> -> memref<1x1024x8xf32, #tpu.memory_space<vmem>>
      %dma_wait3A_660 = tpu.memref_squeeze %dma_wait3A_659 : memref<1x1024x8xf32, #tpu.memory_space<vmem>> -> memref<1024x8xf32, #tpu.memory_space<vmem>>
      %dma_wait3A_661 = arith.constant 896 : i32
      %dma_wait3A_662 = arith.constant 0 : i32
      %dma_wait3A_663 = tpu.memref_slice %dma_wait3A_660[%dma_wait3A_661, %dma_wait3A_662] : memref<1024x8xf32, #tpu.memory_space<vmem>> -> memref<128x8xf32, #tpu.memory_space<vmem>>
      %dma_wait3A_664 = arith.constant 0 : i32
      %dma_wait3A_665 = tpu.memref_slice %arg7[%dma_wait3A_653, %dma_wait3A_654, %dma_wait3A_655, %dma_wait3A_664] : memref<2x8x2x128xi32, #tpu.memory_space<vmem>> -> memref<1x1x1x128xi32, #tpu.memory_space<vmem>>
      %dma_wait3A_666 = tpu.memref_squeeze %dma_wait3A_665 : memref<1x1x1x128xi32, #tpu.memory_space<vmem>> -> memref<128xi32, #tpu.memory_space<vmem>>
      %dma_wait3A_667 = arith.constant 0 : i32
      %dma_wait3A_668 = arith.constant 0 : i32
      %dma_wait3A_669 = tpu.memref_slice %arg2[%dma_wait3A_667, %dma_wait3A_668] : memref<100000x8xf32, #tpu.memory_space<hbm>> -> memref<100000x8xf32, #tpu.memory_space<hbm>>
      tpu.wait_indirect_dma semaphore(%arg13 : memref<!tpu.dma_semaphore, #tpu.memory_space<semaphore_mem>>) src(%dma_wait3A_669 : memref<100000x8xf32, #tpu.memory_space<hbm>>) dst(%dma_wait3A_663 : memref<128x8xf32, #tpu.memory_space<vmem>>)
      %dma_wait3A_670 = arith.constant 0 : i32
      %dma_wait3A_671 = arith.constant 0 : i32
      %dma_wait3A_672 = arith.constant 0 : i32
      %dma_wait3A_673 = arith.constant 0 : i32
      %dma_wait3A_674 = tpu.memref_slice %arg10[%dma_wait3A_670, %dma_wait3A_671, %dma_wait3A_672, %dma_wait3A_673] : memref<2x8x4x128xf32, #tpu.memory_space<vmem>> -> memref<1x8x4x128xf32, #tpu.memory_space<vmem>>
      %dma_wait3A_675 = tpu.memref_squeeze %dma_wait3A_674 : memref<1x8x4x128xf32, #tpu.memory_space<vmem>> -> memref<8x4x128xf32, #tpu.memory_space<vmem>>
      %dma_wait3A_676 = arith.constant 0 : i32
      %dma_wait3A_677 = arith.constant 0 : i32
      %dma_wait3A_678 = tpu.memref_slice %arg4[%mul3A_397, %dma_wait3A_676, %dma_wait3A_677] : memref<25000x4x128xf32, #tpu.memory_space<hbm>> -> memref<8x4x128xf32, #tpu.memory_space<hbm>>
      %dma_wait3A_679 = arith.constant 0 : i32
      %dma_wait3A_680 = arith.constant 0 : i32
      %dma_wait3A_681 = arith.constant 0 : i32
      %dma_wait3A_682 = tpu.memref_slice %arg10[%dma_wait3A_670, %dma_wait3A_679, %dma_wait3A_680, %dma_wait3A_681] : memref<2x8x4x128xf32, #tpu.memory_space<vmem>> -> memref<1x8x4x128xf32, #tpu.memory_space<vmem>>
      %dma_wait3A_683 = tpu.memref_squeeze %dma_wait3A_682 : memref<1x8x4x128xf32, #tpu.memory_space<vmem>> -> memref<8x4x128xf32, #tpu.memory_space<vmem>>
      %dma_wait3A_684 = arith.constant 0 : i32
      %dma_wait3A_685 = arith.constant 0 : i32
      %dma_wait3A_686 = tpu.memref_slice %arg4[%mul3A_397, %dma_wait3A_684, %dma_wait3A_685] : memref<25000x4x128xf32, #tpu.memory_space<hbm>> -> memref<8x4x128xf32, #tpu.memory_space<hbm>>
      tpu.wait_dma2 semaphore(%arg13 : memref<!tpu.dma_semaphore, #tpu.memory_space<semaphore_mem>>) src(%dma_wait3A_686 : memref<8x4x128xf32, #tpu.memory_space<hbm>>) dst(%dma_wait3A_683 : memref<8x4x128xf32, #tpu.memory_space<vmem>>)
      %convert_element_type3A_687 = arith.extui %lt3A_394 : i1 to i32
      %cond3A_688 = arith.constant 0 : i32
      %cond3A_689 = arith.cmpi ne, %convert_element_type3A_687, %cond3A_688 : i32
      scf.if %cond3A_689 {
        %mul3A_717 = arith.constant 8 : i32
        %mul3A_718 = arith.muli %add3A_389, %mul3A_717 : i32
        %dma_wait3A_719 = arith.constant 1 : i32
        %dma_wait3A_720 = arith.constant 0 : i32
        %dma_wait3A_721 = arith.constant 0 : i32
        %dma_wait3A_722 = arith.constant 0 : i32
        %dma_wait3A_723 = tpu.memref_slice %arg7[%dma_wait3A_719, %dma_wait3A_720, %dma_wait3A_721, %dma_wait3A_722] : memref<2x8x2x128xi32, #tpu.memory_space<vmem>> -> memref<1x8x2x128xi32, #tpu.memory_space<vmem>>
        %dma_wait3A_724 = tpu.memref_squeeze %dma_wait3A_723 : memref<1x8x2x128xi32, #tpu.memory_space<vmem>> -> memref<8x2x128xi32, #tpu.memory_space<vmem>>
        %dma_wait3A_725 = arith.constant 0 : i32
        %dma_wait3A_726 = arith.constant 0 : i32
        %dma_wait3A_727 = tpu.memref_slice %arg3[%mul3A_718, %dma_wait3A_725, %dma_wait3A_726] : memref<25000x2x128xi32, #tpu.memory_space<hbm>> -> memref<8x2x128xi32, #tpu.memory_space<hbm>>
        %dma_wait3A_728 = arith.constant 0 : i32
        %dma_wait3A_729 = arith.constant 0 : i32
        %dma_wait3A_730 = arith.constant 0 : i32
        %dma_wait3A_731 = tpu.memref_slice %arg7[%dma_wait3A_719, %dma_wait3A_728, %dma_wait3A_729, %dma_wait3A_730] : memref<2x8x2x128xi32, #tpu.memory_space<vmem>> -> memref<1x8x2x128xi32, #tpu.memory_space<vmem>>
        %dma_wait3A_732 = tpu.memref_squeeze %dma_wait3A_731 : memref<1x8x2x128xi32, #tpu.memory_space<vmem>> -> memref<8x2x128xi32, #tpu.memory_space<vmem>>
        %dma_wait3A_733 = arith.constant 0 : i32
        %dma_wait3A_734 = arith.constant 0 : i32
        %dma_wait3A_735 = tpu.memref_slice %arg3[%mul3A_718, %dma_wait3A_733, %dma_wait3A_734] : memref<25000x2x128xi32, #tpu.memory_space<hbm>> -> memref<8x2x128xi32, #tpu.memory_space<hbm>>
        tpu.wait_dma2 semaphore(%arg15 : memref<!tpu.dma_semaphore, #tpu.memory_space<semaphore_mem>>) src(%dma_wait3A_735 : memref<8x2x128xi32, #tpu.memory_space<hbm>>) dst(%dma_wait3A_732 : memref<8x2x128xi32, #tpu.memory_space<vmem>>)
        %mul3A_736 = arith.constant 8 : i32
        %mul3A_737 = arith.muli %add3A_389, %mul3A_736 : i32
        %dma_start3A_738 = arith.constant 1 : i32
        %dma_start3A_739 = arith.constant 0 : i32
        %dma_start3A_740 = arith.constant 0 : i32
        %dma_start3A_741 = arith.constant 1 : i32
        %dma_start3A_742 = arith.constant 0 : i32
        %dma_start3A_743 = arith.constant 0 : i32
        %dma_start3A_744 = tpu.memref_slice %arg8[%dma_start3A_741, %dma_start3A_742, %dma_start3A_743] : memref<2x1024x8xf32, #tpu.memory_space<vmem>> -> memref<1x1024x8xf32, #tpu.memory_space<vmem>>
        %dma_start3A_745 = tpu.memref_squeeze %dma_start3A_744 : memref<1x1024x8xf32, #tpu.memory_space<vmem>> -> memref<1024x8xf32, #tpu.memory_space<vmem>>
        %dma_start3A_746 = arith.constant 0 : i32
        %dma_start3A_747 = arith.constant 0 : i32
        %dma_start3A_748 = tpu.memref_slice %dma_start3A_745[%dma_start3A_746, %dma_start3A_747] : memref<1024x8xf32, #tpu.memory_space<vmem>> -> memref<128x8xf32, #tpu.memory_space<vmem>>
        %dma_start3A_749 = arith.constant 0 : i32
        %dma_start3A_750 = tpu.memref_slice %arg7[%dma_start3A_738, %dma_start3A_739, %dma_start3A_740, %dma_start3A_749] : memref<2x8x2x128xi32, #tpu.memory_space<vmem>> -> memref<1x1x1x128xi32, #tpu.memory_space<vmem>>
        %dma_start3A_751 = tpu.memref_squeeze %dma_start3A_750 : memref<1x1x1x128xi32, #tpu.memory_space<vmem>> -> memref<128xi32, #tpu.memory_space<vmem>>
        %dma_start3A_752 = arith.constant 0 : i32
        %dma_start3A_753 = arith.constant 0 : i32
        %dma_start3A_754 = tpu.memref_slice %arg2[%dma_start3A_752, %dma_start3A_753] : memref<100000x8xf32, #tpu.memory_space<hbm>> -> memref<100000x8xf32, #tpu.memory_space<hbm>>
        tpu.enqueue_indirect_dma source(%dma_start3A_754 : memref<100000x8xf32, #tpu.memory_space<hbm>>) target(%dma_start3A_748 : memref<128x8xf32, #tpu.memory_space<vmem>>) offsets(%dma_start3A_751 : memref<128xi32, #tpu.memory_space<vmem>>) semaphore(%arg13 : memref<!tpu.dma_semaphore, #tpu.memory_space<semaphore_mem>>)
        %dma_start3A_755 = arith.constant 1 : i32
        %dma_start3A_756 = arith.constant 0 : i32
        %dma_start3A_757 = arith.constant 1 : i32
        %dma_start3A_758 = arith.constant 1 : i32
        %dma_start3A_759 = arith.constant 0 : i32
        %dma_start3A_760 = arith.constant 0 : i32
        %dma_start3A_761 = tpu.memref_slice %arg9[%dma_start3A_758, %dma_start3A_759, %dma_start3A_760] : memref<2x1024x8xf32, #tpu.memory_space<vmem>> -> memref<1x1024x8xf32, #tpu.memory_space<vmem>>
        %dma_start3A_762 = tpu.memref_squeeze %dma_start3A_761 : memref<1x1024x8xf32, #tpu.memory_space<vmem>> -> memref<1024x8xf32, #tpu.memory_space<vmem>>
        %dma_start3A_763 = arith.constant 0 : i32
        %dma_start3A_764 = arith.constant 0 : i32
        %dma_start3A_765 = tpu.memref_slice %dma_start3A_762[%dma_start3A_763, %dma_start3A_764] : memref<1024x8xf32, #tpu.memory_space<vmem>> -> memref<128x8xf32, #tpu.memory_space<vmem>>
        %dma_start3A_766 = arith.constant 0 : i32
        %dma_start3A_767 = tpu.memref_slice %arg7[%dma_start3A_755, %dma_start3A_756, %dma_start3A_757, %dma_start3A_766] : memref<2x8x2x128xi32, #tpu.memory_space<vmem>> -> memref<1x1x1x128xi32, #tpu.memory_space<vmem>>
        %dma_start3A_768 = tpu.memref_squeeze %dma_start3A_767 : memref<1x1x1x128xi32, #tpu.memory_space<vmem>> -> memref<128xi32, #tpu.memory_space<vmem>>
        %dma_start3A_769 = arith.constant 0 : i32
        %dma_start3A_770 = arith.constant 0 : i32
        %dma_start3A_771 = tpu.memref_slice %arg2[%dma_start3A_769, %dma_start3A_770] : memref<100000x8xf32, #tpu.memory_space<hbm>> -> memref<100000x8xf32, #tpu.memory_space<hbm>>
        tpu.enqueue_indirect_dma source(%dma_start3A_771 : memref<100000x8xf32, #tpu.memory_space<hbm>>) target(%dma_start3A_765 : memref<128x8xf32, #tpu.memory_space<vmem>>) offsets(%dma_start3A_768 : memref<128xi32, #tpu.memory_space<vmem>>) semaphore(%arg13 : memref<!tpu.dma_semaphore, #tpu.memory_space<semaphore_mem>>)
        %dma_start3A_772 = arith.constant 1 : i32
        %dma_start3A_773 = arith.constant 1 : i32
        %dma_start3A_774 = arith.constant 0 : i32
        %dma_start3A_775 = arith.constant 1 : i32
        %dma_start3A_776 = arith.constant 0 : i32
        %dma_start3A_777 = arith.constant 0 : i32
        %dma_start3A_778 = tpu.memref_slice %arg8[%dma_start3A_775, %dma_start3A_776, %dma_start3A_777] : memref<2x1024x8xf32, #tpu.memory_space<vmem>> -> memref<1x1024x8xf32, #tpu.memory_space<vmem>>
        %dma_start3A_779 = tpu.memref_squeeze %dma_start3A_778 : memref<1x1024x8xf32, #tpu.memory_space<vmem>> -> memref<1024x8xf32, #tpu.memory_space<vmem>>
        %dma_start3A_780 = arith.constant 128 : i32
        %dma_start3A_781 = arith.constant 0 : i32
        %dma_start3A_782 = tpu.memref_slice %dma_start3A_779[%dma_start3A_780, %dma_start3A_781] : memref<1024x8xf32, #tpu.memory_space<vmem>> -> memref<128x8xf32, #tpu.memory_space<vmem>>
        %dma_start3A_783 = arith.constant 0 : i32
        %dma_start3A_784 = tpu.memref_slice %arg7[%dma_start3A_772, %dma_start3A_773, %dma_start3A_774, %dma_start3A_783] : memref<2x8x2x128xi32, #tpu.memory_space<vmem>> -> memref<1x1x1x128xi32, #tpu.memory_space<vmem>>
        %dma_start3A_785 = tpu.memref_squeeze %dma_start3A_784 : memref<1x1x1x128xi32, #tpu.memory_space<vmem>> -> memref<128xi32, #tpu.memory_space<vmem>>
        %dma_start3A_786 = arith.constant 0 : i32
        %dma_start3A_787 = arith.constant 0 : i32
        %dma_start3A_788 = tpu.memref_slice %arg2[%dma_start3A_786, %dma_start3A_787] : memref<100000x8xf32, #tpu.memory_space<hbm>> -> memref<100000x8xf32, #tpu.memory_space<hbm>>
        tpu.enqueue_indirect_dma source(%dma_start3A_788 : memref<100000x8xf32, #tpu.memory_space<hbm>>) target(%dma_start3A_782 : memref<128x8xf32, #tpu.memory_space<vmem>>) offsets(%dma_start3A_785 : memref<128xi32, #tpu.memory_space<vmem>>) semaphore(%arg13 : memref<!tpu.dma_semaphore, #tpu.memory_space<semaphore_mem>>)
        %dma_start3A_789 = arith.constant 1 : i32
        %dma_start3A_790 = arith.constant 1 : i32
        %dma_start3A_791 = arith.constant 1 : i32
        %dma_start3A_792 = arith.constant 1 : i32
        %dma_start3A_793 = arith.constant 0 : i32
        %dma_start3A_794 = arith.constant 0 : i32
        %dma_start3A_795 = tpu.memref_slice %arg9[%dma_start3A_792, %dma_start3A_793, %dma_start3A_794] : memref<2x1024x8xf32, #tpu.memory_space<vmem>> -> memref<1x1024x8xf32, #tpu.memory_space<vmem>>
        %dma_start3A_796 = tpu.memref_squeeze %dma_start3A_795 : memref<1x1024x8xf32, #tpu.memory_space<vmem>> -> memref<1024x8xf32, #tpu.memory_space<vmem>>
        %dma_start3A_797 = arith.constant 128 : i32
        %dma_start3A_798 = arith.constant 0 : i32
        %dma_start3A_799 = tpu.memref_slice %dma_start3A_796[%dma_start3A_797, %dma_start3A_798] : memref<1024x8xf32, #tpu.memory_space<vmem>> -> memref<128x8xf32, #tpu.memory_space<vmem>>
        %dma_start3A_800 = arith.constant 0 : i32
        %dma_start3A_801 = tpu.memref_slice %arg7[%dma_start3A_789, %dma_start3A_790, %dma_start3A_791, %dma_start3A_800] : memref<2x8x2x128xi32, #tpu.memory_space<vmem>> -> memref<1x1x1x128xi32, #tpu.memory_space<vmem>>
        %dma_start3A_802 = tpu.memref_squeeze %dma_start3A_801 : memref<1x1x1x128xi32, #tpu.memory_space<vmem>> -> memref<128xi32, #tpu.memory_space<vmem>>
        %dma_start3A_803 = arith.constant 0 : i32
        %dma_start3A_804 = arith.constant 0 : i32
        %dma_start3A_805 = tpu.memref_slice %arg2[%dma_start3A_803, %dma_start3A_804] : memref<100000x8xf32, #tpu.memory_space<hbm>> -> memref<100000x8xf32, #tpu.memory_space<hbm>>
        tpu.enqueue_indirect_dma source(%dma_start3A_805 : memref<100000x8xf32, #tpu.memory_space<hbm>>) target(%dma_start3A_799 : memref<128x8xf32, #tpu.memory_space<vmem>>) offsets(%dma_start3A_802 : memref<128xi32, #tpu.memory_space<vmem>>) semaphore(%arg13 : memref<!tpu.dma_semaphore, #tpu.memory_space<semaphore_mem>>)
        %dma_start3A_806 = arith.constant 1 : i32
        %dma_start3A_807 = arith.constant 2 : i32
        %dma_start3A_808 = arith.constant 0 : i32
        %dma_start3A_809 = arith.constant 1 : i32
        %dma_start3A_810 = arith.constant 0 : i32
        %dma_start3A_811 = arith.constant 0 : i32
        %dma_start3A_812 = tpu.memref_slice %arg8[%dma_start3A_809, %dma_start3A_810, %dma_start3A_811] : memref<2x1024x8xf32, #tpu.memory_space<vmem>> -> memref<1x1024x8xf32, #tpu.memory_space<vmem>>
        %dma_start3A_813 = tpu.memref_squeeze %dma_start3A_812 : memref<1x1024x8xf32, #tpu.memory_space<vmem>> -> memref<1024x8xf32, #tpu.memory_space<vmem>>
        %dma_start3A_814 = arith.constant 256 : i32
        %dma_start3A_815 = arith.constant 0 : i32
        %dma_start3A_816 = tpu.memref_slice %dma_start3A_813[%dma_start3A_814, %dma_start3A_815] : memref<1024x8xf32, #tpu.memory_space<vmem>> -> memref<128x8xf32, #tpu.memory_space<vmem>>
        %dma_start3A_817 = arith.constant 0 : i32
        %dma_start3A_818 = tpu.memref_slice %arg7[%dma_start3A_806, %dma_start3A_807, %dma_start3A_808, %dma_start3A_817] : memref<2x8x2x128xi32, #tpu.memory_space<vmem>> -> memref<1x1x1x128xi32, #tpu.memory_space<vmem>>
        %dma_start3A_819 = tpu.memref_squeeze %dma_start3A_818 : memref<1x1x1x128xi32, #tpu.memory_space<vmem>> -> memref<128xi32, #tpu.memory_space<vmem>>
        %dma_start3A_820 = arith.constant 0 : i32
        %dma_start3A_821 = arith.constant 0 : i32
        %dma_start3A_822 = tpu.memref_slice %arg2[%dma_start3A_820, %dma_start3A_821] : memref<100000x8xf32, #tpu.memory_space<hbm>> -> memref<100000x8xf32, #tpu.memory_space<hbm>>
        tpu.enqueue_indirect_dma source(%dma_start3A_822 : memref<100000x8xf32, #tpu.memory_space<hbm>>) target(%dma_start3A_816 : memref<128x8xf32, #tpu.memory_space<vmem>>) offsets(%dma_start3A_819 : memref<128xi32, #tpu.memory_space<vmem>>) semaphore(%arg13 : memref<!tpu.dma_semaphore, #tpu.memory_space<semaphore_mem>>)
        %dma_start3A_823 = arith.constant 1 : i32
        %dma_start3A_824 = arith.constant 2 : i32
        %dma_start3A_825 = arith.constant 1 : i32
        %dma_start3A_826 = arith.constant 1 : i32
        %dma_start3A_827 = arith.constant 0 : i32
        %dma_start3A_828 = arith.constant 0 : i32
        %dma_start3A_829 = tpu.memref_slice %arg9[%dma_start3A_826, %dma_start3A_827, %dma_start3A_828] : memref<2x1024x8xf32, #tpu.memory_space<vmem>> -> memref<1x1024x8xf32, #tpu.memory_space<vmem>>
        %dma_start3A_830 = tpu.memref_squeeze %dma_start3A_829 : memref<1x1024x8xf32, #tpu.memory_space<vmem>> -> memref<1024x8xf32, #tpu.memory_space<vmem>>
        %dma_start3A_831 = arith.constant 256 : i32
        %dma_start3A_832 = arith.constant 0 : i32
        %dma_start3A_833 = tpu.memref_slice %dma_start3A_830[%dma_start3A_831, %dma_start3A_832] : memref<1024x8xf32, #tpu.memory_space<vmem>> -> memref<128x8xf32, #tpu.memory_space<vmem>>
        %dma_start3A_834 = arith.constant 0 : i32
        %dma_start3A_835 = tpu.memref_slice %arg7[%dma_start3A_823, %dma_start3A_824, %dma_start3A_825, %dma_start3A_834] : memref<2x8x2x128xi32, #tpu.memory_space<vmem>> -> memref<1x1x1x128xi32, #tpu.memory_space<vmem>>
        %dma_start3A_836 = tpu.memref_squeeze %dma_start3A_835 : memref<1x1x1x128xi32, #tpu.memory_space<vmem>> -> memref<128xi32, #tpu.memory_space<vmem>>
        %dma_start3A_837 = arith.constant 0 : i32
        %dma_start3A_838 = arith.constant 0 : i32
        %dma_start3A_839 = tpu.memref_slice %arg2[%dma_start3A_837, %dma_start3A_838] : memref<100000x8xf32, #tpu.memory_space<hbm>> -> memref<100000x8xf32, #tpu.memory_space<hbm>>
        tpu.enqueue_indirect_dma source(%dma_start3A_839 : memref<100000x8xf32, #tpu.memory_space<hbm>>) target(%dma_start3A_833 : memref<128x8xf32, #tpu.memory_space<vmem>>) offsets(%dma_start3A_836 : memref<128xi32, #tpu.memory_space<vmem>>) semaphore(%arg13 : memref<!tpu.dma_semaphore, #tpu.memory_space<semaphore_mem>>)
        %dma_start3A_840 = arith.constant 1 : i32
        %dma_start3A_841 = arith.constant 3 : i32
        %dma_start3A_842 = arith.constant 0 : i32
        %dma_start3A_843 = arith.constant 1 : i32
        %dma_start3A_844 = arith.constant 0 : i32
        %dma_start3A_845 = arith.constant 0 : i32
        %dma_start3A_846 = tpu.memref_slice %arg8[%dma_start3A_843, %dma_start3A_844, %dma_start3A_845] : memref<2x1024x8xf32, #tpu.memory_space<vmem>> -> memref<1x1024x8xf32, #tpu.memory_space<vmem>>
        %dma_start3A_847 = tpu.memref_squeeze %dma_start3A_846 : memref<1x1024x8xf32, #tpu.memory_space<vmem>> -> memref<1024x8xf32, #tpu.memory_space<vmem>>
        %dma_start3A_848 = arith.constant 384 : i32
        %dma_start3A_849 = arith.constant 0 : i32
        %dma_start3A_850 = tpu.memref_slice %dma_start3A_847[%dma_start3A_848, %dma_start3A_849] : memref<1024x8xf32, #tpu.memory_space<vmem>> -> memref<128x8xf32, #tpu.memory_space<vmem>>
        %dma_start3A_851 = arith.constant 0 : i32
        %dma_start3A_852 = tpu.memref_slice %arg7[%dma_start3A_840, %dma_start3A_841, %dma_start3A_842, %dma_start3A_851] : memref<2x8x2x128xi32, #tpu.memory_space<vmem>> -> memref<1x1x1x128xi32, #tpu.memory_space<vmem>>
        %dma_start3A_853 = tpu.memref_squeeze %dma_start3A_852 : memref<1x1x1x128xi32, #tpu.memory_space<vmem>> -> memref<128xi32, #tpu.memory_space<vmem>>
        %dma_start3A_854 = arith.constant 0 : i32
        %dma_start3A_855 = arith.constant 0 : i32
        %dma_start3A_856 = tpu.memref_slice %arg2[%dma_start3A_854, %dma_start3A_855] : memref<100000x8xf32, #tpu.memory_space<hbm>> -> memref<100000x8xf32, #tpu.memory_space<hbm>>
        tpu.enqueue_indirect_dma source(%dma_start3A_856 : memref<100000x8xf32, #tpu.memory_space<hbm>>) target(%dma_start3A_850 : memref<128x8xf32, #tpu.memory_space<vmem>>) offsets(%dma_start3A_853 : memref<128xi32, #tpu.memory_space<vmem>>) semaphore(%arg13 : memref<!tpu.dma_semaphore, #tpu.memory_space<semaphore_mem>>)
        %dma_start3A_857 = arith.constant 1 : i32
        %dma_start3A_858 = arith.constant 3 : i32
        %dma_start3A_859 = arith.constant 1 : i32
        %dma_start3A_860 = arith.constant 1 : i32
        %dma_start3A_861 = arith.constant 0 : i32
        %dma_start3A_862 = arith.constant 0 : i32
        %dma_start3A_863 = tpu.memref_slice %arg9[%dma_start3A_860, %dma_start3A_861, %dma_start3A_862] : memref<2x1024x8xf32, #tpu.memory_space<vmem>> -> memref<1x1024x8xf32, #tpu.memory_space<vmem>>
        %dma_start3A_864 = tpu.memref_squeeze %dma_start3A_863 : memref<1x1024x8xf32, #tpu.memory_space<vmem>> -> memref<1024x8xf32, #tpu.memory_space<vmem>>
        %dma_start3A_865 = arith.constant 384 : i32
        %dma_start3A_866 = arith.constant 0 : i32
        %dma_start3A_867 = tpu.memref_slice %dma_start3A_864[%dma_start3A_865, %dma_start3A_866] : memref<1024x8xf32, #tpu.memory_space<vmem>> -> memref<128x8xf32, #tpu.memory_space<vmem>>
        %dma_start3A_868 = arith.constant 0 : i32
        %dma_start3A_869 = tpu.memref_slice %arg7[%dma_start3A_857, %dma_start3A_858, %dma_start3A_859, %dma_start3A_868] : memref<2x8x2x128xi32, #tpu.memory_space<vmem>> -> memref<1x1x1x128xi32, #tpu.memory_space<vmem>>
        %dma_start3A_870 = tpu.memref_squeeze %dma_start3A_869 : memref<1x1x1x128xi32, #tpu.memory_space<vmem>> -> memref<128xi32, #tpu.memory_space<vmem>>
        %dma_start3A_871 = arith.constant 0 : i32
        %dma_start3A_872 = arith.constant 0 : i32
        %dma_start3A_873 = tpu.memref_slice %arg2[%dma_start3A_871, %dma_start3A_872] : memref<100000x8xf32, #tpu.memory_space<hbm>> -> memref<100000x8xf32, #tpu.memory_space<hbm>>
        tpu.enqueue_indirect_dma source(%dma_start3A_873 : memref<100000x8xf32, #tpu.memory_space<hbm>>) target(%dma_start3A_867 : memref<128x8xf32, #tpu.memory_space<vmem>>) offsets(%dma_start3A_870 : memref<128xi32, #tpu.memory_space<vmem>>) semaphore(%arg13 : memref<!tpu.dma_semaphore, #tpu.memory_space<semaphore_mem>>)
        %dma_start3A_874 = arith.constant 1 : i32
        %dma_start3A_875 = arith.constant 4 : i32
        %dma_start3A_876 = arith.constant 0 : i32
        %dma_start3A_877 = arith.constant 1 : i32
        %dma_start3A_878 = arith.constant 0 : i32
        %dma_start3A_879 = arith.constant 0 : i32
        %dma_start3A_880 = tpu.memref_slice %arg8[%dma_start3A_877, %dma_start3A_878, %dma_start3A_879] : memref<2x1024x8xf32, #tpu.memory_space<vmem>> -> memref<1x1024x8xf32, #tpu.memory_space<vmem>>
        %dma_start3A_881 = tpu.memref_squeeze %dma_start3A_880 : memref<1x1024x8xf32, #tpu.memory_space<vmem>> -> memref<1024x8xf32, #tpu.memory_space<vmem>>
        %dma_start3A_882 = arith.constant 512 : i32
        %dma_start3A_883 = arith.constant 0 : i32
        %dma_start3A_884 = tpu.memref_slice %dma_start3A_881[%dma_start3A_882, %dma_start3A_883] : memref<1024x8xf32, #tpu.memory_space<vmem>> -> memref<128x8xf32, #tpu.memory_space<vmem>>
        %dma_start3A_885 = arith.constant 0 : i32
        %dma_start3A_886 = tpu.memref_slice %arg7[%dma_start3A_874, %dma_start3A_875, %dma_start3A_876, %dma_start3A_885] : memref<2x8x2x128xi32, #tpu.memory_space<vmem>> -> memref<1x1x1x128xi32, #tpu.memory_space<vmem>>
        %dma_start3A_887 = tpu.memref_squeeze %dma_start3A_886 : memref<1x1x1x128xi32, #tpu.memory_space<vmem>> -> memref<128xi32, #tpu.memory_space<vmem>>
        %dma_start3A_888 = arith.constant 0 : i32
        %dma_start3A_889 = arith.constant 0 : i32
        %dma_start3A_890 = tpu.memref_slice %arg2[%dma_start3A_888, %dma_start3A_889] : memref<100000x8xf32, #tpu.memory_space<hbm>> -> memref<100000x8xf32, #tpu.memory_space<hbm>>
        tpu.enqueue_indirect_dma source(%dma_start3A_890 : memref<100000x8xf32, #tpu.memory_space<hbm>>) target(%dma_start3A_884 : memref<128x8xf32, #tpu.memory_space<vmem>>) offsets(%dma_start3A_887 : memref<128xi32, #tpu.memory_space<vmem>>) semaphore(%arg13 : memref<!tpu.dma_semaphore, #tpu.memory_space<semaphore_mem>>)
        %dma_start3A_891 = arith.constant 1 : i32
        %dma_start3A_892 = arith.constant 4 : i32
        %dma_start3A_893 = arith.constant 1 : i32
        %dma_start3A_894 = arith.constant 1 : i32
        %dma_start3A_895 = arith.constant 0 : i32
        %dma_start3A_896 = arith.constant 0 : i32
        %dma_start3A_897 = tpu.memref_slice %arg9[%dma_start3A_894, %dma_start3A_895, %dma_start3A_896] : memref<2x1024x8xf32, #tpu.memory_space<vmem>> -> memref<1x1024x8xf32, #tpu.memory_space<vmem>>
        %dma_start3A_898 = tpu.memref_squeeze %dma_start3A_897 : memref<1x1024x8xf32, #tpu.memory_space<vmem>> -> memref<1024x8xf32, #tpu.memory_space<vmem>>
        %dma_start3A_899 = arith.constant 512 : i32
        %dma_start3A_900 = arith.constant 0 : i32
        %dma_start3A_901 = tpu.memref_slice %dma_start3A_898[%dma_start3A_899, %dma_start3A_900] : memref<1024x8xf32, #tpu.memory_space<vmem>> -> memref<128x8xf32, #tpu.memory_space<vmem>>
        %dma_start3A_902 = arith.constant 0 : i32
        %dma_start3A_903 = tpu.memref_slice %arg7[%dma_start3A_891, %dma_start3A_892, %dma_start3A_893, %dma_start3A_902] : memref<2x8x2x128xi32, #tpu.memory_space<vmem>> -> memref<1x1x1x128xi32, #tpu.memory_space<vmem>>
        %dma_start3A_904 = tpu.memref_squeeze %dma_start3A_903 : memref<1x1x1x128xi32, #tpu.memory_space<vmem>> -> memref<128xi32, #tpu.memory_space<vmem>>
        %dma_start3A_905 = arith.constant 0 : i32
        %dma_start3A_906 = arith.constant 0 : i32
        %dma_start3A_907 = tpu.memref_slice %arg2[%dma_start3A_905, %dma_start3A_906] : memref<100000x8xf32, #tpu.memory_space<hbm>> -> memref<100000x8xf32, #tpu.memory_space<hbm>>
        tpu.enqueue_indirect_dma source(%dma_start3A_907 : memref<100000x8xf32, #tpu.memory_space<hbm>>) target(%dma_start3A_901 : memref<128x8xf32, #tpu.memory_space<vmem>>) offsets(%dma_start3A_904 : memref<128xi32, #tpu.memory_space<vmem>>) semaphore(%arg13 : memref<!tpu.dma_semaphore, #tpu.memory_space<semaphore_mem>>)
        %dma_start3A_908 = arith.constant 1 : i32
        %dma_start3A_909 = arith.constant 5 : i32
        %dma_start3A_910 = arith.constant 0 : i32
        %dma_start3A_911 = arith.constant 1 : i32
        %dma_start3A_912 = arith.constant 0 : i32
        %dma_start3A_913 = arith.constant 0 : i32
        %dma_start3A_914 = tpu.memref_slice %arg8[%dma_start3A_911, %dma_start3A_912, %dma_start3A_913] : memref<2x1024x8xf32, #tpu.memory_space<vmem>> -> memref<1x1024x8xf32, #tpu.memory_space<vmem>>
        %dma_start3A_915 = tpu.memref_squeeze %dma_start3A_914 : memref<1x1024x8xf32, #tpu.memory_space<vmem>> -> memref<1024x8xf32, #tpu.memory_space<vmem>>
        %dma_start3A_916 = arith.constant 640 : i32
        %dma_start3A_917 = arith.constant 0 : i32
        %dma_start3A_918 = tpu.memref_slice %dma_start3A_915[%dma_start3A_916, %dma_start3A_917] : memref<1024x8xf32, #tpu.memory_space<vmem>> -> memref<128x8xf32, #tpu.memory_space<vmem>>
        %dma_start3A_919 = arith.constant 0 : i32
        %dma_start3A_920 = tpu.memref_slice %arg7[%dma_start3A_908, %dma_start3A_909, %dma_start3A_910, %dma_start3A_919] : memref<2x8x2x128xi32, #tpu.memory_space<vmem>> -> memref<1x1x1x128xi32, #tpu.memory_space<vmem>>
        %dma_start3A_921 = tpu.memref_squeeze %dma_start3A_920 : memref<1x1x1x128xi32, #tpu.memory_space<vmem>> -> memref<128xi32, #tpu.memory_space<vmem>>
        %dma_start3A_922 = arith.constant 0 : i32
        %dma_start3A_923 = arith.constant 0 : i32
        %dma_start3A_924 = tpu.memref_slice %arg2[%dma_start3A_922, %dma_start3A_923] : memref<100000x8xf32, #tpu.memory_space<hbm>> -> memref<100000x8xf32, #tpu.memory_space<hbm>>
        tpu.enqueue_indirect_dma source(%dma_start3A_924 : memref<100000x8xf32, #tpu.memory_space<hbm>>) target(%dma_start3A_918 : memref<128x8xf32, #tpu.memory_space<vmem>>) offsets(%dma_start3A_921 : memref<128xi32, #tpu.memory_space<vmem>>) semaphore(%arg13 : memref<!tpu.dma_semaphore, #tpu.memory_space<semaphore_mem>>)
        %dma_start3A_925 = arith.constant 1 : i32
        %dma_start3A_926 = arith.constant 5 : i32
        %dma_start3A_927 = arith.constant 1 : i32
        %dma_start3A_928 = arith.constant 1 : i32
        %dma_start3A_929 = arith.constant 0 : i32
        %dma_start3A_930 = arith.constant 0 : i32
        %dma_start3A_931 = tpu.memref_slice %arg9[%dma_start3A_928, %dma_start3A_929, %dma_start3A_930] : memref<2x1024x8xf32, #tpu.memory_space<vmem>> -> memref<1x1024x8xf32, #tpu.memory_space<vmem>>
        %dma_start3A_932 = tpu.memref_squeeze %dma_start3A_931 : memref<1x1024x8xf32, #tpu.memory_space<vmem>> -> memref<1024x8xf32, #tpu.memory_space<vmem>>
        %dma_start3A_933 = arith.constant 640 : i32
        %dma_start3A_934 = arith.constant 0 : i32
        %dma_start3A_935 = tpu.memref_slice %dma_start3A_932[%dma_start3A_933, %dma_start3A_934] : memref<1024x8xf32, #tpu.memory_space<vmem>> -> memref<128x8xf32, #tpu.memory_space<vmem>>
        %dma_start3A_936 = arith.constant 0 : i32
        %dma_start3A_937 = tpu.memref_slice %arg7[%dma_start3A_925, %dma_start3A_926, %dma_start3A_927, %dma_start3A_936] : memref<2x8x2x128xi32, #tpu.memory_space<vmem>> -> memref<1x1x1x128xi32, #tpu.memory_space<vmem>>
        %dma_start3A_938 = tpu.memref_squeeze %dma_start3A_937 : memref<1x1x1x128xi32, #tpu.memory_space<vmem>> -> memref<128xi32, #tpu.memory_space<vmem>>
        %dma_start3A_939 = arith.constant 0 : i32
        %dma_start3A_940 = arith.constant 0 : i32
        %dma_start3A_941 = tpu.memref_slice %arg2[%dma_start3A_939, %dma_start3A_940] : memref<100000x8xf32, #tpu.memory_space<hbm>> -> memref<100000x8xf32, #tpu.memory_space<hbm>>
        tpu.enqueue_indirect_dma source(%dma_start3A_941 : memref<100000x8xf32, #tpu.memory_space<hbm>>) target(%dma_start3A_935 : memref<128x8xf32, #tpu.memory_space<vmem>>) offsets(%dma_start3A_938 : memref<128xi32, #tpu.memory_space<vmem>>) semaphore(%arg13 : memref<!tpu.dma_semaphore, #tpu.memory_space<semaphore_mem>>)
        %dma_start3A_942 = arith.constant 1 : i32
        %dma_start3A_943 = arith.constant 6 : i32
        %dma_start3A_944 = arith.constant 0 : i32
        %dma_start3A_945 = arith.constant 1 : i32
        %dma_start3A_946 = arith.constant 0 : i32
        %dma_start3A_947 = arith.constant 0 : i32
        %dma_start3A_948 = tpu.memref_slice %arg8[%dma_start3A_945, %dma_start3A_946, %dma_start3A_947] : memref<2x1024x8xf32, #tpu.memory_space<vmem>> -> memref<1x1024x8xf32, #tpu.memory_space<vmem>>
        %dma_start3A_949 = tpu.memref_squeeze %dma_start3A_948 : memref<1x1024x8xf32, #tpu.memory_space<vmem>> -> memref<1024x8xf32, #tpu.memory_space<vmem>>
        %dma_start3A_950 = arith.constant 768 : i32
        %dma_start3A_951 = arith.constant 0 : i32
        %dma_start3A_952 = tpu.memref_slice %dma_start3A_949[%dma_start3A_950, %dma_start3A_951] : memref<1024x8xf32, #tpu.memory_space<vmem>> -> memref<128x8xf32, #tpu.memory_space<vmem>>
        %dma_start3A_953 = arith.constant 0 : i32
        %dma_start3A_954 = tpu.memref_slice %arg7[%dma_start3A_942, %dma_start3A_943, %dma_start3A_944, %dma_start3A_953] : memref<2x8x2x128xi32, #tpu.memory_space<vmem>> -> memref<1x1x1x128xi32, #tpu.memory_space<vmem>>
        %dma_start3A_955 = tpu.memref_squeeze %dma_start3A_954 : memref<1x1x1x128xi32, #tpu.memory_space<vmem>> -> memref<128xi32, #tpu.memory_space<vmem>>
        %dma_start3A_956 = arith.constant 0 : i32
        %dma_start3A_957 = arith.constant 0 : i32
        %dma_start3A_958 = tpu.memref_slice %arg2[%dma_start3A_956, %dma_start3A_957] : memref<100000x8xf32, #tpu.memory_space<hbm>> -> memref<100000x8xf32, #tpu.memory_space<hbm>>
        tpu.enqueue_indirect_dma source(%dma_start3A_958 : memref<100000x8xf32, #tpu.memory_space<hbm>>) target(%dma_start3A_952 : memref<128x8xf32, #tpu.memory_space<vmem>>) offsets(%dma_start3A_955 : memref<128xi32, #tpu.memory_space<vmem>>) semaphore(%arg13 : memref<!tpu.dma_semaphore, #tpu.memory_space<semaphore_mem>>)
        %dma_start3A_959 = arith.constant 1 : i32
        %dma_start3A_960 = arith.constant 6 : i32
        %dma_start3A_961 = arith.constant 1 : i32
        %dma_start3A_962 = arith.constant 1 : i32
        %dma_start3A_963 = arith.constant 0 : i32
        %dma_start3A_964 = arith.constant 0 : i32
        %dma_start3A_965 = tpu.memref_slice %arg9[%dma_start3A_962, %dma_start3A_963, %dma_start3A_964] : memref<2x1024x8xf32, #tpu.memory_space<vmem>> -> memref<1x1024x8xf32, #tpu.memory_space<vmem>>
        %dma_start3A_966 = tpu.memref_squeeze %dma_start3A_965 : memref<1x1024x8xf32, #tpu.memory_space<vmem>> -> memref<1024x8xf32, #tpu.memory_space<vmem>>
        %dma_start3A_967 = arith.constant 768 : i32
        %dma_start3A_968 = arith.constant 0 : i32
        %dma_start3A_969 = tpu.memref_slice %dma_start3A_966[%dma_start3A_967, %dma_start3A_968] : memref<1024x8xf32, #tpu.memory_space<vmem>> -> memref<128x8xf32, #tpu.memory_space<vmem>>
        %dma_start3A_970 = arith.constant 0 : i32
        %dma_start3A_971 = tpu.memref_slice %arg7[%dma_start3A_959, %dma_start3A_960, %dma_start3A_961, %dma_start3A_970] : memref<2x8x2x128xi32, #tpu.memory_space<vmem>> -> memref<1x1x1x128xi32, #tpu.memory_space<vmem>>
        %dma_start3A_972 = tpu.memref_squeeze %dma_start3A_971 : memref<1x1x1x128xi32, #tpu.memory_space<vmem>> -> memref<128xi32, #tpu.memory_space<vmem>>
        %dma_start3A_973 = arith.constant 0 : i32
        %dma_start3A_974 = arith.constant 0 : i32
        %dma_start3A_975 = tpu.memref_slice %arg2[%dma_start3A_973, %dma_start3A_974] : memref<100000x8xf32, #tpu.memory_space<hbm>> -> memref<100000x8xf32, #tpu.memory_space<hbm>>
        tpu.enqueue_indirect_dma source(%dma_start3A_975 : memref<100000x8xf32, #tpu.memory_space<hbm>>) target(%dma_start3A_969 : memref<128x8xf32, #tpu.memory_space<vmem>>) offsets(%dma_start3A_972 : memref<128xi32, #tpu.memory_space<vmem>>) semaphore(%arg13 : memref<!tpu.dma_semaphore, #tpu.memory_space<semaphore_mem>>)
        %dma_start3A_976 = arith.constant 1 : i32
        %dma_start3A_977 = arith.constant 7 : i32
        %dma_start3A_978 = arith.constant 0 : i32
        %dma_start3A_979 = arith.constant 1 : i32
        %dma_start3A_980 = arith.constant 0 : i32
        %dma_start3A_981 = arith.constant 0 : i32
        %dma_start3A_982 = tpu.memref_slice %arg8[%dma_start3A_979, %dma_start3A_980, %dma_start3A_981] : memref<2x1024x8xf32, #tpu.memory_space<vmem>> -> memref<1x1024x8xf32, #tpu.memory_space<vmem>>
        %dma_start3A_983 = tpu.memref_squeeze %dma_start3A_982 : memref<1x1024x8xf32, #tpu.memory_space<vmem>> -> memref<1024x8xf32, #tpu.memory_space<vmem>>
        %dma_start3A_984 = arith.constant 896 : i32
        %dma_start3A_985 = arith.constant 0 : i32
        %dma_start3A_986 = tpu.memref_slice %dma_start3A_983[%dma_start3A_984, %dma_start3A_985] : memref<1024x8xf32, #tpu.memory_space<vmem>> -> memref<128x8xf32, #tpu.memory_space<vmem>>
        %dma_start3A_987 = arith.constant 0 : i32
        %dma_start3A_988 = tpu.memref_slice %arg7[%dma_start3A_976, %dma_start3A_977, %dma_start3A_978, %dma_start3A_987] : memref<2x8x2x128xi32, #tpu.memory_space<vmem>> -> memref<1x1x1x128xi32, #tpu.memory_space<vmem>>
        %dma_start3A_989 = tpu.memref_squeeze %dma_start3A_988 : memref<1x1x1x128xi32, #tpu.memory_space<vmem>> -> memref<128xi32, #tpu.memory_space<vmem>>
        %dma_start3A_990 = arith.constant 0 : i32
        %dma_start3A_991 = arith.constant 0 : i32
        %dma_start3A_992 = tpu.memref_slice %arg2[%dma_start3A_990, %dma_start3A_991] : memref<100000x8xf32, #tpu.memory_space<hbm>> -> memref<100000x8xf32, #tpu.memory_space<hbm>>
        tpu.enqueue_indirect_dma source(%dma_start3A_992 : memref<100000x8xf32, #tpu.memory_space<hbm>>) target(%dma_start3A_986 : memref<128x8xf32, #tpu.memory_space<vmem>>) offsets(%dma_start3A_989 : memref<128xi32, #tpu.memory_space<vmem>>) semaphore(%arg13 : memref<!tpu.dma_semaphore, #tpu.memory_space<semaphore_mem>>)
        %dma_start3A_993 = arith.constant 1 : i32
        %dma_start3A_994 = arith.constant 7 : i32
        %dma_start3A_995 = arith.constant 1 : i32
        %dma_start3A_996 = arith.constant 1 : i32
        %dma_start3A_997 = arith.constant 0 : i32
        %dma_start3A_998 = arith.constant 0 : i32
        %dma_start3A_999 = tpu.memref_slice %arg9[%dma_start3A_996, %dma_start3A_997, %dma_start3A_998] : memref<2x1024x8xf32, #tpu.memory_space<vmem>> -> memref<1x1024x8xf32, #tpu.memory_space<vmem>>
        %dma_start3A_1000 = tpu.memref_squeeze %dma_start3A_999 : memref<1x1024x8xf32, #tpu.memory_space<vmem>> -> memref<1024x8xf32, #tpu.memory_space<vmem>>
        %dma_start3A_1001 = arith.constant 896 : i32
        %dma_start3A_1002 = arith.constant 0 : i32
        %dma_start3A_1003 = tpu.memref_slice %dma_start3A_1000[%dma_start3A_1001, %dma_start3A_1002] : memref<1024x8xf32, #tpu.memory_space<vmem>> -> memref<128x8xf32, #tpu.memory_space<vmem>>
        %dma_start3A_1004 = arith.constant 0 : i32
        %dma_start3A_1005 = tpu.memref_slice %arg7[%dma_start3A_993, %dma_start3A_994, %dma_start3A_995, %dma_start3A_1004] : memref<2x8x2x128xi32, #tpu.memory_space<vmem>> -> memref<1x1x1x128xi32, #tpu.memory_space<vmem>>
        %dma_start3A_1006 = tpu.memref_squeeze %dma_start3A_1005 : memref<1x1x1x128xi32, #tpu.memory_space<vmem>> -> memref<128xi32, #tpu.memory_space<vmem>>
        %dma_start3A_1007 = arith.constant 0 : i32
        %dma_start3A_1008 = arith.constant 0 : i32
        %dma_start3A_1009 = tpu.memref_slice %arg2[%dma_start3A_1007, %dma_start3A_1008] : memref<100000x8xf32, #tpu.memory_space<hbm>> -> memref<100000x8xf32, #tpu.memory_space<hbm>>
        tpu.enqueue_indirect_dma source(%dma_start3A_1009 : memref<100000x8xf32, #tpu.memory_space<hbm>>) target(%dma_start3A_1003 : memref<128x8xf32, #tpu.memory_space<vmem>>) offsets(%dma_start3A_1006 : memref<128xi32, #tpu.memory_space<vmem>>) semaphore(%arg13 : memref<!tpu.dma_semaphore, #tpu.memory_space<semaphore_mem>>)
        %dma_start3A_1010 = arith.constant 1 : i32
        %dma_start3A_1011 = arith.constant 0 : i32
        %dma_start3A_1012 = arith.constant 0 : i32
        %dma_start3A_1013 = arith.constant 0 : i32
        %dma_start3A_1014 = tpu.memref_slice %arg10[%dma_start3A_1010, %dma_start3A_1011, %dma_start3A_1012, %dma_start3A_1013] : memref<2x8x4x128xf32, #tpu.memory_space<vmem>> -> memref<1x8x4x128xf32, #tpu.memory_space<vmem>>
        %dma_start3A_1015 = tpu.memref_squeeze %dma_start3A_1014 : memref<1x8x4x128xf32, #tpu.memory_space<vmem>> -> memref<8x4x128xf32, #tpu.memory_space<vmem>>
        %dma_start3A_1016 = arith.constant 0 : i32
        %dma_start3A_1017 = arith.constant 0 : i32
        %dma_start3A_1018 = tpu.memref_slice %arg4[%mul3A_737, %dma_start3A_1016, %dma_start3A_1017] : memref<25000x4x128xf32, #tpu.memory_space<hbm>> -> memref<8x4x128xf32, #tpu.memory_space<hbm>>
        %dma_start3A_1019 = arith.constant 0 : i32
        %dma_start3A_1020 = arith.constant 0 : i32
        %dma_start3A_1021 = arith.constant 0 : i32
        %dma_start3A_1022 = tpu.memref_slice %arg10[%dma_start3A_1010, %dma_start3A_1019, %dma_start3A_1020, %dma_start3A_1021] : memref<2x8x4x128xf32, #tpu.memory_space<vmem>> -> memref<1x8x4x128xf32, #tpu.memory_space<vmem>>
        %dma_start3A_1023 = tpu.memref_squeeze %dma_start3A_1022 : memref<1x8x4x128xf32, #tpu.memory_space<vmem>> -> memref<8x4x128xf32, #tpu.memory_space<vmem>>
        %dma_start3A_1024 = arith.constant 0 : i32
        %dma_start3A_1025 = arith.constant 0 : i32
        %dma_start3A_1026 = tpu.memref_slice %arg4[%mul3A_737, %dma_start3A_1024, %dma_start3A_1025] : memref<25000x4x128xf32, #tpu.memory_space<hbm>> -> memref<8x4x128xf32, #tpu.memory_space<hbm>>
        tpu.enqueue_dma source(%dma_start3A_1026 : memref<8x4x128xf32, #tpu.memory_space<hbm>>) target(%dma_start3A_1023 : memref<8x4x128xf32, #tpu.memory_space<vmem>>) target_semaphore(%arg13 : memref<!tpu.dma_semaphore, #tpu.memory_space<semaphore_mem>>)
      } else {
      }
      %gt3A = arith.constant 0 : i32
      %gt3A_690 = arith.cmpi sgt, %while3A_382, %gt3A : i32
      %convert_element_type3A_691 = arith.extui %gt3A_690 : i1 to i32
      %cond3A_692 = arith.constant 0 : i32
      %cond3A_693 = arith.cmpi ne, %convert_element_type3A_691, %cond3A_692 : i32
      scf.if %cond3A_693 {
        %mul3A_717 = arith.constant 1024 : i32
        %mul3A_718 = arith.muli %add3A_387, %mul3A_717 : i32
        %dma_wait3A_719 = arith.constant 0 : i32
        %dma_wait3A_720 = arith.constant 0 : i32
        %dma_wait3A_721 = tpu.memref_slice %arg11[%dma_wait3A_719, %dma_wait3A_720] : memref<2x1024xf32, #tpu.memory_space<vmem>> -> memref<1x1024xf32, #tpu.memory_space<vmem>>
        %dma_wait3A_722 = tpu.memref_squeeze %dma_wait3A_721 : memref<1x1024xf32, #tpu.memory_space<vmem>> -> memref<1024xf32, #tpu.memory_space<vmem>>
        %dma_wait3A_723 = tpu.memref_slice %arg6[%mul3A_718] : memref<3200000xf32, #tpu.memory_space<hbm>> -> memref<1024xf32, #tpu.memory_space<hbm>>
        %dma_wait3A_724 = tpu.memref_slice %arg6[%mul3A_718] : memref<3200000xf32, #tpu.memory_space<hbm>> -> memref<1024xf32, #tpu.memory_space<hbm>>
        %dma_wait3A_725 = arith.constant 0 : i32
        %dma_wait3A_726 = tpu.memref_slice %arg11[%dma_wait3A_719, %dma_wait3A_725] : memref<2x1024xf32, #tpu.memory_space<vmem>> -> memref<1x1024xf32, #tpu.memory_space<vmem>>
        %dma_wait3A_727 = tpu.memref_squeeze %dma_wait3A_726 : memref<1x1024xf32, #tpu.memory_space<vmem>> -> memref<1024xf32, #tpu.memory_space<vmem>>
        tpu.wait_dma2 semaphore(%arg14 : memref<!tpu.dma_semaphore, #tpu.memory_space<semaphore_mem>>) src(%dma_wait3A_727 : memref<1024xf32, #tpu.memory_space<vmem>>) dst(%dma_wait3A_724 : memref<1024xf32, #tpu.memory_space<hbm>>)
      } else {
      }
      %scan3A = arith.constant 0 : i32
      %scan3A_694 = arith.constant 0 : i32
      %scan3A_695 = arith.constant 0 : i32
      %scan3A_696 = arith.constant 0 : i32
      %scan3A_697 = arith.constant 0 : i32
      %scan3A_698 = arith.constant 0 : i32
      %scan3A_699 = arith.constant 64 : i32
      %scan3A_700 = arith.addi %scan3A_698, %scan3A_699 : i32
      %scan3A_701 = arith.constant 2 : i32
      scf.for %scan3A_717 = %scan3A_698 to %scan3A_700 step %scan3A_701  : i32 {
        %mul3A_718 = arith.constant 16 : i32
        %mul3A_719 = arith.muli %scan3A_717, %mul3A_718 : i32
        %add3A_720 = vector.broadcast %mul3A_719 : i32 to vector<16xi32>
        %add3A_721 = arith.addi %iota3A, %add3A_720 : vector<16xi32>
        %broadcast_in_dim3A = arith.constant 0 : i32
        %broadcast_in_dim3A_722 = vector.broadcast %broadcast_in_dim3A : i32 to vector<16xi32>
        %broadcast_in_dim3A_723 = arith.constant 1 : i32
        %broadcast_in_dim3A_724 = vector.broadcast %broadcast_in_dim3A_723 : i32 to vector<16xi32>
        %broadcast_in_dim3A_725 = arith.constant 2 : i32
        %broadcast_in_dim3A_726 = vector.broadcast %broadcast_in_dim3A_725 : i32 to vector<16xi32>
        %gather3A = arith.constant 0 : i32
        %gather3A_727 = arith.constant 0 : i32
        %gather3A_728 = tpu.memref_slice %arg8[%scan3A_694, %gather3A, %gather3A_727] : memref<2x1024x8xf32, #tpu.memory_space<vmem>> -> memref<1x1024x8xf32, #tpu.memory_space<vmem>>
        %gather3A_729 = tpu.memref_squeeze %gather3A_728 : memref<1x1024x8xf32, #tpu.memory_space<vmem>> -> memref<1024x8xf32, #tpu.memory_space<vmem>>
        %gather3A_730 = tpu.vector_load_idx %gather3A_729[%add3A_721, %broadcast_in_dim3A_722] : memref<1024x8xf32, #tpu.memory_space<vmem>>[vector<16xi32>, vector<16xi32>], vector<16xf32>,
        %gather3A_731 = arith.constant 0 : i32
        %gather3A_732 = arith.constant 0 : i32
        %gather3A_733 = tpu.memref_slice %arg8[%scan3A_694, %gather3A_731, %gather3A_732] : memref<2x1024x8xf32, #tpu.memory_space<vmem>> -> memref<1x1024x8xf32, #tpu.memory_space<vmem>>
        %gather3A_734 = tpu.memref_squeeze %gather3A_733 : memref<1x1024x8xf32, #tpu.memory_space<vmem>> -> memref<1024x8xf32, #tpu.memory_space<vmem>>
        %gather3A_735 = tpu.vector_load_idx %gather3A_734[%add3A_721, %broadcast_in_dim3A_724] : memref<1024x8xf32, #tpu.memory_space<vmem>>[vector<16xi32>, vector<16xi32>], vector<16xf32>,
        %gather3A_736 = arith.constant 0 : i32
        %gather3A_737 = arith.constant 0 : i32
        %gather3A_738 = tpu.memref_slice %arg8[%scan3A_694, %gather3A_736, %gather3A_737] : memref<2x1024x8xf32, #tpu.memory_space<vmem>> -> memref<1x1024x8xf32, #tpu.memory_space<vmem>>
        %gather3A_739 = tpu.memref_squeeze %gather3A_738 : memref<1x1024x8xf32, #tpu.memory_space<vmem>> -> memref<1024x8xf32, #tpu.memory_space<vmem>>
        %gather3A_740 = tpu.vector_load_idx %gather3A_739[%add3A_721, %broadcast_in_dim3A_726] : memref<1024x8xf32, #tpu.memory_space<vmem>>[vector<16xi32>, vector<16xi32>], vector<16xf32>,
        %gather3A_741 = arith.constant 0 : i32
        %gather3A_742 = arith.constant 0 : i32
        %gather3A_743 = tpu.memref_slice %arg9[%scan3A_695, %gather3A_741, %gather3A_742] : memref<2x1024x8xf32, #tpu.memory_space<vmem>> -> memref<1x1024x8xf32, #tpu.memory_space<vmem>>
        %gather3A_744 = tpu.memref_squeeze %gather3A_743 : memref<1x1024x8xf32, #tpu.memory_space<vmem>> -> memref<1024x8xf32, #tpu.memory_space<vmem>>
        %gather3A_745 = tpu.vector_load_idx %gather3A_744[%add3A_721, %broadcast_in_dim3A_722] : memref<1024x8xf32, #tpu.memory_space<vmem>>[vector<16xi32>, vector<16xi32>], vector<16xf32>,
        %gather3A_746 = arith.constant 0 : i32
        %gather3A_747 = arith.constant 0 : i32
        %gather3A_748 = tpu.memref_slice %arg9[%scan3A_695, %gather3A_746, %gather3A_747] : memref<2x1024x8xf32, #tpu.memory_space<vmem>> -> memref<1x1024x8xf32, #tpu.memory_space<vmem>>
        %gather3A_749 = tpu.memref_squeeze %gather3A_748 : memref<1x1024x8xf32, #tpu.memory_space<vmem>> -> memref<1024x8xf32, #tpu.memory_space<vmem>>
        %gather3A_750 = tpu.vector_load_idx %gather3A_749[%add3A_721, %broadcast_in_dim3A_724] : memref<1024x8xf32, #tpu.memory_space<vmem>>[vector<16xi32>, vector<16xi32>], vector<16xf32>,
        %gather3A_751 = arith.constant 0 : i32
        %gather3A_752 = arith.constant 0 : i32
        %gather3A_753 = tpu.memref_slice %arg9[%scan3A_695, %gather3A_751, %gather3A_752] : memref<2x1024x8xf32, #tpu.memory_space<vmem>> -> memref<1x1024x8xf32, #tpu.memory_space<vmem>>
        %gather3A_754 = tpu.memref_squeeze %gather3A_753 : memref<1x1024x8xf32, #tpu.memory_space<vmem>> -> memref<1024x8xf32, #tpu.memory_space<vmem>>
        %gather3A_755 = tpu.vector_load_idx %gather3A_754[%add3A_721, %broadcast_in_dim3A_726] : memref<1024x8xf32, #tpu.memory_space<vmem>>[vector<16xi32>, vector<16xi32>], vector<16xf32>,
        %jit3A_756 = arith.constant 8 : i32
        %div3A_757 = arith.divsi %scan3A_717, %jit3A_756 : i32
        %sign3A_758 = arith.constant 0 : i32
        %sign3A_759 = arith.cmpi sgt, %scan3A_717, %sign3A_758 : i32
        %sign3A_760 = arith.extui %sign3A_759 : i1 to i32
        %sign3A_761 = arith.constant 0 : i32
        %sign3A_762 = arith.cmpi slt, %scan3A_717, %sign3A_761 : i32
        %sign3A_763 = arith.extui %sign3A_762 : i1 to i32
        %sign3A_764 = arith.subi %sign3A_760, %sign3A_763 : i32
        %sign3A_765 = arith.constant 0 : i32
        %sign3A_766 = arith.cmpi sgt, %jit3A_756, %sign3A_765 : i32
        %sign3A_767 = arith.extui %sign3A_766 : i1 to i32
        %sign3A_768 = arith.constant 0 : i32
        %sign3A_769 = arith.cmpi slt, %jit3A_756, %sign3A_768 : i32
        %sign3A_770 = arith.extui %sign3A_769 : i1 to i32
        %sign3A_771 = arith.subi %sign3A_767, %sign3A_770 : i32
        %ne3A_772 = arith.cmpi ne, %sign3A_764, %sign3A_771 : i32
        %rem3A_773 = arith.remsi %scan3A_717, %jit3A_756 : i32
        %ne3A_774 = arith.constant 0 : i32
        %ne3A_775 = arith.cmpi ne, %rem3A_773, %ne3A_774 : i32
        %and3A_776 = arith.andi %ne3A_772, %ne3A_775 : i1
        %sub3A_777 = arith.constant 1 : i32
        %sub3A_778 = arith.subi %div3A_757, %sub3A_777 : i32
        %select_n3A_779 = arith.select %and3A_776, %sub3A_778, %div3A_757 : i32
        %jit3A_780 = arith.constant 8 : i32
        %eq3A = arith.constant 0 : i32
        %eq3A_781 = arith.cmpi eq, %jit3A_780, %eq3A : i32
        %jit3A_782 = arith.constant 1 : i32
        %select_n3A_783 = arith.select %eq3A_781, %jit3A_782, %jit3A_780 : i32
        %rem3A_784 = arith.remsi %scan3A_717, %select_n3A_783 : i32
        %ne3A_785 = arith.constant 0 : i32
        %ne3A_786 = arith.cmpi ne, %rem3A_784, %ne3A_785 : i32
        %lt3A_787 = arith.constant 0 : i32
        %lt3A_788 = arith.cmpi slt, %rem3A_784, %lt3A_787 : i32
        %lt3A_789 = arith.constant 0 : i32
        %lt3A_790 = arith.cmpi slt, %select_n3A_783, %lt3A_789 : i32
        %ne3A_791 = arith.xori %lt3A_788, %lt3A_790 : i1
        %and3A_792 = arith.andi %ne3A_791, %ne3A_786 : i1
        %add3A_793 = arith.addi %rem3A_784, %select_n3A_783 : i32
        %select_n3A_794 = arith.select %and3A_792, %add3A_793, %rem3A_784 : i32
        %mul3A_795 = arith.constant 16 : i32
        %mul3A_796 = arith.muli %select_n3A_794, %mul3A_795 : i32
        %get3A_797 = arith.constant 0 : i32
        %get3A_798 = arith.constant 0 : i32
        %get3A_799 = arith.constant 0 : i32
        %get3A_800 = arith.constant 0 : i32
        %get3A_801 = tpu.memref_slice %arg10[%scan3A_696, %get3A_798, %get3A_799, %get3A_800] : memref<2x8x4x128xf32, #tpu.memory_space<vmem>> -> memref<1x8x4x128xf32, #tpu.memory_space<vmem>>
        %get3A_802 = tpu.memref_squeeze %get3A_801 : memref<1x8x4x128xf32, #tpu.memory_space<vmem>> -> memref<8x4x128xf32, #tpu.memory_space<vmem>>
        %get3A_803 = arith.index_cast %select_n3A_779 : i32 to index
        %get3A_804 = arith.index_cast %get3A_797 : i32 to index
        %get3A_805 = arith.index_cast %mul3A_796 : i32 to index
        %get3A_806 = tpu.vector_load %get3A_802[%get3A_803, %get3A_804, %get3A_805] {strides = array<i32>} : memref<8x4x128xf32, #tpu.memory_space<vmem>>, vector<16xf32>,
        %get3A_807 = arith.constant 1 : i32
        %get3A_808 = arith.constant 0 : i32
        %get3A_809 = arith.constant 0 : i32
        %get3A_810 = arith.constant 0 : i32
        %get3A_811 = tpu.memref_slice %arg10[%scan3A_696, %get3A_808, %get3A_809, %get3A_810] : memref<2x8x4x128xf32, #tpu.memory_space<vmem>> -> memref<1x8x4x128xf32, #tpu.memory_space<vmem>>
        %get3A_812 = tpu.memref_squeeze %get3A_811 : memref<1x8x4x128xf32, #tpu.memory_space<vmem>> -> memref<8x4x128xf32, #tpu.memory_space<vmem>>
        %get3A_813 = arith.index_cast %select_n3A_779 : i32 to index
        %get3A_814 = arith.index_cast %get3A_807 : i32 to index
        %get3A_815 = arith.index_cast %mul3A_796 : i32 to index
        %get3A_816 = tpu.vector_load %get3A_812[%get3A_813, %get3A_814, %get3A_815] {strides = array<i32>} : memref<8x4x128xf32, #tpu.memory_space<vmem>>, vector<16xf32>,
        %get3A_817 = arith.constant 2 : i32
        %get3A_818 = arith.constant 0 : i32
        %get3A_819 = arith.constant 0 : i32
        %get3A_820 = arith.constant 0 : i32
        %get3A_821 = tpu.memref_slice %arg10[%scan3A_696, %get3A_818, %get3A_819, %get3A_820] : memref<2x8x4x128xf32, #tpu.memory_space<vmem>> -> memref<1x8x4x128xf32, #tpu.memory_space<vmem>>
        %get3A_822 = tpu.memref_squeeze %get3A_821 : memref<1x8x4x128xf32, #tpu.memory_space<vmem>> -> memref<8x4x128xf32, #tpu.memory_space<vmem>>
        %get3A_823 = arith.index_cast %select_n3A_779 : i32 to index
        %get3A_824 = arith.index_cast %get3A_817 : i32 to index
        %get3A_825 = arith.index_cast %mul3A_796 : i32 to index
        %get3A_826 = tpu.vector_load %get3A_822[%get3A_823, %get3A_824, %get3A_825] {strides = array<i32>} : memref<8x4x128xf32, #tpu.memory_space<vmem>>, vector<16xf32>,
        %mul3A_827 = arith.constant 16 : i32
        %mul3A_828 = arith.muli %scan3A_717, %mul3A_827 : i32
        %sub3A_829 = arith.subf %gather3A_745, %gather3A_730 : vector<16xf32>
        %mul3A_830 = arith.mulf %get3A_806, %get3A_3 : vector<16xf32>
        %mul3A_831 = arith.mulf %get3A_816, %get3A_15 : vector<16xf32>
        %add3A_832 = arith.addf %mul3A_830, %mul3A_831 : vector<16xf32>
        %mul3A_833 = arith.mulf %get3A_826, %get3A_27 : vector<16xf32>
        %add3A_834 = arith.addf %add3A_832, %mul3A_833 : vector<16xf32>
        %add3A_835 = arith.addf %sub3A_829, %add3A_834 : vector<16xf32>
        %sub3A_836 = arith.subf %gather3A_750, %gather3A_735 : vector<16xf32>
        %mul3A_837 = arith.mulf %get3A_806, %get3A_7 : vector<16xf32>
        %mul3A_838 = arith.mulf %get3A_816, %get3A_19 : vector<16xf32>
        %add3A_839 = arith.addf %mul3A_837, %mul3A_838 : vector<16xf32>
        %mul3A_840 = arith.mulf %get3A_826, %get3A_31 : vector<16xf32>
        %add3A_841 = arith.addf %add3A_839, %mul3A_840 : vector<16xf32>
        %add3A_842 = arith.addf %sub3A_836, %add3A_841 : vector<16xf32>
        %sub3A_843 = arith.subf %gather3A_755, %gather3A_740 : vector<16xf32>
        %mul3A_844 = arith.mulf %get3A_806, %get3A_11 : vector<16xf32>
        %mul3A_845 = arith.mulf %get3A_816, %get3A_23 : vector<16xf32>
        %add3A_846 = arith.addf %mul3A_844, %mul3A_845 : vector<16xf32>
        %mul3A_847 = arith.mulf %get3A_826, %get3A_35 : vector<16xf32>
        %add3A_848 = arith.addf %add3A_846, %mul3A_847 : vector<16xf32>
        %add3A_849 = arith.addf %sub3A_843, %add3A_848 : vector<16xf32>
        %mul3A_850 = arith.mulf %add3A_835, %add3A_835 : vector<16xf32>
        %mul3A_851 = arith.mulf %add3A_842, %add3A_842 : vector<16xf32>
        %add3A_852 = arith.addf %mul3A_850, %mul3A_851 : vector<16xf32>
        %mul3A_853 = arith.mulf %add3A_849, %add3A_849 : vector<16xf32>
        %add3A_854 = arith.addf %add3A_852, %mul3A_853 : vector<16xf32>
        %max3A = arith.constant 1.000000e-30 : f32
        %max3A_855 = vector.broadcast %max3A : f32 to vector<16xf32>
        %max3A_856 = arith.maximumf %add3A_854, %max3A_855 : vector<16xf32>
        %bitcast_convert_type3A = tpu.bitcast %max3A_856 : vector<16xf32> -> vector<16xi32>
        %shift_right_arithmetic3A = arith.constant 1 : i32
        %shift_right_arithmetic3A_857 = vector.broadcast %shift_right_arithmetic3A : i32 to vector<16xi32>
        %shift_right_arithmetic3A_858 = arith.shrsi %bitcast_convert_type3A, %shift_right_arithmetic3A_857 : vector<16xi32>
        %sub3A_859 = arith.constant 1597463007 : i32
        %sub3A_860 = vector.broadcast %sub3A_859 : i32 to vector<16xi32>
        %sub3A_861 = arith.subi %sub3A_860, %shift_right_arithmetic3A_858 : vector<16xi32>
        %bitcast_convert_type3A_862 = tpu.bitcast %sub3A_861 : vector<16xi32> -> vector<16xf32>
        %mul3A_863 = arith.constant 5.000000e-01 : f32
        %mul3A_864 = vector.broadcast %mul3A_863 : f32 to vector<16xf32>
        %mul3A_865 = arith.mulf %mul3A_864, %max3A_856 : vector<16xf32>
        %mul3A_866 = arith.mulf %mul3A_865, %bitcast_convert_type3A_862 : vector<16xf32>
        %mul3A_867 = arith.mulf %mul3A_866, %bitcast_convert_type3A_862 : vector<16xf32>
        %sub3A_868 = arith.constant 1.500000e+00 : f32
        %sub3A_869 = vector.broadcast %sub3A_868 : f32 to vector<16xf32>
        %sub3A_870 = arith.subf %sub3A_869, %mul3A_867 : vector<16xf32>
        %mul3A_871 = arith.mulf %bitcast_convert_type3A_862, %sub3A_870 : vector<16xf32>
        %mul3A_872 = arith.constant 5.000000e-01 : f32
        %mul3A_873 = vector.broadcast %mul3A_872 : f32 to vector<16xf32>
        %mul3A_874 = arith.mulf %mul3A_873, %max3A_856 : vector<16xf32>
        %mul3A_875 = arith.mulf %mul3A_874, %mul3A_871 : vector<16xf32>
        %mul3A_876 = arith.mulf %mul3A_875, %mul3A_871 : vector<16xf32>
        %sub3A_877 = arith.constant 1.500000e+00 : f32
        %sub3A_878 = vector.broadcast %sub3A_877 : f32 to vector<16xf32>
        %sub3A_879 = arith.subf %sub3A_878, %mul3A_876 : vector<16xf32>
        %mul3A_880 = arith.mulf %mul3A_871, %sub3A_879 : vector<16xf32>
        %mul3A_881 = arith.mulf %max3A_856, %mul3A_880 : vector<16xf32>
        %swap3A = arith.constant 0 : i32
        %swap3A_882 = tpu.memref_slice %arg11[%scan3A_697, %swap3A] : memref<2x1024xf32, #tpu.memory_space<vmem>> -> memref<1x1024xf32, #tpu.memory_space<vmem>>
        %swap3A_883 = tpu.memref_squeeze %swap3A_882 : memref<1x1024xf32, #tpu.memory_space<vmem>> -> memref<1024xf32, #tpu.memory_space<vmem>>
        %swap3A_884 = arith.index_cast %mul3A_828 : i32 to index
        %swap3A_885 = tpu.vector_load %swap3A_883[%swap3A_884] {strides = array<i32>} : memref<1024xf32, #tpu.memory_space<vmem>>, vector<16xf32>,
        tpu.vector_store %swap3A_883[%swap3A_884], %mul3A_881 {strides = array<i32>} : memref<1024xf32, #tpu.memory_space<vmem>>, vector<16xf32>,
        %scan3A_886 = arith.constant 1 : i32
        %scan3A_887 = arith.addi %scan3A_717, %scan3A_886 : i32
        %mul3A_888 = arith.constant 16 : i32
        %mul3A_889 = arith.muli %scan3A_887, %mul3A_888 : i32
        %add3A_890 = vector.broadcast %mul3A_889 : i32 to vector<16xi32>
        %add3A_891 = arith.addi %iota3A, %add3A_890 : vector<16xi32>
        %broadcast_in_dim3A_892 = arith.constant 0 : i32
        %broadcast_in_dim3A_893 = vector.broadcast %broadcast_in_dim3A_892 : i32 to vector<16xi32>
        %broadcast_in_dim3A_894 = arith.constant 1 : i32
        %broadcast_in_dim3A_895 = vector.broadcast %broadcast_in_dim3A_894 : i32 to vector<16xi32>
        %broadcast_in_dim3A_896 = arith.constant 2 : i32
        %broadcast_in_dim3A_897 = vector.broadcast %broadcast_in_dim3A_896 : i32 to vector<16xi32>
        %gather3A_898 = arith.constant 0 : i32
        %gather3A_899 = arith.constant 0 : i32
        %gather3A_900 = tpu.memref_slice %arg8[%scan3A_694, %gather3A_898, %gather3A_899] : memref<2x1024x8xf32, #tpu.memory_space<vmem>> -> memref<1x1024x8xf32, #tpu.memory_space<vmem>>
        %gather3A_901 = tpu.memref_squeeze %gather3A_900 : memref<1x1024x8xf32, #tpu.memory_space<vmem>> -> memref<1024x8xf32, #tpu.memory_space<vmem>>
        %gather3A_902 = tpu.vector_load_idx %gather3A_901[%add3A_891, %broadcast_in_dim3A_893] : memref<1024x8xf32, #tpu.memory_space<vmem>>[vector<16xi32>, vector<16xi32>], vector<16xf32>,
        %gather3A_903 = arith.constant 0 : i32
        %gather3A_904 = arith.constant 0 : i32
        %gather3A_905 = tpu.memref_slice %arg8[%scan3A_694, %gather3A_903, %gather3A_904] : memref<2x1024x8xf32, #tpu.memory_space<vmem>> -> memref<1x1024x8xf32, #tpu.memory_space<vmem>>
        %gather3A_906 = tpu.memref_squeeze %gather3A_905 : memref<1x1024x8xf32, #tpu.memory_space<vmem>> -> memref<1024x8xf32, #tpu.memory_space<vmem>>
        %gather3A_907 = tpu.vector_load_idx %gather3A_906[%add3A_891, %broadcast_in_dim3A_895] : memref<1024x8xf32, #tpu.memory_space<vmem>>[vector<16xi32>, vector<16xi32>], vector<16xf32>,
        %gather3A_908 = arith.constant 0 : i32
        %gather3A_909 = arith.constant 0 : i32
        %gather3A_910 = tpu.memref_slice %arg8[%scan3A_694, %gather3A_908, %gather3A_909] : memref<2x1024x8xf32, #tpu.memory_space<vmem>> -> memref<1x1024x8xf32, #tpu.memory_space<vmem>>
        %gather3A_911 = tpu.memref_squeeze %gather3A_910 : memref<1x1024x8xf32, #tpu.memory_space<vmem>> -> memref<1024x8xf32, #tpu.memory_space<vmem>>
        %gather3A_912 = tpu.vector_load_idx %gather3A_911[%add3A_891, %broadcast_in_dim3A_897] : memref<1024x8xf32, #tpu.memory_space<vmem>>[vector<16xi32>, vector<16xi32>], vector<16xf32>,
        %gather3A_913 = arith.constant 0 : i32
        %gather3A_914 = arith.constant 0 : i32
        %gather3A_915 = tpu.memref_slice %arg9[%scan3A_695, %gather3A_913, %gather3A_914] : memref<2x1024x8xf32, #tpu.memory_space<vmem>> -> memref<1x1024x8xf32, #tpu.memory_space<vmem>>
        %gather3A_916 = tpu.memref_squeeze %gather3A_915 : memref<1x1024x8xf32, #tpu.memory_space<vmem>> -> memref<1024x8xf32, #tpu.memory_space<vmem>>
        %gather3A_917 = tpu.vector_load_idx %gather3A_916[%add3A_891, %broadcast_in_dim3A_893] : memref<1024x8xf32, #tpu.memory_space<vmem>>[vector<16xi32>, vector<16xi32>], vector<16xf32>,
        %gather3A_918 = arith.constant 0 : i32
        %gather3A_919 = arith.constant 0 : i32
        %gather3A_920 = tpu.memref_slice %arg9[%scan3A_695, %gather3A_918, %gather3A_919] : memref<2x1024x8xf32, #tpu.memory_space<vmem>> -> memref<1x1024x8xf32, #tpu.memory_space<vmem>>
        %gather3A_921 = tpu.memref_squeeze %gather3A_920 : memref<1x1024x8xf32, #tpu.memory_space<vmem>> -> memref<1024x8xf32, #tpu.memory_space<vmem>>
        %gather3A_922 = tpu.vector_load_idx %gather3A_921[%add3A_891, %broadcast_in_dim3A_895] : memref<1024x8xf32, #tpu.memory_space<vmem>>[vector<16xi32>, vector<16xi32>], vector<16xf32>,
        %gather3A_923 = arith.constant 0 : i32
        %gather3A_924 = arith.constant 0 : i32
        %gather3A_925 = tpu.memref_slice %arg9[%scan3A_695, %gather3A_923, %gather3A_924] : memref<2x1024x8xf32, #tpu.memory_space<vmem>> -> memref<1x1024x8xf32, #tpu.memory_space<vmem>>
        %gather3A_926 = tpu.memref_squeeze %gather3A_925 : memref<1x1024x8xf32, #tpu.memory_space<vmem>> -> memref<1024x8xf32, #tpu.memory_space<vmem>>
        %gather3A_927 = tpu.vector_load_idx %gather3A_926[%add3A_891, %broadcast_in_dim3A_897] : memref<1024x8xf32, #tpu.memory_space<vmem>>[vector<16xi32>, vector<16xi32>], vector<16xf32>,
        %jit3A_928 = arith.constant 8 : i32
        %div3A_929 = arith.divsi %scan3A_887, %jit3A_928 : i32
        %sign3A_930 = arith.constant 0 : i32
        %sign3A_931 = arith.cmpi sgt, %scan3A_887, %sign3A_930 : i32
        %sign3A_932 = arith.extui %sign3A_931 : i1 to i32
        %sign3A_933 = arith.constant 0 : i32
        %sign3A_934 = arith.cmpi slt, %scan3A_887, %sign3A_933 : i32
        %sign3A_935 = arith.extui %sign3A_934 : i1 to i32
        %sign3A_936 = arith.subi %sign3A_932, %sign3A_935 : i32
        %sign3A_937 = arith.constant 0 : i32
        %sign3A_938 = arith.cmpi sgt, %jit3A_928, %sign3A_937 : i32
        %sign3A_939 = arith.extui %sign3A_938 : i1 to i32
        %sign3A_940 = arith.constant 0 : i32
        %sign3A_941 = arith.cmpi slt, %jit3A_928, %sign3A_940 : i32
        %sign3A_942 = arith.extui %sign3A_941 : i1 to i32
        %sign3A_943 = arith.subi %sign3A_939, %sign3A_942 : i32
        %ne3A_944 = arith.cmpi ne, %sign3A_936, %sign3A_943 : i32
        %rem3A_945 = arith.remsi %scan3A_887, %jit3A_928 : i32
        %ne3A_946 = arith.constant 0 : i32
        %ne3A_947 = arith.cmpi ne, %rem3A_945, %ne3A_946 : i32
        %and3A_948 = arith.andi %ne3A_944, %ne3A_947 : i1
        %sub3A_949 = arith.constant 1 : i32
        %sub3A_950 = arith.subi %div3A_929, %sub3A_949 : i32
        %select_n3A_951 = arith.select %and3A_948, %sub3A_950, %div3A_929 : i32
        %jit3A_952 = arith.constant 8 : i32
        %eq3A_953 = arith.constant 0 : i32
        %eq3A_954 = arith.cmpi eq, %jit3A_952, %eq3A_953 : i32
        %jit3A_955 = arith.constant 1 : i32
        %select_n3A_956 = arith.select %eq3A_954, %jit3A_955, %jit3A_952 : i32
        %rem3A_957 = arith.remsi %scan3A_887, %select_n3A_956 : i32
        %ne3A_958 = arith.constant 0 : i32
        %ne3A_959 = arith.cmpi ne, %rem3A_957, %ne3A_958 : i32
        %lt3A_960 = arith.constant 0 : i32
        %lt3A_961 = arith.cmpi slt, %rem3A_957, %lt3A_960 : i32
        %lt3A_962 = arith.constant 0 : i32
        %lt3A_963 = arith.cmpi slt, %select_n3A_956, %lt3A_962 : i32
        %ne3A_964 = arith.xori %lt3A_961, %lt3A_963 : i1
        %and3A_965 = arith.andi %ne3A_964, %ne3A_959 : i1
        %add3A_966 = arith.addi %rem3A_957, %select_n3A_956 : i32
        %select_n3A_967 = arith.select %and3A_965, %add3A_966, %rem3A_957 : i32
        %mul3A_968 = arith.constant 16 : i32
        %mul3A_969 = arith.muli %select_n3A_967, %mul3A_968 : i32
        %get3A_970 = arith.constant 0 : i32
        %get3A_971 = arith.constant 0 : i32
        %get3A_972 = arith.constant 0 : i32
        %get3A_973 = arith.constant 0 : i32
        %get3A_974 = tpu.memref_slice %arg10[%scan3A_696, %get3A_971, %get3A_972, %get3A_973] : memref<2x8x4x128xf32, #tpu.memory_space<vmem>> -> memref<1x8x4x128xf32, #tpu.memory_space<vmem>>
        %get3A_975 = tpu.memref_squeeze %get3A_974 : memref<1x8x4x128xf32, #tpu.memory_space<vmem>> -> memref<8x4x128xf32, #tpu.memory_space<vmem>>
        %get3A_976 = arith.index_cast %select_n3A_951 : i32 to index
        %get3A_977 = arith.index_cast %get3A_970 : i32 to index
        %get3A_978 = arith.index_cast %mul3A_969 : i32 to index
        %get3A_979 = tpu.vector_load %get3A_975[%get3A_976, %get3A_977, %get3A_978] {strides = array<i32>} : memref<8x4x128xf32, #tpu.memory_space<vmem>>, vector<16xf32>,
        %get3A_980 = arith.constant 1 : i32
        %get3A_981 = arith.constant 0 : i32
        %get3A_982 = arith.constant 0 : i32
        %get3A_983 = arith.constant 0 : i32
        %get3A_984 = tpu.memref_slice %arg10[%scan3A_696, %get3A_981, %get3A_982, %get3A_983] : memref<2x8x4x128xf32, #tpu.memory_space<vmem>> -> memref<1x8x4x128xf32, #tpu.memory_space<vmem>>
        %get3A_985 = tpu.memref_squeeze %get3A_984 : memref<1x8x4x128xf32, #tpu.memory_space<vmem>> -> memref<8x4x128xf32, #tpu.memory_space<vmem>>
        %get3A_986 = arith.index_cast %select_n3A_951 : i32 to index
        %get3A_987 = arith.index_cast %get3A_980 : i32 to index
        %get3A_988 = arith.index_cast %mul3A_969 : i32 to index
        %get3A_989 = tpu.vector_load %get3A_985[%get3A_986, %get3A_987, %get3A_988] {strides = array<i32>} : memref<8x4x128xf32, #tpu.memory_space<vmem>>, vector<16xf32>,
        %get3A_990 = arith.constant 2 : i32
        %get3A_991 = arith.constant 0 : i32
        %get3A_992 = arith.constant 0 : i32
        %get3A_993 = arith.constant 0 : i32
        %get3A_994 = tpu.memref_slice %arg10[%scan3A_696, %get3A_991, %get3A_992, %get3A_993] : memref<2x8x4x128xf32, #tpu.memory_space<vmem>> -> memref<1x8x4x128xf32, #tpu.memory_space<vmem>>
        %get3A_995 = tpu.memref_squeeze %get3A_994 : memref<1x8x4x128xf32, #tpu.memory_space<vmem>> -> memref<8x4x128xf32, #tpu.memory_space<vmem>>
        %get3A_996 = arith.index_cast %select_n3A_951 : i32 to index
        %get3A_997 = arith.index_cast %get3A_990 : i32 to index
        %get3A_998 = arith.index_cast %mul3A_969 : i32 to index
        %get3A_999 = tpu.vector_load %get3A_995[%get3A_996, %get3A_997, %get3A_998] {strides = array<i32>} : memref<8x4x128xf32, #tpu.memory_space<vmem>>, vector<16xf32>,
        %mul3A_1000 = arith.constant 16 : i32
        %mul3A_1001 = arith.muli %scan3A_887, %mul3A_1000 : i32
        %sub3A_1002 = arith.subf %gather3A_917, %gather3A_902 : vector<16xf32>
        %mul3A_1003 = arith.mulf %get3A_979, %get3A_3 : vector<16xf32>
        %mul3A_1004 = arith.mulf %get3A_989, %get3A_15 : vector<16xf32>
        %add3A_1005 = arith.addf %mul3A_1003, %mul3A_1004 : vector<16xf32>
        %mul3A_1006 = arith.mulf %get3A_999, %get3A_27 : vector<16xf32>
        %add3A_1007 = arith.addf %add3A_1005, %mul3A_1006 : vector<16xf32>
        %add3A_1008 = arith.addf %sub3A_1002, %add3A_1007 : vector<16xf32>
        %sub3A_1009 = arith.subf %gather3A_922, %gather3A_907 : vector<16xf32>
        %mul3A_1010 = arith.mulf %get3A_979, %get3A_7 : vector<16xf32>
        %mul3A_1011 = arith.mulf %get3A_989, %get3A_19 : vector<16xf32>
        %add3A_1012 = arith.addf %mul3A_1010, %mul3A_1011 : vector<16xf32>
        %mul3A_1013 = arith.mulf %get3A_999, %get3A_31 : vector<16xf32>
        %add3A_1014 = arith.addf %add3A_1012, %mul3A_1013 : vector<16xf32>
        %add3A_1015 = arith.addf %sub3A_1009, %add3A_1014 : vector<16xf32>
        %sub3A_1016 = arith.subf %gather3A_927, %gather3A_912 : vector<16xf32>
        %mul3A_1017 = arith.mulf %get3A_979, %get3A_11 : vector<16xf32>
        %mul3A_1018 = arith.mulf %get3A_989, %get3A_23 : vector<16xf32>
        %add3A_1019 = arith.addf %mul3A_1017, %mul3A_1018 : vector<16xf32>
        %mul3A_1020 = arith.mulf %get3A_999, %get3A_35 : vector<16xf32>
        %add3A_1021 = arith.addf %add3A_1019, %mul3A_1020 : vector<16xf32>
        %add3A_1022 = arith.addf %sub3A_1016, %add3A_1021 : vector<16xf32>
        %mul3A_1023 = arith.mulf %add3A_1008, %add3A_1008 : vector<16xf32>
        %mul3A_1024 = arith.mulf %add3A_1015, %add3A_1015 : vector<16xf32>
        %add3A_1025 = arith.addf %mul3A_1023, %mul3A_1024 : vector<16xf32>
        %mul3A_1026 = arith.mulf %add3A_1022, %add3A_1022 : vector<16xf32>
        %add3A_1027 = arith.addf %add3A_1025, %mul3A_1026 : vector<16xf32>
        %max3A_1028 = arith.constant 1.000000e-30 : f32
        %max3A_1029 = vector.broadcast %max3A_1028 : f32 to vector<16xf32>
        %max3A_1030 = arith.maximumf %add3A_1027, %max3A_1029 : vector<16xf32>
        %bitcast_convert_type3A_1031 = tpu.bitcast %max3A_1030 : vector<16xf32> -> vector<16xi32>
        %shift_right_arithmetic3A_1032 = arith.constant 1 : i32
        %shift_right_arithmetic3A_1033 = vector.broadcast %shift_right_arithmetic3A_1032 : i32 to vector<16xi32>
        %shift_right_arithmetic3A_1034 = arith.shrsi %bitcast_convert_type3A_1031, %shift_right_arithmetic3A_1033 : vector<16xi32>
        %sub3A_1035 = arith.constant 1597463007 : i32
        %sub3A_1036 = vector.broadcast %sub3A_1035 : i32 to vector<16xi32>
        %sub3A_1037 = arith.subi %sub3A_1036, %shift_right_arithmetic3A_1034 : vector<16xi32>
        %bitcast_convert_type3A_1038 = tpu.bitcast %sub3A_1037 : vector<16xi32> -> vector<16xf32>
        %mul3A_1039 = arith.constant 5.000000e-01 : f32
        %mul3A_1040 = vector.broadcast %mul3A_1039 : f32 to vector<16xf32>
        %mul3A_1041 = arith.mulf %mul3A_1040, %max3A_1030 : vector<16xf32>
        %mul3A_1042 = arith.mulf %mul3A_1041, %bitcast_convert_type3A_1038 : vector<16xf32>
        %mul3A_1043 = arith.mulf %mul3A_1042, %bitcast_convert_type3A_1038 : vector<16xf32>
        %sub3A_1044 = arith.constant 1.500000e+00 : f32
        %sub3A_1045 = vector.broadcast %sub3A_1044 : f32 to vector<16xf32>
        %sub3A_1046 = arith.subf %sub3A_1045, %mul3A_1043 : vector<16xf32>
        %mul3A_1047 = arith.mulf %bitcast_convert_type3A_1038, %sub3A_1046 : vector<16xf32>
        %mul3A_1048 = arith.constant 5.000000e-01 : f32
        %mul3A_1049 = vector.broadcast %mul3A_1048 : f32 to vector<16xf32>
        %mul3A_1050 = arith.mulf %mul3A_1049, %max3A_1030 : vector<16xf32>
        %mul3A_1051 = arith.mulf %mul3A_1050, %mul3A_1047 : vector<16xf32>
        %mul3A_1052 = arith.mulf %mul3A_1051, %mul3A_1047 : vector<16xf32>
        %sub3A_1053 = arith.constant 1.500000e+00 : f32
        %sub3A_1054 = vector.broadcast %sub3A_1053 : f32 to vector<16xf32>
        %sub3A_1055 = arith.subf %sub3A_1054, %mul3A_1052 : vector<16xf32>
        %mul3A_1056 = arith.mulf %mul3A_1047, %sub3A_1055 : vector<16xf32>
        %mul3A_1057 = arith.mulf %max3A_1030, %mul3A_1056 : vector<16xf32>
        %swap3A_1058 = arith.constant 0 : i32
        %swap3A_1059 = tpu.memref_slice %arg11[%scan3A_697, %swap3A_1058] : memref<2x1024xf32, #tpu.memory_space<vmem>> -> memref<1x1024xf32, #tpu.memory_space<vmem>>
        %swap3A_1060 = tpu.memref_squeeze %swap3A_1059 : memref<1x1024xf32, #tpu.memory_space<vmem>> -> memref<1024xf32, #tpu.memory_space<vmem>>
        %swap3A_1061 = arith.index_cast %mul3A_1001 : i32 to index
        %swap3A_1062 = tpu.vector_load %swap3A_1060[%swap3A_1061] {strides = array<i32>} : memref<1024xf32, #tpu.memory_space<vmem>>, vector<16xf32>,
        tpu.vector_store %swap3A_1060[%swap3A_1061], %mul3A_1057 {strides = array<i32>} : memref<1024xf32, #tpu.memory_space<vmem>>, vector<16xf32>,
      }
      %scan3A_702 = arith.constant 64 : i32
      %mul3A_703 = arith.constant 1024 : i32
      %mul3A_704 = arith.muli %add3A_387, %mul3A_703 : i32
      %dma_start3A_705 = arith.constant 0 : i32
      %dma_start3A_706 = arith.constant 0 : i32
      %dma_start3A_707 = tpu.memref_slice %arg11[%dma_start3A_705, %dma_start3A_706] : memref<2x1024xf32, #tpu.memory_space<vmem>> -> memref<1x1024xf32, #tpu.memory_space<vmem>>
      %dma_start3A_708 = tpu.memref_squeeze %dma_start3A_707 : memref<1x1024xf32, #tpu.memory_space<vmem>> -> memref<1024xf32, #tpu.memory_space<vmem>>
      %dma_start3A_709 = tpu.memref_slice %arg6[%mul3A_704] : memref<3200000xf32, #tpu.memory_space<hbm>> -> memref<1024xf32, #tpu.memory_space<hbm>>
      %dma_start3A_710 = tpu.memref_slice %arg6[%mul3A_704] : memref<3200000xf32, #tpu.memory_space<hbm>> -> memref<1024xf32, #tpu.memory_space<hbm>>
      %dma_start3A_711 = arith.constant 0 : i32
      %dma_start3A_712 = tpu.memref_slice %arg11[%dma_start3A_705, %dma_start3A_711] : memref<2x1024xf32, #tpu.memory_space<vmem>> -> memref<1x1024xf32, #tpu.memory_space<vmem>>
      %dma_start3A_713 = tpu.memref_squeeze %dma_start3A_712 : memref<1x1024xf32, #tpu.memory_space<vmem>> -> memref<1024xf32, #tpu.memory_space<vmem>>
      tpu.enqueue_dma source(%dma_start3A_713 : memref<1024xf32, #tpu.memory_space<vmem>>) target(%dma_start3A_710 : memref<1024xf32, #tpu.memory_space<hbm>>) target_semaphore(%arg14 : memref<!tpu.dma_semaphore, #tpu.memory_space<semaphore_mem>>)
      %convert_element_type3A_714 = arith.extui %lt3A_394 : i1 to i32
      %cond3A_715 = arith.constant 0 : i32
      %cond3A_716 = arith.cmpi ne, %convert_element_type3A_714, %cond3A_715 : i32
      scf.if %cond3A_716 {
        %mul3A_717 = arith.constant 2 : i32
        %mul3A_718 = arith.muli %mul3A_717, %while3A_382 : i32
        %add3A_719 = arith.constant 2 : i32
        %add3A_720 = arith.addi %mul3A_718, %add3A_719 : i32
        %lt3A_721 = arith.cmpi slt, %add3A_720, %add3A_39 : i32
        %mul3A_722 = arith.constant 2 : i32
        %mul3A_723 = arith.muli %mul3A_722, %while3A_382 : i32
        %add3A_724 = arith.constant 2 : i32
        %add3A_725 = arith.addi %mul3A_723, %add3A_724 : i32
        %mul3A_726 = arith.constant 32 : i32
        %mul3A_727 = arith.muli %add3A_725, %mul3A_726 : i32
        %add3A_728 = arith.addi %add3A, %mul3A_727 : i32
        %convert_element_type3A_729 = arith.extui %lt3A_721 : i1 to i32
        %cond3A_730 = arith.constant 0 : i32
        %cond3A_731 = arith.cmpi ne, %convert_element_type3A_729, %cond3A_730 : i32
        scf.if %cond3A_731 {
          %mul3A_1052 = arith.constant 8 : i32
          %mul3A_1053 = arith.muli %add3A_728, %mul3A_1052 : i32
          %dma_start3A_1054 = arith.constant 0 : i32
          %dma_start3A_1055 = arith.constant 0 : i32
          %dma_start3A_1056 = arith.constant 0 : i32
          %dma_start3A_1057 = arith.constant 0 : i32
          %dma_start3A_1058 = tpu.memref_slice %arg7[%dma_start3A_1054, %dma_start3A_1055, %dma_start3A_1056, %dma_start3A_1057] : memref<2x8x2x128xi32, #tpu.memory_space<vmem>> -> memref<1x8x2x128xi32, #tpu.memory_space<vmem>>
          %dma_start3A_1059 = tpu.memref_squeeze %dma_start3A_1058 : memref<1x8x2x128xi32, #tpu.memory_space<vmem>> -> memref<8x2x128xi32, #tpu.memory_space<vmem>>
          %dma_start3A_1060 = arith.constant 0 : i32
          %dma_start3A_1061 = arith.constant 0 : i32
          %dma_start3A_1062 = tpu.memref_slice %arg3[%mul3A_1053, %dma_start3A_1060, %dma_start3A_1061] : memref<25000x2x128xi32, #tpu.memory_space<hbm>> -> memref<8x2x128xi32, #tpu.memory_space<hbm>>
          %dma_start3A_1063 = arith.constant 0 : i32
          %dma_start3A_1064 = arith.constant 0 : i32
          %dma_start3A_1065 = arith.constant 0 : i32
          %dma_start3A_1066 = tpu.memref_slice %arg7[%dma_start3A_1054, %dma_start3A_1063, %dma_start3A_1064, %dma_start3A_1065] : memref<2x8x2x128xi32, #tpu.memory_space<vmem>> -> memref<1x8x2x128xi32, #tpu.memory_space<vmem>>
          %dma_start3A_1067 = tpu.memref_squeeze %dma_start3A_1066 : memref<1x8x2x128xi32, #tpu.memory_space<vmem>> -> memref<8x2x128xi32, #tpu.memory_space<vmem>>
          %dma_start3A_1068 = arith.constant 0 : i32
          %dma_start3A_1069 = arith.constant 0 : i32
          %dma_start3A_1070 = tpu.memref_slice %arg3[%mul3A_1053, %dma_start3A_1068, %dma_start3A_1069] : memref<25000x2x128xi32, #tpu.memory_space<hbm>> -> memref<8x2x128xi32, #tpu.memory_space<hbm>>
          tpu.enqueue_dma source(%dma_start3A_1070 : memref<8x2x128xi32, #tpu.memory_space<hbm>>) target(%dma_start3A_1067 : memref<8x2x128xi32, #tpu.memory_space<vmem>>) target_semaphore(%arg15 : memref<!tpu.dma_semaphore, #tpu.memory_space<semaphore_mem>>)
        } else {
        }
        %mul3A_732 = arith.constant 8 : i32
        %mul3A_733 = arith.muli %add3A_389, %mul3A_732 : i32
        %dma_wait3A_734 = arith.constant 1 : i32
        %dma_wait3A_735 = arith.constant 0 : i32
        %dma_wait3A_736 = arith.constant 0 : i32
        %dma_wait3A_737 = arith.constant 1 : i32
        %dma_wait3A_738 = arith.constant 0 : i32
        %dma_wait3A_739 = arith.constant 0 : i32
        %dma_wait3A_740 = tpu.memref_slice %arg8[%dma_wait3A_737, %dma_wait3A_738, %dma_wait3A_739] : memref<2x1024x8xf32, #tpu.memory_space<vmem>> -> memref<1x1024x8xf32, #tpu.memory_space<vmem>>
        %dma_wait3A_741 = tpu.memref_squeeze %dma_wait3A_740 : memref<1x1024x8xf32, #tpu.memory_space<vmem>> -> memref<1024x8xf32, #tpu.memory_space<vmem>>
        %dma_wait3A_742 = arith.constant 0 : i32
        %dma_wait3A_743 = arith.constant 0 : i32
        %dma_wait3A_744 = tpu.memref_slice %dma_wait3A_741[%dma_wait3A_742, %dma_wait3A_743] : memref<1024x8xf32, #tpu.memory_space<vmem>> -> memref<128x8xf32, #tpu.memory_space<vmem>>
        %dma_wait3A_745 = arith.constant 0 : i32
        %dma_wait3A_746 = tpu.memref_slice %arg7[%dma_wait3A_734, %dma_wait3A_735, %dma_wait3A_736, %dma_wait3A_745] : memref<2x8x2x128xi32, #tpu.memory_space<vmem>> -> memref<1x1x1x128xi32, #tpu.memory_space<vmem>>
        %dma_wait3A_747 = tpu.memref_squeeze %dma_wait3A_746 : memref<1x1x1x128xi32, #tpu.memory_space<vmem>> -> memref<128xi32, #tpu.memory_space<vmem>>
        %dma_wait3A_748 = arith.constant 0 : i32
        %dma_wait3A_749 = arith.constant 0 : i32
        %dma_wait3A_750 = tpu.memref_slice %arg2[%dma_wait3A_748, %dma_wait3A_749] : memref<100000x8xf32, #tpu.memory_space<hbm>> -> memref<100000x8xf32, #tpu.memory_space<hbm>>
        tpu.wait_indirect_dma semaphore(%arg13 : memref<!tpu.dma_semaphore, #tpu.memory_space<semaphore_mem>>) src(%dma_wait3A_750 : memref<100000x8xf32, #tpu.memory_space<hbm>>) dst(%dma_wait3A_744 : memref<128x8xf32, #tpu.memory_space<vmem>>)
        %dma_wait3A_751 = arith.constant 1 : i32
        %dma_wait3A_752 = arith.constant 0 : i32
        %dma_wait3A_753 = arith.constant 1 : i32
        %dma_wait3A_754 = arith.constant 1 : i32
        %dma_wait3A_755 = arith.constant 0 : i32
        %dma_wait3A_756 = arith.constant 0 : i32
        %dma_wait3A_757 = tpu.memref_slice %arg9[%dma_wait3A_754, %dma_wait3A_755, %dma_wait3A_756] : memref<2x1024x8xf32, #tpu.memory_space<vmem>> -> memref<1x1024x8xf32, #tpu.memory_space<vmem>>
        %dma_wait3A_758 = tpu.memref_squeeze %dma_wait3A_757 : memref<1x1024x8xf32, #tpu.memory_space<vmem>> -> memref<1024x8xf32, #tpu.memory_space<vmem>>
        %dma_wait3A_759 = arith.constant 0 : i32
        %dma_wait3A_760 = arith.constant 0 : i32
        %dma_wait3A_761 = tpu.memref_slice %dma_wait3A_758[%dma_wait3A_759, %dma_wait3A_760] : memref<1024x8xf32, #tpu.memory_space<vmem>> -> memref<128x8xf32, #tpu.memory_space<vmem>>
        %dma_wait3A_762 = arith.constant 0 : i32
        %dma_wait3A_763 = tpu.memref_slice %arg7[%dma_wait3A_751, %dma_wait3A_752, %dma_wait3A_753, %dma_wait3A_762] : memref<2x8x2x128xi32, #tpu.memory_space<vmem>> -> memref<1x1x1x128xi32, #tpu.memory_space<vmem>>
        %dma_wait3A_764 = tpu.memref_squeeze %dma_wait3A_763 : memref<1x1x1x128xi32, #tpu.memory_space<vmem>> -> memref<128xi32, #tpu.memory_space<vmem>>
        %dma_wait3A_765 = arith.constant 0 : i32
        %dma_wait3A_766 = arith.constant 0 : i32
        %dma_wait3A_767 = tpu.memref_slice %arg2[%dma_wait3A_765, %dma_wait3A_766] : memref<100000x8xf32, #tpu.memory_space<hbm>> -> memref<100000x8xf32, #tpu.memory_space<hbm>>
        tpu.wait_indirect_dma semaphore(%arg13 : memref<!tpu.dma_semaphore, #tpu.memory_space<semaphore_mem>>) src(%dma_wait3A_767 : memref<100000x8xf32, #tpu.memory_space<hbm>>) dst(%dma_wait3A_761 : memref<128x8xf32, #tpu.memory_space<vmem>>)
        %dma_wait3A_768 = arith.constant 1 : i32
        %dma_wait3A_769 = arith.constant 1 : i32
        %dma_wait3A_770 = arith.constant 0 : i32
        %dma_wait3A_771 = arith.constant 1 : i32
        %dma_wait3A_772 = arith.constant 0 : i32
        %dma_wait3A_773 = arith.constant 0 : i32
        %dma_wait3A_774 = tpu.memref_slice %arg8[%dma_wait3A_771, %dma_wait3A_772, %dma_wait3A_773] : memref<2x1024x8xf32, #tpu.memory_space<vmem>> -> memref<1x1024x8xf32, #tpu.memory_space<vmem>>
        %dma_wait3A_775 = tpu.memref_squeeze %dma_wait3A_774 : memref<1x1024x8xf32, #tpu.memory_space<vmem>> -> memref<1024x8xf32, #tpu.memory_space<vmem>>
        %dma_wait3A_776 = arith.constant 128 : i32
        %dma_wait3A_777 = arith.constant 0 : i32
        %dma_wait3A_778 = tpu.memref_slice %dma_wait3A_775[%dma_wait3A_776, %dma_wait3A_777] : memref<1024x8xf32, #tpu.memory_space<vmem>> -> memref<128x8xf32, #tpu.memory_space<vmem>>
        %dma_wait3A_779 = arith.constant 0 : i32
        %dma_wait3A_780 = tpu.memref_slice %arg7[%dma_wait3A_768, %dma_wait3A_769, %dma_wait3A_770, %dma_wait3A_779] : memref<2x8x2x128xi32, #tpu.memory_space<vmem>> -> memref<1x1x1x128xi32, #tpu.memory_space<vmem>>
        %dma_wait3A_781 = tpu.memref_squeeze %dma_wait3A_780 : memref<1x1x1x128xi32, #tpu.memory_space<vmem>> -> memref<128xi32, #tpu.memory_space<vmem>>
        %dma_wait3A_782 = arith.constant 0 : i32
        %dma_wait3A_783 = arith.constant 0 : i32
        %dma_wait3A_784 = tpu.memref_slice %arg2[%dma_wait3A_782, %dma_wait3A_783] : memref<100000x8xf32, #tpu.memory_space<hbm>> -> memref<100000x8xf32, #tpu.memory_space<hbm>>
        tpu.wait_indirect_dma semaphore(%arg13 : memref<!tpu.dma_semaphore, #tpu.memory_space<semaphore_mem>>) src(%dma_wait3A_784 : memref<100000x8xf32, #tpu.memory_space<hbm>>) dst(%dma_wait3A_778 : memref<128x8xf32, #tpu.memory_space<vmem>>)
        %dma_wait3A_785 = arith.constant 1 : i32
        %dma_wait3A_786 = arith.constant 1 : i32
        %dma_wait3A_787 = arith.constant 1 : i32
        %dma_wait3A_788 = arith.constant 1 : i32
        %dma_wait3A_789 = arith.constant 0 : i32
        %dma_wait3A_790 = arith.constant 0 : i32
        %dma_wait3A_791 = tpu.memref_slice %arg9[%dma_wait3A_788, %dma_wait3A_789, %dma_wait3A_790] : memref<2x1024x8xf32, #tpu.memory_space<vmem>> -> memref<1x1024x8xf32, #tpu.memory_space<vmem>>
        %dma_wait3A_792 = tpu.memref_squeeze %dma_wait3A_791 : memref<1x1024x8xf32, #tpu.memory_space<vmem>> -> memref<1024x8xf32, #tpu.memory_space<vmem>>
        %dma_wait3A_793 = arith.constant 128 : i32
        %dma_wait3A_794 = arith.constant 0 : i32
        %dma_wait3A_795 = tpu.memref_slice %dma_wait3A_792[%dma_wait3A_793, %dma_wait3A_794] : memref<1024x8xf32, #tpu.memory_space<vmem>> -> memref<128x8xf32, #tpu.memory_space<vmem>>
        %dma_wait3A_796 = arith.constant 0 : i32
        %dma_wait3A_797 = tpu.memref_slice %arg7[%dma_wait3A_785, %dma_wait3A_786, %dma_wait3A_787, %dma_wait3A_796] : memref<2x8x2x128xi32, #tpu.memory_space<vmem>> -> memref<1x1x1x128xi32, #tpu.memory_space<vmem>>
        %dma_wait3A_798 = tpu.memref_squeeze %dma_wait3A_797 : memref<1x1x1x128xi32, #tpu.memory_space<vmem>> -> memref<128xi32, #tpu.memory_space<vmem>>
        %dma_wait3A_799 = arith.constant 0 : i32
        %dma_wait3A_800 = arith.constant 0 : i32
        %dma_wait3A_801 = tpu.memref_slice %arg2[%dma_wait3A_799, %dma_wait3A_800] : memref<100000x8xf32, #tpu.memory_space<hbm>> -> memref<100000x8xf32, #tpu.memory_space<hbm>>
        tpu.wait_indirect_dma semaphore(%arg13 : memref<!tpu.dma_semaphore, #tpu.memory_space<semaphore_mem>>) src(%dma_wait3A_801 : memref<100000x8xf32, #tpu.memory_space<hbm>>) dst(%dma_wait3A_795 : memref<128x8xf32, #tpu.memory_space<vmem>>)
        %dma_wait3A_802 = arith.constant 1 : i32
        %dma_wait3A_803 = arith.constant 2 : i32
        %dma_wait3A_804 = arith.constant 0 : i32
        %dma_wait3A_805 = arith.constant 1 : i32
        %dma_wait3A_806 = arith.constant 0 : i32
        %dma_wait3A_807 = arith.constant 0 : i32
        %dma_wait3A_808 = tpu.memref_slice %arg8[%dma_wait3A_805, %dma_wait3A_806, %dma_wait3A_807] : memref<2x1024x8xf32, #tpu.memory_space<vmem>> -> memref<1x1024x8xf32, #tpu.memory_space<vmem>>
        %dma_wait3A_809 = tpu.memref_squeeze %dma_wait3A_808 : memref<1x1024x8xf32, #tpu.memory_space<vmem>> -> memref<1024x8xf32, #tpu.memory_space<vmem>>
        %dma_wait3A_810 = arith.constant 256 : i32
        %dma_wait3A_811 = arith.constant 0 : i32
        %dma_wait3A_812 = tpu.memref_slice %dma_wait3A_809[%dma_wait3A_810, %dma_wait3A_811] : memref<1024x8xf32, #tpu.memory_space<vmem>> -> memref<128x8xf32, #tpu.memory_space<vmem>>
        %dma_wait3A_813 = arith.constant 0 : i32
        %dma_wait3A_814 = tpu.memref_slice %arg7[%dma_wait3A_802, %dma_wait3A_803, %dma_wait3A_804, %dma_wait3A_813] : memref<2x8x2x128xi32, #tpu.memory_space<vmem>> -> memref<1x1x1x128xi32, #tpu.memory_space<vmem>>
        %dma_wait3A_815 = tpu.memref_squeeze %dma_wait3A_814 : memref<1x1x1x128xi32, #tpu.memory_space<vmem>> -> memref<128xi32, #tpu.memory_space<vmem>>
        %dma_wait3A_816 = arith.constant 0 : i32
        %dma_wait3A_817 = arith.constant 0 : i32
        %dma_wait3A_818 = tpu.memref_slice %arg2[%dma_wait3A_816, %dma_wait3A_817] : memref<100000x8xf32, #tpu.memory_space<hbm>> -> memref<100000x8xf32, #tpu.memory_space<hbm>>
        tpu.wait_indirect_dma semaphore(%arg13 : memref<!tpu.dma_semaphore, #tpu.memory_space<semaphore_mem>>) src(%dma_wait3A_818 : memref<100000x8xf32, #tpu.memory_space<hbm>>) dst(%dma_wait3A_812 : memref<128x8xf32, #tpu.memory_space<vmem>>)
        %dma_wait3A_819 = arith.constant 1 : i32
        %dma_wait3A_820 = arith.constant 2 : i32
        %dma_wait3A_821 = arith.constant 1 : i32
        %dma_wait3A_822 = arith.constant 1 : i32
        %dma_wait3A_823 = arith.constant 0 : i32
        %dma_wait3A_824 = arith.constant 0 : i32
        %dma_wait3A_825 = tpu.memref_slice %arg9[%dma_wait3A_822, %dma_wait3A_823, %dma_wait3A_824] : memref<2x1024x8xf32, #tpu.memory_space<vmem>> -> memref<1x1024x8xf32, #tpu.memory_space<vmem>>
        %dma_wait3A_826 = tpu.memref_squeeze %dma_wait3A_825 : memref<1x1024x8xf32, #tpu.memory_space<vmem>> -> memref<1024x8xf32, #tpu.memory_space<vmem>>
        %dma_wait3A_827 = arith.constant 256 : i32
        %dma_wait3A_828 = arith.constant 0 : i32
        %dma_wait3A_829 = tpu.memref_slice %dma_wait3A_826[%dma_wait3A_827, %dma_wait3A_828] : memref<1024x8xf32, #tpu.memory_space<vmem>> -> memref<128x8xf32, #tpu.memory_space<vmem>>
        %dma_wait3A_830 = arith.constant 0 : i32
        %dma_wait3A_831 = tpu.memref_slice %arg7[%dma_wait3A_819, %dma_wait3A_820, %dma_wait3A_821, %dma_wait3A_830] : memref<2x8x2x128xi32, #tpu.memory_space<vmem>> -> memref<1x1x1x128xi32, #tpu.memory_space<vmem>>
        %dma_wait3A_832 = tpu.memref_squeeze %dma_wait3A_831 : memref<1x1x1x128xi32, #tpu.memory_space<vmem>> -> memref<128xi32, #tpu.memory_space<vmem>>
        %dma_wait3A_833 = arith.constant 0 : i32
        %dma_wait3A_834 = arith.constant 0 : i32
        %dma_wait3A_835 = tpu.memref_slice %arg2[%dma_wait3A_833, %dma_wait3A_834] : memref<100000x8xf32, #tpu.memory_space<hbm>> -> memref<100000x8xf32, #tpu.memory_space<hbm>>
        tpu.wait_indirect_dma semaphore(%arg13 : memref<!tpu.dma_semaphore, #tpu.memory_space<semaphore_mem>>) src(%dma_wait3A_835 : memref<100000x8xf32, #tpu.memory_space<hbm>>) dst(%dma_wait3A_829 : memref<128x8xf32, #tpu.memory_space<vmem>>)
        %dma_wait3A_836 = arith.constant 1 : i32
        %dma_wait3A_837 = arith.constant 3 : i32
        %dma_wait3A_838 = arith.constant 0 : i32
        %dma_wait3A_839 = arith.constant 1 : i32
        %dma_wait3A_840 = arith.constant 0 : i32
        %dma_wait3A_841 = arith.constant 0 : i32
        %dma_wait3A_842 = tpu.memref_slice %arg8[%dma_wait3A_839, %dma_wait3A_840, %dma_wait3A_841] : memref<2x1024x8xf32, #tpu.memory_space<vmem>> -> memref<1x1024x8xf32, #tpu.memory_space<vmem>>
        %dma_wait3A_843 = tpu.memref_squeeze %dma_wait3A_842 : memref<1x1024x8xf32, #tpu.memory_space<vmem>> -> memref<1024x8xf32, #tpu.memory_space<vmem>>
        %dma_wait3A_844 = arith.constant 384 : i32
        %dma_wait3A_845 = arith.constant 0 : i32
        %dma_wait3A_846 = tpu.memref_slice %dma_wait3A_843[%dma_wait3A_844, %dma_wait3A_845] : memref<1024x8xf32, #tpu.memory_space<vmem>> -> memref<128x8xf32, #tpu.memory_space<vmem>>
        %dma_wait3A_847 = arith.constant 0 : i32
        %dma_wait3A_848 = tpu.memref_slice %arg7[%dma_wait3A_836, %dma_wait3A_837, %dma_wait3A_838, %dma_wait3A_847] : memref<2x8x2x128xi32, #tpu.memory_space<vmem>> -> memref<1x1x1x128xi32, #tpu.memory_space<vmem>>
        %dma_wait3A_849 = tpu.memref_squeeze %dma_wait3A_848 : memref<1x1x1x128xi32, #tpu.memory_space<vmem>> -> memref<128xi32, #tpu.memory_space<vmem>>
        %dma_wait3A_850 = arith.constant 0 : i32
        %dma_wait3A_851 = arith.constant 0 : i32
        %dma_wait3A_852 = tpu.memref_slice %arg2[%dma_wait3A_850, %dma_wait3A_851] : memref<100000x8xf32, #tpu.memory_space<hbm>> -> memref<100000x8xf32, #tpu.memory_space<hbm>>
        tpu.wait_indirect_dma semaphore(%arg13 : memref<!tpu.dma_semaphore, #tpu.memory_space<semaphore_mem>>) src(%dma_wait3A_852 : memref<100000x8xf32, #tpu.memory_space<hbm>>) dst(%dma_wait3A_846 : memref<128x8xf32, #tpu.memory_space<vmem>>)
        %dma_wait3A_853 = arith.constant 1 : i32
        %dma_wait3A_854 = arith.constant 3 : i32
        %dma_wait3A_855 = arith.constant 1 : i32
        %dma_wait3A_856 = arith.constant 1 : i32
        %dma_wait3A_857 = arith.constant 0 : i32
        %dma_wait3A_858 = arith.constant 0 : i32
        %dma_wait3A_859 = tpu.memref_slice %arg9[%dma_wait3A_856, %dma_wait3A_857, %dma_wait3A_858] : memref<2x1024x8xf32, #tpu.memory_space<vmem>> -> memref<1x1024x8xf32, #tpu.memory_space<vmem>>
        %dma_wait3A_860 = tpu.memref_squeeze %dma_wait3A_859 : memref<1x1024x8xf32, #tpu.memory_space<vmem>> -> memref<1024x8xf32, #tpu.memory_space<vmem>>
        %dma_wait3A_861 = arith.constant 384 : i32
        %dma_wait3A_862 = arith.constant 0 : i32
        %dma_wait3A_863 = tpu.memref_slice %dma_wait3A_860[%dma_wait3A_861, %dma_wait3A_862] : memref<1024x8xf32, #tpu.memory_space<vmem>> -> memref<128x8xf32, #tpu.memory_space<vmem>>
        %dma_wait3A_864 = arith.constant 0 : i32
        %dma_wait3A_865 = tpu.memref_slice %arg7[%dma_wait3A_853, %dma_wait3A_854, %dma_wait3A_855, %dma_wait3A_864] : memref<2x8x2x128xi32, #tpu.memory_space<vmem>> -> memref<1x1x1x128xi32, #tpu.memory_space<vmem>>
        %dma_wait3A_866 = tpu.memref_squeeze %dma_wait3A_865 : memref<1x1x1x128xi32, #tpu.memory_space<vmem>> -> memref<128xi32, #tpu.memory_space<vmem>>
        %dma_wait3A_867 = arith.constant 0 : i32
        %dma_wait3A_868 = arith.constant 0 : i32
        %dma_wait3A_869 = tpu.memref_slice %arg2[%dma_wait3A_867, %dma_wait3A_868] : memref<100000x8xf32, #tpu.memory_space<hbm>> -> memref<100000x8xf32, #tpu.memory_space<hbm>>
        tpu.wait_indirect_dma semaphore(%arg13 : memref<!tpu.dma_semaphore, #tpu.memory_space<semaphore_mem>>) src(%dma_wait3A_869 : memref<100000x8xf32, #tpu.memory_space<hbm>>) dst(%dma_wait3A_863 : memref<128x8xf32, #tpu.memory_space<vmem>>)
        %dma_wait3A_870 = arith.constant 1 : i32
        %dma_wait3A_871 = arith.constant 4 : i32
        %dma_wait3A_872 = arith.constant 0 : i32
        %dma_wait3A_873 = arith.constant 1 : i32
        %dma_wait3A_874 = arith.constant 0 : i32
        %dma_wait3A_875 = arith.constant 0 : i32
        %dma_wait3A_876 = tpu.memref_slice %arg8[%dma_wait3A_873, %dma_wait3A_874, %dma_wait3A_875] : memref<2x1024x8xf32, #tpu.memory_space<vmem>> -> memref<1x1024x8xf32, #tpu.memory_space<vmem>>
        %dma_wait3A_877 = tpu.memref_squeeze %dma_wait3A_876 : memref<1x1024x8xf32, #tpu.memory_space<vmem>> -> memref<1024x8xf32, #tpu.memory_space<vmem>>
        %dma_wait3A_878 = arith.constant 512 : i32
        %dma_wait3A_879 = arith.constant 0 : i32
        %dma_wait3A_880 = tpu.memref_slice %dma_wait3A_877[%dma_wait3A_878, %dma_wait3A_879] : memref<1024x8xf32, #tpu.memory_space<vmem>> -> memref<128x8xf32, #tpu.memory_space<vmem>>
        %dma_wait3A_881 = arith.constant 0 : i32
        %dma_wait3A_882 = tpu.memref_slice %arg7[%dma_wait3A_870, %dma_wait3A_871, %dma_wait3A_872, %dma_wait3A_881] : memref<2x8x2x128xi32, #tpu.memory_space<vmem>> -> memref<1x1x1x128xi32, #tpu.memory_space<vmem>>
        %dma_wait3A_883 = tpu.memref_squeeze %dma_wait3A_882 : memref<1x1x1x128xi32, #tpu.memory_space<vmem>> -> memref<128xi32, #tpu.memory_space<vmem>>
        %dma_wait3A_884 = arith.constant 0 : i32
        %dma_wait3A_885 = arith.constant 0 : i32
        %dma_wait3A_886 = tpu.memref_slice %arg2[%dma_wait3A_884, %dma_wait3A_885] : memref<100000x8xf32, #tpu.memory_space<hbm>> -> memref<100000x8xf32, #tpu.memory_space<hbm>>
        tpu.wait_indirect_dma semaphore(%arg13 : memref<!tpu.dma_semaphore, #tpu.memory_space<semaphore_mem>>) src(%dma_wait3A_886 : memref<100000x8xf32, #tpu.memory_space<hbm>>) dst(%dma_wait3A_880 : memref<128x8xf32, #tpu.memory_space<vmem>>)
        %dma_wait3A_887 = arith.constant 1 : i32
        %dma_wait3A_888 = arith.constant 4 : i32
        %dma_wait3A_889 = arith.constant 1 : i32
        %dma_wait3A_890 = arith.constant 1 : i32
        %dma_wait3A_891 = arith.constant 0 : i32
        %dma_wait3A_892 = arith.constant 0 : i32
        %dma_wait3A_893 = tpu.memref_slice %arg9[%dma_wait3A_890, %dma_wait3A_891, %dma_wait3A_892] : memref<2x1024x8xf32, #tpu.memory_space<vmem>> -> memref<1x1024x8xf32, #tpu.memory_space<vmem>>
        %dma_wait3A_894 = tpu.memref_squeeze %dma_wait3A_893 : memref<1x1024x8xf32, #tpu.memory_space<vmem>> -> memref<1024x8xf32, #tpu.memory_space<vmem>>
        %dma_wait3A_895 = arith.constant 512 : i32
        %dma_wait3A_896 = arith.constant 0 : i32
        %dma_wait3A_897 = tpu.memref_slice %dma_wait3A_894[%dma_wait3A_895, %dma_wait3A_896] : memref<1024x8xf32, #tpu.memory_space<vmem>> -> memref<128x8xf32, #tpu.memory_space<vmem>>
        %dma_wait3A_898 = arith.constant 0 : i32
        %dma_wait3A_899 = tpu.memref_slice %arg7[%dma_wait3A_887, %dma_wait3A_888, %dma_wait3A_889, %dma_wait3A_898] : memref<2x8x2x128xi32, #tpu.memory_space<vmem>> -> memref<1x1x1x128xi32, #tpu.memory_space<vmem>>
        %dma_wait3A_900 = tpu.memref_squeeze %dma_wait3A_899 : memref<1x1x1x128xi32, #tpu.memory_space<vmem>> -> memref<128xi32, #tpu.memory_space<vmem>>
        %dma_wait3A_901 = arith.constant 0 : i32
        %dma_wait3A_902 = arith.constant 0 : i32
        %dma_wait3A_903 = tpu.memref_slice %arg2[%dma_wait3A_901, %dma_wait3A_902] : memref<100000x8xf32, #tpu.memory_space<hbm>> -> memref<100000x8xf32, #tpu.memory_space<hbm>>
        tpu.wait_indirect_dma semaphore(%arg13 : memref<!tpu.dma_semaphore, #tpu.memory_space<semaphore_mem>>) src(%dma_wait3A_903 : memref<100000x8xf32, #tpu.memory_space<hbm>>) dst(%dma_wait3A_897 : memref<128x8xf32, #tpu.memory_space<vmem>>)
        %dma_wait3A_904 = arith.constant 1 : i32
        %dma_wait3A_905 = arith.constant 5 : i32
        %dma_wait3A_906 = arith.constant 0 : i32
        %dma_wait3A_907 = arith.constant 1 : i32
        %dma_wait3A_908 = arith.constant 0 : i32
        %dma_wait3A_909 = arith.constant 0 : i32
        %dma_wait3A_910 = tpu.memref_slice %arg8[%dma_wait3A_907, %dma_wait3A_908, %dma_wait3A_909] : memref<2x1024x8xf32, #tpu.memory_space<vmem>> -> memref<1x1024x8xf32, #tpu.memory_space<vmem>>
        %dma_wait3A_911 = tpu.memref_squeeze %dma_wait3A_910 : memref<1x1024x8xf32, #tpu.memory_space<vmem>> -> memref<1024x8xf32, #tpu.memory_space<vmem>>
        %dma_wait3A_912 = arith.constant 640 : i32
        %dma_wait3A_913 = arith.constant 0 : i32
        %dma_wait3A_914 = tpu.memref_slice %dma_wait3A_911[%dma_wait3A_912, %dma_wait3A_913] : memref<1024x8xf32, #tpu.memory_space<vmem>> -> memref<128x8xf32, #tpu.memory_space<vmem>>
        %dma_wait3A_915 = arith.constant 0 : i32
        %dma_wait3A_916 = tpu.memref_slice %arg7[%dma_wait3A_904, %dma_wait3A_905, %dma_wait3A_906, %dma_wait3A_915] : memref<2x8x2x128xi32, #tpu.memory_space<vmem>> -> memref<1x1x1x128xi32, #tpu.memory_space<vmem>>
        %dma_wait3A_917 = tpu.memref_squeeze %dma_wait3A_916 : memref<1x1x1x128xi32, #tpu.memory_space<vmem>> -> memref<128xi32, #tpu.memory_space<vmem>>
        %dma_wait3A_918 = arith.constant 0 : i32
        %dma_wait3A_919 = arith.constant 0 : i32
        %dma_wait3A_920 = tpu.memref_slice %arg2[%dma_wait3A_918, %dma_wait3A_919] : memref<100000x8xf32, #tpu.memory_space<hbm>> -> memref<100000x8xf32, #tpu.memory_space<hbm>>
        tpu.wait_indirect_dma semaphore(%arg13 : memref<!tpu.dma_semaphore, #tpu.memory_space<semaphore_mem>>) src(%dma_wait3A_920 : memref<100000x8xf32, #tpu.memory_space<hbm>>) dst(%dma_wait3A_914 : memref<128x8xf32, #tpu.memory_space<vmem>>)
        %dma_wait3A_921 = arith.constant 1 : i32
        %dma_wait3A_922 = arith.constant 5 : i32
        %dma_wait3A_923 = arith.constant 1 : i32
        %dma_wait3A_924 = arith.constant 1 : i32
        %dma_wait3A_925 = arith.constant 0 : i32
        %dma_wait3A_926 = arith.constant 0 : i32
        %dma_wait3A_927 = tpu.memref_slice %arg9[%dma_wait3A_924, %dma_wait3A_925, %dma_wait3A_926] : memref<2x1024x8xf32, #tpu.memory_space<vmem>> -> memref<1x1024x8xf32, #tpu.memory_space<vmem>>
        %dma_wait3A_928 = tpu.memref_squeeze %dma_wait3A_927 : memref<1x1024x8xf32, #tpu.memory_space<vmem>> -> memref<1024x8xf32, #tpu.memory_space<vmem>>
        %dma_wait3A_929 = arith.constant 640 : i32
        %dma_wait3A_930 = arith.constant 0 : i32
        %dma_wait3A_931 = tpu.memref_slice %dma_wait3A_928[%dma_wait3A_929, %dma_wait3A_930] : memref<1024x8xf32, #tpu.memory_space<vmem>> -> memref<128x8xf32, #tpu.memory_space<vmem>>
        %dma_wait3A_932 = arith.constant 0 : i32
        %dma_wait3A_933 = tpu.memref_slice %arg7[%dma_wait3A_921, %dma_wait3A_922, %dma_wait3A_923, %dma_wait3A_932] : memref<2x8x2x128xi32, #tpu.memory_space<vmem>> -> memref<1x1x1x128xi32, #tpu.memory_space<vmem>>
        %dma_wait3A_934 = tpu.memref_squeeze %dma_wait3A_933 : memref<1x1x1x128xi32, #tpu.memory_space<vmem>> -> memref<128xi32, #tpu.memory_space<vmem>>
        %dma_wait3A_935 = arith.constant 0 : i32
        %dma_wait3A_936 = arith.constant 0 : i32
        %dma_wait3A_937 = tpu.memref_slice %arg2[%dma_wait3A_935, %dma_wait3A_936] : memref<100000x8xf32, #tpu.memory_space<hbm>> -> memref<100000x8xf32, #tpu.memory_space<hbm>>
        tpu.wait_indirect_dma semaphore(%arg13 : memref<!tpu.dma_semaphore, #tpu.memory_space<semaphore_mem>>) src(%dma_wait3A_937 : memref<100000x8xf32, #tpu.memory_space<hbm>>) dst(%dma_wait3A_931 : memref<128x8xf32, #tpu.memory_space<vmem>>)
        %dma_wait3A_938 = arith.constant 1 : i32
        %dma_wait3A_939 = arith.constant 6 : i32
        %dma_wait3A_940 = arith.constant 0 : i32
        %dma_wait3A_941 = arith.constant 1 : i32
        %dma_wait3A_942 = arith.constant 0 : i32
        %dma_wait3A_943 = arith.constant 0 : i32
        %dma_wait3A_944 = tpu.memref_slice %arg8[%dma_wait3A_941, %dma_wait3A_942, %dma_wait3A_943] : memref<2x1024x8xf32, #tpu.memory_space<vmem>> -> memref<1x1024x8xf32, #tpu.memory_space<vmem>>
        %dma_wait3A_945 = tpu.memref_squeeze %dma_wait3A_944 : memref<1x1024x8xf32, #tpu.memory_space<vmem>> -> memref<1024x8xf32, #tpu.memory_space<vmem>>
        %dma_wait3A_946 = arith.constant 768 : i32
        %dma_wait3A_947 = arith.constant 0 : i32
        %dma_wait3A_948 = tpu.memref_slice %dma_wait3A_945[%dma_wait3A_946, %dma_wait3A_947] : memref<1024x8xf32, #tpu.memory_space<vmem>> -> memref<128x8xf32, #tpu.memory_space<vmem>>
        %dma_wait3A_949 = arith.constant 0 : i32
        %dma_wait3A_950 = tpu.memref_slice %arg7[%dma_wait3A_938, %dma_wait3A_939, %dma_wait3A_940, %dma_wait3A_949] : memref<2x8x2x128xi32, #tpu.memory_space<vmem>> -> memref<1x1x1x128xi32, #tpu.memory_space<vmem>>
        %dma_wait3A_951 = tpu.memref_squeeze %dma_wait3A_950 : memref<1x1x1x128xi32, #tpu.memory_space<vmem>> -> memref<128xi32, #tpu.memory_space<vmem>>
        %dma_wait3A_952 = arith.constant 0 : i32
        %dma_wait3A_953 = arith.constant 0 : i32
        %dma_wait3A_954 = tpu.memref_slice %arg2[%dma_wait3A_952, %dma_wait3A_953] : memref<100000x8xf32, #tpu.memory_space<hbm>> -> memref<100000x8xf32, #tpu.memory_space<hbm>>
        tpu.wait_indirect_dma semaphore(%arg13 : memref<!tpu.dma_semaphore, #tpu.memory_space<semaphore_mem>>) src(%dma_wait3A_954 : memref<100000x8xf32, #tpu.memory_space<hbm>>) dst(%dma_wait3A_948 : memref<128x8xf32, #tpu.memory_space<vmem>>)
        %dma_wait3A_955 = arith.constant 1 : i32
        %dma_wait3A_956 = arith.constant 6 : i32
        %dma_wait3A_957 = arith.constant 1 : i32
        %dma_wait3A_958 = arith.constant 1 : i32
        %dma_wait3A_959 = arith.constant 0 : i32
        %dma_wait3A_960 = arith.constant 0 : i32
        %dma_wait3A_961 = tpu.memref_slice %arg9[%dma_wait3A_958, %dma_wait3A_959, %dma_wait3A_960] : memref<2x1024x8xf32, #tpu.memory_space<vmem>> -> memref<1x1024x8xf32, #tpu.memory_space<vmem>>
        %dma_wait3A_962 = tpu.memref_squeeze %dma_wait3A_961 : memref<1x1024x8xf32, #tpu.memory_space<vmem>> -> memref<1024x8xf32, #tpu.memory_space<vmem>>
        %dma_wait3A_963 = arith.constant 768 : i32
        %dma_wait3A_964 = arith.constant 0 : i32
        %dma_wait3A_965 = tpu.memref_slice %dma_wait3A_962[%dma_wait3A_963, %dma_wait3A_964] : memref<1024x8xf32, #tpu.memory_space<vmem>> -> memref<128x8xf32, #tpu.memory_space<vmem>>
        %dma_wait3A_966 = arith.constant 0 : i32
        %dma_wait3A_967 = tpu.memref_slice %arg7[%dma_wait3A_955, %dma_wait3A_956, %dma_wait3A_957, %dma_wait3A_966] : memref<2x8x2x128xi32, #tpu.memory_space<vmem>> -> memref<1x1x1x128xi32, #tpu.memory_space<vmem>>
        %dma_wait3A_968 = tpu.memref_squeeze %dma_wait3A_967 : memref<1x1x1x128xi32, #tpu.memory_space<vmem>> -> memref<128xi32, #tpu.memory_space<vmem>>
        %dma_wait3A_969 = arith.constant 0 : i32
        %dma_wait3A_970 = arith.constant 0 : i32
        %dma_wait3A_971 = tpu.memref_slice %arg2[%dma_wait3A_969, %dma_wait3A_970] : memref<100000x8xf32, #tpu.memory_space<hbm>> -> memref<100000x8xf32, #tpu.memory_space<hbm>>
        tpu.wait_indirect_dma semaphore(%arg13 : memref<!tpu.dma_semaphore, #tpu.memory_space<semaphore_mem>>) src(%dma_wait3A_971 : memref<100000x8xf32, #tpu.memory_space<hbm>>) dst(%dma_wait3A_965 : memref<128x8xf32, #tpu.memory_space<vmem>>)
        %dma_wait3A_972 = arith.constant 1 : i32
        %dma_wait3A_973 = arith.constant 7 : i32
        %dma_wait3A_974 = arith.constant 0 : i32
        %dma_wait3A_975 = arith.constant 1 : i32
        %dma_wait3A_976 = arith.constant 0 : i32
        %dma_wait3A_977 = arith.constant 0 : i32
        %dma_wait3A_978 = tpu.memref_slice %arg8[%dma_wait3A_975, %dma_wait3A_976, %dma_wait3A_977] : memref<2x1024x8xf32, #tpu.memory_space<vmem>> -> memref<1x1024x8xf32, #tpu.memory_space<vmem>>
        %dma_wait3A_979 = tpu.memref_squeeze %dma_wait3A_978 : memref<1x1024x8xf32, #tpu.memory_space<vmem>> -> memref<1024x8xf32, #tpu.memory_space<vmem>>
        %dma_wait3A_980 = arith.constant 896 : i32
        %dma_wait3A_981 = arith.constant 0 : i32
        %dma_wait3A_982 = tpu.memref_slice %dma_wait3A_979[%dma_wait3A_980, %dma_wait3A_981] : memref<1024x8xf32, #tpu.memory_space<vmem>> -> memref<128x8xf32, #tpu.memory_space<vmem>>
        %dma_wait3A_983 = arith.constant 0 : i32
        %dma_wait3A_984 = tpu.memref_slice %arg7[%dma_wait3A_972, %dma_wait3A_973, %dma_wait3A_974, %dma_wait3A_983] : memref<2x8x2x128xi32, #tpu.memory_space<vmem>> -> memref<1x1x1x128xi32, #tpu.memory_space<vmem>>
        %dma_wait3A_985 = tpu.memref_squeeze %dma_wait3A_984 : memref<1x1x1x128xi32, #tpu.memory_space<vmem>> -> memref<128xi32, #tpu.memory_space<vmem>>
        %dma_wait3A_986 = arith.constant 0 : i32
        %dma_wait3A_987 = arith.constant 0 : i32
        %dma_wait3A_988 = tpu.memref_slice %arg2[%dma_wait3A_986, %dma_wait3A_987] : memref<100000x8xf32, #tpu.memory_space<hbm>> -> memref<100000x8xf32, #tpu.memory_space<hbm>>
        tpu.wait_indirect_dma semaphore(%arg13 : memref<!tpu.dma_semaphore, #tpu.memory_space<semaphore_mem>>) src(%dma_wait3A_988 : memref<100000x8xf32, #tpu.memory_space<hbm>>) dst(%dma_wait3A_982 : memref<128x8xf32, #tpu.memory_space<vmem>>)
        %dma_wait3A_989 = arith.constant 1 : i32
        %dma_wait3A_990 = arith.constant 7 : i32
        %dma_wait3A_991 = arith.constant 1 : i32
        %dma_wait3A_992 = arith.constant 1 : i32
        %dma_wait3A_993 = arith.constant 0 : i32
        %dma_wait3A_994 = arith.constant 0 : i32
        %dma_wait3A_995 = tpu.memref_slice %arg9[%dma_wait3A_992, %dma_wait3A_993, %dma_wait3A_994] : memref<2x1024x8xf32, #tpu.memory_space<vmem>> -> memref<1x1024x8xf32, #tpu.memory_space<vmem>>
        %dma_wait3A_996 = tpu.memref_squeeze %dma_wait3A_995 : memref<1x1024x8xf32, #tpu.memory_space<vmem>> -> memref<1024x8xf32, #tpu.memory_space<vmem>>
        %dma_wait3A_997 = arith.constant 896 : i32
        %dma_wait3A_998 = arith.constant 0 : i32
        %dma_wait3A_999 = tpu.memref_slice %dma_wait3A_996[%dma_wait3A_997, %dma_wait3A_998] : memref<1024x8xf32, #tpu.memory_space<vmem>> -> memref<128x8xf32, #tpu.memory_space<vmem>>
        %dma_wait3A_1000 = arith.constant 0 : i32
        %dma_wait3A_1001 = tpu.memref_slice %arg7[%dma_wait3A_989, %dma_wait3A_990, %dma_wait3A_991, %dma_wait3A_1000] : memref<2x8x2x128xi32, #tpu.memory_space<vmem>> -> memref<1x1x1x128xi32, #tpu.memory_space<vmem>>
        %dma_wait3A_1002 = tpu.memref_squeeze %dma_wait3A_1001 : memref<1x1x1x128xi32, #tpu.memory_space<vmem>> -> memref<128xi32, #tpu.memory_space<vmem>>
        %dma_wait3A_1003 = arith.constant 0 : i32
        %dma_wait3A_1004 = arith.constant 0 : i32
        %dma_wait3A_1005 = tpu.memref_slice %arg2[%dma_wait3A_1003, %dma_wait3A_1004] : memref<100000x8xf32, #tpu.memory_space<hbm>> -> memref<100000x8xf32, #tpu.memory_space<hbm>>
        tpu.wait_indirect_dma semaphore(%arg13 : memref<!tpu.dma_semaphore, #tpu.memory_space<semaphore_mem>>) src(%dma_wait3A_1005 : memref<100000x8xf32, #tpu.memory_space<hbm>>) dst(%dma_wait3A_999 : memref<128x8xf32, #tpu.memory_space<vmem>>)
        %dma_wait3A_1006 = arith.constant 1 : i32
        %dma_wait3A_1007 = arith.constant 0 : i32
        %dma_wait3A_1008 = arith.constant 0 : i32
        %dma_wait3A_1009 = arith.constant 0 : i32
        %dma_wait3A_1010 = tpu.memref_slice %arg10[%dma_wait3A_1006, %dma_wait3A_1007, %dma_wait3A_1008, %dma_wait3A_1009] : memref<2x8x4x128xf32, #tpu.memory_space<vmem>> -> memref<1x8x4x128xf32, #tpu.memory_space<vmem>>
        %dma_wait3A_1011 = tpu.memref_squeeze %dma_wait3A_1010 : memref<1x8x4x128xf32, #tpu.memory_space<vmem>> -> memref<8x4x128xf32, #tpu.memory_space<vmem>>
        %dma_wait3A_1012 = arith.constant 0 : i32
        %dma_wait3A_1013 = arith.constant 0 : i32
        %dma_wait3A_1014 = tpu.memref_slice %arg4[%mul3A_733, %dma_wait3A_1012, %dma_wait3A_1013] : memref<25000x4x128xf32, #tpu.memory_space<hbm>> -> memref<8x4x128xf32, #tpu.memory_space<hbm>>
        %dma_wait3A_1015 = arith.constant 0 : i32
        %dma_wait3A_1016 = arith.constant 0 : i32
        %dma_wait3A_1017 = arith.constant 0 : i32
        %dma_wait3A_1018 = tpu.memref_slice %arg10[%dma_wait3A_1006, %dma_wait3A_1015, %dma_wait3A_1016, %dma_wait3A_1017] : memref<2x8x4x128xf32, #tpu.memory_space<vmem>> -> memref<1x8x4x128xf32, #tpu.memory_space<vmem>>
        %dma_wait3A_1019 = tpu.memref_squeeze %dma_wait3A_1018 : memref<1x8x4x128xf32, #tpu.memory_space<vmem>> -> memref<8x4x128xf32, #tpu.memory_space<vmem>>
        %dma_wait3A_1020 = arith.constant 0 : i32
        %dma_wait3A_1021 = arith.constant 0 : i32
        %dma_wait3A_1022 = tpu.memref_slice %arg4[%mul3A_733, %dma_wait3A_1020, %dma_wait3A_1021] : memref<25000x4x128xf32, #tpu.memory_space<hbm>> -> memref<8x4x128xf32, #tpu.memory_space<hbm>>
        tpu.wait_dma2 semaphore(%arg13 : memref<!tpu.dma_semaphore, #tpu.memory_space<semaphore_mem>>) src(%dma_wait3A_1022 : memref<8x4x128xf32, #tpu.memory_space<hbm>>) dst(%dma_wait3A_1019 : memref<8x4x128xf32, #tpu.memory_space<vmem>>)
        %convert_element_type3A_1023 = arith.extui %lt3A_721 : i1 to i32
        %cond3A_1024 = arith.constant 0 : i32
        %cond3A_1025 = arith.cmpi ne, %convert_element_type3A_1023, %cond3A_1024 : i32
        scf.if %cond3A_1025 {
          %mul3A_1052 = arith.constant 8 : i32
          %mul3A_1053 = arith.muli %add3A_728, %mul3A_1052 : i32
          %dma_wait3A_1054 = arith.constant 0 : i32
          %dma_wait3A_1055 = arith.constant 0 : i32
          %dma_wait3A_1056 = arith.constant 0 : i32
          %dma_wait3A_1057 = arith.constant 0 : i32
          %dma_wait3A_1058 = tpu.memref_slice %arg7[%dma_wait3A_1054, %dma_wait3A_1055, %dma_wait3A_1056, %dma_wait3A_1057] : memref<2x8x2x128xi32, #tpu.memory_space<vmem>> -> memref<1x8x2x128xi32, #tpu.memory_space<vmem>>
          %dma_wait3A_1059 = tpu.memref_squeeze %dma_wait3A_1058 : memref<1x8x2x128xi32, #tpu.memory_space<vmem>> -> memref<8x2x128xi32, #tpu.memory_space<vmem>>
          %dma_wait3A_1060 = arith.constant 0 : i32
          %dma_wait3A_1061 = arith.constant 0 : i32
          %dma_wait3A_1062 = tpu.memref_slice %arg3[%mul3A_1053, %dma_wait3A_1060, %dma_wait3A_1061] : memref<25000x2x128xi32, #tpu.memory_space<hbm>> -> memref<8x2x128xi32, #tpu.memory_space<hbm>>
          %dma_wait3A_1063 = arith.constant 0 : i32
          %dma_wait3A_1064 = arith.constant 0 : i32
          %dma_wait3A_1065 = arith.constant 0 : i32
          %dma_wait3A_1066 = tpu.memref_slice %arg7[%dma_wait3A_1054, %dma_wait3A_1063, %dma_wait3A_1064, %dma_wait3A_1065] : memref<2x8x2x128xi32, #tpu.memory_space<vmem>> -> memref<1x8x2x128xi32, #tpu.memory_space<vmem>>
          %dma_wait3A_1067 = tpu.memref_squeeze %dma_wait3A_1066 : memref<1x8x2x128xi32, #tpu.memory_space<vmem>> -> memref<8x2x128xi32, #tpu.memory_space<vmem>>
          %dma_wait3A_1068 = arith.constant 0 : i32
          %dma_wait3A_1069 = arith.constant 0 : i32
          %dma_wait3A_1070 = tpu.memref_slice %arg3[%mul3A_1053, %dma_wait3A_1068, %dma_wait3A_1069] : memref<25000x2x128xi32, #tpu.memory_space<hbm>> -> memref<8x2x128xi32, #tpu.memory_space<hbm>>
          tpu.wait_dma2 semaphore(%arg15 : memref<!tpu.dma_semaphore, #tpu.memory_space<semaphore_mem>>) src(%dma_wait3A_1070 : memref<8x2x128xi32, #tpu.memory_space<hbm>>) dst(%dma_wait3A_1067 : memref<8x2x128xi32, #tpu.memory_space<vmem>>)
          %mul3A_1071 = arith.constant 8 : i32
          %mul3A_1072 = arith.muli %add3A_728, %mul3A_1071 : i32
          %dma_start3A_1073 = arith.constant 0 : i32
          %dma_start3A_1074 = arith.constant 0 : i32
          %dma_start3A_1075 = arith.constant 0 : i32
          %dma_start3A_1076 = arith.constant 0 : i32
          %dma_start3A_1077 = arith.constant 0 : i32
          %dma_start3A_1078 = arith.constant 0 : i32
          %dma_start3A_1079 = tpu.memref_slice %arg8[%dma_start3A_1076, %dma_start3A_1077, %dma_start3A_1078] : memref<2x1024x8xf32, #tpu.memory_space<vmem>> -> memref<1x1024x8xf32, #tpu.memory_space<vmem>>
          %dma_start3A_1080 = tpu.memref_squeeze %dma_start3A_1079 : memref<1x1024x8xf32, #tpu.memory_space<vmem>> -> memref<1024x8xf32, #tpu.memory_space<vmem>>
          %dma_start3A_1081 = arith.constant 0 : i32
          %dma_start3A_1082 = arith.constant 0 : i32
          %dma_start3A_1083 = tpu.memref_slice %dma_start3A_1080[%dma_start3A_1081, %dma_start3A_1082] : memref<1024x8xf32, #tpu.memory_space<vmem>> -> memref<128x8xf32, #tpu.memory_space<vmem>>
          %dma_start3A_1084 = arith.constant 0 : i32
          %dma_start3A_1085 = tpu.memref_slice %arg7[%dma_start3A_1073, %dma_start3A_1074, %dma_start3A_1075, %dma_start3A_1084] : memref<2x8x2x128xi32, #tpu.memory_space<vmem>> -> memref<1x1x1x128xi32, #tpu.memory_space<vmem>>
          %dma_start3A_1086 = tpu.memref_squeeze %dma_start3A_1085 : memref<1x1x1x128xi32, #tpu.memory_space<vmem>> -> memref<128xi32, #tpu.memory_space<vmem>>
          %dma_start3A_1087 = arith.constant 0 : i32
          %dma_start3A_1088 = arith.constant 0 : i32
          %dma_start3A_1089 = tpu.memref_slice %arg2[%dma_start3A_1087, %dma_start3A_1088] : memref<100000x8xf32, #tpu.memory_space<hbm>> -> memref<100000x8xf32, #tpu.memory_space<hbm>>
          tpu.enqueue_indirect_dma source(%dma_start3A_1089 : memref<100000x8xf32, #tpu.memory_space<hbm>>) target(%dma_start3A_1083 : memref<128x8xf32, #tpu.memory_space<vmem>>) offsets(%dma_start3A_1086 : memref<128xi32, #tpu.memory_space<vmem>>) semaphore(%arg13 : memref<!tpu.dma_semaphore, #tpu.memory_space<semaphore_mem>>)
          %dma_start3A_1090 = arith.constant 0 : i32
          %dma_start3A_1091 = arith.constant 0 : i32
          %dma_start3A_1092 = arith.constant 1 : i32
          %dma_start3A_1093 = arith.constant 0 : i32
          %dma_start3A_1094 = arith.constant 0 : i32
          %dma_start3A_1095 = arith.constant 0 : i32
          %dma_start3A_1096 = tpu.memref_slice %arg9[%dma_start3A_1093, %dma_start3A_1094, %dma_start3A_1095] : memref<2x1024x8xf32, #tpu.memory_space<vmem>> -> memref<1x1024x8xf32, #tpu.memory_space<vmem>>
          %dma_start3A_1097 = tpu.memref_squeeze %dma_start3A_1096 : memref<1x1024x8xf32, #tpu.memory_space<vmem>> -> memref<1024x8xf32, #tpu.memory_space<vmem>>
          %dma_start3A_1098 = arith.constant 0 : i32
          %dma_start3A_1099 = arith.constant 0 : i32
          %dma_start3A_1100 = tpu.memref_slice %dma_start3A_1097[%dma_start3A_1098, %dma_start3A_1099] : memref<1024x8xf32, #tpu.memory_space<vmem>> -> memref<128x8xf32, #tpu.memory_space<vmem>>
          %dma_start3A_1101 = arith.constant 0 : i32
          %dma_start3A_1102 = tpu.memref_slice %arg7[%dma_start3A_1090, %dma_start3A_1091, %dma_start3A_1092, %dma_start3A_1101] : memref<2x8x2x128xi32, #tpu.memory_space<vmem>> -> memref<1x1x1x128xi32, #tpu.memory_space<vmem>>
          %dma_start3A_1103 = tpu.memref_squeeze %dma_start3A_1102 : memref<1x1x1x128xi32, #tpu.memory_space<vmem>> -> memref<128xi32, #tpu.memory_space<vmem>>
          %dma_start3A_1104 = arith.constant 0 : i32
          %dma_start3A_1105 = arith.constant 0 : i32
          %dma_start3A_1106 = tpu.memref_slice %arg2[%dma_start3A_1104, %dma_start3A_1105] : memref<100000x8xf32, #tpu.memory_space<hbm>> -> memref<100000x8xf32, #tpu.memory_space<hbm>>
          tpu.enqueue_indirect_dma source(%dma_start3A_1106 : memref<100000x8xf32, #tpu.memory_space<hbm>>) target(%dma_start3A_1100 : memref<128x8xf32, #tpu.memory_space<vmem>>) offsets(%dma_start3A_1103 : memref<128xi32, #tpu.memory_space<vmem>>) semaphore(%arg13 : memref<!tpu.dma_semaphore, #tpu.memory_space<semaphore_mem>>)
          %dma_start3A_1107 = arith.constant 0 : i32
          %dma_start3A_1108 = arith.constant 1 : i32
          %dma_start3A_1109 = arith.constant 0 : i32
          %dma_start3A_1110 = arith.constant 0 : i32
          %dma_start3A_1111 = arith.constant 0 : i32
          %dma_start3A_1112 = arith.constant 0 : i32
          %dma_start3A_1113 = tpu.memref_slice %arg8[%dma_start3A_1110, %dma_start3A_1111, %dma_start3A_1112] : memref<2x1024x8xf32, #tpu.memory_space<vmem>> -> memref<1x1024x8xf32, #tpu.memory_space<vmem>>
          %dma_start3A_1114 = tpu.memref_squeeze %dma_start3A_1113 : memref<1x1024x8xf32, #tpu.memory_space<vmem>> -> memref<1024x8xf32, #tpu.memory_space<vmem>>
          %dma_start3A_1115 = arith.constant 128 : i32
          %dma_start3A_1116 = arith.constant 0 : i32
          %dma_start3A_1117 = tpu.memref_slice %dma_start3A_1114[%dma_start3A_1115, %dma_start3A_1116] : memref<1024x8xf32, #tpu.memory_space<vmem>> -> memref<128x8xf32, #tpu.memory_space<vmem>>
          %dma_start3A_1118 = arith.constant 0 : i32
          %dma_start3A_1119 = tpu.memref_slice %arg7[%dma_start3A_1107, %dma_start3A_1108, %dma_start3A_1109, %dma_start3A_1118] : memref<2x8x2x128xi32, #tpu.memory_space<vmem>> -> memref<1x1x1x128xi32, #tpu.memory_space<vmem>>
          %dma_start3A_1120 = tpu.memref_squeeze %dma_start3A_1119 : memref<1x1x1x128xi32, #tpu.memory_space<vmem>> -> memref<128xi32, #tpu.memory_space<vmem>>
          %dma_start3A_1121 = arith.constant 0 : i32
          %dma_start3A_1122 = arith.constant 0 : i32
          %dma_start3A_1123 = tpu.memref_slice %arg2[%dma_start3A_1121, %dma_start3A_1122] : memref<100000x8xf32, #tpu.memory_space<hbm>> -> memref<100000x8xf32, #tpu.memory_space<hbm>>
          tpu.enqueue_indirect_dma source(%dma_start3A_1123 : memref<100000x8xf32, #tpu.memory_space<hbm>>) target(%dma_start3A_1117 : memref<128x8xf32, #tpu.memory_space<vmem>>) offsets(%dma_start3A_1120 : memref<128xi32, #tpu.memory_space<vmem>>) semaphore(%arg13 : memref<!tpu.dma_semaphore, #tpu.memory_space<semaphore_mem>>)
          %dma_start3A_1124 = arith.constant 0 : i32
          %dma_start3A_1125 = arith.constant 1 : i32
          %dma_start3A_1126 = arith.constant 1 : i32
          %dma_start3A_1127 = arith.constant 0 : i32
          %dma_start3A_1128 = arith.constant 0 : i32
          %dma_start3A_1129 = arith.constant 0 : i32
          %dma_start3A_1130 = tpu.memref_slice %arg9[%dma_start3A_1127, %dma_start3A_1128, %dma_start3A_1129] : memref<2x1024x8xf32, #tpu.memory_space<vmem>> -> memref<1x1024x8xf32, #tpu.memory_space<vmem>>
          %dma_start3A_1131 = tpu.memref_squeeze %dma_start3A_1130 : memref<1x1024x8xf32, #tpu.memory_space<vmem>> -> memref<1024x8xf32, #tpu.memory_space<vmem>>
          %dma_start3A_1132 = arith.constant 128 : i32
          %dma_start3A_1133 = arith.constant 0 : i32
          %dma_start3A_1134 = tpu.memref_slice %dma_start3A_1131[%dma_start3A_1132, %dma_start3A_1133] : memref<1024x8xf32, #tpu.memory_space<vmem>> -> memref<128x8xf32, #tpu.memory_space<vmem>>
          %dma_start3A_1135 = arith.constant 0 : i32
          %dma_start3A_1136 = tpu.memref_slice %arg7[%dma_start3A_1124, %dma_start3A_1125, %dma_start3A_1126, %dma_start3A_1135] : memref<2x8x2x128xi32, #tpu.memory_space<vmem>> -> memref<1x1x1x128xi32, #tpu.memory_space<vmem>>
          %dma_start3A_1137 = tpu.memref_squeeze %dma_start3A_1136 : memref<1x1x1x128xi32, #tpu.memory_space<vmem>> -> memref<128xi32, #tpu.memory_space<vmem>>
          %dma_start3A_1138 = arith.constant 0 : i32
          %dma_start3A_1139 = arith.constant 0 : i32
          %dma_start3A_1140 = tpu.memref_slice %arg2[%dma_start3A_1138, %dma_start3A_1139] : memref<100000x8xf32, #tpu.memory_space<hbm>> -> memref<100000x8xf32, #tpu.memory_space<hbm>>
          tpu.enqueue_indirect_dma source(%dma_start3A_1140 : memref<100000x8xf32, #tpu.memory_space<hbm>>) target(%dma_start3A_1134 : memref<128x8xf32, #tpu.memory_space<vmem>>) offsets(%dma_start3A_1137 : memref<128xi32, #tpu.memory_space<vmem>>) semaphore(%arg13 : memref<!tpu.dma_semaphore, #tpu.memory_space<semaphore_mem>>)
          %dma_start3A_1141 = arith.constant 0 : i32
          %dma_start3A_1142 = arith.constant 2 : i32
          %dma_start3A_1143 = arith.constant 0 : i32
          %dma_start3A_1144 = arith.constant 0 : i32
          %dma_start3A_1145 = arith.constant 0 : i32
          %dma_start3A_1146 = arith.constant 0 : i32
          %dma_start3A_1147 = tpu.memref_slice %arg8[%dma_start3A_1144, %dma_start3A_1145, %dma_start3A_1146] : memref<2x1024x8xf32, #tpu.memory_space<vmem>> -> memref<1x1024x8xf32, #tpu.memory_space<vmem>>
          %dma_start3A_1148 = tpu.memref_squeeze %dma_start3A_1147 : memref<1x1024x8xf32, #tpu.memory_space<vmem>> -> memref<1024x8xf32, #tpu.memory_space<vmem>>
          %dma_start3A_1149 = arith.constant 256 : i32
          %dma_start3A_1150 = arith.constant 0 : i32
          %dma_start3A_1151 = tpu.memref_slice %dma_start3A_1148[%dma_start3A_1149, %dma_start3A_1150] : memref<1024x8xf32, #tpu.memory_space<vmem>> -> memref<128x8xf32, #tpu.memory_space<vmem>>
          %dma_start3A_1152 = arith.constant 0 : i32
          %dma_start3A_1153 = tpu.memref_slice %arg7[%dma_start3A_1141, %dma_start3A_1142, %dma_start3A_1143, %dma_start3A_1152] : memref<2x8x2x128xi32, #tpu.memory_space<vmem>> -> memref<1x1x1x128xi32, #tpu.memory_space<vmem>>
          %dma_start3A_1154 = tpu.memref_squeeze %dma_start3A_1153 : memref<1x1x1x128xi32, #tpu.memory_space<vmem>> -> memref<128xi32, #tpu.memory_space<vmem>>
          %dma_start3A_1155 = arith.constant 0 : i32
          %dma_start3A_1156 = arith.constant 0 : i32
          %dma_start3A_1157 = tpu.memref_slice %arg2[%dma_start3A_1155, %dma_start3A_1156] : memref<100000x8xf32, #tpu.memory_space<hbm>> -> memref<100000x8xf32, #tpu.memory_space<hbm>>
          tpu.enqueue_indirect_dma source(%dma_start3A_1157 : memref<100000x8xf32, #tpu.memory_space<hbm>>) target(%dma_start3A_1151 : memref<128x8xf32, #tpu.memory_space<vmem>>) offsets(%dma_start3A_1154 : memref<128xi32, #tpu.memory_space<vmem>>) semaphore(%arg13 : memref<!tpu.dma_semaphore, #tpu.memory_space<semaphore_mem>>)
          %dma_start3A_1158 = arith.constant 0 : i32
          %dma_start3A_1159 = arith.constant 2 : i32
          %dma_start3A_1160 = arith.constant 1 : i32
          %dma_start3A_1161 = arith.constant 0 : i32
          %dma_start3A_1162 = arith.constant 0 : i32
          %dma_start3A_1163 = arith.constant 0 : i32
          %dma_start3A_1164 = tpu.memref_slice %arg9[%dma_start3A_1161, %dma_start3A_1162, %dma_start3A_1163] : memref<2x1024x8xf32, #tpu.memory_space<vmem>> -> memref<1x1024x8xf32, #tpu.memory_space<vmem>>
          %dma_start3A_1165 = tpu.memref_squeeze %dma_start3A_1164 : memref<1x1024x8xf32, #tpu.memory_space<vmem>> -> memref<1024x8xf32, #tpu.memory_space<vmem>>
          %dma_start3A_1166 = arith.constant 256 : i32
          %dma_start3A_1167 = arith.constant 0 : i32
          %dma_start3A_1168 = tpu.memref_slice %dma_start3A_1165[%dma_start3A_1166, %dma_start3A_1167] : memref<1024x8xf32, #tpu.memory_space<vmem>> -> memref<128x8xf32, #tpu.memory_space<vmem>>
          %dma_start3A_1169 = arith.constant 0 : i32
          %dma_start3A_1170 = tpu.memref_slice %arg7[%dma_start3A_1158, %dma_start3A_1159, %dma_start3A_1160, %dma_start3A_1169] : memref<2x8x2x128xi32, #tpu.memory_space<vmem>> -> memref<1x1x1x128xi32, #tpu.memory_space<vmem>>
          %dma_start3A_1171 = tpu.memref_squeeze %dma_start3A_1170 : memref<1x1x1x128xi32, #tpu.memory_space<vmem>> -> memref<128xi32, #tpu.memory_space<vmem>>
          %dma_start3A_1172 = arith.constant 0 : i32
          %dma_start3A_1173 = arith.constant 0 : i32
          %dma_start3A_1174 = tpu.memref_slice %arg2[%dma_start3A_1172, %dma_start3A_1173] : memref<100000x8xf32, #tpu.memory_space<hbm>> -> memref<100000x8xf32, #tpu.memory_space<hbm>>
          tpu.enqueue_indirect_dma source(%dma_start3A_1174 : memref<100000x8xf32, #tpu.memory_space<hbm>>) target(%dma_start3A_1168 : memref<128x8xf32, #tpu.memory_space<vmem>>) offsets(%dma_start3A_1171 : memref<128xi32, #tpu.memory_space<vmem>>) semaphore(%arg13 : memref<!tpu.dma_semaphore, #tpu.memory_space<semaphore_mem>>)
          %dma_start3A_1175 = arith.constant 0 : i32
          %dma_start3A_1176 = arith.constant 3 : i32
          %dma_start3A_1177 = arith.constant 0 : i32
          %dma_start3A_1178 = arith.constant 0 : i32
          %dma_start3A_1179 = arith.constant 0 : i32
          %dma_start3A_1180 = arith.constant 0 : i32
          %dma_start3A_1181 = tpu.memref_slice %arg8[%dma_start3A_1178, %dma_start3A_1179, %dma_start3A_1180] : memref<2x1024x8xf32, #tpu.memory_space<vmem>> -> memref<1x1024x8xf32, #tpu.memory_space<vmem>>
          %dma_start3A_1182 = tpu.memref_squeeze %dma_start3A_1181 : memref<1x1024x8xf32, #tpu.memory_space<vmem>> -> memref<1024x8xf32, #tpu.memory_space<vmem>>
          %dma_start3A_1183 = arith.constant 384 : i32
          %dma_start3A_1184 = arith.constant 0 : i32
          %dma_start3A_1185 = tpu.memref_slice %dma_start3A_1182[%dma_start3A_1183, %dma_start3A_1184] : memref<1024x8xf32, #tpu.memory_space<vmem>> -> memref<128x8xf32, #tpu.memory_space<vmem>>
          %dma_start3A_1186 = arith.constant 0 : i32
          %dma_start3A_1187 = tpu.memref_slice %arg7[%dma_start3A_1175, %dma_start3A_1176, %dma_start3A_1177, %dma_start3A_1186] : memref<2x8x2x128xi32, #tpu.memory_space<vmem>> -> memref<1x1x1x128xi32, #tpu.memory_space<vmem>>
          %dma_start3A_1188 = tpu.memref_squeeze %dma_start3A_1187 : memref<1x1x1x128xi32, #tpu.memory_space<vmem>> -> memref<128xi32, #tpu.memory_space<vmem>>
          %dma_start3A_1189 = arith.constant 0 : i32
          %dma_start3A_1190 = arith.constant 0 : i32
          %dma_start3A_1191 = tpu.memref_slice %arg2[%dma_start3A_1189, %dma_start3A_1190] : memref<100000x8xf32, #tpu.memory_space<hbm>> -> memref<100000x8xf32, #tpu.memory_space<hbm>>
          tpu.enqueue_indirect_dma source(%dma_start3A_1191 : memref<100000x8xf32, #tpu.memory_space<hbm>>) target(%dma_start3A_1185 : memref<128x8xf32, #tpu.memory_space<vmem>>) offsets(%dma_start3A_1188 : memref<128xi32, #tpu.memory_space<vmem>>) semaphore(%arg13 : memref<!tpu.dma_semaphore, #tpu.memory_space<semaphore_mem>>)
          %dma_start3A_1192 = arith.constant 0 : i32
          %dma_start3A_1193 = arith.constant 3 : i32
          %dma_start3A_1194 = arith.constant 1 : i32
          %dma_start3A_1195 = arith.constant 0 : i32
          %dma_start3A_1196 = arith.constant 0 : i32
          %dma_start3A_1197 = arith.constant 0 : i32
          %dma_start3A_1198 = tpu.memref_slice %arg9[%dma_start3A_1195, %dma_start3A_1196, %dma_start3A_1197] : memref<2x1024x8xf32, #tpu.memory_space<vmem>> -> memref<1x1024x8xf32, #tpu.memory_space<vmem>>
          %dma_start3A_1199 = tpu.memref_squeeze %dma_start3A_1198 : memref<1x1024x8xf32, #tpu.memory_space<vmem>> -> memref<1024x8xf32, #tpu.memory_space<vmem>>
          %dma_start3A_1200 = arith.constant 384 : i32
          %dma_start3A_1201 = arith.constant 0 : i32
          %dma_start3A_1202 = tpu.memref_slice %dma_start3A_1199[%dma_start3A_1200, %dma_start3A_1201] : memref<1024x8xf32, #tpu.memory_space<vmem>> -> memref<128x8xf32, #tpu.memory_space<vmem>>
          %dma_start3A_1203 = arith.constant 0 : i32
          %dma_start3A_1204 = tpu.memref_slice %arg7[%dma_start3A_1192, %dma_start3A_1193, %dma_start3A_1194, %dma_start3A_1203] : memref<2x8x2x128xi32, #tpu.memory_space<vmem>> -> memref<1x1x1x128xi32, #tpu.memory_space<vmem>>
          %dma_start3A_1205 = tpu.memref_squeeze %dma_start3A_1204 : memref<1x1x1x128xi32, #tpu.memory_space<vmem>> -> memref<128xi32, #tpu.memory_space<vmem>>
          %dma_start3A_1206 = arith.constant 0 : i32
          %dma_start3A_1207 = arith.constant 0 : i32
          %dma_start3A_1208 = tpu.memref_slice %arg2[%dma_start3A_1206, %dma_start3A_1207] : memref<100000x8xf32, #tpu.memory_space<hbm>> -> memref<100000x8xf32, #tpu.memory_space<hbm>>
          tpu.enqueue_indirect_dma source(%dma_start3A_1208 : memref<100000x8xf32, #tpu.memory_space<hbm>>) target(%dma_start3A_1202 : memref<128x8xf32, #tpu.memory_space<vmem>>) offsets(%dma_start3A_1205 : memref<128xi32, #tpu.memory_space<vmem>>) semaphore(%arg13 : memref<!tpu.dma_semaphore, #tpu.memory_space<semaphore_mem>>)
          %dma_start3A_1209 = arith.constant 0 : i32
          %dma_start3A_1210 = arith.constant 4 : i32
          %dma_start3A_1211 = arith.constant 0 : i32
          %dma_start3A_1212 = arith.constant 0 : i32
          %dma_start3A_1213 = arith.constant 0 : i32
          %dma_start3A_1214 = arith.constant 0 : i32
          %dma_start3A_1215 = tpu.memref_slice %arg8[%dma_start3A_1212, %dma_start3A_1213, %dma_start3A_1214] : memref<2x1024x8xf32, #tpu.memory_space<vmem>> -> memref<1x1024x8xf32, #tpu.memory_space<vmem>>
          %dma_start3A_1216 = tpu.memref_squeeze %dma_start3A_1215 : memref<1x1024x8xf32, #tpu.memory_space<vmem>> -> memref<1024x8xf32, #tpu.memory_space<vmem>>
          %dma_start3A_1217 = arith.constant 512 : i32
          %dma_start3A_1218 = arith.constant 0 : i32
          %dma_start3A_1219 = tpu.memref_slice %dma_start3A_1216[%dma_start3A_1217, %dma_start3A_1218] : memref<1024x8xf32, #tpu.memory_space<vmem>> -> memref<128x8xf32, #tpu.memory_space<vmem>>
          %dma_start3A_1220 = arith.constant 0 : i32
          %dma_start3A_1221 = tpu.memref_slice %arg7[%dma_start3A_1209, %dma_start3A_1210, %dma_start3A_1211, %dma_start3A_1220] : memref<2x8x2x128xi32, #tpu.memory_space<vmem>> -> memref<1x1x1x128xi32, #tpu.memory_space<vmem>>
          %dma_start3A_1222 = tpu.memref_squeeze %dma_start3A_1221 : memref<1x1x1x128xi32, #tpu.memory_space<vmem>> -> memref<128xi32, #tpu.memory_space<vmem>>
          %dma_start3A_1223 = arith.constant 0 : i32
          %dma_start3A_1224 = arith.constant 0 : i32
          %dma_start3A_1225 = tpu.memref_slice %arg2[%dma_start3A_1223, %dma_start3A_1224] : memref<100000x8xf32, #tpu.memory_space<hbm>> -> memref<100000x8xf32, #tpu.memory_space<hbm>>
          tpu.enqueue_indirect_dma source(%dma_start3A_1225 : memref<100000x8xf32, #tpu.memory_space<hbm>>) target(%dma_start3A_1219 : memref<128x8xf32, #tpu.memory_space<vmem>>) offsets(%dma_start3A_1222 : memref<128xi32, #tpu.memory_space<vmem>>) semaphore(%arg13 : memref<!tpu.dma_semaphore, #tpu.memory_space<semaphore_mem>>)
          %dma_start3A_1226 = arith.constant 0 : i32
          %dma_start3A_1227 = arith.constant 4 : i32
          %dma_start3A_1228 = arith.constant 1 : i32
          %dma_start3A_1229 = arith.constant 0 : i32
          %dma_start3A_1230 = arith.constant 0 : i32
          %dma_start3A_1231 = arith.constant 0 : i32
          %dma_start3A_1232 = tpu.memref_slice %arg9[%dma_start3A_1229, %dma_start3A_1230, %dma_start3A_1231] : memref<2x1024x8xf32, #tpu.memory_space<vmem>> -> memref<1x1024x8xf32, #tpu.memory_space<vmem>>
          %dma_start3A_1233 = tpu.memref_squeeze %dma_start3A_1232 : memref<1x1024x8xf32, #tpu.memory_space<vmem>> -> memref<1024x8xf32, #tpu.memory_space<vmem>>
          %dma_start3A_1234 = arith.constant 512 : i32
          %dma_start3A_1235 = arith.constant 0 : i32
          %dma_start3A_1236 = tpu.memref_slice %dma_start3A_1233[%dma_start3A_1234, %dma_start3A_1235] : memref<1024x8xf32, #tpu.memory_space<vmem>> -> memref<128x8xf32, #tpu.memory_space<vmem>>
          %dma_start3A_1237 = arith.constant 0 : i32
          %dma_start3A_1238 = tpu.memref_slice %arg7[%dma_start3A_1226, %dma_start3A_1227, %dma_start3A_1228, %dma_start3A_1237] : memref<2x8x2x128xi32, #tpu.memory_space<vmem>> -> memref<1x1x1x128xi32, #tpu.memory_space<vmem>>
          %dma_start3A_1239 = tpu.memref_squeeze %dma_start3A_1238 : memref<1x1x1x128xi32, #tpu.memory_space<vmem>> -> memref<128xi32, #tpu.memory_space<vmem>>
          %dma_start3A_1240 = arith.constant 0 : i32
          %dma_start3A_1241 = arith.constant 0 : i32
          %dma_start3A_1242 = tpu.memref_slice %arg2[%dma_start3A_1240, %dma_start3A_1241] : memref<100000x8xf32, #tpu.memory_space<hbm>> -> memref<100000x8xf32, #tpu.memory_space<hbm>>
          tpu.enqueue_indirect_dma source(%dma_start3A_1242 : memref<100000x8xf32, #tpu.memory_space<hbm>>) target(%dma_start3A_1236 : memref<128x8xf32, #tpu.memory_space<vmem>>) offsets(%dma_start3A_1239 : memref<128xi32, #tpu.memory_space<vmem>>) semaphore(%arg13 : memref<!tpu.dma_semaphore, #tpu.memory_space<semaphore_mem>>)
          %dma_start3A_1243 = arith.constant 0 : i32
          %dma_start3A_1244 = arith.constant 5 : i32
          %dma_start3A_1245 = arith.constant 0 : i32
          %dma_start3A_1246 = arith.constant 0 : i32
          %dma_start3A_1247 = arith.constant 0 : i32
          %dma_start3A_1248 = arith.constant 0 : i32
          %dma_start3A_1249 = tpu.memref_slice %arg8[%dma_start3A_1246, %dma_start3A_1247, %dma_start3A_1248] : memref<2x1024x8xf32, #tpu.memory_space<vmem>> -> memref<1x1024x8xf32, #tpu.memory_space<vmem>>
          %dma_start3A_1250 = tpu.memref_squeeze %dma_start3A_1249 : memref<1x1024x8xf32, #tpu.memory_space<vmem>> -> memref<1024x8xf32, #tpu.memory_space<vmem>>
          %dma_start3A_1251 = arith.constant 640 : i32
          %dma_start3A_1252 = arith.constant 0 : i32
          %dma_start3A_1253 = tpu.memref_slice %dma_start3A_1250[%dma_start3A_1251, %dma_start3A_1252] : memref<1024x8xf32, #tpu.memory_space<vmem>> -> memref<128x8xf32, #tpu.memory_space<vmem>>
          %dma_start3A_1254 = arith.constant 0 : i32
          %dma_start3A_1255 = tpu.memref_slice %arg7[%dma_start3A_1243, %dma_start3A_1244, %dma_start3A_1245, %dma_start3A_1254] : memref<2x8x2x128xi32, #tpu.memory_space<vmem>> -> memref<1x1x1x128xi32, #tpu.memory_space<vmem>>
          %dma_start3A_1256 = tpu.memref_squeeze %dma_start3A_1255 : memref<1x1x1x128xi32, #tpu.memory_space<vmem>> -> memref<128xi32, #tpu.memory_space<vmem>>
          %dma_start3A_1257 = arith.constant 0 : i32
          %dma_start3A_1258 = arith.constant 0 : i32
          %dma_start3A_1259 = tpu.memref_slice %arg2[%dma_start3A_1257, %dma_start3A_1258] : memref<100000x8xf32, #tpu.memory_space<hbm>> -> memref<100000x8xf32, #tpu.memory_space<hbm>>
          tpu.enqueue_indirect_dma source(%dma_start3A_1259 : memref<100000x8xf32, #tpu.memory_space<hbm>>) target(%dma_start3A_1253 : memref<128x8xf32, #tpu.memory_space<vmem>>) offsets(%dma_start3A_1256 : memref<128xi32, #tpu.memory_space<vmem>>) semaphore(%arg13 : memref<!tpu.dma_semaphore, #tpu.memory_space<semaphore_mem>>)
          %dma_start3A_1260 = arith.constant 0 : i32
          %dma_start3A_1261 = arith.constant 5 : i32
          %dma_start3A_1262 = arith.constant 1 : i32
          %dma_start3A_1263 = arith.constant 0 : i32
          %dma_start3A_1264 = arith.constant 0 : i32
          %dma_start3A_1265 = arith.constant 0 : i32
          %dma_start3A_1266 = tpu.memref_slice %arg9[%dma_start3A_1263, %dma_start3A_1264, %dma_start3A_1265] : memref<2x1024x8xf32, #tpu.memory_space<vmem>> -> memref<1x1024x8xf32, #tpu.memory_space<vmem>>
          %dma_start3A_1267 = tpu.memref_squeeze %dma_start3A_1266 : memref<1x1024x8xf32, #tpu.memory_space<vmem>> -> memref<1024x8xf32, #tpu.memory_space<vmem>>
          %dma_start3A_1268 = arith.constant 640 : i32
          %dma_start3A_1269 = arith.constant 0 : i32
          %dma_start3A_1270 = tpu.memref_slice %dma_start3A_1267[%dma_start3A_1268, %dma_start3A_1269] : memref<1024x8xf32, #tpu.memory_space<vmem>> -> memref<128x8xf32, #tpu.memory_space<vmem>>
          %dma_start3A_1271 = arith.constant 0 : i32
          %dma_start3A_1272 = tpu.memref_slice %arg7[%dma_start3A_1260, %dma_start3A_1261, %dma_start3A_1262, %dma_start3A_1271] : memref<2x8x2x128xi32, #tpu.memory_space<vmem>> -> memref<1x1x1x128xi32, #tpu.memory_space<vmem>>
          %dma_start3A_1273 = tpu.memref_squeeze %dma_start3A_1272 : memref<1x1x1x128xi32, #tpu.memory_space<vmem>> -> memref<128xi32, #tpu.memory_space<vmem>>
          %dma_start3A_1274 = arith.constant 0 : i32
          %dma_start3A_1275 = arith.constant 0 : i32
          %dma_start3A_1276 = tpu.memref_slice %arg2[%dma_start3A_1274, %dma_start3A_1275] : memref<100000x8xf32, #tpu.memory_space<hbm>> -> memref<100000x8xf32, #tpu.memory_space<hbm>>
          tpu.enqueue_indirect_dma source(%dma_start3A_1276 : memref<100000x8xf32, #tpu.memory_space<hbm>>) target(%dma_start3A_1270 : memref<128x8xf32, #tpu.memory_space<vmem>>) offsets(%dma_start3A_1273 : memref<128xi32, #tpu.memory_space<vmem>>) semaphore(%arg13 : memref<!tpu.dma_semaphore, #tpu.memory_space<semaphore_mem>>)
          %dma_start3A_1277 = arith.constant 0 : i32
          %dma_start3A_1278 = arith.constant 6 : i32
          %dma_start3A_1279 = arith.constant 0 : i32
          %dma_start3A_1280 = arith.constant 0 : i32
          %dma_start3A_1281 = arith.constant 0 : i32
          %dma_start3A_1282 = arith.constant 0 : i32
          %dma_start3A_1283 = tpu.memref_slice %arg8[%dma_start3A_1280, %dma_start3A_1281, %dma_start3A_1282] : memref<2x1024x8xf32, #tpu.memory_space<vmem>> -> memref<1x1024x8xf32, #tpu.memory_space<vmem>>
          %dma_start3A_1284 = tpu.memref_squeeze %dma_start3A_1283 : memref<1x1024x8xf32, #tpu.memory_space<vmem>> -> memref<1024x8xf32, #tpu.memory_space<vmem>>
          %dma_start3A_1285 = arith.constant 768 : i32
          %dma_start3A_1286 = arith.constant 0 : i32
          %dma_start3A_1287 = tpu.memref_slice %dma_start3A_1284[%dma_start3A_1285, %dma_start3A_1286] : memref<1024x8xf32, #tpu.memory_space<vmem>> -> memref<128x8xf32, #tpu.memory_space<vmem>>
          %dma_start3A_1288 = arith.constant 0 : i32
          %dma_start3A_1289 = tpu.memref_slice %arg7[%dma_start3A_1277, %dma_start3A_1278, %dma_start3A_1279, %dma_start3A_1288] : memref<2x8x2x128xi32, #tpu.memory_space<vmem>> -> memref<1x1x1x128xi32, #tpu.memory_space<vmem>>
          %dma_start3A_1290 = tpu.memref_squeeze %dma_start3A_1289 : memref<1x1x1x128xi32, #tpu.memory_space<vmem>> -> memref<128xi32, #tpu.memory_space<vmem>>
          %dma_start3A_1291 = arith.constant 0 : i32
          %dma_start3A_1292 = arith.constant 0 : i32
          %dma_start3A_1293 = tpu.memref_slice %arg2[%dma_start3A_1291, %dma_start3A_1292] : memref<100000x8xf32, #tpu.memory_space<hbm>> -> memref<100000x8xf32, #tpu.memory_space<hbm>>
          tpu.enqueue_indirect_dma source(%dma_start3A_1293 : memref<100000x8xf32, #tpu.memory_space<hbm>>) target(%dma_start3A_1287 : memref<128x8xf32, #tpu.memory_space<vmem>>) offsets(%dma_start3A_1290 : memref<128xi32, #tpu.memory_space<vmem>>) semaphore(%arg13 : memref<!tpu.dma_semaphore, #tpu.memory_space<semaphore_mem>>)
          %dma_start3A_1294 = arith.constant 0 : i32
          %dma_start3A_1295 = arith.constant 6 : i32
          %dma_start3A_1296 = arith.constant 1 : i32
          %dma_start3A_1297 = arith.constant 0 : i32
          %dma_start3A_1298 = arith.constant 0 : i32
          %dma_start3A_1299 = arith.constant 0 : i32
          %dma_start3A_1300 = tpu.memref_slice %arg9[%dma_start3A_1297, %dma_start3A_1298, %dma_start3A_1299] : memref<2x1024x8xf32, #tpu.memory_space<vmem>> -> memref<1x1024x8xf32, #tpu.memory_space<vmem>>
          %dma_start3A_1301 = tpu.memref_squeeze %dma_start3A_1300 : memref<1x1024x8xf32, #tpu.memory_space<vmem>> -> memref<1024x8xf32, #tpu.memory_space<vmem>>
          %dma_start3A_1302 = arith.constant 768 : i32
          %dma_start3A_1303 = arith.constant 0 : i32
          %dma_start3A_1304 = tpu.memref_slice %dma_start3A_1301[%dma_start3A_1302, %dma_start3A_1303] : memref<1024x8xf32, #tpu.memory_space<vmem>> -> memref<128x8xf32, #tpu.memory_space<vmem>>
          %dma_start3A_1305 = arith.constant 0 : i32
          %dma_start3A_1306 = tpu.memref_slice %arg7[%dma_start3A_1294, %dma_start3A_1295, %dma_start3A_1296, %dma_start3A_1305] : memref<2x8x2x128xi32, #tpu.memory_space<vmem>> -> memref<1x1x1x128xi32, #tpu.memory_space<vmem>>
          %dma_start3A_1307 = tpu.memref_squeeze %dma_start3A_1306 : memref<1x1x1x128xi32, #tpu.memory_space<vmem>> -> memref<128xi32, #tpu.memory_space<vmem>>
          %dma_start3A_1308 = arith.constant 0 : i32
          %dma_start3A_1309 = arith.constant 0 : i32
          %dma_start3A_1310 = tpu.memref_slice %arg2[%dma_start3A_1308, %dma_start3A_1309] : memref<100000x8xf32, #tpu.memory_space<hbm>> -> memref<100000x8xf32, #tpu.memory_space<hbm>>
          tpu.enqueue_indirect_dma source(%dma_start3A_1310 : memref<100000x8xf32, #tpu.memory_space<hbm>>) target(%dma_start3A_1304 : memref<128x8xf32, #tpu.memory_space<vmem>>) offsets(%dma_start3A_1307 : memref<128xi32, #tpu.memory_space<vmem>>) semaphore(%arg13 : memref<!tpu.dma_semaphore, #tpu.memory_space<semaphore_mem>>)
          %dma_start3A_1311 = arith.constant 0 : i32
          %dma_start3A_1312 = arith.constant 7 : i32
          %dma_start3A_1313 = arith.constant 0 : i32
          %dma_start3A_1314 = arith.constant 0 : i32
          %dma_start3A_1315 = arith.constant 0 : i32
          %dma_start3A_1316 = arith.constant 0 : i32
          %dma_start3A_1317 = tpu.memref_slice %arg8[%dma_start3A_1314, %dma_start3A_1315, %dma_start3A_1316] : memref<2x1024x8xf32, #tpu.memory_space<vmem>> -> memref<1x1024x8xf32, #tpu.memory_space<vmem>>
          %dma_start3A_1318 = tpu.memref_squeeze %dma_start3A_1317 : memref<1x1024x8xf32, #tpu.memory_space<vmem>> -> memref<1024x8xf32, #tpu.memory_space<vmem>>
          %dma_start3A_1319 = arith.constant 896 : i32
          %dma_start3A_1320 = arith.constant 0 : i32
          %dma_start3A_1321 = tpu.memref_slice %dma_start3A_1318[%dma_start3A_1319, %dma_start3A_1320] : memref<1024x8xf32, #tpu.memory_space<vmem>> -> memref<128x8xf32, #tpu.memory_space<vmem>>
          %dma_start3A_1322 = arith.constant 0 : i32
          %dma_start3A_1323 = tpu.memref_slice %arg7[%dma_start3A_1311, %dma_start3A_1312, %dma_start3A_1313, %dma_start3A_1322] : memref<2x8x2x128xi32, #tpu.memory_space<vmem>> -> memref<1x1x1x128xi32, #tpu.memory_space<vmem>>
          %dma_start3A_1324 = tpu.memref_squeeze %dma_start3A_1323 : memref<1x1x1x128xi32, #tpu.memory_space<vmem>> -> memref<128xi32, #tpu.memory_space<vmem>>
          %dma_start3A_1325 = arith.constant 0 : i32
          %dma_start3A_1326 = arith.constant 0 : i32
          %dma_start3A_1327 = tpu.memref_slice %arg2[%dma_start3A_1325, %dma_start3A_1326] : memref<100000x8xf32, #tpu.memory_space<hbm>> -> memref<100000x8xf32, #tpu.memory_space<hbm>>
          tpu.enqueue_indirect_dma source(%dma_start3A_1327 : memref<100000x8xf32, #tpu.memory_space<hbm>>) target(%dma_start3A_1321 : memref<128x8xf32, #tpu.memory_space<vmem>>) offsets(%dma_start3A_1324 : memref<128xi32, #tpu.memory_space<vmem>>) semaphore(%arg13 : memref<!tpu.dma_semaphore, #tpu.memory_space<semaphore_mem>>)
          %dma_start3A_1328 = arith.constant 0 : i32
          %dma_start3A_1329 = arith.constant 7 : i32
          %dma_start3A_1330 = arith.constant 1 : i32
          %dma_start3A_1331 = arith.constant 0 : i32
          %dma_start3A_1332 = arith.constant 0 : i32
          %dma_start3A_1333 = arith.constant 0 : i32
          %dma_start3A_1334 = tpu.memref_slice %arg9[%dma_start3A_1331, %dma_start3A_1332, %dma_start3A_1333] : memref<2x1024x8xf32, #tpu.memory_space<vmem>> -> memref<1x1024x8xf32, #tpu.memory_space<vmem>>
          %dma_start3A_1335 = tpu.memref_squeeze %dma_start3A_1334 : memref<1x1024x8xf32, #tpu.memory_space<vmem>> -> memref<1024x8xf32, #tpu.memory_space<vmem>>
          %dma_start3A_1336 = arith.constant 896 : i32
          %dma_start3A_1337 = arith.constant 0 : i32
          %dma_start3A_1338 = tpu.memref_slice %dma_start3A_1335[%dma_start3A_1336, %dma_start3A_1337] : memref<1024x8xf32, #tpu.memory_space<vmem>> -> memref<128x8xf32, #tpu.memory_space<vmem>>
          %dma_start3A_1339 = arith.constant 0 : i32
          %dma_start3A_1340 = tpu.memref_slice %arg7[%dma_start3A_1328, %dma_start3A_1329, %dma_start3A_1330, %dma_start3A_1339] : memref<2x8x2x128xi32, #tpu.memory_space<vmem>> -> memref<1x1x1x128xi32, #tpu.memory_space<vmem>>
          %dma_start3A_1341 = tpu.memref_squeeze %dma_start3A_1340 : memref<1x1x1x128xi32, #tpu.memory_space<vmem>> -> memref<128xi32, #tpu.memory_space<vmem>>
          %dma_start3A_1342 = arith.constant 0 : i32
          %dma_start3A_1343 = arith.constant 0 : i32
          %dma_start3A_1344 = tpu.memref_slice %arg2[%dma_start3A_1342, %dma_start3A_1343] : memref<100000x8xf32, #tpu.memory_space<hbm>> -> memref<100000x8xf32, #tpu.memory_space<hbm>>
          tpu.enqueue_indirect_dma source(%dma_start3A_1344 : memref<100000x8xf32, #tpu.memory_space<hbm>>) target(%dma_start3A_1338 : memref<128x8xf32, #tpu.memory_space<vmem>>) offsets(%dma_start3A_1341 : memref<128xi32, #tpu.memory_space<vmem>>) semaphore(%arg13 : memref<!tpu.dma_semaphore, #tpu.memory_space<semaphore_mem>>)
          %dma_start3A_1345 = arith.constant 0 : i32
          %dma_start3A_1346 = arith.constant 0 : i32
          %dma_start3A_1347 = arith.constant 0 : i32
          %dma_start3A_1348 = arith.constant 0 : i32
          %dma_start3A_1349 = tpu.memref_slice %arg10[%dma_start3A_1345, %dma_start3A_1346, %dma_start3A_1347, %dma_start3A_1348] : memref<2x8x4x128xf32, #tpu.memory_space<vmem>> -> memref<1x8x4x128xf32, #tpu.memory_space<vmem>>
          %dma_start3A_1350 = tpu.memref_squeeze %dma_start3A_1349 : memref<1x8x4x128xf32, #tpu.memory_space<vmem>> -> memref<8x4x128xf32, #tpu.memory_space<vmem>>
          %dma_start3A_1351 = arith.constant 0 : i32
          %dma_start3A_1352 = arith.constant 0 : i32
          %dma_start3A_1353 = tpu.memref_slice %arg4[%mul3A_1072, %dma_start3A_1351, %dma_start3A_1352] : memref<25000x4x128xf32, #tpu.memory_space<hbm>> -> memref<8x4x128xf32, #tpu.memory_space<hbm>>
          %dma_start3A_1354 = arith.constant 0 : i32
          %dma_start3A_1355 = arith.constant 0 : i32
          %dma_start3A_1356 = arith.constant 0 : i32
          %dma_start3A_1357 = tpu.memref_slice %arg10[%dma_start3A_1345, %dma_start3A_1354, %dma_start3A_1355, %dma_start3A_1356] : memref<2x8x4x128xf32, #tpu.memory_space<vmem>> -> memref<1x8x4x128xf32, #tpu.memory_space<vmem>>
          %dma_start3A_1358 = tpu.memref_squeeze %dma_start3A_1357 : memref<1x8x4x128xf32, #tpu.memory_space<vmem>> -> memref<8x4x128xf32, #tpu.memory_space<vmem>>
          %dma_start3A_1359 = arith.constant 0 : i32
          %dma_start3A_1360 = arith.constant 0 : i32
          %dma_start3A_1361 = tpu.memref_slice %arg4[%mul3A_1072, %dma_start3A_1359, %dma_start3A_1360] : memref<25000x4x128xf32, #tpu.memory_space<hbm>> -> memref<8x4x128xf32, #tpu.memory_space<hbm>>
          tpu.enqueue_dma source(%dma_start3A_1361 : memref<8x4x128xf32, #tpu.memory_space<hbm>>) target(%dma_start3A_1358 : memref<8x4x128xf32, #tpu.memory_space<vmem>>) target_semaphore(%arg13 : memref<!tpu.dma_semaphore, #tpu.memory_space<semaphore_mem>>)
        } else {
        }
        %gt3A_1026 = arith.constant 0 : i32
        %gt3A_1027 = arith.cmpi sgt, %while3A_382, %gt3A_1026 : i32
        %convert_element_type3A_1028 = arith.extui %gt3A_1027 : i1 to i32
        %cond3A_1029 = arith.constant 0 : i32
        %cond3A_1030 = arith.cmpi ne, %convert_element_type3A_1028, %cond3A_1029 : i32
        scf.if %cond3A_1030 {
          %mul3A_1052 = arith.constant 1024 : i32
          %mul3A_1053 = arith.muli %add3A_389, %mul3A_1052 : i32
          %dma_wait3A_1054 = arith.constant 1 : i32
          %dma_wait3A_1055 = arith.constant 0 : i32
          %dma_wait3A_1056 = tpu.memref_slice %arg11[%dma_wait3A_1054, %dma_wait3A_1055] : memref<2x1024xf32, #tpu.memory_space<vmem>> -> memref<1x1024xf32, #tpu.memory_space<vmem>>
          %dma_wait3A_1057 = tpu.memref_squeeze %dma_wait3A_1056 : memref<1x1024xf32, #tpu.memory_space<vmem>> -> memref<1024xf32, #tpu.memory_space<vmem>>
          %dma_wait3A_1058 = tpu.memref_slice %arg6[%mul3A_1053] : memref<3200000xf32, #tpu.memory_space<hbm>> -> memref<1024xf32, #tpu.memory_space<hbm>>
          %dma_wait3A_1059 = tpu.memref_slice %arg6[%mul3A_1053] : memref<3200000xf32, #tpu.memory_space<hbm>> -> memref<1024xf32, #tpu.memory_space<hbm>>
          %dma_wait3A_1060 = arith.constant 0 : i32
          %dma_wait3A_1061 = tpu.memref_slice %arg11[%dma_wait3A_1054, %dma_wait3A_1060] : memref<2x1024xf32, #tpu.memory_space<vmem>> -> memref<1x1024xf32, #tpu.memory_space<vmem>>
          %dma_wait3A_1062 = tpu.memref_squeeze %dma_wait3A_1061 : memref<1x1024xf32, #tpu.memory_space<vmem>> -> memref<1024xf32, #tpu.memory_space<vmem>>
          tpu.wait_dma2 semaphore(%arg14 : memref<!tpu.dma_semaphore, #tpu.memory_space<semaphore_mem>>) src(%dma_wait3A_1062 : memref<1024xf32, #tpu.memory_space<vmem>>) dst(%dma_wait3A_1059 : memref<1024xf32, #tpu.memory_space<hbm>>)
        } else {
        }
        %scan3A_1031 = arith.constant 0 : i32
        %scan3A_1032 = arith.constant 1 : i32
        %scan3A_1033 = arith.constant 1 : i32
        %scan3A_1034 = arith.constant 1 : i32
        %scan3A_1035 = arith.constant 1 : i32
        %scan3A_1036 = arith.constant 0 : i32
        %scan3A_1037 = arith.constant 64 : i32
        %scan3A_1038 = arith.addi %scan3A_1036, %scan3A_1037 : i32
        %scan3A_1039 = arith.constant 2 : i32
        scf.for %scan3A_1052 = %scan3A_1036 to %scan3A_1038 step %scan3A_1039  : i32 {
          %mul3A_1053 = arith.constant 16 : i32
          %mul3A_1054 = arith.muli %scan3A_1052, %mul3A_1053 : i32
          %add3A_1055 = vector.broadcast %mul3A_1054 : i32 to vector<16xi32>
          %add3A_1056 = arith.addi %iota3A, %add3A_1055 : vector<16xi32>
          %broadcast_in_dim3A = arith.constant 0 : i32
          %broadcast_in_dim3A_1057 = vector.broadcast %broadcast_in_dim3A : i32 to vector<16xi32>
          %broadcast_in_dim3A_1058 = arith.constant 1 : i32
          %broadcast_in_dim3A_1059 = vector.broadcast %broadcast_in_dim3A_1058 : i32 to vector<16xi32>
          %broadcast_in_dim3A_1060 = arith.constant 2 : i32
          %broadcast_in_dim3A_1061 = vector.broadcast %broadcast_in_dim3A_1060 : i32 to vector<16xi32>
          %gather3A = arith.constant 0 : i32
          %gather3A_1062 = arith.constant 0 : i32
          %gather3A_1063 = tpu.memref_slice %arg8[%scan3A_1032, %gather3A, %gather3A_1062] : memref<2x1024x8xf32, #tpu.memory_space<vmem>> -> memref<1x1024x8xf32, #tpu.memory_space<vmem>>
          %gather3A_1064 = tpu.memref_squeeze %gather3A_1063 : memref<1x1024x8xf32, #tpu.memory_space<vmem>> -> memref<1024x8xf32, #tpu.memory_space<vmem>>
          %gather3A_1065 = tpu.vector_load_idx %gather3A_1064[%add3A_1056, %broadcast_in_dim3A_1057] : memref<1024x8xf32, #tpu.memory_space<vmem>>[vector<16xi32>, vector<16xi32>], vector<16xf32>,
          %gather3A_1066 = arith.constant 0 : i32
          %gather3A_1067 = arith.constant 0 : i32
          %gather3A_1068 = tpu.memref_slice %arg8[%scan3A_1032, %gather3A_1066, %gather3A_1067] : memref<2x1024x8xf32, #tpu.memory_space<vmem>> -> memref<1x1024x8xf32, #tpu.memory_space<vmem>>
          %gather3A_1069 = tpu.memref_squeeze %gather3A_1068 : memref<1x1024x8xf32, #tpu.memory_space<vmem>> -> memref<1024x8xf32, #tpu.memory_space<vmem>>
          %gather3A_1070 = tpu.vector_load_idx %gather3A_1069[%add3A_1056, %broadcast_in_dim3A_1059] : memref<1024x8xf32, #tpu.memory_space<vmem>>[vector<16xi32>, vector<16xi32>], vector<16xf32>,
          %gather3A_1071 = arith.constant 0 : i32
          %gather3A_1072 = arith.constant 0 : i32
          %gather3A_1073 = tpu.memref_slice %arg8[%scan3A_1032, %gather3A_1071, %gather3A_1072] : memref<2x1024x8xf32, #tpu.memory_space<vmem>> -> memref<1x1024x8xf32, #tpu.memory_space<vmem>>
          %gather3A_1074 = tpu.memref_squeeze %gather3A_1073 : memref<1x1024x8xf32, #tpu.memory_space<vmem>> -> memref<1024x8xf32, #tpu.memory_space<vmem>>
          %gather3A_1075 = tpu.vector_load_idx %gather3A_1074[%add3A_1056, %broadcast_in_dim3A_1061] : memref<1024x8xf32, #tpu.memory_space<vmem>>[vector<16xi32>, vector<16xi32>], vector<16xf32>,
          %gather3A_1076 = arith.constant 0 : i32
          %gather3A_1077 = arith.constant 0 : i32
          %gather3A_1078 = tpu.memref_slice %arg9[%scan3A_1033, %gather3A_1076, %gather3A_1077] : memref<2x1024x8xf32, #tpu.memory_space<vmem>> -> memref<1x1024x8xf32, #tpu.memory_space<vmem>>
          %gather3A_1079 = tpu.memref_squeeze %gather3A_1078 : memref<1x1024x8xf32, #tpu.memory_space<vmem>> -> memref<1024x8xf32, #tpu.memory_space<vmem>>
          %gather3A_1080 = tpu.vector_load_idx %gather3A_1079[%add3A_1056, %broadcast_in_dim3A_1057] : memref<1024x8xf32, #tpu.memory_space<vmem>>[vector<16xi32>, vector<16xi32>], vector<16xf32>,
          %gather3A_1081 = arith.constant 0 : i32
          %gather3A_1082 = arith.constant 0 : i32
          %gather3A_1083 = tpu.memref_slice %arg9[%scan3A_1033, %gather3A_1081, %gather3A_1082] : memref<2x1024x8xf32, #tpu.memory_space<vmem>> -> memref<1x1024x8xf32, #tpu.memory_space<vmem>>
          %gather3A_1084 = tpu.memref_squeeze %gather3A_1083 : memref<1x1024x8xf32, #tpu.memory_space<vmem>> -> memref<1024x8xf32, #tpu.memory_space<vmem>>
          %gather3A_1085 = tpu.vector_load_idx %gather3A_1084[%add3A_1056, %broadcast_in_dim3A_1059] : memref<1024x8xf32, #tpu.memory_space<vmem>>[vector<16xi32>, vector<16xi32>], vector<16xf32>,
          %gather3A_1086 = arith.constant 0 : i32
          %gather3A_1087 = arith.constant 0 : i32
          %gather3A_1088 = tpu.memref_slice %arg9[%scan3A_1033, %gather3A_1086, %gather3A_1087] : memref<2x1024x8xf32, #tpu.memory_space<vmem>> -> memref<1x1024x8xf32, #tpu.memory_space<vmem>>
          %gather3A_1089 = tpu.memref_squeeze %gather3A_1088 : memref<1x1024x8xf32, #tpu.memory_space<vmem>> -> memref<1024x8xf32, #tpu.memory_space<vmem>>
          %gather3A_1090 = tpu.vector_load_idx %gather3A_1089[%add3A_1056, %broadcast_in_dim3A_1061] : memref<1024x8xf32, #tpu.memory_space<vmem>>[vector<16xi32>, vector<16xi32>], vector<16xf32>,
          %jit3A_1091 = arith.constant 8 : i32
          %div3A_1092 = arith.divsi %scan3A_1052, %jit3A_1091 : i32
          %sign3A_1093 = arith.constant 0 : i32
          %sign3A_1094 = arith.cmpi sgt, %scan3A_1052, %sign3A_1093 : i32
          %sign3A_1095 = arith.extui %sign3A_1094 : i1 to i32
          %sign3A_1096 = arith.constant 0 : i32
          %sign3A_1097 = arith.cmpi slt, %scan3A_1052, %sign3A_1096 : i32
          %sign3A_1098 = arith.extui %sign3A_1097 : i1 to i32
          %sign3A_1099 = arith.subi %sign3A_1095, %sign3A_1098 : i32
          %sign3A_1100 = arith.constant 0 : i32
          %sign3A_1101 = arith.cmpi sgt, %jit3A_1091, %sign3A_1100 : i32
          %sign3A_1102 = arith.extui %sign3A_1101 : i1 to i32
          %sign3A_1103 = arith.constant 0 : i32
          %sign3A_1104 = arith.cmpi slt, %jit3A_1091, %sign3A_1103 : i32
          %sign3A_1105 = arith.extui %sign3A_1104 : i1 to i32
          %sign3A_1106 = arith.subi %sign3A_1102, %sign3A_1105 : i32
          %ne3A_1107 = arith.cmpi ne, %sign3A_1099, %sign3A_1106 : i32
          %rem3A_1108 = arith.remsi %scan3A_1052, %jit3A_1091 : i32
          %ne3A_1109 = arith.constant 0 : i32
          %ne3A_1110 = arith.cmpi ne, %rem3A_1108, %ne3A_1109 : i32
          %and3A_1111 = arith.andi %ne3A_1107, %ne3A_1110 : i1
          %sub3A_1112 = arith.constant 1 : i32
          %sub3A_1113 = arith.subi %div3A_1092, %sub3A_1112 : i32
          %select_n3A_1114 = arith.select %and3A_1111, %sub3A_1113, %div3A_1092 : i32
          %jit3A_1115 = arith.constant 8 : i32
          %eq3A = arith.constant 0 : i32
          %eq3A_1116 = arith.cmpi eq, %jit3A_1115, %eq3A : i32
          %jit3A_1117 = arith.constant 1 : i32
          %select_n3A_1118 = arith.select %eq3A_1116, %jit3A_1117, %jit3A_1115 : i32
          %rem3A_1119 = arith.remsi %scan3A_1052, %select_n3A_1118 : i32
          %ne3A_1120 = arith.constant 0 : i32
          %ne3A_1121 = arith.cmpi ne, %rem3A_1119, %ne3A_1120 : i32
          %lt3A_1122 = arith.constant 0 : i32
          %lt3A_1123 = arith.cmpi slt, %rem3A_1119, %lt3A_1122 : i32
          %lt3A_1124 = arith.constant 0 : i32
          %lt3A_1125 = arith.cmpi slt, %select_n3A_1118, %lt3A_1124 : i32
          %ne3A_1126 = arith.xori %lt3A_1123, %lt3A_1125 : i1
          %and3A_1127 = arith.andi %ne3A_1126, %ne3A_1121 : i1
          %add3A_1128 = arith.addi %rem3A_1119, %select_n3A_1118 : i32
          %select_n3A_1129 = arith.select %and3A_1127, %add3A_1128, %rem3A_1119 : i32
          %mul3A_1130 = arith.constant 16 : i32
          %mul3A_1131 = arith.muli %select_n3A_1129, %mul3A_1130 : i32
          %get3A_1132 = arith.constant 0 : i32
          %get3A_1133 = arith.constant 0 : i32
          %get3A_1134 = arith.constant 0 : i32
          %get3A_1135 = arith.constant 0 : i32
          %get3A_1136 = tpu.memref_slice %arg10[%scan3A_1034, %get3A_1133, %get3A_1134, %get3A_1135] : memref<2x8x4x128xf32, #tpu.memory_space<vmem>> -> memref<1x8x4x128xf32, #tpu.memory_space<vmem>>
          %get3A_1137 = tpu.memref_squeeze %get3A_1136 : memref<1x8x4x128xf32, #tpu.memory_space<vmem>> -> memref<8x4x128xf32, #tpu.memory_space<vmem>>
          %get3A_1138 = arith.index_cast %select_n3A_1114 : i32 to index
          %get3A_1139 = arith.index_cast %get3A_1132 : i32 to index
          %get3A_1140 = arith.index_cast %mul3A_1131 : i32 to index
          %get3A_1141 = tpu.vector_load %get3A_1137[%get3A_1138, %get3A_1139, %get3A_1140] {strides = array<i32>} : memref<8x4x128xf32, #tpu.memory_space<vmem>>, vector<16xf32>,
          %get3A_1142 = arith.constant 1 : i32
          %get3A_1143 = arith.constant 0 : i32
          %get3A_1144 = arith.constant 0 : i32
          %get3A_1145 = arith.constant 0 : i32
          %get3A_1146 = tpu.memref_slice %arg10[%scan3A_1034, %get3A_1143, %get3A_1144, %get3A_1145] : memref<2x8x4x128xf32, #tpu.memory_space<vmem>> -> memref<1x8x4x128xf32, #tpu.memory_space<vmem>>
          %get3A_1147 = tpu.memref_squeeze %get3A_1146 : memref<1x8x4x128xf32, #tpu.memory_space<vmem>> -> memref<8x4x128xf32, #tpu.memory_space<vmem>>
          %get3A_1148 = arith.index_cast %select_n3A_1114 : i32 to index
          %get3A_1149 = arith.index_cast %get3A_1142 : i32 to index
          %get3A_1150 = arith.index_cast %mul3A_1131 : i32 to index
          %get3A_1151 = tpu.vector_load %get3A_1147[%get3A_1148, %get3A_1149, %get3A_1150] {strides = array<i32>} : memref<8x4x128xf32, #tpu.memory_space<vmem>>, vector<16xf32>,
          %get3A_1152 = arith.constant 2 : i32
          %get3A_1153 = arith.constant 0 : i32
          %get3A_1154 = arith.constant 0 : i32
          %get3A_1155 = arith.constant 0 : i32
          %get3A_1156 = tpu.memref_slice %arg10[%scan3A_1034, %get3A_1153, %get3A_1154, %get3A_1155] : memref<2x8x4x128xf32, #tpu.memory_space<vmem>> -> memref<1x8x4x128xf32, #tpu.memory_space<vmem>>
          %get3A_1157 = tpu.memref_squeeze %get3A_1156 : memref<1x8x4x128xf32, #tpu.memory_space<vmem>> -> memref<8x4x128xf32, #tpu.memory_space<vmem>>
          %get3A_1158 = arith.index_cast %select_n3A_1114 : i32 to index
          %get3A_1159 = arith.index_cast %get3A_1152 : i32 to index
          %get3A_1160 = arith.index_cast %mul3A_1131 : i32 to index
          %get3A_1161 = tpu.vector_load %get3A_1157[%get3A_1158, %get3A_1159, %get3A_1160] {strides = array<i32>} : memref<8x4x128xf32, #tpu.memory_space<vmem>>, vector<16xf32>,
          %mul3A_1162 = arith.constant 16 : i32
          %mul3A_1163 = arith.muli %scan3A_1052, %mul3A_1162 : i32
          %sub3A_1164 = arith.subf %gather3A_1080, %gather3A_1065 : vector<16xf32>
          %mul3A_1165 = arith.mulf %get3A_1141, %get3A_3 : vector<16xf32>
          %mul3A_1166 = arith.mulf %get3A_1151, %get3A_15 : vector<16xf32>
          %add3A_1167 = arith.addf %mul3A_1165, %mul3A_1166 : vector<16xf32>
          %mul3A_1168 = arith.mulf %get3A_1161, %get3A_27 : vector<16xf32>
          %add3A_1169 = arith.addf %add3A_1167, %mul3A_1168 : vector<16xf32>
          %add3A_1170 = arith.addf %sub3A_1164, %add3A_1169 : vector<16xf32>
          %sub3A_1171 = arith.subf %gather3A_1085, %gather3A_1070 : vector<16xf32>
          %mul3A_1172 = arith.mulf %get3A_1141, %get3A_7 : vector<16xf32>
          %mul3A_1173 = arith.mulf %get3A_1151, %get3A_19 : vector<16xf32>
          %add3A_1174 = arith.addf %mul3A_1172, %mul3A_1173 : vector<16xf32>
          %mul3A_1175 = arith.mulf %get3A_1161, %get3A_31 : vector<16xf32>
          %add3A_1176 = arith.addf %add3A_1174, %mul3A_1175 : vector<16xf32>
          %add3A_1177 = arith.addf %sub3A_1171, %add3A_1176 : vector<16xf32>
          %sub3A_1178 = arith.subf %gather3A_1090, %gather3A_1075 : vector<16xf32>
          %mul3A_1179 = arith.mulf %get3A_1141, %get3A_11 : vector<16xf32>
          %mul3A_1180 = arith.mulf %get3A_1151, %get3A_23 : vector<16xf32>
          %add3A_1181 = arith.addf %mul3A_1179, %mul3A_1180 : vector<16xf32>
          %mul3A_1182 = arith.mulf %get3A_1161, %get3A_35 : vector<16xf32>
          %add3A_1183 = arith.addf %add3A_1181, %mul3A_1182 : vector<16xf32>
          %add3A_1184 = arith.addf %sub3A_1178, %add3A_1183 : vector<16xf32>
          %mul3A_1185 = arith.mulf %add3A_1170, %add3A_1170 : vector<16xf32>
          %mul3A_1186 = arith.mulf %add3A_1177, %add3A_1177 : vector<16xf32>
          %add3A_1187 = arith.addf %mul3A_1185, %mul3A_1186 : vector<16xf32>
          %mul3A_1188 = arith.mulf %add3A_1184, %add3A_1184 : vector<16xf32>
          %add3A_1189 = arith.addf %add3A_1187, %mul3A_1188 : vector<16xf32>
          %max3A = arith.constant 1.000000e-30 : f32
          %max3A_1190 = vector.broadcast %max3A : f32 to vector<16xf32>
          %max3A_1191 = arith.maximumf %add3A_1189, %max3A_1190 : vector<16xf32>
          %bitcast_convert_type3A = tpu.bitcast %max3A_1191 : vector<16xf32> -> vector<16xi32>
          %shift_right_arithmetic3A = arith.constant 1 : i32
          %shift_right_arithmetic3A_1192 = vector.broadcast %shift_right_arithmetic3A : i32 to vector<16xi32>
          %shift_right_arithmetic3A_1193 = arith.shrsi %bitcast_convert_type3A, %shift_right_arithmetic3A_1192 : vector<16xi32>
          %sub3A_1194 = arith.constant 1597463007 : i32
          %sub3A_1195 = vector.broadcast %sub3A_1194 : i32 to vector<16xi32>
          %sub3A_1196 = arith.subi %sub3A_1195, %shift_right_arithmetic3A_1193 : vector<16xi32>
          %bitcast_convert_type3A_1197 = tpu.bitcast %sub3A_1196 : vector<16xi32> -> vector<16xf32>
          %mul3A_1198 = arith.constant 5.000000e-01 : f32
          %mul3A_1199 = vector.broadcast %mul3A_1198 : f32 to vector<16xf32>
          %mul3A_1200 = arith.mulf %mul3A_1199, %max3A_1191 : vector<16xf32>
          %mul3A_1201 = arith.mulf %mul3A_1200, %bitcast_convert_type3A_1197 : vector<16xf32>
          %mul3A_1202 = arith.mulf %mul3A_1201, %bitcast_convert_type3A_1197 : vector<16xf32>
          %sub3A_1203 = arith.constant 1.500000e+00 : f32
          %sub3A_1204 = vector.broadcast %sub3A_1203 : f32 to vector<16xf32>
          %sub3A_1205 = arith.subf %sub3A_1204, %mul3A_1202 : vector<16xf32>
          %mul3A_1206 = arith.mulf %bitcast_convert_type3A_1197, %sub3A_1205 : vector<16xf32>
          %mul3A_1207 = arith.constant 5.000000e-01 : f32
          %mul3A_1208 = vector.broadcast %mul3A_1207 : f32 to vector<16xf32>
          %mul3A_1209 = arith.mulf %mul3A_1208, %max3A_1191 : vector<16xf32>
          %mul3A_1210 = arith.mulf %mul3A_1209, %mul3A_1206 : vector<16xf32>
          %mul3A_1211 = arith.mulf %mul3A_1210, %mul3A_1206 : vector<16xf32>
          %sub3A_1212 = arith.constant 1.500000e+00 : f32
          %sub3A_1213 = vector.broadcast %sub3A_1212 : f32 to vector<16xf32>
          %sub3A_1214 = arith.subf %sub3A_1213, %mul3A_1211 : vector<16xf32>
          %mul3A_1215 = arith.mulf %mul3A_1206, %sub3A_1214 : vector<16xf32>
          %mul3A_1216 = arith.mulf %max3A_1191, %mul3A_1215 : vector<16xf32>
          %swap3A = arith.constant 0 : i32
          %swap3A_1217 = tpu.memref_slice %arg11[%scan3A_1035, %swap3A] : memref<2x1024xf32, #tpu.memory_space<vmem>> -> memref<1x1024xf32, #tpu.memory_space<vmem>>
          %swap3A_1218 = tpu.memref_squeeze %swap3A_1217 : memref<1x1024xf32, #tpu.memory_space<vmem>> -> memref<1024xf32, #tpu.memory_space<vmem>>
          %swap3A_1219 = arith.index_cast %mul3A_1163 : i32 to index
          %swap3A_1220 = tpu.vector_load %swap3A_1218[%swap3A_1219] {strides = array<i32>} : memref<1024xf32, #tpu.memory_space<vmem>>, vector<16xf32>,
          tpu.vector_store %swap3A_1218[%swap3A_1219], %mul3A_1216 {strides = array<i32>} : memref<1024xf32, #tpu.memory_space<vmem>>, vector<16xf32>,
          %scan3A_1221 = arith.constant 1 : i32
          %scan3A_1222 = arith.addi %scan3A_1052, %scan3A_1221 : i32
          %mul3A_1223 = arith.constant 16 : i32
          %mul3A_1224 = arith.muli %scan3A_1222, %mul3A_1223 : i32
          %add3A_1225 = vector.broadcast %mul3A_1224 : i32 to vector<16xi32>
          %add3A_1226 = arith.addi %iota3A, %add3A_1225 : vector<16xi32>
          %broadcast_in_dim3A_1227 = arith.constant 0 : i32
          %broadcast_in_dim3A_1228 = vector.broadcast %broadcast_in_dim3A_1227 : i32 to vector<16xi32>
          %broadcast_in_dim3A_1229 = arith.constant 1 : i32
          %broadcast_in_dim3A_1230 = vector.broadcast %broadcast_in_dim3A_1229 : i32 to vector<16xi32>
          %broadcast_in_dim3A_1231 = arith.constant 2 : i32
          %broadcast_in_dim3A_1232 = vector.broadcast %broadcast_in_dim3A_1231 : i32 to vector<16xi32>
          %gather3A_1233 = arith.constant 0 : i32
          %gather3A_1234 = arith.constant 0 : i32
          %gather3A_1235 = tpu.memref_slice %arg8[%scan3A_1032, %gather3A_1233, %gather3A_1234] : memref<2x1024x8xf32, #tpu.memory_space<vmem>> -> memref<1x1024x8xf32, #tpu.memory_space<vmem>>
          %gather3A_1236 = tpu.memref_squeeze %gather3A_1235 : memref<1x1024x8xf32, #tpu.memory_space<vmem>> -> memref<1024x8xf32, #tpu.memory_space<vmem>>
          %gather3A_1237 = tpu.vector_load_idx %gather3A_1236[%add3A_1226, %broadcast_in_dim3A_1228] : memref<1024x8xf32, #tpu.memory_space<vmem>>[vector<16xi32>, vector<16xi32>], vector<16xf32>,
          %gather3A_1238 = arith.constant 0 : i32
          %gather3A_1239 = arith.constant 0 : i32
          %gather3A_1240 = tpu.memref_slice %arg8[%scan3A_1032, %gather3A_1238, %gather3A_1239] : memref<2x1024x8xf32, #tpu.memory_space<vmem>> -> memref<1x1024x8xf32, #tpu.memory_space<vmem>>
          %gather3A_1241 = tpu.memref_squeeze %gather3A_1240 : memref<1x1024x8xf32, #tpu.memory_space<vmem>> -> memref<1024x8xf32, #tpu.memory_space<vmem>>
          %gather3A_1242 = tpu.vector_load_idx %gather3A_1241[%add3A_1226, %broadcast_in_dim3A_1230] : memref<1024x8xf32, #tpu.memory_space<vmem>>[vector<16xi32>, vector<16xi32>], vector<16xf32>,
          %gather3A_1243 = arith.constant 0 : i32
          %gather3A_1244 = arith.constant 0 : i32
          %gather3A_1245 = tpu.memref_slice %arg8[%scan3A_1032, %gather3A_1243, %gather3A_1244] : memref<2x1024x8xf32, #tpu.memory_space<vmem>> -> memref<1x1024x8xf32, #tpu.memory_space<vmem>>
          %gather3A_1246 = tpu.memref_squeeze %gather3A_1245 : memref<1x1024x8xf32, #tpu.memory_space<vmem>> -> memref<1024x8xf32, #tpu.memory_space<vmem>>
          %gather3A_1247 = tpu.vector_load_idx %gather3A_1246[%add3A_1226, %broadcast_in_dim3A_1232] : memref<1024x8xf32, #tpu.memory_space<vmem>>[vector<16xi32>, vector<16xi32>], vector<16xf32>,
          %gather3A_1248 = arith.constant 0 : i32
          %gather3A_1249 = arith.constant 0 : i32
          %gather3A_1250 = tpu.memref_slice %arg9[%scan3A_1033, %gather3A_1248, %gather3A_1249] : memref<2x1024x8xf32, #tpu.memory_space<vmem>> -> memref<1x1024x8xf32, #tpu.memory_space<vmem>>
          %gather3A_1251 = tpu.memref_squeeze %gather3A_1250 : memref<1x1024x8xf32, #tpu.memory_space<vmem>> -> memref<1024x8xf32, #tpu.memory_space<vmem>>
          %gather3A_1252 = tpu.vector_load_idx %gather3A_1251[%add3A_1226, %broadcast_in_dim3A_1228] : memref<1024x8xf32, #tpu.memory_space<vmem>>[vector<16xi32>, vector<16xi32>], vector<16xf32>,
          %gather3A_1253 = arith.constant 0 : i32
          %gather3A_1254 = arith.constant 0 : i32
          %gather3A_1255 = tpu.memref_slice %arg9[%scan3A_1033, %gather3A_1253, %gather3A_1254] : memref<2x1024x8xf32, #tpu.memory_space<vmem>> -> memref<1x1024x8xf32, #tpu.memory_space<vmem>>
          %gather3A_1256 = tpu.memref_squeeze %gather3A_1255 : memref<1x1024x8xf32, #tpu.memory_space<vmem>> -> memref<1024x8xf32, #tpu.memory_space<vmem>>
          %gather3A_1257 = tpu.vector_load_idx %gather3A_1256[%add3A_1226, %broadcast_in_dim3A_1230] : memref<1024x8xf32, #tpu.memory_space<vmem>>[vector<16xi32>, vector<16xi32>], vector<16xf32>,
          %gather3A_1258 = arith.constant 0 : i32
          %gather3A_1259 = arith.constant 0 : i32
          %gather3A_1260 = tpu.memref_slice %arg9[%scan3A_1033, %gather3A_1258, %gather3A_1259] : memref<2x1024x8xf32, #tpu.memory_space<vmem>> -> memref<1x1024x8xf32, #tpu.memory_space<vmem>>
          %gather3A_1261 = tpu.memref_squeeze %gather3A_1260 : memref<1x1024x8xf32, #tpu.memory_space<vmem>> -> memref<1024x8xf32, #tpu.memory_space<vmem>>
          %gather3A_1262 = tpu.vector_load_idx %gather3A_1261[%add3A_1226, %broadcast_in_dim3A_1232] : memref<1024x8xf32, #tpu.memory_space<vmem>>[vector<16xi32>, vector<16xi32>], vector<16xf32>,
          %jit3A_1263 = arith.constant 8 : i32
          %div3A_1264 = arith.divsi %scan3A_1222, %jit3A_1263 : i32
          %sign3A_1265 = arith.constant 0 : i32
          %sign3A_1266 = arith.cmpi sgt, %scan3A_1222, %sign3A_1265 : i32
          %sign3A_1267 = arith.extui %sign3A_1266 : i1 to i32
          %sign3A_1268 = arith.constant 0 : i32
          %sign3A_1269 = arith.cmpi slt, %scan3A_1222, %sign3A_1268 : i32
          %sign3A_1270 = arith.extui %sign3A_1269 : i1 to i32
          %sign3A_1271 = arith.subi %sign3A_1267, %sign3A_1270 : i32
          %sign3A_1272 = arith.constant 0 : i32
          %sign3A_1273 = arith.cmpi sgt, %jit3A_1263, %sign3A_1272 : i32
          %sign3A_1274 = arith.extui %sign3A_1273 : i1 to i32
          %sign3A_1275 = arith.constant 0 : i32
          %sign3A_1276 = arith.cmpi slt, %jit3A_1263, %sign3A_1275 : i32
          %sign3A_1277 = arith.extui %sign3A_1276 : i1 to i32
          %sign3A_1278 = arith.subi %sign3A_1274, %sign3A_1277 : i32
          %ne3A_1279 = arith.cmpi ne, %sign3A_1271, %sign3A_1278 : i32
          %rem3A_1280 = arith.remsi %scan3A_1222, %jit3A_1263 : i32
          %ne3A_1281 = arith.constant 0 : i32
          %ne3A_1282 = arith.cmpi ne, %rem3A_1280, %ne3A_1281 : i32
          %and3A_1283 = arith.andi %ne3A_1279, %ne3A_1282 : i1
          %sub3A_1284 = arith.constant 1 : i32
          %sub3A_1285 = arith.subi %div3A_1264, %sub3A_1284 : i32
          %select_n3A_1286 = arith.select %and3A_1283, %sub3A_1285, %div3A_1264 : i32
          %jit3A_1287 = arith.constant 8 : i32
          %eq3A_1288 = arith.constant 0 : i32
          %eq3A_1289 = arith.cmpi eq, %jit3A_1287, %eq3A_1288 : i32
          %jit3A_1290 = arith.constant 1 : i32
          %select_n3A_1291 = arith.select %eq3A_1289, %jit3A_1290, %jit3A_1287 : i32
          %rem3A_1292 = arith.remsi %scan3A_1222, %select_n3A_1291 : i32
          %ne3A_1293 = arith.constant 0 : i32
          %ne3A_1294 = arith.cmpi ne, %rem3A_1292, %ne3A_1293 : i32
          %lt3A_1295 = arith.constant 0 : i32
          %lt3A_1296 = arith.cmpi slt, %rem3A_1292, %lt3A_1295 : i32
          %lt3A_1297 = arith.constant 0 : i32
          %lt3A_1298 = arith.cmpi slt, %select_n3A_1291, %lt3A_1297 : i32
          %ne3A_1299 = arith.xori %lt3A_1296, %lt3A_1298 : i1
          %and3A_1300 = arith.andi %ne3A_1299, %ne3A_1294 : i1
          %add3A_1301 = arith.addi %rem3A_1292, %select_n3A_1291 : i32
          %select_n3A_1302 = arith.select %and3A_1300, %add3A_1301, %rem3A_1292 : i32
          %mul3A_1303 = arith.constant 16 : i32
          %mul3A_1304 = arith.muli %select_n3A_1302, %mul3A_1303 : i32
          %get3A_1305 = arith.constant 0 : i32
          %get3A_1306 = arith.constant 0 : i32
          %get3A_1307 = arith.constant 0 : i32
          %get3A_1308 = arith.constant 0 : i32
          %get3A_1309 = tpu.memref_slice %arg10[%scan3A_1034, %get3A_1306, %get3A_1307, %get3A_1308] : memref<2x8x4x128xf32, #tpu.memory_space<vmem>> -> memref<1x8x4x128xf32, #tpu.memory_space<vmem>>
          %get3A_1310 = tpu.memref_squeeze %get3A_1309 : memref<1x8x4x128xf32, #tpu.memory_space<vmem>> -> memref<8x4x128xf32, #tpu.memory_space<vmem>>
          %get3A_1311 = arith.index_cast %select_n3A_1286 : i32 to index
          %get3A_1312 = arith.index_cast %get3A_1305 : i32 to index
          %get3A_1313 = arith.index_cast %mul3A_1304 : i32 to index
          %get3A_1314 = tpu.vector_load %get3A_1310[%get3A_1311, %get3A_1312, %get3A_1313] {strides = array<i32>} : memref<8x4x128xf32, #tpu.memory_space<vmem>>, vector<16xf32>,
          %get3A_1315 = arith.constant 1 : i32
          %get3A_1316 = arith.constant 0 : i32
          %get3A_1317 = arith.constant 0 : i32
          %get3A_1318 = arith.constant 0 : i32
          %get3A_1319 = tpu.memref_slice %arg10[%scan3A_1034, %get3A_1316, %get3A_1317, %get3A_1318] : memref<2x8x4x128xf32, #tpu.memory_space<vmem>> -> memref<1x8x4x128xf32, #tpu.memory_space<vmem>>
          %get3A_1320 = tpu.memref_squeeze %get3A_1319 : memref<1x8x4x128xf32, #tpu.memory_space<vmem>> -> memref<8x4x128xf32, #tpu.memory_space<vmem>>
          %get3A_1321 = arith.index_cast %select_n3A_1286 : i32 to index
          %get3A_1322 = arith.index_cast %get3A_1315 : i32 to index
          %get3A_1323 = arith.index_cast %mul3A_1304 : i32 to index
          %get3A_1324 = tpu.vector_load %get3A_1320[%get3A_1321, %get3A_1322, %get3A_1323] {strides = array<i32>} : memref<8x4x128xf32, #tpu.memory_space<vmem>>, vector<16xf32>,
          %get3A_1325 = arith.constant 2 : i32
          %get3A_1326 = arith.constant 0 : i32
          %get3A_1327 = arith.constant 0 : i32
          %get3A_1328 = arith.constant 0 : i32
          %get3A_1329 = tpu.memref_slice %arg10[%scan3A_1034, %get3A_1326, %get3A_1327, %get3A_1328] : memref<2x8x4x128xf32, #tpu.memory_space<vmem>> -> memref<1x8x4x128xf32, #tpu.memory_space<vmem>>
          %get3A_1330 = tpu.memref_squeeze %get3A_1329 : memref<1x8x4x128xf32, #tpu.memory_space<vmem>> -> memref<8x4x128xf32, #tpu.memory_space<vmem>>
          %get3A_1331 = arith.index_cast %select_n3A_1286 : i32 to index
          %get3A_1332 = arith.index_cast %get3A_1325 : i32 to index
          %get3A_1333 = arith.index_cast %mul3A_1304 : i32 to index
          %get3A_1334 = tpu.vector_load %get3A_1330[%get3A_1331, %get3A_1332, %get3A_1333] {strides = array<i32>} : memref<8x4x128xf32, #tpu.memory_space<vmem>>, vector<16xf32>,
          %mul3A_1335 = arith.constant 16 : i32
          %mul3A_1336 = arith.muli %scan3A_1222, %mul3A_1335 : i32
          %sub3A_1337 = arith.subf %gather3A_1252, %gather3A_1237 : vector<16xf32>
          %mul3A_1338 = arith.mulf %get3A_1314, %get3A_3 : vector<16xf32>
          %mul3A_1339 = arith.mulf %get3A_1324, %get3A_15 : vector<16xf32>
          %add3A_1340 = arith.addf %mul3A_1338, %mul3A_1339 : vector<16xf32>
          %mul3A_1341 = arith.mulf %get3A_1334, %get3A_27 : vector<16xf32>
          %add3A_1342 = arith.addf %add3A_1340, %mul3A_1341 : vector<16xf32>
          %add3A_1343 = arith.addf %sub3A_1337, %add3A_1342 : vector<16xf32>
          %sub3A_1344 = arith.subf %gather3A_1257, %gather3A_1242 : vector<16xf32>
          %mul3A_1345 = arith.mulf %get3A_1314, %get3A_7 : vector<16xf32>
          %mul3A_1346 = arith.mulf %get3A_1324, %get3A_19 : vector<16xf32>
          %add3A_1347 = arith.addf %mul3A_1345, %mul3A_1346 : vector<16xf32>
          %mul3A_1348 = arith.mulf %get3A_1334, %get3A_31 : vector<16xf32>
          %add3A_1349 = arith.addf %add3A_1347, %mul3A_1348 : vector<16xf32>
          %add3A_1350 = arith.addf %sub3A_1344, %add3A_1349 : vector<16xf32>
          %sub3A_1351 = arith.subf %gather3A_1262, %gather3A_1247 : vector<16xf32>
          %mul3A_1352 = arith.mulf %get3A_1314, %get3A_11 : vector<16xf32>
          %mul3A_1353 = arith.mulf %get3A_1324, %get3A_23 : vector<16xf32>
          %add3A_1354 = arith.addf %mul3A_1352, %mul3A_1353 : vector<16xf32>
          %mul3A_1355 = arith.mulf %get3A_1334, %get3A_35 : vector<16xf32>
          %add3A_1356 = arith.addf %add3A_1354, %mul3A_1355 : vector<16xf32>
          %add3A_1357 = arith.addf %sub3A_1351, %add3A_1356 : vector<16xf32>
          %mul3A_1358 = arith.mulf %add3A_1343, %add3A_1343 : vector<16xf32>
          %mul3A_1359 = arith.mulf %add3A_1350, %add3A_1350 : vector<16xf32>
          %add3A_1360 = arith.addf %mul3A_1358, %mul3A_1359 : vector<16xf32>
          %mul3A_1361 = arith.mulf %add3A_1357, %add3A_1357 : vector<16xf32>
          %add3A_1362 = arith.addf %add3A_1360, %mul3A_1361 : vector<16xf32>
          %max3A_1363 = arith.constant 1.000000e-30 : f32
          %max3A_1364 = vector.broadcast %max3A_1363 : f32 to vector<16xf32>
          %max3A_1365 = arith.maximumf %add3A_1362, %max3A_1364 : vector<16xf32>
          %bitcast_convert_type3A_1366 = tpu.bitcast %max3A_1365 : vector<16xf32> -> vector<16xi32>
          %shift_right_arithmetic3A_1367 = arith.constant 1 : i32
          %shift_right_arithmetic3A_1368 = vector.broadcast %shift_right_arithmetic3A_1367 : i32 to vector<16xi32>
          %shift_right_arithmetic3A_1369 = arith.shrsi %bitcast_convert_type3A_1366, %shift_right_arithmetic3A_1368 : vector<16xi32>
          %sub3A_1370 = arith.constant 1597463007 : i32
          %sub3A_1371 = vector.broadcast %sub3A_1370 : i32 to vector<16xi32>
          %sub3A_1372 = arith.subi %sub3A_1371, %shift_right_arithmetic3A_1369 : vector<16xi32>
          %bitcast_convert_type3A_1373 = tpu.bitcast %sub3A_1372 : vector<16xi32> -> vector<16xf32>
          %mul3A_1374 = arith.constant 5.000000e-01 : f32
          %mul3A_1375 = vector.broadcast %mul3A_1374 : f32 to vector<16xf32>
          %mul3A_1376 = arith.mulf %mul3A_1375, %max3A_1365 : vector<16xf32>
          %mul3A_1377 = arith.mulf %mul3A_1376, %bitcast_convert_type3A_1373 : vector<16xf32>
          %mul3A_1378 = arith.mulf %mul3A_1377, %bitcast_convert_type3A_1373 : vector<16xf32>
          %sub3A_1379 = arith.constant 1.500000e+00 : f32
          %sub3A_1380 = vector.broadcast %sub3A_1379 : f32 to vector<16xf32>
          %sub3A_1381 = arith.subf %sub3A_1380, %mul3A_1378 : vector<16xf32>
          %mul3A_1382 = arith.mulf %bitcast_convert_type3A_1373, %sub3A_1381 : vector<16xf32>
          %mul3A_1383 = arith.constant 5.000000e-01 : f32
          %mul3A_1384 = vector.broadcast %mul3A_1383 : f32 to vector<16xf32>
          %mul3A_1385 = arith.mulf %mul3A_1384, %max3A_1365 : vector<16xf32>
          %mul3A_1386 = arith.mulf %mul3A_1385, %mul3A_1382 : vector<16xf32>
          %mul3A_1387 = arith.mulf %mul3A_1386, %mul3A_1382 : vector<16xf32>
          %sub3A_1388 = arith.constant 1.500000e+00 : f32
          %sub3A_1389 = vector.broadcast %sub3A_1388 : f32 to vector<16xf32>
          %sub3A_1390 = arith.subf %sub3A_1389, %mul3A_1387 : vector<16xf32>
          %mul3A_1391 = arith.mulf %mul3A_1382, %sub3A_1390 : vector<16xf32>
          %mul3A_1392 = arith.mulf %max3A_1365, %mul3A_1391 : vector<16xf32>
          %swap3A_1393 = arith.constant 0 : i32
          %swap3A_1394 = tpu.memref_slice %arg11[%scan3A_1035, %swap3A_1393] : memref<2x1024xf32, #tpu.memory_space<vmem>> -> memref<1x1024xf32, #tpu.memory_space<vmem>>
          %swap3A_1395 = tpu.memref_squeeze %swap3A_1394 : memref<1x1024xf32, #tpu.memory_space<vmem>> -> memref<1024xf32, #tpu.memory_space<vmem>>
          %swap3A_1396 = arith.index_cast %mul3A_1336 : i32 to index
          %swap3A_1397 = tpu.vector_load %swap3A_1395[%swap3A_1396] {strides = array<i32>} : memref<1024xf32, #tpu.memory_space<vmem>>, vector<16xf32>,
          tpu.vector_store %swap3A_1395[%swap3A_1396], %mul3A_1392 {strides = array<i32>} : memref<1024xf32, #tpu.memory_space<vmem>>, vector<16xf32>,
        }
        %scan3A_1040 = arith.constant 64 : i32
        %mul3A_1041 = arith.constant 1024 : i32
        %mul3A_1042 = arith.muli %add3A_389, %mul3A_1041 : i32
        %dma_start3A_1043 = arith.constant 1 : i32
        %dma_start3A_1044 = arith.constant 0 : i32
        %dma_start3A_1045 = tpu.memref_slice %arg11[%dma_start3A_1043, %dma_start3A_1044] : memref<2x1024xf32, #tpu.memory_space<vmem>> -> memref<1x1024xf32, #tpu.memory_space<vmem>>
        %dma_start3A_1046 = tpu.memref_squeeze %dma_start3A_1045 : memref<1x1024xf32, #tpu.memory_space<vmem>> -> memref<1024xf32, #tpu.memory_space<vmem>>
        %dma_start3A_1047 = tpu.memref_slice %arg6[%mul3A_1042] : memref<3200000xf32, #tpu.memory_space<hbm>> -> memref<1024xf32, #tpu.memory_space<hbm>>
        %dma_start3A_1048 = tpu.memref_slice %arg6[%mul3A_1042] : memref<3200000xf32, #tpu.memory_space<hbm>> -> memref<1024xf32, #tpu.memory_space<hbm>>
        %dma_start3A_1049 = arith.constant 0 : i32
        %dma_start3A_1050 = tpu.memref_slice %arg11[%dma_start3A_1043, %dma_start3A_1049] : memref<2x1024xf32, #tpu.memory_space<vmem>> -> memref<1x1024xf32, #tpu.memory_space<vmem>>
        %dma_start3A_1051 = tpu.memref_squeeze %dma_start3A_1050 : memref<1x1024xf32, #tpu.memory_space<vmem>> -> memref<1024xf32, #tpu.memory_space<vmem>>
        tpu.enqueue_dma source(%dma_start3A_1051 : memref<1024xf32, #tpu.memory_space<vmem>>) target(%dma_start3A_1048 : memref<1024xf32, #tpu.memory_space<hbm>>) target_semaphore(%arg14 : memref<!tpu.dma_semaphore, #tpu.memory_space<semaphore_mem>>)
      } else {
      }
    }
    %while3A_360 = arith.constant 1 : i32
    scf.for %while3A_382 = %while3A_358 to %while3A_354 step %while3A_360  : i32 {
      %mul3A_383 = arith.constant 2 : i32
      %mul3A_384 = arith.muli %mul3A_383, %while3A_382 : i32
      %mul3A_385 = arith.constant 32 : i32
      %mul3A_386 = arith.muli %mul3A_384, %mul3A_385 : i32
      %add3A_387 = arith.addi %add3A, %mul3A_386 : i32
      %add3A_388 = arith.constant 32 : i32
      %add3A_389 = arith.addi %add3A_387, %add3A_388 : i32
      %mul3A_390 = arith.constant 2 : i32
      %mul3A_391 = arith.muli %mul3A_390, %while3A_382 : i32
      %add3A_392 = arith.constant 1 : i32
      %add3A_393 = arith.addi %mul3A_391, %add3A_392 : i32
      %lt3A_394 = arith.cmpi slt, %add3A_393, %add3A_39 : i32
      %convert_element_type3A = arith.extui %lt3A_394 : i1 to i32
      %cond3A = arith.constant 0 : i32
      %cond3A_395 = arith.cmpi ne, %convert_element_type3A, %cond3A : i32
      scf.if %cond3A_395 {
        %mul3A_717 = arith.constant 8 : i32
        %mul3A_718 = arith.muli %add3A_389, %mul3A_717 : i32
        %dma_start3A_719 = arith.constant 1 : i32
        %dma_start3A_720 = arith.constant 0 : i32
        %dma_start3A_721 = arith.constant 0 : i32
        %dma_start3A_722 = arith.constant 0 : i32
        %dma_start3A_723 = tpu.memref_slice %arg7[%dma_start3A_719, %dma_start3A_720, %dma_start3A_721, %dma_start3A_722] : memref<2x8x2x128xi32, #tpu.memory_space<vmem>> -> memref<1x8x2x128xi32, #tpu.memory_space<vmem>>
        %dma_start3A_724 = tpu.memref_squeeze %dma_start3A_723 : memref<1x8x2x128xi32, #tpu.memory_space<vmem>> -> memref<8x2x128xi32, #tpu.memory_space<vmem>>
        %dma_start3A_725 = arith.constant 0 : i32
        %dma_start3A_726 = arith.constant 0 : i32
        %dma_start3A_727 = tpu.memref_slice %arg3[%mul3A_718, %dma_start3A_725, %dma_start3A_726] : memref<25000x2x128xi32, #tpu.memory_space<hbm>> -> memref<8x2x128xi32, #tpu.memory_space<hbm>>
        %dma_start3A_728 = arith.constant 0 : i32
        %dma_start3A_729 = arith.constant 0 : i32
        %dma_start3A_730 = arith.constant 0 : i32
        %dma_start3A_731 = tpu.memref_slice %arg7[%dma_start3A_719, %dma_start3A_728, %dma_start3A_729, %dma_start3A_730] : memref<2x8x2x128xi32, #tpu.memory_space<vmem>> -> memref<1x8x2x128xi32, #tpu.memory_space<vmem>>
        %dma_start3A_732 = tpu.memref_squeeze %dma_start3A_731 : memref<1x8x2x128xi32, #tpu.memory_space<vmem>> -> memref<8x2x128xi32, #tpu.memory_space<vmem>>
        %dma_start3A_733 = arith.constant 0 : i32
        %dma_start3A_734 = arith.constant 0 : i32
        %dma_start3A_735 = tpu.memref_slice %arg3[%mul3A_718, %dma_start3A_733, %dma_start3A_734] : memref<25000x2x128xi32, #tpu.memory_space<hbm>> -> memref<8x2x128xi32, #tpu.memory_space<hbm>>
        tpu.enqueue_dma source(%dma_start3A_735 : memref<8x2x128xi32, #tpu.memory_space<hbm>>) target(%dma_start3A_732 : memref<8x2x128xi32, #tpu.memory_space<vmem>>) target_semaphore(%arg15 : memref<!tpu.dma_semaphore, #tpu.memory_space<semaphore_mem>>)
      } else {
      }
      %mul3A_396 = arith.constant 8 : i32
      %mul3A_397 = arith.muli %add3A_387, %mul3A_396 : i32
      %dma_wait3A_398 = arith.constant 0 : i32
      %dma_wait3A_399 = arith.constant 0 : i32
      %dma_wait3A_400 = arith.constant 0 : i32
      %dma_wait3A_401 = arith.constant 0 : i32
      %dma_wait3A_402 = arith.constant 0 : i32
      %dma_wait3A_403 = arith.constant 0 : i32
      %dma_wait3A_404 = tpu.memref_slice %arg8[%dma_wait3A_401, %dma_wait3A_402, %dma_wait3A_403] : memref<2x1024x8xf32, #tpu.memory_space<vmem>> -> memref<1x1024x8xf32, #tpu.memory_space<vmem>>
      %dma_wait3A_405 = tpu.memref_squeeze %dma_wait3A_404 : memref<1x1024x8xf32, #tpu.memory_space<vmem>> -> memref<1024x8xf32, #tpu.memory_space<vmem>>
      %dma_wait3A_406 = arith.constant 0 : i32
      %dma_wait3A_407 = arith.constant 0 : i32
      %dma_wait3A_408 = tpu.memref_slice %dma_wait3A_405[%dma_wait3A_406, %dma_wait3A_407] : memref<1024x8xf32, #tpu.memory_space<vmem>> -> memref<128x8xf32, #tpu.memory_space<vmem>>
      %dma_wait3A_409 = arith.constant 0 : i32
      %dma_wait3A_410 = tpu.memref_slice %arg7[%dma_wait3A_398, %dma_wait3A_399, %dma_wait3A_400, %dma_wait3A_409] : memref<2x8x2x128xi32, #tpu.memory_space<vmem>> -> memref<1x1x1x128xi32, #tpu.memory_space<vmem>>
      %dma_wait3A_411 = tpu.memref_squeeze %dma_wait3A_410 : memref<1x1x1x128xi32, #tpu.memory_space<vmem>> -> memref<128xi32, #tpu.memory_space<vmem>>
      %dma_wait3A_412 = arith.constant 0 : i32
      %dma_wait3A_413 = arith.constant 0 : i32
      %dma_wait3A_414 = tpu.memref_slice %arg2[%dma_wait3A_412, %dma_wait3A_413] : memref<100000x8xf32, #tpu.memory_space<hbm>> -> memref<100000x8xf32, #tpu.memory_space<hbm>>
      tpu.wait_indirect_dma semaphore(%arg13 : memref<!tpu.dma_semaphore, #tpu.memory_space<semaphore_mem>>) src(%dma_wait3A_414 : memref<100000x8xf32, #tpu.memory_space<hbm>>) dst(%dma_wait3A_408 : memref<128x8xf32, #tpu.memory_space<vmem>>)
      %dma_wait3A_415 = arith.constant 0 : i32
      %dma_wait3A_416 = arith.constant 0 : i32
      %dma_wait3A_417 = arith.constant 1 : i32
      %dma_wait3A_418 = arith.constant 0 : i32
      %dma_wait3A_419 = arith.constant 0 : i32
      %dma_wait3A_420 = arith.constant 0 : i32
      %dma_wait3A_421 = tpu.memref_slice %arg9[%dma_wait3A_418, %dma_wait3A_419, %dma_wait3A_420] : memref<2x1024x8xf32, #tpu.memory_space<vmem>> -> memref<1x1024x8xf32, #tpu.memory_space<vmem>>
      %dma_wait3A_422 = tpu.memref_squeeze %dma_wait3A_421 : memref<1x1024x8xf32, #tpu.memory_space<vmem>> -> memref<1024x8xf32, #tpu.memory_space<vmem>>
      %dma_wait3A_423 = arith.constant 0 : i32
      %dma_wait3A_424 = arith.constant 0 : i32
      %dma_wait3A_425 = tpu.memref_slice %dma_wait3A_422[%dma_wait3A_423, %dma_wait3A_424] : memref<1024x8xf32, #tpu.memory_space<vmem>> -> memref<128x8xf32, #tpu.memory_space<vmem>>
      %dma_wait3A_426 = arith.constant 0 : i32
      %dma_wait3A_427 = tpu.memref_slice %arg7[%dma_wait3A_415, %dma_wait3A_416, %dma_wait3A_417, %dma_wait3A_426] : memref<2x8x2x128xi32, #tpu.memory_space<vmem>> -> memref<1x1x1x128xi32, #tpu.memory_space<vmem>>
      %dma_wait3A_428 = tpu.memref_squeeze %dma_wait3A_427 : memref<1x1x1x128xi32, #tpu.memory_space<vmem>> -> memref<128xi32, #tpu.memory_space<vmem>>
      %dma_wait3A_429 = arith.constant 0 : i32
      %dma_wait3A_430 = arith.constant 0 : i32
      %dma_wait3A_431 = tpu.memref_slice %arg2[%dma_wait3A_429, %dma_wait3A_430] : memref<100000x8xf32, #tpu.memory_space<hbm>> -> memref<100000x8xf32, #tpu.memory_space<hbm>>
      tpu.wait_indirect_dma semaphore(%arg13 : memref<!tpu.dma_semaphore, #tpu.memory_space<semaphore_mem>>) src(%dma_wait3A_431 : memref<100000x8xf32, #tpu.memory_space<hbm>>) dst(%dma_wait3A_425 : memref<128x8xf32, #tpu.memory_space<vmem>>)
      %dma_wait3A_432 = arith.constant 0 : i32
      %dma_wait3A_433 = arith.constant 1 : i32
      %dma_wait3A_434 = arith.constant 0 : i32
      %dma_wait3A_435 = arith.constant 0 : i32
      %dma_wait3A_436 = arith.constant 0 : i32
      %dma_wait3A_437 = arith.constant 0 : i32
      %dma_wait3A_438 = tpu.memref_slice %arg8[%dma_wait3A_435, %dma_wait3A_436, %dma_wait3A_437] : memref<2x1024x8xf32, #tpu.memory_space<vmem>> -> memref<1x1024x8xf32, #tpu.memory_space<vmem>>
      %dma_wait3A_439 = tpu.memref_squeeze %dma_wait3A_438 : memref<1x1024x8xf32, #tpu.memory_space<vmem>> -> memref<1024x8xf32, #tpu.memory_space<vmem>>
      %dma_wait3A_440 = arith.constant 128 : i32
      %dma_wait3A_441 = arith.constant 0 : i32
      %dma_wait3A_442 = tpu.memref_slice %dma_wait3A_439[%dma_wait3A_440, %dma_wait3A_441] : memref<1024x8xf32, #tpu.memory_space<vmem>> -> memref<128x8xf32, #tpu.memory_space<vmem>>
      %dma_wait3A_443 = arith.constant 0 : i32
      %dma_wait3A_444 = tpu.memref_slice %arg7[%dma_wait3A_432, %dma_wait3A_433, %dma_wait3A_434, %dma_wait3A_443] : memref<2x8x2x128xi32, #tpu.memory_space<vmem>> -> memref<1x1x1x128xi32, #tpu.memory_space<vmem>>
      %dma_wait3A_445 = tpu.memref_squeeze %dma_wait3A_444 : memref<1x1x1x128xi32, #tpu.memory_space<vmem>> -> memref<128xi32, #tpu.memory_space<vmem>>
      %dma_wait3A_446 = arith.constant 0 : i32
      %dma_wait3A_447 = arith.constant 0 : i32
      %dma_wait3A_448 = tpu.memref_slice %arg2[%dma_wait3A_446, %dma_wait3A_447] : memref<100000x8xf32, #tpu.memory_space<hbm>> -> memref<100000x8xf32, #tpu.memory_space<hbm>>
      tpu.wait_indirect_dma semaphore(%arg13 : memref<!tpu.dma_semaphore, #tpu.memory_space<semaphore_mem>>) src(%dma_wait3A_448 : memref<100000x8xf32, #tpu.memory_space<hbm>>) dst(%dma_wait3A_442 : memref<128x8xf32, #tpu.memory_space<vmem>>)
      %dma_wait3A_449 = arith.constant 0 : i32
      %dma_wait3A_450 = arith.constant 1 : i32
      %dma_wait3A_451 = arith.constant 1 : i32
      %dma_wait3A_452 = arith.constant 0 : i32
      %dma_wait3A_453 = arith.constant 0 : i32
      %dma_wait3A_454 = arith.constant 0 : i32
      %dma_wait3A_455 = tpu.memref_slice %arg9[%dma_wait3A_452, %dma_wait3A_453, %dma_wait3A_454] : memref<2x1024x8xf32, #tpu.memory_space<vmem>> -> memref<1x1024x8xf32, #tpu.memory_space<vmem>>
      %dma_wait3A_456 = tpu.memref_squeeze %dma_wait3A_455 : memref<1x1024x8xf32, #tpu.memory_space<vmem>> -> memref<1024x8xf32, #tpu.memory_space<vmem>>
      %dma_wait3A_457 = arith.constant 128 : i32
      %dma_wait3A_458 = arith.constant 0 : i32
      %dma_wait3A_459 = tpu.memref_slice %dma_wait3A_456[%dma_wait3A_457, %dma_wait3A_458] : memref<1024x8xf32, #tpu.memory_space<vmem>> -> memref<128x8xf32, #tpu.memory_space<vmem>>
      %dma_wait3A_460 = arith.constant 0 : i32
      %dma_wait3A_461 = tpu.memref_slice %arg7[%dma_wait3A_449, %dma_wait3A_450, %dma_wait3A_451, %dma_wait3A_460] : memref<2x8x2x128xi32, #tpu.memory_space<vmem>> -> memref<1x1x1x128xi32, #tpu.memory_space<vmem>>
      %dma_wait3A_462 = tpu.memref_squeeze %dma_wait3A_461 : memref<1x1x1x128xi32, #tpu.memory_space<vmem>> -> memref<128xi32, #tpu.memory_space<vmem>>
      %dma_wait3A_463 = arith.constant 0 : i32
      %dma_wait3A_464 = arith.constant 0 : i32
      %dma_wait3A_465 = tpu.memref_slice %arg2[%dma_wait3A_463, %dma_wait3A_464] : memref<100000x8xf32, #tpu.memory_space<hbm>> -> memref<100000x8xf32, #tpu.memory_space<hbm>>
      tpu.wait_indirect_dma semaphore(%arg13 : memref<!tpu.dma_semaphore, #tpu.memory_space<semaphore_mem>>) src(%dma_wait3A_465 : memref<100000x8xf32, #tpu.memory_space<hbm>>) dst(%dma_wait3A_459 : memref<128x8xf32, #tpu.memory_space<vmem>>)
      %dma_wait3A_466 = arith.constant 0 : i32
      %dma_wait3A_467 = arith.constant 2 : i32
      %dma_wait3A_468 = arith.constant 0 : i32
      %dma_wait3A_469 = arith.constant 0 : i32
      %dma_wait3A_470 = arith.constant 0 : i32
      %dma_wait3A_471 = arith.constant 0 : i32
      %dma_wait3A_472 = tpu.memref_slice %arg8[%dma_wait3A_469, %dma_wait3A_470, %dma_wait3A_471] : memref<2x1024x8xf32, #tpu.memory_space<vmem>> -> memref<1x1024x8xf32, #tpu.memory_space<vmem>>
      %dma_wait3A_473 = tpu.memref_squeeze %dma_wait3A_472 : memref<1x1024x8xf32, #tpu.memory_space<vmem>> -> memref<1024x8xf32, #tpu.memory_space<vmem>>
      %dma_wait3A_474 = arith.constant 256 : i32
      %dma_wait3A_475 = arith.constant 0 : i32
      %dma_wait3A_476 = tpu.memref_slice %dma_wait3A_473[%dma_wait3A_474, %dma_wait3A_475] : memref<1024x8xf32, #tpu.memory_space<vmem>> -> memref<128x8xf32, #tpu.memory_space<vmem>>
      %dma_wait3A_477 = arith.constant 0 : i32
      %dma_wait3A_478 = tpu.memref_slice %arg7[%dma_wait3A_466, %dma_wait3A_467, %dma_wait3A_468, %dma_wait3A_477] : memref<2x8x2x128xi32, #tpu.memory_space<vmem>> -> memref<1x1x1x128xi32, #tpu.memory_space<vmem>>
      %dma_wait3A_479 = tpu.memref_squeeze %dma_wait3A_478 : memref<1x1x1x128xi32, #tpu.memory_space<vmem>> -> memref<128xi32, #tpu.memory_space<vmem>>
      %dma_wait3A_480 = arith.constant 0 : i32
      %dma_wait3A_481 = arith.constant 0 : i32
      %dma_wait3A_482 = tpu.memref_slice %arg2[%dma_wait3A_480, %dma_wait3A_481] : memref<100000x8xf32, #tpu.memory_space<hbm>> -> memref<100000x8xf32, #tpu.memory_space<hbm>>
      tpu.wait_indirect_dma semaphore(%arg13 : memref<!tpu.dma_semaphore, #tpu.memory_space<semaphore_mem>>) src(%dma_wait3A_482 : memref<100000x8xf32, #tpu.memory_space<hbm>>) dst(%dma_wait3A_476 : memref<128x8xf32, #tpu.memory_space<vmem>>)
      %dma_wait3A_483 = arith.constant 0 : i32
      %dma_wait3A_484 = arith.constant 2 : i32
      %dma_wait3A_485 = arith.constant 1 : i32
      %dma_wait3A_486 = arith.constant 0 : i32
      %dma_wait3A_487 = arith.constant 0 : i32
      %dma_wait3A_488 = arith.constant 0 : i32
      %dma_wait3A_489 = tpu.memref_slice %arg9[%dma_wait3A_486, %dma_wait3A_487, %dma_wait3A_488] : memref<2x1024x8xf32, #tpu.memory_space<vmem>> -> memref<1x1024x8xf32, #tpu.memory_space<vmem>>
      %dma_wait3A_490 = tpu.memref_squeeze %dma_wait3A_489 : memref<1x1024x8xf32, #tpu.memory_space<vmem>> -> memref<1024x8xf32, #tpu.memory_space<vmem>>
      %dma_wait3A_491 = arith.constant 256 : i32
      %dma_wait3A_492 = arith.constant 0 : i32
      %dma_wait3A_493 = tpu.memref_slice %dma_wait3A_490[%dma_wait3A_491, %dma_wait3A_492] : memref<1024x8xf32, #tpu.memory_space<vmem>> -> memref<128x8xf32, #tpu.memory_space<vmem>>
      %dma_wait3A_494 = arith.constant 0 : i32
      %dma_wait3A_495 = tpu.memref_slice %arg7[%dma_wait3A_483, %dma_wait3A_484, %dma_wait3A_485, %dma_wait3A_494] : memref<2x8x2x128xi32, #tpu.memory_space<vmem>> -> memref<1x1x1x128xi32, #tpu.memory_space<vmem>>
      %dma_wait3A_496 = tpu.memref_squeeze %dma_wait3A_495 : memref<1x1x1x128xi32, #tpu.memory_space<vmem>> -> memref<128xi32, #tpu.memory_space<vmem>>
      %dma_wait3A_497 = arith.constant 0 : i32
      %dma_wait3A_498 = arith.constant 0 : i32
      %dma_wait3A_499 = tpu.memref_slice %arg2[%dma_wait3A_497, %dma_wait3A_498] : memref<100000x8xf32, #tpu.memory_space<hbm>> -> memref<100000x8xf32, #tpu.memory_space<hbm>>
      tpu.wait_indirect_dma semaphore(%arg13 : memref<!tpu.dma_semaphore, #tpu.memory_space<semaphore_mem>>) src(%dma_wait3A_499 : memref<100000x8xf32, #tpu.memory_space<hbm>>) dst(%dma_wait3A_493 : memref<128x8xf32, #tpu.memory_space<vmem>>)
      %dma_wait3A_500 = arith.constant 0 : i32
      %dma_wait3A_501 = arith.constant 3 : i32
      %dma_wait3A_502 = arith.constant 0 : i32
      %dma_wait3A_503 = arith.constant 0 : i32
      %dma_wait3A_504 = arith.constant 0 : i32
      %dma_wait3A_505 = arith.constant 0 : i32
      %dma_wait3A_506 = tpu.memref_slice %arg8[%dma_wait3A_503, %dma_wait3A_504, %dma_wait3A_505] : memref<2x1024x8xf32, #tpu.memory_space<vmem>> -> memref<1x1024x8xf32, #tpu.memory_space<vmem>>
      %dma_wait3A_507 = tpu.memref_squeeze %dma_wait3A_506 : memref<1x1024x8xf32, #tpu.memory_space<vmem>> -> memref<1024x8xf32, #tpu.memory_space<vmem>>
      %dma_wait3A_508 = arith.constant 384 : i32
      %dma_wait3A_509 = arith.constant 0 : i32
      %dma_wait3A_510 = tpu.memref_slice %dma_wait3A_507[%dma_wait3A_508, %dma_wait3A_509] : memref<1024x8xf32, #tpu.memory_space<vmem>> -> memref<128x8xf32, #tpu.memory_space<vmem>>
      %dma_wait3A_511 = arith.constant 0 : i32
      %dma_wait3A_512 = tpu.memref_slice %arg7[%dma_wait3A_500, %dma_wait3A_501, %dma_wait3A_502, %dma_wait3A_511] : memref<2x8x2x128xi32, #tpu.memory_space<vmem>> -> memref<1x1x1x128xi32, #tpu.memory_space<vmem>>
      %dma_wait3A_513 = tpu.memref_squeeze %dma_wait3A_512 : memref<1x1x1x128xi32, #tpu.memory_space<vmem>> -> memref<128xi32, #tpu.memory_space<vmem>>
      %dma_wait3A_514 = arith.constant 0 : i32
      %dma_wait3A_515 = arith.constant 0 : i32
      %dma_wait3A_516 = tpu.memref_slice %arg2[%dma_wait3A_514, %dma_wait3A_515] : memref<100000x8xf32, #tpu.memory_space<hbm>> -> memref<100000x8xf32, #tpu.memory_space<hbm>>
      tpu.wait_indirect_dma semaphore(%arg13 : memref<!tpu.dma_semaphore, #tpu.memory_space<semaphore_mem>>) src(%dma_wait3A_516 : memref<100000x8xf32, #tpu.memory_space<hbm>>) dst(%dma_wait3A_510 : memref<128x8xf32, #tpu.memory_space<vmem>>)
      %dma_wait3A_517 = arith.constant 0 : i32
      %dma_wait3A_518 = arith.constant 3 : i32
      %dma_wait3A_519 = arith.constant 1 : i32
      %dma_wait3A_520 = arith.constant 0 : i32
      %dma_wait3A_521 = arith.constant 0 : i32
      %dma_wait3A_522 = arith.constant 0 : i32
      %dma_wait3A_523 = tpu.memref_slice %arg9[%dma_wait3A_520, %dma_wait3A_521, %dma_wait3A_522] : memref<2x1024x8xf32, #tpu.memory_space<vmem>> -> memref<1x1024x8xf32, #tpu.memory_space<vmem>>
      %dma_wait3A_524 = tpu.memref_squeeze %dma_wait3A_523 : memref<1x1024x8xf32, #tpu.memory_space<vmem>> -> memref<1024x8xf32, #tpu.memory_space<vmem>>
      %dma_wait3A_525 = arith.constant 384 : i32
      %dma_wait3A_526 = arith.constant 0 : i32
      %dma_wait3A_527 = tpu.memref_slice %dma_wait3A_524[%dma_wait3A_525, %dma_wait3A_526] : memref<1024x8xf32, #tpu.memory_space<vmem>> -> memref<128x8xf32, #tpu.memory_space<vmem>>
      %dma_wait3A_528 = arith.constant 0 : i32
      %dma_wait3A_529 = tpu.memref_slice %arg7[%dma_wait3A_517, %dma_wait3A_518, %dma_wait3A_519, %dma_wait3A_528] : memref<2x8x2x128xi32, #tpu.memory_space<vmem>> -> memref<1x1x1x128xi32, #tpu.memory_space<vmem>>
      %dma_wait3A_530 = tpu.memref_squeeze %dma_wait3A_529 : memref<1x1x1x128xi32, #tpu.memory_space<vmem>> -> memref<128xi32, #tpu.memory_space<vmem>>
      %dma_wait3A_531 = arith.constant 0 : i32
      %dma_wait3A_532 = arith.constant 0 : i32
      %dma_wait3A_533 = tpu.memref_slice %arg2[%dma_wait3A_531, %dma_wait3A_532] : memref<100000x8xf32, #tpu.memory_space<hbm>> -> memref<100000x8xf32, #tpu.memory_space<hbm>>
      tpu.wait_indirect_dma semaphore(%arg13 : memref<!tpu.dma_semaphore, #tpu.memory_space<semaphore_mem>>) src(%dma_wait3A_533 : memref<100000x8xf32, #tpu.memory_space<hbm>>) dst(%dma_wait3A_527 : memref<128x8xf32, #tpu.memory_space<vmem>>)
      %dma_wait3A_534 = arith.constant 0 : i32
      %dma_wait3A_535 = arith.constant 4 : i32
      %dma_wait3A_536 = arith.constant 0 : i32
      %dma_wait3A_537 = arith.constant 0 : i32
      %dma_wait3A_538 = arith.constant 0 : i32
      %dma_wait3A_539 = arith.constant 0 : i32
      %dma_wait3A_540 = tpu.memref_slice %arg8[%dma_wait3A_537, %dma_wait3A_538, %dma_wait3A_539] : memref<2x1024x8xf32, #tpu.memory_space<vmem>> -> memref<1x1024x8xf32, #tpu.memory_space<vmem>>
      %dma_wait3A_541 = tpu.memref_squeeze %dma_wait3A_540 : memref<1x1024x8xf32, #tpu.memory_space<vmem>> -> memref<1024x8xf32, #tpu.memory_space<vmem>>
      %dma_wait3A_542 = arith.constant 512 : i32
      %dma_wait3A_543 = arith.constant 0 : i32
      %dma_wait3A_544 = tpu.memref_slice %dma_wait3A_541[%dma_wait3A_542, %dma_wait3A_543] : memref<1024x8xf32, #tpu.memory_space<vmem>> -> memref<128x8xf32, #tpu.memory_space<vmem>>
      %dma_wait3A_545 = arith.constant 0 : i32
      %dma_wait3A_546 = tpu.memref_slice %arg7[%dma_wait3A_534, %dma_wait3A_535, %dma_wait3A_536, %dma_wait3A_545] : memref<2x8x2x128xi32, #tpu.memory_space<vmem>> -> memref<1x1x1x128xi32, #tpu.memory_space<vmem>>
      %dma_wait3A_547 = tpu.memref_squeeze %dma_wait3A_546 : memref<1x1x1x128xi32, #tpu.memory_space<vmem>> -> memref<128xi32, #tpu.memory_space<vmem>>
      %dma_wait3A_548 = arith.constant 0 : i32
      %dma_wait3A_549 = arith.constant 0 : i32
      %dma_wait3A_550 = tpu.memref_slice %arg2[%dma_wait3A_548, %dma_wait3A_549] : memref<100000x8xf32, #tpu.memory_space<hbm>> -> memref<100000x8xf32, #tpu.memory_space<hbm>>
      tpu.wait_indirect_dma semaphore(%arg13 : memref<!tpu.dma_semaphore, #tpu.memory_space<semaphore_mem>>) src(%dma_wait3A_550 : memref<100000x8xf32, #tpu.memory_space<hbm>>) dst(%dma_wait3A_544 : memref<128x8xf32, #tpu.memory_space<vmem>>)
      %dma_wait3A_551 = arith.constant 0 : i32
      %dma_wait3A_552 = arith.constant 4 : i32
      %dma_wait3A_553 = arith.constant 1 : i32
      %dma_wait3A_554 = arith.constant 0 : i32
      %dma_wait3A_555 = arith.constant 0 : i32
      %dma_wait3A_556 = arith.constant 0 : i32
      %dma_wait3A_557 = tpu.memref_slice %arg9[%dma_wait3A_554, %dma_wait3A_555, %dma_wait3A_556] : memref<2x1024x8xf32, #tpu.memory_space<vmem>> -> memref<1x1024x8xf32, #tpu.memory_space<vmem>>
      %dma_wait3A_558 = tpu.memref_squeeze %dma_wait3A_557 : memref<1x1024x8xf32, #tpu.memory_space<vmem>> -> memref<1024x8xf32, #tpu.memory_space<vmem>>
      %dma_wait3A_559 = arith.constant 512 : i32
      %dma_wait3A_560 = arith.constant 0 : i32
      %dma_wait3A_561 = tpu.memref_slice %dma_wait3A_558[%dma_wait3A_559, %dma_wait3A_560] : memref<1024x8xf32, #tpu.memory_space<vmem>> -> memref<128x8xf32, #tpu.memory_space<vmem>>
      %dma_wait3A_562 = arith.constant 0 : i32
      %dma_wait3A_563 = tpu.memref_slice %arg7[%dma_wait3A_551, %dma_wait3A_552, %dma_wait3A_553, %dma_wait3A_562] : memref<2x8x2x128xi32, #tpu.memory_space<vmem>> -> memref<1x1x1x128xi32, #tpu.memory_space<vmem>>
      %dma_wait3A_564 = tpu.memref_squeeze %dma_wait3A_563 : memref<1x1x1x128xi32, #tpu.memory_space<vmem>> -> memref<128xi32, #tpu.memory_space<vmem>>
      %dma_wait3A_565 = arith.constant 0 : i32
      %dma_wait3A_566 = arith.constant 0 : i32
      %dma_wait3A_567 = tpu.memref_slice %arg2[%dma_wait3A_565, %dma_wait3A_566] : memref<100000x8xf32, #tpu.memory_space<hbm>> -> memref<100000x8xf32, #tpu.memory_space<hbm>>
      tpu.wait_indirect_dma semaphore(%arg13 : memref<!tpu.dma_semaphore, #tpu.memory_space<semaphore_mem>>) src(%dma_wait3A_567 : memref<100000x8xf32, #tpu.memory_space<hbm>>) dst(%dma_wait3A_561 : memref<128x8xf32, #tpu.memory_space<vmem>>)
      %dma_wait3A_568 = arith.constant 0 : i32
      %dma_wait3A_569 = arith.constant 5 : i32
      %dma_wait3A_570 = arith.constant 0 : i32
      %dma_wait3A_571 = arith.constant 0 : i32
      %dma_wait3A_572 = arith.constant 0 : i32
      %dma_wait3A_573 = arith.constant 0 : i32
      %dma_wait3A_574 = tpu.memref_slice %arg8[%dma_wait3A_571, %dma_wait3A_572, %dma_wait3A_573] : memref<2x1024x8xf32, #tpu.memory_space<vmem>> -> memref<1x1024x8xf32, #tpu.memory_space<vmem>>
      %dma_wait3A_575 = tpu.memref_squeeze %dma_wait3A_574 : memref<1x1024x8xf32, #tpu.memory_space<vmem>> -> memref<1024x8xf32, #tpu.memory_space<vmem>>
      %dma_wait3A_576 = arith.constant 640 : i32
      %dma_wait3A_577 = arith.constant 0 : i32
      %dma_wait3A_578 = tpu.memref_slice %dma_wait3A_575[%dma_wait3A_576, %dma_wait3A_577] : memref<1024x8xf32, #tpu.memory_space<vmem>> -> memref<128x8xf32, #tpu.memory_space<vmem>>
      %dma_wait3A_579 = arith.constant 0 : i32
      %dma_wait3A_580 = tpu.memref_slice %arg7[%dma_wait3A_568, %dma_wait3A_569, %dma_wait3A_570, %dma_wait3A_579] : memref<2x8x2x128xi32, #tpu.memory_space<vmem>> -> memref<1x1x1x128xi32, #tpu.memory_space<vmem>>
      %dma_wait3A_581 = tpu.memref_squeeze %dma_wait3A_580 : memref<1x1x1x128xi32, #tpu.memory_space<vmem>> -> memref<128xi32, #tpu.memory_space<vmem>>
      %dma_wait3A_582 = arith.constant 0 : i32
      %dma_wait3A_583 = arith.constant 0 : i32
      %dma_wait3A_584 = tpu.memref_slice %arg2[%dma_wait3A_582, %dma_wait3A_583] : memref<100000x8xf32, #tpu.memory_space<hbm>> -> memref<100000x8xf32, #tpu.memory_space<hbm>>
      tpu.wait_indirect_dma semaphore(%arg13 : memref<!tpu.dma_semaphore, #tpu.memory_space<semaphore_mem>>) src(%dma_wait3A_584 : memref<100000x8xf32, #tpu.memory_space<hbm>>) dst(%dma_wait3A_578 : memref<128x8xf32, #tpu.memory_space<vmem>>)
      %dma_wait3A_585 = arith.constant 0 : i32
      %dma_wait3A_586 = arith.constant 5 : i32
      %dma_wait3A_587 = arith.constant 1 : i32
      %dma_wait3A_588 = arith.constant 0 : i32
      %dma_wait3A_589 = arith.constant 0 : i32
      %dma_wait3A_590 = arith.constant 0 : i32
      %dma_wait3A_591 = tpu.memref_slice %arg9[%dma_wait3A_588, %dma_wait3A_589, %dma_wait3A_590] : memref<2x1024x8xf32, #tpu.memory_space<vmem>> -> memref<1x1024x8xf32, #tpu.memory_space<vmem>>
      %dma_wait3A_592 = tpu.memref_squeeze %dma_wait3A_591 : memref<1x1024x8xf32, #tpu.memory_space<vmem>> -> memref<1024x8xf32, #tpu.memory_space<vmem>>
      %dma_wait3A_593 = arith.constant 640 : i32
      %dma_wait3A_594 = arith.constant 0 : i32
      %dma_wait3A_595 = tpu.memref_slice %dma_wait3A_592[%dma_wait3A_593, %dma_wait3A_594] : memref<1024x8xf32, #tpu.memory_space<vmem>> -> memref<128x8xf32, #tpu.memory_space<vmem>>
      %dma_wait3A_596 = arith.constant 0 : i32
      %dma_wait3A_597 = tpu.memref_slice %arg7[%dma_wait3A_585, %dma_wait3A_586, %dma_wait3A_587, %dma_wait3A_596] : memref<2x8x2x128xi32, #tpu.memory_space<vmem>> -> memref<1x1x1x128xi32, #tpu.memory_space<vmem>>
      %dma_wait3A_598 = tpu.memref_squeeze %dma_wait3A_597 : memref<1x1x1x128xi32, #tpu.memory_space<vmem>> -> memref<128xi32, #tpu.memory_space<vmem>>
      %dma_wait3A_599 = arith.constant 0 : i32
      %dma_wait3A_600 = arith.constant 0 : i32
      %dma_wait3A_601 = tpu.memref_slice %arg2[%dma_wait3A_599, %dma_wait3A_600] : memref<100000x8xf32, #tpu.memory_space<hbm>> -> memref<100000x8xf32, #tpu.memory_space<hbm>>
      tpu.wait_indirect_dma semaphore(%arg13 : memref<!tpu.dma_semaphore, #tpu.memory_space<semaphore_mem>>) src(%dma_wait3A_601 : memref<100000x8xf32, #tpu.memory_space<hbm>>) dst(%dma_wait3A_595 : memref<128x8xf32, #tpu.memory_space<vmem>>)
      %dma_wait3A_602 = arith.constant 0 : i32
      %dma_wait3A_603 = arith.constant 6 : i32
      %dma_wait3A_604 = arith.constant 0 : i32
      %dma_wait3A_605 = arith.constant 0 : i32
      %dma_wait3A_606 = arith.constant 0 : i32
      %dma_wait3A_607 = arith.constant 0 : i32
      %dma_wait3A_608 = tpu.memref_slice %arg8[%dma_wait3A_605, %dma_wait3A_606, %dma_wait3A_607] : memref<2x1024x8xf32, #tpu.memory_space<vmem>> -> memref<1x1024x8xf32, #tpu.memory_space<vmem>>
      %dma_wait3A_609 = tpu.memref_squeeze %dma_wait3A_608 : memref<1x1024x8xf32, #tpu.memory_space<vmem>> -> memref<1024x8xf32, #tpu.memory_space<vmem>>
      %dma_wait3A_610 = arith.constant 768 : i32
      %dma_wait3A_611 = arith.constant 0 : i32
      %dma_wait3A_612 = tpu.memref_slice %dma_wait3A_609[%dma_wait3A_610, %dma_wait3A_611] : memref<1024x8xf32, #tpu.memory_space<vmem>> -> memref<128x8xf32, #tpu.memory_space<vmem>>
      %dma_wait3A_613 = arith.constant 0 : i32
      %dma_wait3A_614 = tpu.memref_slice %arg7[%dma_wait3A_602, %dma_wait3A_603, %dma_wait3A_604, %dma_wait3A_613] : memref<2x8x2x128xi32, #tpu.memory_space<vmem>> -> memref<1x1x1x128xi32, #tpu.memory_space<vmem>>
      %dma_wait3A_615 = tpu.memref_squeeze %dma_wait3A_614 : memref<1x1x1x128xi32, #tpu.memory_space<vmem>> -> memref<128xi32, #tpu.memory_space<vmem>>
      %dma_wait3A_616 = arith.constant 0 : i32
      %dma_wait3A_617 = arith.constant 0 : i32
      %dma_wait3A_618 = tpu.memref_slice %arg2[%dma_wait3A_616, %dma_wait3A_617] : memref<100000x8xf32, #tpu.memory_space<hbm>> -> memref<100000x8xf32, #tpu.memory_space<hbm>>
      tpu.wait_indirect_dma semaphore(%arg13 : memref<!tpu.dma_semaphore, #tpu.memory_space<semaphore_mem>>) src(%dma_wait3A_618 : memref<100000x8xf32, #tpu.memory_space<hbm>>) dst(%dma_wait3A_612 : memref<128x8xf32, #tpu.memory_space<vmem>>)
      %dma_wait3A_619 = arith.constant 0 : i32
      %dma_wait3A_620 = arith.constant 6 : i32
      %dma_wait3A_621 = arith.constant 1 : i32
      %dma_wait3A_622 = arith.constant 0 : i32
      %dma_wait3A_623 = arith.constant 0 : i32
      %dma_wait3A_624 = arith.constant 0 : i32
      %dma_wait3A_625 = tpu.memref_slice %arg9[%dma_wait3A_622, %dma_wait3A_623, %dma_wait3A_624] : memref<2x1024x8xf32, #tpu.memory_space<vmem>> -> memref<1x1024x8xf32, #tpu.memory_space<vmem>>
      %dma_wait3A_626 = tpu.memref_squeeze %dma_wait3A_625 : memref<1x1024x8xf32, #tpu.memory_space<vmem>> -> memref<1024x8xf32, #tpu.memory_space<vmem>>
      %dma_wait3A_627 = arith.constant 768 : i32
      %dma_wait3A_628 = arith.constant 0 : i32
      %dma_wait3A_629 = tpu.memref_slice %dma_wait3A_626[%dma_wait3A_627, %dma_wait3A_628] : memref<1024x8xf32, #tpu.memory_space<vmem>> -> memref<128x8xf32, #tpu.memory_space<vmem>>
      %dma_wait3A_630 = arith.constant 0 : i32
      %dma_wait3A_631 = tpu.memref_slice %arg7[%dma_wait3A_619, %dma_wait3A_620, %dma_wait3A_621, %dma_wait3A_630] : memref<2x8x2x128xi32, #tpu.memory_space<vmem>> -> memref<1x1x1x128xi32, #tpu.memory_space<vmem>>
      %dma_wait3A_632 = tpu.memref_squeeze %dma_wait3A_631 : memref<1x1x1x128xi32, #tpu.memory_space<vmem>> -> memref<128xi32, #tpu.memory_space<vmem>>
      %dma_wait3A_633 = arith.constant 0 : i32
      %dma_wait3A_634 = arith.constant 0 : i32
      %dma_wait3A_635 = tpu.memref_slice %arg2[%dma_wait3A_633, %dma_wait3A_634] : memref<100000x8xf32, #tpu.memory_space<hbm>> -> memref<100000x8xf32, #tpu.memory_space<hbm>>
      tpu.wait_indirect_dma semaphore(%arg13 : memref<!tpu.dma_semaphore, #tpu.memory_space<semaphore_mem>>) src(%dma_wait3A_635 : memref<100000x8xf32, #tpu.memory_space<hbm>>) dst(%dma_wait3A_629 : memref<128x8xf32, #tpu.memory_space<vmem>>)
      %dma_wait3A_636 = arith.constant 0 : i32
      %dma_wait3A_637 = arith.constant 7 : i32
      %dma_wait3A_638 = arith.constant 0 : i32
      %dma_wait3A_639 = arith.constant 0 : i32
      %dma_wait3A_640 = arith.constant 0 : i32
      %dma_wait3A_641 = arith.constant 0 : i32
      %dma_wait3A_642 = tpu.memref_slice %arg8[%dma_wait3A_639, %dma_wait3A_640, %dma_wait3A_641] : memref<2x1024x8xf32, #tpu.memory_space<vmem>> -> memref<1x1024x8xf32, #tpu.memory_space<vmem>>
      %dma_wait3A_643 = tpu.memref_squeeze %dma_wait3A_642 : memref<1x1024x8xf32, #tpu.memory_space<vmem>> -> memref<1024x8xf32, #tpu.memory_space<vmem>>
      %dma_wait3A_644 = arith.constant 896 : i32
      %dma_wait3A_645 = arith.constant 0 : i32
      %dma_wait3A_646 = tpu.memref_slice %dma_wait3A_643[%dma_wait3A_644, %dma_wait3A_645] : memref<1024x8xf32, #tpu.memory_space<vmem>> -> memref<128x8xf32, #tpu.memory_space<vmem>>
      %dma_wait3A_647 = arith.constant 0 : i32
      %dma_wait3A_648 = tpu.memref_slice %arg7[%dma_wait3A_636, %dma_wait3A_637, %dma_wait3A_638, %dma_wait3A_647] : memref<2x8x2x128xi32, #tpu.memory_space<vmem>> -> memref<1x1x1x128xi32, #tpu.memory_space<vmem>>
      %dma_wait3A_649 = tpu.memref_squeeze %dma_wait3A_648 : memref<1x1x1x128xi32, #tpu.memory_space<vmem>> -> memref<128xi32, #tpu.memory_space<vmem>>
      %dma_wait3A_650 = arith.constant 0 : i32
      %dma_wait3A_651 = arith.constant 0 : i32
      %dma_wait3A_652 = tpu.memref_slice %arg2[%dma_wait3A_650, %dma_wait3A_651] : memref<100000x8xf32, #tpu.memory_space<hbm>> -> memref<100000x8xf32, #tpu.memory_space<hbm>>
      tpu.wait_indirect_dma semaphore(%arg13 : memref<!tpu.dma_semaphore, #tpu.memory_space<semaphore_mem>>) src(%dma_wait3A_652 : memref<100000x8xf32, #tpu.memory_space<hbm>>) dst(%dma_wait3A_646 : memref<128x8xf32, #tpu.memory_space<vmem>>)
      %dma_wait3A_653 = arith.constant 0 : i32
      %dma_wait3A_654 = arith.constant 7 : i32
      %dma_wait3A_655 = arith.constant 1 : i32
      %dma_wait3A_656 = arith.constant 0 : i32
      %dma_wait3A_657 = arith.constant 0 : i32
      %dma_wait3A_658 = arith.constant 0 : i32
      %dma_wait3A_659 = tpu.memref_slice %arg9[%dma_wait3A_656, %dma_wait3A_657, %dma_wait3A_658] : memref<2x1024x8xf32, #tpu.memory_space<vmem>> -> memref<1x1024x8xf32, #tpu.memory_space<vmem>>
      %dma_wait3A_660 = tpu.memref_squeeze %dma_wait3A_659 : memref<1x1024x8xf32, #tpu.memory_space<vmem>> -> memref<1024x8xf32, #tpu.memory_space<vmem>>
      %dma_wait3A_661 = arith.constant 896 : i32
      %dma_wait3A_662 = arith.constant 0 : i32
      %dma_wait3A_663 = tpu.memref_slice %dma_wait3A_660[%dma_wait3A_661, %dma_wait3A_662] : memref<1024x8xf32, #tpu.memory_space<vmem>> -> memref<128x8xf32, #tpu.memory_space<vmem>>
      %dma_wait3A_664 = arith.constant 0 : i32
      %dma_wait3A_665 = tpu.memref_slice %arg7[%dma_wait3A_653, %dma_wait3A_654, %dma_wait3A_655, %dma_wait3A_664] : memref<2x8x2x128xi32, #tpu.memory_space<vmem>> -> memref<1x1x1x128xi32, #tpu.memory_space<vmem>>
      %dma_wait3A_666 = tpu.memref_squeeze %dma_wait3A_665 : memref<1x1x1x128xi32, #tpu.memory_space<vmem>> -> memref<128xi32, #tpu.memory_space<vmem>>
      %dma_wait3A_667 = arith.constant 0 : i32
      %dma_wait3A_668 = arith.constant 0 : i32
      %dma_wait3A_669 = tpu.memref_slice %arg2[%dma_wait3A_667, %dma_wait3A_668] : memref<100000x8xf32, #tpu.memory_space<hbm>> -> memref<100000x8xf32, #tpu.memory_space<hbm>>
      tpu.wait_indirect_dma semaphore(%arg13 : memref<!tpu.dma_semaphore, #tpu.memory_space<semaphore_mem>>) src(%dma_wait3A_669 : memref<100000x8xf32, #tpu.memory_space<hbm>>) dst(%dma_wait3A_663 : memref<128x8xf32, #tpu.memory_space<vmem>>)
      %dma_wait3A_670 = arith.constant 0 : i32
      %dma_wait3A_671 = arith.constant 0 : i32
      %dma_wait3A_672 = arith.constant 0 : i32
      %dma_wait3A_673 = arith.constant 0 : i32
      %dma_wait3A_674 = tpu.memref_slice %arg10[%dma_wait3A_670, %dma_wait3A_671, %dma_wait3A_672, %dma_wait3A_673] : memref<2x8x4x128xf32, #tpu.memory_space<vmem>> -> memref<1x8x4x128xf32, #tpu.memory_space<vmem>>
      %dma_wait3A_675 = tpu.memref_squeeze %dma_wait3A_674 : memref<1x8x4x128xf32, #tpu.memory_space<vmem>> -> memref<8x4x128xf32, #tpu.memory_space<vmem>>
      %dma_wait3A_676 = arith.constant 0 : i32
      %dma_wait3A_677 = arith.constant 0 : i32
      %dma_wait3A_678 = tpu.memref_slice %arg4[%mul3A_397, %dma_wait3A_676, %dma_wait3A_677] : memref<25000x4x128xf32, #tpu.memory_space<hbm>> -> memref<8x4x128xf32, #tpu.memory_space<hbm>>
      %dma_wait3A_679 = arith.constant 0 : i32
      %dma_wait3A_680 = arith.constant 0 : i32
      %dma_wait3A_681 = arith.constant 0 : i32
      %dma_wait3A_682 = tpu.memref_slice %arg10[%dma_wait3A_670, %dma_wait3A_679, %dma_wait3A_680, %dma_wait3A_681] : memref<2x8x4x128xf32, #tpu.memory_space<vmem>> -> memref<1x8x4x128xf32, #tpu.memory_space<vmem>>
      %dma_wait3A_683 = tpu.memref_squeeze %dma_wait3A_682 : memref<1x8x4x128xf32, #tpu.memory_space<vmem>> -> memref<8x4x128xf32, #tpu.memory_space<vmem>>
      %dma_wait3A_684 = arith.constant 0 : i32
      %dma_wait3A_685 = arith.constant 0 : i32
      %dma_wait3A_686 = tpu.memref_slice %arg4[%mul3A_397, %dma_wait3A_684, %dma_wait3A_685] : memref<25000x4x128xf32, #tpu.memory_space<hbm>> -> memref<8x4x128xf32, #tpu.memory_space<hbm>>
      tpu.wait_dma2 semaphore(%arg13 : memref<!tpu.dma_semaphore, #tpu.memory_space<semaphore_mem>>) src(%dma_wait3A_686 : memref<8x4x128xf32, #tpu.memory_space<hbm>>) dst(%dma_wait3A_683 : memref<8x4x128xf32, #tpu.memory_space<vmem>>)
      %convert_element_type3A_687 = arith.extui %lt3A_394 : i1 to i32
      %cond3A_688 = arith.constant 0 : i32
      %cond3A_689 = arith.cmpi ne, %convert_element_type3A_687, %cond3A_688 : i32
      scf.if %cond3A_689 {
        %mul3A_717 = arith.constant 8 : i32
        %mul3A_718 = arith.muli %add3A_389, %mul3A_717 : i32
        %dma_wait3A_719 = arith.constant 1 : i32
        %dma_wait3A_720 = arith.constant 0 : i32
        %dma_wait3A_721 = arith.constant 0 : i32
        %dma_wait3A_722 = arith.constant 0 : i32
        %dma_wait3A_723 = tpu.memref_slice %arg7[%dma_wait3A_719, %dma_wait3A_720, %dma_wait3A_721, %dma_wait3A_722] : memref<2x8x2x128xi32, #tpu.memory_space<vmem>> -> memref<1x8x2x128xi32, #tpu.memory_space<vmem>>
        %dma_wait3A_724 = tpu.memref_squeeze %dma_wait3A_723 : memref<1x8x2x128xi32, #tpu.memory_space<vmem>> -> memref<8x2x128xi32, #tpu.memory_space<vmem>>
        %dma_wait3A_725 = arith.constant 0 : i32
        %dma_wait3A_726 = arith.constant 0 : i32
        %dma_wait3A_727 = tpu.memref_slice %arg3[%mul3A_718, %dma_wait3A_725, %dma_wait3A_726] : memref<25000x2x128xi32, #tpu.memory_space<hbm>> -> memref<8x2x128xi32, #tpu.memory_space<hbm>>
        %dma_wait3A_728 = arith.constant 0 : i32
        %dma_wait3A_729 = arith.constant 0 : i32
        %dma_wait3A_730 = arith.constant 0 : i32
        %dma_wait3A_731 = tpu.memref_slice %arg7[%dma_wait3A_719, %dma_wait3A_728, %dma_wait3A_729, %dma_wait3A_730] : memref<2x8x2x128xi32, #tpu.memory_space<vmem>> -> memref<1x8x2x128xi32, #tpu.memory_space<vmem>>
        %dma_wait3A_732 = tpu.memref_squeeze %dma_wait3A_731 : memref<1x8x2x128xi32, #tpu.memory_space<vmem>> -> memref<8x2x128xi32, #tpu.memory_space<vmem>>
        %dma_wait3A_733 = arith.constant 0 : i32
        %dma_wait3A_734 = arith.constant 0 : i32
        %dma_wait3A_735 = tpu.memref_slice %arg3[%mul3A_718, %dma_wait3A_733, %dma_wait3A_734] : memref<25000x2x128xi32, #tpu.memory_space<hbm>> -> memref<8x2x128xi32, #tpu.memory_space<hbm>>
        tpu.wait_dma2 semaphore(%arg15 : memref<!tpu.dma_semaphore, #tpu.memory_space<semaphore_mem>>) src(%dma_wait3A_735 : memref<8x2x128xi32, #tpu.memory_space<hbm>>) dst(%dma_wait3A_732 : memref<8x2x128xi32, #tpu.memory_space<vmem>>)
        %mul3A_736 = arith.constant 8 : i32
        %mul3A_737 = arith.muli %add3A_389, %mul3A_736 : i32
        %dma_start3A_738 = arith.constant 1 : i32
        %dma_start3A_739 = arith.constant 0 : i32
        %dma_start3A_740 = arith.constant 0 : i32
        %dma_start3A_741 = arith.constant 1 : i32
        %dma_start3A_742 = arith.constant 0 : i32
        %dma_start3A_743 = arith.constant 0 : i32
        %dma_start3A_744 = tpu.memref_slice %arg8[%dma_start3A_741, %dma_start3A_742, %dma_start3A_743] : memref<2x1024x8xf32, #tpu.memory_space<vmem>> -> memref<1x1024x8xf32, #tpu.memory_space<vmem>>
        %dma_start3A_745 = tpu.memref_squeeze %dma_start3A_744 : memref<1x1024x8xf32, #tpu.memory_space<vmem>> -> memref<1024x8xf32, #tpu.memory_space<vmem>>
        %dma_start3A_746 = arith.constant 0 : i32
        %dma_start3A_747 = arith.constant 0 : i32
        %dma_start3A_748 = tpu.memref_slice %dma_start3A_745[%dma_start3A_746, %dma_start3A_747] : memref<1024x8xf32, #tpu.memory_space<vmem>> -> memref<128x8xf32, #tpu.memory_space<vmem>>
        %dma_start3A_749 = arith.constant 0 : i32
        %dma_start3A_750 = tpu.memref_slice %arg7[%dma_start3A_738, %dma_start3A_739, %dma_start3A_740, %dma_start3A_749] : memref<2x8x2x128xi32, #tpu.memory_space<vmem>> -> memref<1x1x1x128xi32, #tpu.memory_space<vmem>>
        %dma_start3A_751 = tpu.memref_squeeze %dma_start3A_750 : memref<1x1x1x128xi32, #tpu.memory_space<vmem>> -> memref<128xi32, #tpu.memory_space<vmem>>
        %dma_start3A_752 = arith.constant 0 : i32
        %dma_start3A_753 = arith.constant 0 : i32
        %dma_start3A_754 = tpu.memref_slice %arg2[%dma_start3A_752, %dma_start3A_753] : memref<100000x8xf32, #tpu.memory_space<hbm>> -> memref<100000x8xf32, #tpu.memory_space<hbm>>
        tpu.enqueue_indirect_dma source(%dma_start3A_754 : memref<100000x8xf32, #tpu.memory_space<hbm>>) target(%dma_start3A_748 : memref<128x8xf32, #tpu.memory_space<vmem>>) offsets(%dma_start3A_751 : memref<128xi32, #tpu.memory_space<vmem>>) semaphore(%arg13 : memref<!tpu.dma_semaphore, #tpu.memory_space<semaphore_mem>>)
        %dma_start3A_755 = arith.constant 1 : i32
        %dma_start3A_756 = arith.constant 0 : i32
        %dma_start3A_757 = arith.constant 1 : i32
        %dma_start3A_758 = arith.constant 1 : i32
        %dma_start3A_759 = arith.constant 0 : i32
        %dma_start3A_760 = arith.constant 0 : i32
        %dma_start3A_761 = tpu.memref_slice %arg9[%dma_start3A_758, %dma_start3A_759, %dma_start3A_760] : memref<2x1024x8xf32, #tpu.memory_space<vmem>> -> memref<1x1024x8xf32, #tpu.memory_space<vmem>>
        %dma_start3A_762 = tpu.memref_squeeze %dma_start3A_761 : memref<1x1024x8xf32, #tpu.memory_space<vmem>> -> memref<1024x8xf32, #tpu.memory_space<vmem>>
        %dma_start3A_763 = arith.constant 0 : i32
        %dma_start3A_764 = arith.constant 0 : i32
        %dma_start3A_765 = tpu.memref_slice %dma_start3A_762[%dma_start3A_763, %dma_start3A_764] : memref<1024x8xf32, #tpu.memory_space<vmem>> -> memref<128x8xf32, #tpu.memory_space<vmem>>
        %dma_start3A_766 = arith.constant 0 : i32
        %dma_start3A_767 = tpu.memref_slice %arg7[%dma_start3A_755, %dma_start3A_756, %dma_start3A_757, %dma_start3A_766] : memref<2x8x2x128xi32, #tpu.memory_space<vmem>> -> memref<1x1x1x128xi32, #tpu.memory_space<vmem>>
        %dma_start3A_768 = tpu.memref_squeeze %dma_start3A_767 : memref<1x1x1x128xi32, #tpu.memory_space<vmem>> -> memref<128xi32, #tpu.memory_space<vmem>>
        %dma_start3A_769 = arith.constant 0 : i32
        %dma_start3A_770 = arith.constant 0 : i32
        %dma_start3A_771 = tpu.memref_slice %arg2[%dma_start3A_769, %dma_start3A_770] : memref<100000x8xf32, #tpu.memory_space<hbm>> -> memref<100000x8xf32, #tpu.memory_space<hbm>>
        tpu.enqueue_indirect_dma source(%dma_start3A_771 : memref<100000x8xf32, #tpu.memory_space<hbm>>) target(%dma_start3A_765 : memref<128x8xf32, #tpu.memory_space<vmem>>) offsets(%dma_start3A_768 : memref<128xi32, #tpu.memory_space<vmem>>) semaphore(%arg13 : memref<!tpu.dma_semaphore, #tpu.memory_space<semaphore_mem>>)
        %dma_start3A_772 = arith.constant 1 : i32
        %dma_start3A_773 = arith.constant 1 : i32
        %dma_start3A_774 = arith.constant 0 : i32
        %dma_start3A_775 = arith.constant 1 : i32
        %dma_start3A_776 = arith.constant 0 : i32
        %dma_start3A_777 = arith.constant 0 : i32
        %dma_start3A_778 = tpu.memref_slice %arg8[%dma_start3A_775, %dma_start3A_776, %dma_start3A_777] : memref<2x1024x8xf32, #tpu.memory_space<vmem>> -> memref<1x1024x8xf32, #tpu.memory_space<vmem>>
        %dma_start3A_779 = tpu.memref_squeeze %dma_start3A_778 : memref<1x1024x8xf32, #tpu.memory_space<vmem>> -> memref<1024x8xf32, #tpu.memory_space<vmem>>
        %dma_start3A_780 = arith.constant 128 : i32
        %dma_start3A_781 = arith.constant 0 : i32
        %dma_start3A_782 = tpu.memref_slice %dma_start3A_779[%dma_start3A_780, %dma_start3A_781] : memref<1024x8xf32, #tpu.memory_space<vmem>> -> memref<128x8xf32, #tpu.memory_space<vmem>>
        %dma_start3A_783 = arith.constant 0 : i32
        %dma_start3A_784 = tpu.memref_slice %arg7[%dma_start3A_772, %dma_start3A_773, %dma_start3A_774, %dma_start3A_783] : memref<2x8x2x128xi32, #tpu.memory_space<vmem>> -> memref<1x1x1x128xi32, #tpu.memory_space<vmem>>
        %dma_start3A_785 = tpu.memref_squeeze %dma_start3A_784 : memref<1x1x1x128xi32, #tpu.memory_space<vmem>> -> memref<128xi32, #tpu.memory_space<vmem>>
        %dma_start3A_786 = arith.constant 0 : i32
        %dma_start3A_787 = arith.constant 0 : i32
        %dma_start3A_788 = tpu.memref_slice %arg2[%dma_start3A_786, %dma_start3A_787] : memref<100000x8xf32, #tpu.memory_space<hbm>> -> memref<100000x8xf32, #tpu.memory_space<hbm>>
        tpu.enqueue_indirect_dma source(%dma_start3A_788 : memref<100000x8xf32, #tpu.memory_space<hbm>>) target(%dma_start3A_782 : memref<128x8xf32, #tpu.memory_space<vmem>>) offsets(%dma_start3A_785 : memref<128xi32, #tpu.memory_space<vmem>>) semaphore(%arg13 : memref<!tpu.dma_semaphore, #tpu.memory_space<semaphore_mem>>)
        %dma_start3A_789 = arith.constant 1 : i32
        %dma_start3A_790 = arith.constant 1 : i32
        %dma_start3A_791 = arith.constant 1 : i32
        %dma_start3A_792 = arith.constant 1 : i32
        %dma_start3A_793 = arith.constant 0 : i32
        %dma_start3A_794 = arith.constant 0 : i32
        %dma_start3A_795 = tpu.memref_slice %arg9[%dma_start3A_792, %dma_start3A_793, %dma_start3A_794] : memref<2x1024x8xf32, #tpu.memory_space<vmem>> -> memref<1x1024x8xf32, #tpu.memory_space<vmem>>
        %dma_start3A_796 = tpu.memref_squeeze %dma_start3A_795 : memref<1x1024x8xf32, #tpu.memory_space<vmem>> -> memref<1024x8xf32, #tpu.memory_space<vmem>>
        %dma_start3A_797 = arith.constant 128 : i32
        %dma_start3A_798 = arith.constant 0 : i32
        %dma_start3A_799 = tpu.memref_slice %dma_start3A_796[%dma_start3A_797, %dma_start3A_798] : memref<1024x8xf32, #tpu.memory_space<vmem>> -> memref<128x8xf32, #tpu.memory_space<vmem>>
        %dma_start3A_800 = arith.constant 0 : i32
        %dma_start3A_801 = tpu.memref_slice %arg7[%dma_start3A_789, %dma_start3A_790, %dma_start3A_791, %dma_start3A_800] : memref<2x8x2x128xi32, #tpu.memory_space<vmem>> -> memref<1x1x1x128xi32, #tpu.memory_space<vmem>>
        %dma_start3A_802 = tpu.memref_squeeze %dma_start3A_801 : memref<1x1x1x128xi32, #tpu.memory_space<vmem>> -> memref<128xi32, #tpu.memory_space<vmem>>
        %dma_start3A_803 = arith.constant 0 : i32
        %dma_start3A_804 = arith.constant 0 : i32
        %dma_start3A_805 = tpu.memref_slice %arg2[%dma_start3A_803, %dma_start3A_804] : memref<100000x8xf32, #tpu.memory_space<hbm>> -> memref<100000x8xf32, #tpu.memory_space<hbm>>
        tpu.enqueue_indirect_dma source(%dma_start3A_805 : memref<100000x8xf32, #tpu.memory_space<hbm>>) target(%dma_start3A_799 : memref<128x8xf32, #tpu.memory_space<vmem>>) offsets(%dma_start3A_802 : memref<128xi32, #tpu.memory_space<vmem>>) semaphore(%arg13 : memref<!tpu.dma_semaphore, #tpu.memory_space<semaphore_mem>>)
        %dma_start3A_806 = arith.constant 1 : i32
        %dma_start3A_807 = arith.constant 2 : i32
        %dma_start3A_808 = arith.constant 0 : i32
        %dma_start3A_809 = arith.constant 1 : i32
        %dma_start3A_810 = arith.constant 0 : i32
        %dma_start3A_811 = arith.constant 0 : i32
        %dma_start3A_812 = tpu.memref_slice %arg8[%dma_start3A_809, %dma_start3A_810, %dma_start3A_811] : memref<2x1024x8xf32, #tpu.memory_space<vmem>> -> memref<1x1024x8xf32, #tpu.memory_space<vmem>>
        %dma_start3A_813 = tpu.memref_squeeze %dma_start3A_812 : memref<1x1024x8xf32, #tpu.memory_space<vmem>> -> memref<1024x8xf32, #tpu.memory_space<vmem>>
        %dma_start3A_814 = arith.constant 256 : i32
        %dma_start3A_815 = arith.constant 0 : i32
        %dma_start3A_816 = tpu.memref_slice %dma_start3A_813[%dma_start3A_814, %dma_start3A_815] : memref<1024x8xf32, #tpu.memory_space<vmem>> -> memref<128x8xf32, #tpu.memory_space<vmem>>
        %dma_start3A_817 = arith.constant 0 : i32
        %dma_start3A_818 = tpu.memref_slice %arg7[%dma_start3A_806, %dma_start3A_807, %dma_start3A_808, %dma_start3A_817] : memref<2x8x2x128xi32, #tpu.memory_space<vmem>> -> memref<1x1x1x128xi32, #tpu.memory_space<vmem>>
        %dma_start3A_819 = tpu.memref_squeeze %dma_start3A_818 : memref<1x1x1x128xi32, #tpu.memory_space<vmem>> -> memref<128xi32, #tpu.memory_space<vmem>>
        %dma_start3A_820 = arith.constant 0 : i32
        %dma_start3A_821 = arith.constant 0 : i32
        %dma_start3A_822 = tpu.memref_slice %arg2[%dma_start3A_820, %dma_start3A_821] : memref<100000x8xf32, #tpu.memory_space<hbm>> -> memref<100000x8xf32, #tpu.memory_space<hbm>>
        tpu.enqueue_indirect_dma source(%dma_start3A_822 : memref<100000x8xf32, #tpu.memory_space<hbm>>) target(%dma_start3A_816 : memref<128x8xf32, #tpu.memory_space<vmem>>) offsets(%dma_start3A_819 : memref<128xi32, #tpu.memory_space<vmem>>) semaphore(%arg13 : memref<!tpu.dma_semaphore, #tpu.memory_space<semaphore_mem>>)
        %dma_start3A_823 = arith.constant 1 : i32
        %dma_start3A_824 = arith.constant 2 : i32
        %dma_start3A_825 = arith.constant 1 : i32
        %dma_start3A_826 = arith.constant 1 : i32
        %dma_start3A_827 = arith.constant 0 : i32
        %dma_start3A_828 = arith.constant 0 : i32
        %dma_start3A_829 = tpu.memref_slice %arg9[%dma_start3A_826, %dma_start3A_827, %dma_start3A_828] : memref<2x1024x8xf32, #tpu.memory_space<vmem>> -> memref<1x1024x8xf32, #tpu.memory_space<vmem>>
        %dma_start3A_830 = tpu.memref_squeeze %dma_start3A_829 : memref<1x1024x8xf32, #tpu.memory_space<vmem>> -> memref<1024x8xf32, #tpu.memory_space<vmem>>
        %dma_start3A_831 = arith.constant 256 : i32
        %dma_start3A_832 = arith.constant 0 : i32
        %dma_start3A_833 = tpu.memref_slice %dma_start3A_830[%dma_start3A_831, %dma_start3A_832] : memref<1024x8xf32, #tpu.memory_space<vmem>> -> memref<128x8xf32, #tpu.memory_space<vmem>>
        %dma_start3A_834 = arith.constant 0 : i32
        %dma_start3A_835 = tpu.memref_slice %arg7[%dma_start3A_823, %dma_start3A_824, %dma_start3A_825, %dma_start3A_834] : memref<2x8x2x128xi32, #tpu.memory_space<vmem>> -> memref<1x1x1x128xi32, #tpu.memory_space<vmem>>
        %dma_start3A_836 = tpu.memref_squeeze %dma_start3A_835 : memref<1x1x1x128xi32, #tpu.memory_space<vmem>> -> memref<128xi32, #tpu.memory_space<vmem>>
        %dma_start3A_837 = arith.constant 0 : i32
        %dma_start3A_838 = arith.constant 0 : i32
        %dma_start3A_839 = tpu.memref_slice %arg2[%dma_start3A_837, %dma_start3A_838] : memref<100000x8xf32, #tpu.memory_space<hbm>> -> memref<100000x8xf32, #tpu.memory_space<hbm>>
        tpu.enqueue_indirect_dma source(%dma_start3A_839 : memref<100000x8xf32, #tpu.memory_space<hbm>>) target(%dma_start3A_833 : memref<128x8xf32, #tpu.memory_space<vmem>>) offsets(%dma_start3A_836 : memref<128xi32, #tpu.memory_space<vmem>>) semaphore(%arg13 : memref<!tpu.dma_semaphore, #tpu.memory_space<semaphore_mem>>)
        %dma_start3A_840 = arith.constant 1 : i32
        %dma_start3A_841 = arith.constant 3 : i32
        %dma_start3A_842 = arith.constant 0 : i32
        %dma_start3A_843 = arith.constant 1 : i32
        %dma_start3A_844 = arith.constant 0 : i32
        %dma_start3A_845 = arith.constant 0 : i32
        %dma_start3A_846 = tpu.memref_slice %arg8[%dma_start3A_843, %dma_start3A_844, %dma_start3A_845] : memref<2x1024x8xf32, #tpu.memory_space<vmem>> -> memref<1x1024x8xf32, #tpu.memory_space<vmem>>
        %dma_start3A_847 = tpu.memref_squeeze %dma_start3A_846 : memref<1x1024x8xf32, #tpu.memory_space<vmem>> -> memref<1024x8xf32, #tpu.memory_space<vmem>>
        %dma_start3A_848 = arith.constant 384 : i32
        %dma_start3A_849 = arith.constant 0 : i32
        %dma_start3A_850 = tpu.memref_slice %dma_start3A_847[%dma_start3A_848, %dma_start3A_849] : memref<1024x8xf32, #tpu.memory_space<vmem>> -> memref<128x8xf32, #tpu.memory_space<vmem>>
        %dma_start3A_851 = arith.constant 0 : i32
        %dma_start3A_852 = tpu.memref_slice %arg7[%dma_start3A_840, %dma_start3A_841, %dma_start3A_842, %dma_start3A_851] : memref<2x8x2x128xi32, #tpu.memory_space<vmem>> -> memref<1x1x1x128xi32, #tpu.memory_space<vmem>>
        %dma_start3A_853 = tpu.memref_squeeze %dma_start3A_852 : memref<1x1x1x128xi32, #tpu.memory_space<vmem>> -> memref<128xi32, #tpu.memory_space<vmem>>
        %dma_start3A_854 = arith.constant 0 : i32
        %dma_start3A_855 = arith.constant 0 : i32
        %dma_start3A_856 = tpu.memref_slice %arg2[%dma_start3A_854, %dma_start3A_855] : memref<100000x8xf32, #tpu.memory_space<hbm>> -> memref<100000x8xf32, #tpu.memory_space<hbm>>
        tpu.enqueue_indirect_dma source(%dma_start3A_856 : memref<100000x8xf32, #tpu.memory_space<hbm>>) target(%dma_start3A_850 : memref<128x8xf32, #tpu.memory_space<vmem>>) offsets(%dma_start3A_853 : memref<128xi32, #tpu.memory_space<vmem>>) semaphore(%arg13 : memref<!tpu.dma_semaphore, #tpu.memory_space<semaphore_mem>>)
        %dma_start3A_857 = arith.constant 1 : i32
        %dma_start3A_858 = arith.constant 3 : i32
        %dma_start3A_859 = arith.constant 1 : i32
        %dma_start3A_860 = arith.constant 1 : i32
        %dma_start3A_861 = arith.constant 0 : i32
        %dma_start3A_862 = arith.constant 0 : i32
        %dma_start3A_863 = tpu.memref_slice %arg9[%dma_start3A_860, %dma_start3A_861, %dma_start3A_862] : memref<2x1024x8xf32, #tpu.memory_space<vmem>> -> memref<1x1024x8xf32, #tpu.memory_space<vmem>>
        %dma_start3A_864 = tpu.memref_squeeze %dma_start3A_863 : memref<1x1024x8xf32, #tpu.memory_space<vmem>> -> memref<1024x8xf32, #tpu.memory_space<vmem>>
        %dma_start3A_865 = arith.constant 384 : i32
        %dma_start3A_866 = arith.constant 0 : i32
        %dma_start3A_867 = tpu.memref_slice %dma_start3A_864[%dma_start3A_865, %dma_start3A_866] : memref<1024x8xf32, #tpu.memory_space<vmem>> -> memref<128x8xf32, #tpu.memory_space<vmem>>
        %dma_start3A_868 = arith.constant 0 : i32
        %dma_start3A_869 = tpu.memref_slice %arg7[%dma_start3A_857, %dma_start3A_858, %dma_start3A_859, %dma_start3A_868] : memref<2x8x2x128xi32, #tpu.memory_space<vmem>> -> memref<1x1x1x128xi32, #tpu.memory_space<vmem>>
        %dma_start3A_870 = tpu.memref_squeeze %dma_start3A_869 : memref<1x1x1x128xi32, #tpu.memory_space<vmem>> -> memref<128xi32, #tpu.memory_space<vmem>>
        %dma_start3A_871 = arith.constant 0 : i32
        %dma_start3A_872 = arith.constant 0 : i32
        %dma_start3A_873 = tpu.memref_slice %arg2[%dma_start3A_871, %dma_start3A_872] : memref<100000x8xf32, #tpu.memory_space<hbm>> -> memref<100000x8xf32, #tpu.memory_space<hbm>>
        tpu.enqueue_indirect_dma source(%dma_start3A_873 : memref<100000x8xf32, #tpu.memory_space<hbm>>) target(%dma_start3A_867 : memref<128x8xf32, #tpu.memory_space<vmem>>) offsets(%dma_start3A_870 : memref<128xi32, #tpu.memory_space<vmem>>) semaphore(%arg13 : memref<!tpu.dma_semaphore, #tpu.memory_space<semaphore_mem>>)
        %dma_start3A_874 = arith.constant 1 : i32
        %dma_start3A_875 = arith.constant 4 : i32
        %dma_start3A_876 = arith.constant 0 : i32
        %dma_start3A_877 = arith.constant 1 : i32
        %dma_start3A_878 = arith.constant 0 : i32
        %dma_start3A_879 = arith.constant 0 : i32
        %dma_start3A_880 = tpu.memref_slice %arg8[%dma_start3A_877, %dma_start3A_878, %dma_start3A_879] : memref<2x1024x8xf32, #tpu.memory_space<vmem>> -> memref<1x1024x8xf32, #tpu.memory_space<vmem>>
        %dma_start3A_881 = tpu.memref_squeeze %dma_start3A_880 : memref<1x1024x8xf32, #tpu.memory_space<vmem>> -> memref<1024x8xf32, #tpu.memory_space<vmem>>
        %dma_start3A_882 = arith.constant 512 : i32
        %dma_start3A_883 = arith.constant 0 : i32
        %dma_start3A_884 = tpu.memref_slice %dma_start3A_881[%dma_start3A_882, %dma_start3A_883] : memref<1024x8xf32, #tpu.memory_space<vmem>> -> memref<128x8xf32, #tpu.memory_space<vmem>>
        %dma_start3A_885 = arith.constant 0 : i32
        %dma_start3A_886 = tpu.memref_slice %arg7[%dma_start3A_874, %dma_start3A_875, %dma_start3A_876, %dma_start3A_885] : memref<2x8x2x128xi32, #tpu.memory_space<vmem>> -> memref<1x1x1x128xi32, #tpu.memory_space<vmem>>
        %dma_start3A_887 = tpu.memref_squeeze %dma_start3A_886 : memref<1x1x1x128xi32, #tpu.memory_space<vmem>> -> memref<128xi32, #tpu.memory_space<vmem>>
        %dma_start3A_888 = arith.constant 0 : i32
        %dma_start3A_889 = arith.constant 0 : i32
        %dma_start3A_890 = tpu.memref_slice %arg2[%dma_start3A_888, %dma_start3A_889] : memref<100000x8xf32, #tpu.memory_space<hbm>> -> memref<100000x8xf32, #tpu.memory_space<hbm>>
        tpu.enqueue_indirect_dma source(%dma_start3A_890 : memref<100000x8xf32, #tpu.memory_space<hbm>>) target(%dma_start3A_884 : memref<128x8xf32, #tpu.memory_space<vmem>>) offsets(%dma_start3A_887 : memref<128xi32, #tpu.memory_space<vmem>>) semaphore(%arg13 : memref<!tpu.dma_semaphore, #tpu.memory_space<semaphore_mem>>)
        %dma_start3A_891 = arith.constant 1 : i32
        %dma_start3A_892 = arith.constant 4 : i32
        %dma_start3A_893 = arith.constant 1 : i32
        %dma_start3A_894 = arith.constant 1 : i32
        %dma_start3A_895 = arith.constant 0 : i32
        %dma_start3A_896 = arith.constant 0 : i32
        %dma_start3A_897 = tpu.memref_slice %arg9[%dma_start3A_894, %dma_start3A_895, %dma_start3A_896] : memref<2x1024x8xf32, #tpu.memory_space<vmem>> -> memref<1x1024x8xf32, #tpu.memory_space<vmem>>
        %dma_start3A_898 = tpu.memref_squeeze %dma_start3A_897 : memref<1x1024x8xf32, #tpu.memory_space<vmem>> -> memref<1024x8xf32, #tpu.memory_space<vmem>>
        %dma_start3A_899 = arith.constant 512 : i32
        %dma_start3A_900 = arith.constant 0 : i32
        %dma_start3A_901 = tpu.memref_slice %dma_start3A_898[%dma_start3A_899, %dma_start3A_900] : memref<1024x8xf32, #tpu.memory_space<vmem>> -> memref<128x8xf32, #tpu.memory_space<vmem>>
        %dma_start3A_902 = arith.constant 0 : i32
        %dma_start3A_903 = tpu.memref_slice %arg7[%dma_start3A_891, %dma_start3A_892, %dma_start3A_893, %dma_start3A_902] : memref<2x8x2x128xi32, #tpu.memory_space<vmem>> -> memref<1x1x1x128xi32, #tpu.memory_space<vmem>>
        %dma_start3A_904 = tpu.memref_squeeze %dma_start3A_903 : memref<1x1x1x128xi32, #tpu.memory_space<vmem>> -> memref<128xi32, #tpu.memory_space<vmem>>
        %dma_start3A_905 = arith.constant 0 : i32
        %dma_start3A_906 = arith.constant 0 : i32
        %dma_start3A_907 = tpu.memref_slice %arg2[%dma_start3A_905, %dma_start3A_906] : memref<100000x8xf32, #tpu.memory_space<hbm>> -> memref<100000x8xf32, #tpu.memory_space<hbm>>
        tpu.enqueue_indirect_dma source(%dma_start3A_907 : memref<100000x8xf32, #tpu.memory_space<hbm>>) target(%dma_start3A_901 : memref<128x8xf32, #tpu.memory_space<vmem>>) offsets(%dma_start3A_904 : memref<128xi32, #tpu.memory_space<vmem>>) semaphore(%arg13 : memref<!tpu.dma_semaphore, #tpu.memory_space<semaphore_mem>>)
        %dma_start3A_908 = arith.constant 1 : i32
        %dma_start3A_909 = arith.constant 5 : i32
        %dma_start3A_910 = arith.constant 0 : i32
        %dma_start3A_911 = arith.constant 1 : i32
        %dma_start3A_912 = arith.constant 0 : i32
        %dma_start3A_913 = arith.constant 0 : i32
        %dma_start3A_914 = tpu.memref_slice %arg8[%dma_start3A_911, %dma_start3A_912, %dma_start3A_913] : memref<2x1024x8xf32, #tpu.memory_space<vmem>> -> memref<1x1024x8xf32, #tpu.memory_space<vmem>>
        %dma_start3A_915 = tpu.memref_squeeze %dma_start3A_914 : memref<1x1024x8xf32, #tpu.memory_space<vmem>> -> memref<1024x8xf32, #tpu.memory_space<vmem>>
        %dma_start3A_916 = arith.constant 640 : i32
        %dma_start3A_917 = arith.constant 0 : i32
        %dma_start3A_918 = tpu.memref_slice %dma_start3A_915[%dma_start3A_916, %dma_start3A_917] : memref<1024x8xf32, #tpu.memory_space<vmem>> -> memref<128x8xf32, #tpu.memory_space<vmem>>
        %dma_start3A_919 = arith.constant 0 : i32
        %dma_start3A_920 = tpu.memref_slice %arg7[%dma_start3A_908, %dma_start3A_909, %dma_start3A_910, %dma_start3A_919] : memref<2x8x2x128xi32, #tpu.memory_space<vmem>> -> memref<1x1x1x128xi32, #tpu.memory_space<vmem>>
        %dma_start3A_921 = tpu.memref_squeeze %dma_start3A_920 : memref<1x1x1x128xi32, #tpu.memory_space<vmem>> -> memref<128xi32, #tpu.memory_space<vmem>>
        %dma_start3A_922 = arith.constant 0 : i32
        %dma_start3A_923 = arith.constant 0 : i32
        %dma_start3A_924 = tpu.memref_slice %arg2[%dma_start3A_922, %dma_start3A_923] : memref<100000x8xf32, #tpu.memory_space<hbm>> -> memref<100000x8xf32, #tpu.memory_space<hbm>>
        tpu.enqueue_indirect_dma source(%dma_start3A_924 : memref<100000x8xf32, #tpu.memory_space<hbm>>) target(%dma_start3A_918 : memref<128x8xf32, #tpu.memory_space<vmem>>) offsets(%dma_start3A_921 : memref<128xi32, #tpu.memory_space<vmem>>) semaphore(%arg13 : memref<!tpu.dma_semaphore, #tpu.memory_space<semaphore_mem>>)
        %dma_start3A_925 = arith.constant 1 : i32
        %dma_start3A_926 = arith.constant 5 : i32
        %dma_start3A_927 = arith.constant 1 : i32
        %dma_start3A_928 = arith.constant 1 : i32
        %dma_start3A_929 = arith.constant 0 : i32
        %dma_start3A_930 = arith.constant 0 : i32
        %dma_start3A_931 = tpu.memref_slice %arg9[%dma_start3A_928, %dma_start3A_929, %dma_start3A_930] : memref<2x1024x8xf32, #tpu.memory_space<vmem>> -> memref<1x1024x8xf32, #tpu.memory_space<vmem>>
        %dma_start3A_932 = tpu.memref_squeeze %dma_start3A_931 : memref<1x1024x8xf32, #tpu.memory_space<vmem>> -> memref<1024x8xf32, #tpu.memory_space<vmem>>
        %dma_start3A_933 = arith.constant 640 : i32
        %dma_start3A_934 = arith.constant 0 : i32
        %dma_start3A_935 = tpu.memref_slice %dma_start3A_932[%dma_start3A_933, %dma_start3A_934] : memref<1024x8xf32, #tpu.memory_space<vmem>> -> memref<128x8xf32, #tpu.memory_space<vmem>>
        %dma_start3A_936 = arith.constant 0 : i32
        %dma_start3A_937 = tpu.memref_slice %arg7[%dma_start3A_925, %dma_start3A_926, %dma_start3A_927, %dma_start3A_936] : memref<2x8x2x128xi32, #tpu.memory_space<vmem>> -> memref<1x1x1x128xi32, #tpu.memory_space<vmem>>
        %dma_start3A_938 = tpu.memref_squeeze %dma_start3A_937 : memref<1x1x1x128xi32, #tpu.memory_space<vmem>> -> memref<128xi32, #tpu.memory_space<vmem>>
        %dma_start3A_939 = arith.constant 0 : i32
        %dma_start3A_940 = arith.constant 0 : i32
        %dma_start3A_941 = tpu.memref_slice %arg2[%dma_start3A_939, %dma_start3A_940] : memref<100000x8xf32, #tpu.memory_space<hbm>> -> memref<100000x8xf32, #tpu.memory_space<hbm>>
        tpu.enqueue_indirect_dma source(%dma_start3A_941 : memref<100000x8xf32, #tpu.memory_space<hbm>>) target(%dma_start3A_935 : memref<128x8xf32, #tpu.memory_space<vmem>>) offsets(%dma_start3A_938 : memref<128xi32, #tpu.memory_space<vmem>>) semaphore(%arg13 : memref<!tpu.dma_semaphore, #tpu.memory_space<semaphore_mem>>)
        %dma_start3A_942 = arith.constant 1 : i32
        %dma_start3A_943 = arith.constant 6 : i32
        %dma_start3A_944 = arith.constant 0 : i32
        %dma_start3A_945 = arith.constant 1 : i32
        %dma_start3A_946 = arith.constant 0 : i32
        %dma_start3A_947 = arith.constant 0 : i32
        %dma_start3A_948 = tpu.memref_slice %arg8[%dma_start3A_945, %dma_start3A_946, %dma_start3A_947] : memref<2x1024x8xf32, #tpu.memory_space<vmem>> -> memref<1x1024x8xf32, #tpu.memory_space<vmem>>
        %dma_start3A_949 = tpu.memref_squeeze %dma_start3A_948 : memref<1x1024x8xf32, #tpu.memory_space<vmem>> -> memref<1024x8xf32, #tpu.memory_space<vmem>>
        %dma_start3A_950 = arith.constant 768 : i32
        %dma_start3A_951 = arith.constant 0 : i32
        %dma_start3A_952 = tpu.memref_slice %dma_start3A_949[%dma_start3A_950, %dma_start3A_951] : memref<1024x8xf32, #tpu.memory_space<vmem>> -> memref<128x8xf32, #tpu.memory_space<vmem>>
        %dma_start3A_953 = arith.constant 0 : i32
        %dma_start3A_954 = tpu.memref_slice %arg7[%dma_start3A_942, %dma_start3A_943, %dma_start3A_944, %dma_start3A_953] : memref<2x8x2x128xi32, #tpu.memory_space<vmem>> -> memref<1x1x1x128xi32, #tpu.memory_space<vmem>>
        %dma_start3A_955 = tpu.memref_squeeze %dma_start3A_954 : memref<1x1x1x128xi32, #tpu.memory_space<vmem>> -> memref<128xi32, #tpu.memory_space<vmem>>
        %dma_start3A_956 = arith.constant 0 : i32
        %dma_start3A_957 = arith.constant 0 : i32
        %dma_start3A_958 = tpu.memref_slice %arg2[%dma_start3A_956, %dma_start3A_957] : memref<100000x8xf32, #tpu.memory_space<hbm>> -> memref<100000x8xf32, #tpu.memory_space<hbm>>
        tpu.enqueue_indirect_dma source(%dma_start3A_958 : memref<100000x8xf32, #tpu.memory_space<hbm>>) target(%dma_start3A_952 : memref<128x8xf32, #tpu.memory_space<vmem>>) offsets(%dma_start3A_955 : memref<128xi32, #tpu.memory_space<vmem>>) semaphore(%arg13 : memref<!tpu.dma_semaphore, #tpu.memory_space<semaphore_mem>>)
        %dma_start3A_959 = arith.constant 1 : i32
        %dma_start3A_960 = arith.constant 6 : i32
        %dma_start3A_961 = arith.constant 1 : i32
        %dma_start3A_962 = arith.constant 1 : i32
        %dma_start3A_963 = arith.constant 0 : i32
        %dma_start3A_964 = arith.constant 0 : i32
        %dma_start3A_965 = tpu.memref_slice %arg9[%dma_start3A_962, %dma_start3A_963, %dma_start3A_964] : memref<2x1024x8xf32, #tpu.memory_space<vmem>> -> memref<1x1024x8xf32, #tpu.memory_space<vmem>>
        %dma_start3A_966 = tpu.memref_squeeze %dma_start3A_965 : memref<1x1024x8xf32, #tpu.memory_space<vmem>> -> memref<1024x8xf32, #tpu.memory_space<vmem>>
        %dma_start3A_967 = arith.constant 768 : i32
        %dma_start3A_968 = arith.constant 0 : i32
        %dma_start3A_969 = tpu.memref_slice %dma_start3A_966[%dma_start3A_967, %dma_start3A_968] : memref<1024x8xf32, #tpu.memory_space<vmem>> -> memref<128x8xf32, #tpu.memory_space<vmem>>
        %dma_start3A_970 = arith.constant 0 : i32
        %dma_start3A_971 = tpu.memref_slice %arg7[%dma_start3A_959, %dma_start3A_960, %dma_start3A_961, %dma_start3A_970] : memref<2x8x2x128xi32, #tpu.memory_space<vmem>> -> memref<1x1x1x128xi32, #tpu.memory_space<vmem>>
        %dma_start3A_972 = tpu.memref_squeeze %dma_start3A_971 : memref<1x1x1x128xi32, #tpu.memory_space<vmem>> -> memref<128xi32, #tpu.memory_space<vmem>>
        %dma_start3A_973 = arith.constant 0 : i32
        %dma_start3A_974 = arith.constant 0 : i32
        %dma_start3A_975 = tpu.memref_slice %arg2[%dma_start3A_973, %dma_start3A_974] : memref<100000x8xf32, #tpu.memory_space<hbm>> -> memref<100000x8xf32, #tpu.memory_space<hbm>>
        tpu.enqueue_indirect_dma source(%dma_start3A_975 : memref<100000x8xf32, #tpu.memory_space<hbm>>) target(%dma_start3A_969 : memref<128x8xf32, #tpu.memory_space<vmem>>) offsets(%dma_start3A_972 : memref<128xi32, #tpu.memory_space<vmem>>) semaphore(%arg13 : memref<!tpu.dma_semaphore, #tpu.memory_space<semaphore_mem>>)
        %dma_start3A_976 = arith.constant 1 : i32
        %dma_start3A_977 = arith.constant 7 : i32
        %dma_start3A_978 = arith.constant 0 : i32
        %dma_start3A_979 = arith.constant 1 : i32
        %dma_start3A_980 = arith.constant 0 : i32
        %dma_start3A_981 = arith.constant 0 : i32
        %dma_start3A_982 = tpu.memref_slice %arg8[%dma_start3A_979, %dma_start3A_980, %dma_start3A_981] : memref<2x1024x8xf32, #tpu.memory_space<vmem>> -> memref<1x1024x8xf32, #tpu.memory_space<vmem>>
        %dma_start3A_983 = tpu.memref_squeeze %dma_start3A_982 : memref<1x1024x8xf32, #tpu.memory_space<vmem>> -> memref<1024x8xf32, #tpu.memory_space<vmem>>
        %dma_start3A_984 = arith.constant 896 : i32
        %dma_start3A_985 = arith.constant 0 : i32
        %dma_start3A_986 = tpu.memref_slice %dma_start3A_983[%dma_start3A_984, %dma_start3A_985] : memref<1024x8xf32, #tpu.memory_space<vmem>> -> memref<128x8xf32, #tpu.memory_space<vmem>>
        %dma_start3A_987 = arith.constant 0 : i32
        %dma_start3A_988 = tpu.memref_slice %arg7[%dma_start3A_976, %dma_start3A_977, %dma_start3A_978, %dma_start3A_987] : memref<2x8x2x128xi32, #tpu.memory_space<vmem>> -> memref<1x1x1x128xi32, #tpu.memory_space<vmem>>
        %dma_start3A_989 = tpu.memref_squeeze %dma_start3A_988 : memref<1x1x1x128xi32, #tpu.memory_space<vmem>> -> memref<128xi32, #tpu.memory_space<vmem>>
        %dma_start3A_990 = arith.constant 0 : i32
        %dma_start3A_991 = arith.constant 0 : i32
        %dma_start3A_992 = tpu.memref_slice %arg2[%dma_start3A_990, %dma_start3A_991] : memref<100000x8xf32, #tpu.memory_space<hbm>> -> memref<100000x8xf32, #tpu.memory_space<hbm>>
        tpu.enqueue_indirect_dma source(%dma_start3A_992 : memref<100000x8xf32, #tpu.memory_space<hbm>>) target(%dma_start3A_986 : memref<128x8xf32, #tpu.memory_space<vmem>>) offsets(%dma_start3A_989 : memref<128xi32, #tpu.memory_space<vmem>>) semaphore(%arg13 : memref<!tpu.dma_semaphore, #tpu.memory_space<semaphore_mem>>)
        %dma_start3A_993 = arith.constant 1 : i32
        %dma_start3A_994 = arith.constant 7 : i32
        %dma_start3A_995 = arith.constant 1 : i32
        %dma_start3A_996 = arith.constant 1 : i32
        %dma_start3A_997 = arith.constant 0 : i32
        %dma_start3A_998 = arith.constant 0 : i32
        %dma_start3A_999 = tpu.memref_slice %arg9[%dma_start3A_996, %dma_start3A_997, %dma_start3A_998] : memref<2x1024x8xf32, #tpu.memory_space<vmem>> -> memref<1x1024x8xf32, #tpu.memory_space<vmem>>
        %dma_start3A_1000 = tpu.memref_squeeze %dma_start3A_999 : memref<1x1024x8xf32, #tpu.memory_space<vmem>> -> memref<1024x8xf32, #tpu.memory_space<vmem>>
        %dma_start3A_1001 = arith.constant 896 : i32
        %dma_start3A_1002 = arith.constant 0 : i32
        %dma_start3A_1003 = tpu.memref_slice %dma_start3A_1000[%dma_start3A_1001, %dma_start3A_1002] : memref<1024x8xf32, #tpu.memory_space<vmem>> -> memref<128x8xf32, #tpu.memory_space<vmem>>
        %dma_start3A_1004 = arith.constant 0 : i32
        %dma_start3A_1005 = tpu.memref_slice %arg7[%dma_start3A_993, %dma_start3A_994, %dma_start3A_995, %dma_start3A_1004] : memref<2x8x2x128xi32, #tpu.memory_space<vmem>> -> memref<1x1x1x128xi32, #tpu.memory_space<vmem>>
        %dma_start3A_1006 = tpu.memref_squeeze %dma_start3A_1005 : memref<1x1x1x128xi32, #tpu.memory_space<vmem>> -> memref<128xi32, #tpu.memory_space<vmem>>
        %dma_start3A_1007 = arith.constant 0 : i32
        %dma_start3A_1008 = arith.constant 0 : i32
        %dma_start3A_1009 = tpu.memref_slice %arg2[%dma_start3A_1007, %dma_start3A_1008] : memref<100000x8xf32, #tpu.memory_space<hbm>> -> memref<100000x8xf32, #tpu.memory_space<hbm>>
        tpu.enqueue_indirect_dma source(%dma_start3A_1009 : memref<100000x8xf32, #tpu.memory_space<hbm>>) target(%dma_start3A_1003 : memref<128x8xf32, #tpu.memory_space<vmem>>) offsets(%dma_start3A_1006 : memref<128xi32, #tpu.memory_space<vmem>>) semaphore(%arg13 : memref<!tpu.dma_semaphore, #tpu.memory_space<semaphore_mem>>)
        %dma_start3A_1010 = arith.constant 1 : i32
        %dma_start3A_1011 = arith.constant 0 : i32
        %dma_start3A_1012 = arith.constant 0 : i32
        %dma_start3A_1013 = arith.constant 0 : i32
        %dma_start3A_1014 = tpu.memref_slice %arg10[%dma_start3A_1010, %dma_start3A_1011, %dma_start3A_1012, %dma_start3A_1013] : memref<2x8x4x128xf32, #tpu.memory_space<vmem>> -> memref<1x8x4x128xf32, #tpu.memory_space<vmem>>
        %dma_start3A_1015 = tpu.memref_squeeze %dma_start3A_1014 : memref<1x8x4x128xf32, #tpu.memory_space<vmem>> -> memref<8x4x128xf32, #tpu.memory_space<vmem>>
        %dma_start3A_1016 = arith.constant 0 : i32
        %dma_start3A_1017 = arith.constant 0 : i32
        %dma_start3A_1018 = tpu.memref_slice %arg4[%mul3A_737, %dma_start3A_1016, %dma_start3A_1017] : memref<25000x4x128xf32, #tpu.memory_space<hbm>> -> memref<8x4x128xf32, #tpu.memory_space<hbm>>
        %dma_start3A_1019 = arith.constant 0 : i32
        %dma_start3A_1020 = arith.constant 0 : i32
        %dma_start3A_1021 = arith.constant 0 : i32
        %dma_start3A_1022 = tpu.memref_slice %arg10[%dma_start3A_1010, %dma_start3A_1019, %dma_start3A_1020, %dma_start3A_1021] : memref<2x8x4x128xf32, #tpu.memory_space<vmem>> -> memref<1x8x4x128xf32, #tpu.memory_space<vmem>>
        %dma_start3A_1023 = tpu.memref_squeeze %dma_start3A_1022 : memref<1x8x4x128xf32, #tpu.memory_space<vmem>> -> memref<8x4x128xf32, #tpu.memory_space<vmem>>
        %dma_start3A_1024 = arith.constant 0 : i32
        %dma_start3A_1025 = arith.constant 0 : i32
        %dma_start3A_1026 = tpu.memref_slice %arg4[%mul3A_737, %dma_start3A_1024, %dma_start3A_1025] : memref<25000x4x128xf32, #tpu.memory_space<hbm>> -> memref<8x4x128xf32, #tpu.memory_space<hbm>>
        tpu.enqueue_dma source(%dma_start3A_1026 : memref<8x4x128xf32, #tpu.memory_space<hbm>>) target(%dma_start3A_1023 : memref<8x4x128xf32, #tpu.memory_space<vmem>>) target_semaphore(%arg13 : memref<!tpu.dma_semaphore, #tpu.memory_space<semaphore_mem>>)
      } else {
      }
      %gt3A = arith.constant 0 : i32
      %gt3A_690 = arith.cmpi sgt, %while3A_382, %gt3A : i32
      %convert_element_type3A_691 = arith.extui %gt3A_690 : i1 to i32
      %cond3A_692 = arith.constant 0 : i32
      %cond3A_693 = arith.cmpi ne, %convert_element_type3A_691, %cond3A_692 : i32
      scf.if %cond3A_693 {
        %mul3A_717 = arith.constant 1024 : i32
        %mul3A_718 = arith.muli %add3A_387, %mul3A_717 : i32
        %dma_wait3A_719 = arith.constant 0 : i32
        %dma_wait3A_720 = arith.constant 0 : i32
        %dma_wait3A_721 = tpu.memref_slice %arg11[%dma_wait3A_719, %dma_wait3A_720] : memref<2x1024xf32, #tpu.memory_space<vmem>> -> memref<1x1024xf32, #tpu.memory_space<vmem>>
        %dma_wait3A_722 = tpu.memref_squeeze %dma_wait3A_721 : memref<1x1024xf32, #tpu.memory_space<vmem>> -> memref<1024xf32, #tpu.memory_space<vmem>>
        %dma_wait3A_723 = tpu.memref_slice %arg6[%mul3A_718] : memref<3200000xf32, #tpu.memory_space<hbm>> -> memref<1024xf32, #tpu.memory_space<hbm>>
        %dma_wait3A_724 = tpu.memref_slice %arg6[%mul3A_718] : memref<3200000xf32, #tpu.memory_space<hbm>> -> memref<1024xf32, #tpu.memory_space<hbm>>
        %dma_wait3A_725 = arith.constant 0 : i32
        %dma_wait3A_726 = tpu.memref_slice %arg11[%dma_wait3A_719, %dma_wait3A_725] : memref<2x1024xf32, #tpu.memory_space<vmem>> -> memref<1x1024xf32, #tpu.memory_space<vmem>>
        %dma_wait3A_727 = tpu.memref_squeeze %dma_wait3A_726 : memref<1x1024xf32, #tpu.memory_space<vmem>> -> memref<1024xf32, #tpu.memory_space<vmem>>
        tpu.wait_dma2 semaphore(%arg14 : memref<!tpu.dma_semaphore, #tpu.memory_space<semaphore_mem>>) src(%dma_wait3A_727 : memref<1024xf32, #tpu.memory_space<vmem>>) dst(%dma_wait3A_724 : memref<1024xf32, #tpu.memory_space<hbm>>)
      } else {
      }
      %scan3A = arith.constant 0 : i32
      %scan3A_694 = arith.constant 0 : i32
      %scan3A_695 = arith.constant 0 : i32
      %scan3A_696 = arith.constant 0 : i32
      %scan3A_697 = arith.constant 0 : i32
      %scan3A_698 = arith.constant 0 : i32
      %scan3A_699 = arith.constant 64 : i32
      %scan3A_700 = arith.addi %scan3A_698, %scan3A_699 : i32
      %scan3A_701 = arith.constant 2 : i32
      scf.for %scan3A_717 = %scan3A_698 to %scan3A_700 step %scan3A_701  : i32 {
        %mul3A_718 = arith.constant 16 : i32
        %mul3A_719 = arith.muli %scan3A_717, %mul3A_718 : i32
        %add3A_720 = vector.broadcast %mul3A_719 : i32 to vector<16xi32>
        %add3A_721 = arith.addi %iota3A, %add3A_720 : vector<16xi32>
        %broadcast_in_dim3A = arith.constant 0 : i32
        %broadcast_in_dim3A_722 = vector.broadcast %broadcast_in_dim3A : i32 to vector<16xi32>
        %broadcast_in_dim3A_723 = arith.constant 1 : i32
        %broadcast_in_dim3A_724 = vector.broadcast %broadcast_in_dim3A_723 : i32 to vector<16xi32>
        %broadcast_in_dim3A_725 = arith.constant 2 : i32
        %broadcast_in_dim3A_726 = vector.broadcast %broadcast_in_dim3A_725 : i32 to vector<16xi32>
        %gather3A = arith.constant 0 : i32
        %gather3A_727 = arith.constant 0 : i32
        %gather3A_728 = tpu.memref_slice %arg8[%scan3A_694, %gather3A, %gather3A_727] : memref<2x1024x8xf32, #tpu.memory_space<vmem>> -> memref<1x1024x8xf32, #tpu.memory_space<vmem>>
        %gather3A_729 = tpu.memref_squeeze %gather3A_728 : memref<1x1024x8xf32, #tpu.memory_space<vmem>> -> memref<1024x8xf32, #tpu.memory_space<vmem>>
        %gather3A_730 = tpu.vector_load_idx %gather3A_729[%add3A_721, %broadcast_in_dim3A_722] : memref<1024x8xf32, #tpu.memory_space<vmem>>[vector<16xi32>, vector<16xi32>], vector<16xf32>,
        %gather3A_731 = arith.constant 0 : i32
        %gather3A_732 = arith.constant 0 : i32
        %gather3A_733 = tpu.memref_slice %arg8[%scan3A_694, %gather3A_731, %gather3A_732] : memref<2x1024x8xf32, #tpu.memory_space<vmem>> -> memref<1x1024x8xf32, #tpu.memory_space<vmem>>
        %gather3A_734 = tpu.memref_squeeze %gather3A_733 : memref<1x1024x8xf32, #tpu.memory_space<vmem>> -> memref<1024x8xf32, #tpu.memory_space<vmem>>
        %gather3A_735 = tpu.vector_load_idx %gather3A_734[%add3A_721, %broadcast_in_dim3A_724] : memref<1024x8xf32, #tpu.memory_space<vmem>>[vector<16xi32>, vector<16xi32>], vector<16xf32>,
        %gather3A_736 = arith.constant 0 : i32
        %gather3A_737 = arith.constant 0 : i32
        %gather3A_738 = tpu.memref_slice %arg8[%scan3A_694, %gather3A_736, %gather3A_737] : memref<2x1024x8xf32, #tpu.memory_space<vmem>> -> memref<1x1024x8xf32, #tpu.memory_space<vmem>>
        %gather3A_739 = tpu.memref_squeeze %gather3A_738 : memref<1x1024x8xf32, #tpu.memory_space<vmem>> -> memref<1024x8xf32, #tpu.memory_space<vmem>>
        %gather3A_740 = tpu.vector_load_idx %gather3A_739[%add3A_721, %broadcast_in_dim3A_726] : memref<1024x8xf32, #tpu.memory_space<vmem>>[vector<16xi32>, vector<16xi32>], vector<16xf32>,
        %gather3A_741 = arith.constant 0 : i32
        %gather3A_742 = arith.constant 0 : i32
        %gather3A_743 = tpu.memref_slice %arg9[%scan3A_695, %gather3A_741, %gather3A_742] : memref<2x1024x8xf32, #tpu.memory_space<vmem>> -> memref<1x1024x8xf32, #tpu.memory_space<vmem>>
        %gather3A_744 = tpu.memref_squeeze %gather3A_743 : memref<1x1024x8xf32, #tpu.memory_space<vmem>> -> memref<1024x8xf32, #tpu.memory_space<vmem>>
        %gather3A_745 = tpu.vector_load_idx %gather3A_744[%add3A_721, %broadcast_in_dim3A_722] : memref<1024x8xf32, #tpu.memory_space<vmem>>[vector<16xi32>, vector<16xi32>], vector<16xf32>,
        %gather3A_746 = arith.constant 0 : i32
        %gather3A_747 = arith.constant 0 : i32
        %gather3A_748 = tpu.memref_slice %arg9[%scan3A_695, %gather3A_746, %gather3A_747] : memref<2x1024x8xf32, #tpu.memory_space<vmem>> -> memref<1x1024x8xf32, #tpu.memory_space<vmem>>
        %gather3A_749 = tpu.memref_squeeze %gather3A_748 : memref<1x1024x8xf32, #tpu.memory_space<vmem>> -> memref<1024x8xf32, #tpu.memory_space<vmem>>
        %gather3A_750 = tpu.vector_load_idx %gather3A_749[%add3A_721, %broadcast_in_dim3A_724] : memref<1024x8xf32, #tpu.memory_space<vmem>>[vector<16xi32>, vector<16xi32>], vector<16xf32>,
        %gather3A_751 = arith.constant 0 : i32
        %gather3A_752 = arith.constant 0 : i32
        %gather3A_753 = tpu.memref_slice %arg9[%scan3A_695, %gather3A_751, %gather3A_752] : memref<2x1024x8xf32, #tpu.memory_space<vmem>> -> memref<1x1024x8xf32, #tpu.memory_space<vmem>>
        %gather3A_754 = tpu.memref_squeeze %gather3A_753 : memref<1x1024x8xf32, #tpu.memory_space<vmem>> -> memref<1024x8xf32, #tpu.memory_space<vmem>>
        %gather3A_755 = tpu.vector_load_idx %gather3A_754[%add3A_721, %broadcast_in_dim3A_726] : memref<1024x8xf32, #tpu.memory_space<vmem>>[vector<16xi32>, vector<16xi32>], vector<16xf32>,
        %jit3A_756 = arith.constant 8 : i32
        %div3A_757 = arith.divsi %scan3A_717, %jit3A_756 : i32
        %sign3A_758 = arith.constant 0 : i32
        %sign3A_759 = arith.cmpi sgt, %scan3A_717, %sign3A_758 : i32
        %sign3A_760 = arith.extui %sign3A_759 : i1 to i32
        %sign3A_761 = arith.constant 0 : i32
        %sign3A_762 = arith.cmpi slt, %scan3A_717, %sign3A_761 : i32
        %sign3A_763 = arith.extui %sign3A_762 : i1 to i32
        %sign3A_764 = arith.subi %sign3A_760, %sign3A_763 : i32
        %sign3A_765 = arith.constant 0 : i32
        %sign3A_766 = arith.cmpi sgt, %jit3A_756, %sign3A_765 : i32
        %sign3A_767 = arith.extui %sign3A_766 : i1 to i32
        %sign3A_768 = arith.constant 0 : i32
        %sign3A_769 = arith.cmpi slt, %jit3A_756, %sign3A_768 : i32
        %sign3A_770 = arith.extui %sign3A_769 : i1 to i32
        %sign3A_771 = arith.subi %sign3A_767, %sign3A_770 : i32
        %ne3A_772 = arith.cmpi ne, %sign3A_764, %sign3A_771 : i32
        %rem3A_773 = arith.remsi %scan3A_717, %jit3A_756 : i32
        %ne3A_774 = arith.constant 0 : i32
        %ne3A_775 = arith.cmpi ne, %rem3A_773, %ne3A_774 : i32
        %and3A_776 = arith.andi %ne3A_772, %ne3A_775 : i1
        %sub3A_777 = arith.constant 1 : i32
        %sub3A_778 = arith.subi %div3A_757, %sub3A_777 : i32
        %select_n3A_779 = arith.select %and3A_776, %sub3A_778, %div3A_757 : i32
        %jit3A_780 = arith.constant 8 : i32
        %eq3A = arith.constant 0 : i32
        %eq3A_781 = arith.cmpi eq, %jit3A_780, %eq3A : i32
        %jit3A_782 = arith.constant 1 : i32
        %select_n3A_783 = arith.select %eq3A_781, %jit3A_782, %jit3A_780 : i32
        %rem3A_784 = arith.remsi %scan3A_717, %select_n3A_783 : i32
        %ne3A_785 = arith.constant 0 : i32
        %ne3A_786 = arith.cmpi ne, %rem3A_784, %ne3A_785 : i32
        %lt3A_787 = arith.constant 0 : i32
        %lt3A_788 = arith.cmpi slt, %rem3A_784, %lt3A_787 : i32
        %lt3A_789 = arith.constant 0 : i32
        %lt3A_790 = arith.cmpi slt, %select_n3A_783, %lt3A_789 : i32
        %ne3A_791 = arith.xori %lt3A_788, %lt3A_790 : i1
        %and3A_792 = arith.andi %ne3A_791, %ne3A_786 : i1
        %add3A_793 = arith.addi %rem3A_784, %select_n3A_783 : i32
        %select_n3A_794 = arith.select %and3A_792, %add3A_793, %rem3A_784 : i32
        %mul3A_795 = arith.constant 16 : i32
        %mul3A_796 = arith.muli %select_n3A_794, %mul3A_795 : i32
        %get3A_797 = arith.constant 0 : i32
        %get3A_798 = arith.constant 0 : i32
        %get3A_799 = arith.constant 0 : i32
        %get3A_800 = arith.constant 0 : i32
        %get3A_801 = tpu.memref_slice %arg10[%scan3A_696, %get3A_798, %get3A_799, %get3A_800] : memref<2x8x4x128xf32, #tpu.memory_space<vmem>> -> memref<1x8x4x128xf32, #tpu.memory_space<vmem>>
        %get3A_802 = tpu.memref_squeeze %get3A_801 : memref<1x8x4x128xf32, #tpu.memory_space<vmem>> -> memref<8x4x128xf32, #tpu.memory_space<vmem>>
        %get3A_803 = arith.index_cast %select_n3A_779 : i32 to index
        %get3A_804 = arith.index_cast %get3A_797 : i32 to index
        %get3A_805 = arith.index_cast %mul3A_796 : i32 to index
        %get3A_806 = tpu.vector_load %get3A_802[%get3A_803, %get3A_804, %get3A_805] {strides = array<i32>} : memref<8x4x128xf32, #tpu.memory_space<vmem>>, vector<16xf32>,
        %get3A_807 = arith.constant 1 : i32
        %get3A_808 = arith.constant 0 : i32
        %get3A_809 = arith.constant 0 : i32
        %get3A_810 = arith.constant 0 : i32
        %get3A_811 = tpu.memref_slice %arg10[%scan3A_696, %get3A_808, %get3A_809, %get3A_810] : memref<2x8x4x128xf32, #tpu.memory_space<vmem>> -> memref<1x8x4x128xf32, #tpu.memory_space<vmem>>
        %get3A_812 = tpu.memref_squeeze %get3A_811 : memref<1x8x4x128xf32, #tpu.memory_space<vmem>> -> memref<8x4x128xf32, #tpu.memory_space<vmem>>
        %get3A_813 = arith.index_cast %select_n3A_779 : i32 to index
        %get3A_814 = arith.index_cast %get3A_807 : i32 to index
        %get3A_815 = arith.index_cast %mul3A_796 : i32 to index
        %get3A_816 = tpu.vector_load %get3A_812[%get3A_813, %get3A_814, %get3A_815] {strides = array<i32>} : memref<8x4x128xf32, #tpu.memory_space<vmem>>, vector<16xf32>,
        %get3A_817 = arith.constant 2 : i32
        %get3A_818 = arith.constant 0 : i32
        %get3A_819 = arith.constant 0 : i32
        %get3A_820 = arith.constant 0 : i32
        %get3A_821 = tpu.memref_slice %arg10[%scan3A_696, %get3A_818, %get3A_819, %get3A_820] : memref<2x8x4x128xf32, #tpu.memory_space<vmem>> -> memref<1x8x4x128xf32, #tpu.memory_space<vmem>>
        %get3A_822 = tpu.memref_squeeze %get3A_821 : memref<1x8x4x128xf32, #tpu.memory_space<vmem>> -> memref<8x4x128xf32, #tpu.memory_space<vmem>>
        %get3A_823 = arith.index_cast %select_n3A_779 : i32 to index
        %get3A_824 = arith.index_cast %get3A_817 : i32 to index
        %get3A_825 = arith.index_cast %mul3A_796 : i32 to index
        %get3A_826 = tpu.vector_load %get3A_822[%get3A_823, %get3A_824, %get3A_825] {strides = array<i32>} : memref<8x4x128xf32, #tpu.memory_space<vmem>>, vector<16xf32>,
        %mul3A_827 = arith.constant 16 : i32
        %mul3A_828 = arith.muli %scan3A_717, %mul3A_827 : i32
        %sub3A_829 = arith.subf %gather3A_745, %gather3A_730 : vector<16xf32>
        %mul3A_830 = arith.mulf %get3A_806, %get3A_3 : vector<16xf32>
        %mul3A_831 = arith.mulf %get3A_816, %get3A_15 : vector<16xf32>
        %add3A_832 = arith.addf %mul3A_830, %mul3A_831 : vector<16xf32>
        %mul3A_833 = arith.mulf %get3A_826, %get3A_27 : vector<16xf32>
        %add3A_834 = arith.addf %add3A_832, %mul3A_833 : vector<16xf32>
        %add3A_835 = arith.addf %sub3A_829, %add3A_834 : vector<16xf32>
        %sub3A_836 = arith.subf %gather3A_750, %gather3A_735 : vector<16xf32>
        %mul3A_837 = arith.mulf %get3A_806, %get3A_7 : vector<16xf32>
        %mul3A_838 = arith.mulf %get3A_816, %get3A_19 : vector<16xf32>
        %add3A_839 = arith.addf %mul3A_837, %mul3A_838 : vector<16xf32>
        %mul3A_840 = arith.mulf %get3A_826, %get3A_31 : vector<16xf32>
        %add3A_841 = arith.addf %add3A_839, %mul3A_840 : vector<16xf32>
        %add3A_842 = arith.addf %sub3A_836, %add3A_841 : vector<16xf32>
        %sub3A_843 = arith.subf %gather3A_755, %gather3A_740 : vector<16xf32>
        %mul3A_844 = arith.mulf %get3A_806, %get3A_11 : vector<16xf32>
        %mul3A_845 = arith.mulf %get3A_816, %get3A_23 : vector<16xf32>
        %add3A_846 = arith.addf %mul3A_844, %mul3A_845 : vector<16xf32>
        %mul3A_847 = arith.mulf %get3A_826, %get3A_35 : vector<16xf32>
        %add3A_848 = arith.addf %add3A_846, %mul3A_847 : vector<16xf32>
        %add3A_849 = arith.addf %sub3A_843, %add3A_848 : vector<16xf32>
        %mul3A_850 = arith.mulf %add3A_835, %add3A_835 : vector<16xf32>
        %mul3A_851 = arith.mulf %add3A_842, %add3A_842 : vector<16xf32>
        %add3A_852 = arith.addf %mul3A_850, %mul3A_851 : vector<16xf32>
        %mul3A_853 = arith.mulf %add3A_849, %add3A_849 : vector<16xf32>
        %add3A_854 = arith.addf %add3A_852, %mul3A_853 : vector<16xf32>
        %max3A = arith.constant 1.000000e-30 : f32
        %max3A_855 = vector.broadcast %max3A : f32 to vector<16xf32>
        %max3A_856 = arith.maximumf %add3A_854, %max3A_855 : vector<16xf32>
        %bitcast_convert_type3A = tpu.bitcast %max3A_856 : vector<16xf32> -> vector<16xi32>
        %shift_right_arithmetic3A = arith.constant 1 : i32
        %shift_right_arithmetic3A_857 = vector.broadcast %shift_right_arithmetic3A : i32 to vector<16xi32>
        %shift_right_arithmetic3A_858 = arith.shrsi %bitcast_convert_type3A, %shift_right_arithmetic3A_857 : vector<16xi32>
        %sub3A_859 = arith.constant 1597463007 : i32
        %sub3A_860 = vector.broadcast %sub3A_859 : i32 to vector<16xi32>
        %sub3A_861 = arith.subi %sub3A_860, %shift_right_arithmetic3A_858 : vector<16xi32>
        %bitcast_convert_type3A_862 = tpu.bitcast %sub3A_861 : vector<16xi32> -> vector<16xf32>
        %mul3A_863 = arith.constant 5.000000e-01 : f32
        %mul3A_864 = vector.broadcast %mul3A_863 : f32 to vector<16xf32>
        %mul3A_865 = arith.mulf %mul3A_864, %max3A_856 : vector<16xf32>
        %mul3A_866 = arith.mulf %mul3A_865, %bitcast_convert_type3A_862 : vector<16xf32>
        %mul3A_867 = arith.mulf %mul3A_866, %bitcast_convert_type3A_862 : vector<16xf32>
        %sub3A_868 = arith.constant 1.500000e+00 : f32
        %sub3A_869 = vector.broadcast %sub3A_868 : f32 to vector<16xf32>
        %sub3A_870 = arith.subf %sub3A_869, %mul3A_867 : vector<16xf32>
        %mul3A_871 = arith.mulf %bitcast_convert_type3A_862, %sub3A_870 : vector<16xf32>
        %mul3A_872 = arith.constant 5.000000e-01 : f32
        %mul3A_873 = vector.broadcast %mul3A_872 : f32 to vector<16xf32>
        %mul3A_874 = arith.mulf %mul3A_873, %max3A_856 : vector<16xf32>
        %mul3A_875 = arith.mulf %mul3A_874, %mul3A_871 : vector<16xf32>
        %mul3A_876 = arith.mulf %mul3A_875, %mul3A_871 : vector<16xf32>
        %sub3A_877 = arith.constant 1.500000e+00 : f32
        %sub3A_878 = vector.broadcast %sub3A_877 : f32 to vector<16xf32>
        %sub3A_879 = arith.subf %sub3A_878, %mul3A_876 : vector<16xf32>
        %mul3A_880 = arith.mulf %mul3A_871, %sub3A_879 : vector<16xf32>
        %mul3A_881 = arith.mulf %max3A_856, %mul3A_880 : vector<16xf32>
        %swap3A = arith.constant 0 : i32
        %swap3A_882 = tpu.memref_slice %arg11[%scan3A_697, %swap3A] : memref<2x1024xf32, #tpu.memory_space<vmem>> -> memref<1x1024xf32, #tpu.memory_space<vmem>>
        %swap3A_883 = tpu.memref_squeeze %swap3A_882 : memref<1x1024xf32, #tpu.memory_space<vmem>> -> memref<1024xf32, #tpu.memory_space<vmem>>
        %swap3A_884 = arith.index_cast %mul3A_828 : i32 to index
        %swap3A_885 = tpu.vector_load %swap3A_883[%swap3A_884] {strides = array<i32>} : memref<1024xf32, #tpu.memory_space<vmem>>, vector<16xf32>,
        tpu.vector_store %swap3A_883[%swap3A_884], %mul3A_881 {strides = array<i32>} : memref<1024xf32, #tpu.memory_space<vmem>>, vector<16xf32>,
        %scan3A_886 = arith.constant 1 : i32
        %scan3A_887 = arith.addi %scan3A_717, %scan3A_886 : i32
        %mul3A_888 = arith.constant 16 : i32
        %mul3A_889 = arith.muli %scan3A_887, %mul3A_888 : i32
        %add3A_890 = vector.broadcast %mul3A_889 : i32 to vector<16xi32>
        %add3A_891 = arith.addi %iota3A, %add3A_890 : vector<16xi32>
        %broadcast_in_dim3A_892 = arith.constant 0 : i32
        %broadcast_in_dim3A_893 = vector.broadcast %broadcast_in_dim3A_892 : i32 to vector<16xi32>
        %broadcast_in_dim3A_894 = arith.constant 1 : i32
        %broadcast_in_dim3A_895 = vector.broadcast %broadcast_in_dim3A_894 : i32 to vector<16xi32>
        %broadcast_in_dim3A_896 = arith.constant 2 : i32
        %broadcast_in_dim3A_897 = vector.broadcast %broadcast_in_dim3A_896 : i32 to vector<16xi32>
        %gather3A_898 = arith.constant 0 : i32
        %gather3A_899 = arith.constant 0 : i32
        %gather3A_900 = tpu.memref_slice %arg8[%scan3A_694, %gather3A_898, %gather3A_899] : memref<2x1024x8xf32, #tpu.memory_space<vmem>> -> memref<1x1024x8xf32, #tpu.memory_space<vmem>>
        %gather3A_901 = tpu.memref_squeeze %gather3A_900 : memref<1x1024x8xf32, #tpu.memory_space<vmem>> -> memref<1024x8xf32, #tpu.memory_space<vmem>>
        %gather3A_902 = tpu.vector_load_idx %gather3A_901[%add3A_891, %broadcast_in_dim3A_893] : memref<1024x8xf32, #tpu.memory_space<vmem>>[vector<16xi32>, vector<16xi32>], vector<16xf32>,
        %gather3A_903 = arith.constant 0 : i32
        %gather3A_904 = arith.constant 0 : i32
        %gather3A_905 = tpu.memref_slice %arg8[%scan3A_694, %gather3A_903, %gather3A_904] : memref<2x1024x8xf32, #tpu.memory_space<vmem>> -> memref<1x1024x8xf32, #tpu.memory_space<vmem>>
        %gather3A_906 = tpu.memref_squeeze %gather3A_905 : memref<1x1024x8xf32, #tpu.memory_space<vmem>> -> memref<1024x8xf32, #tpu.memory_space<vmem>>
        %gather3A_907 = tpu.vector_load_idx %gather3A_906[%add3A_891, %broadcast_in_dim3A_895] : memref<1024x8xf32, #tpu.memory_space<vmem>>[vector<16xi32>, vector<16xi32>], vector<16xf32>,
        %gather3A_908 = arith.constant 0 : i32
        %gather3A_909 = arith.constant 0 : i32
        %gather3A_910 = tpu.memref_slice %arg8[%scan3A_694, %gather3A_908, %gather3A_909] : memref<2x1024x8xf32, #tpu.memory_space<vmem>> -> memref<1x1024x8xf32, #tpu.memory_space<vmem>>
        %gather3A_911 = tpu.memref_squeeze %gather3A_910 : memref<1x1024x8xf32, #tpu.memory_space<vmem>> -> memref<1024x8xf32, #tpu.memory_space<vmem>>
        %gather3A_912 = tpu.vector_load_idx %gather3A_911[%add3A_891, %broadcast_in_dim3A_897] : memref<1024x8xf32, #tpu.memory_space<vmem>>[vector<16xi32>, vector<16xi32>], vector<16xf32>,
        %gather3A_913 = arith.constant 0 : i32
        %gather3A_914 = arith.constant 0 : i32
        %gather3A_915 = tpu.memref_slice %arg9[%scan3A_695, %gather3A_913, %gather3A_914] : memref<2x1024x8xf32, #tpu.memory_space<vmem>> -> memref<1x1024x8xf32, #tpu.memory_space<vmem>>
        %gather3A_916 = tpu.memref_squeeze %gather3A_915 : memref<1x1024x8xf32, #tpu.memory_space<vmem>> -> memref<1024x8xf32, #tpu.memory_space<vmem>>
        %gather3A_917 = tpu.vector_load_idx %gather3A_916[%add3A_891, %broadcast_in_dim3A_893] : memref<1024x8xf32, #tpu.memory_space<vmem>>[vector<16xi32>, vector<16xi32>], vector<16xf32>,
        %gather3A_918 = arith.constant 0 : i32
        %gather3A_919 = arith.constant 0 : i32
        %gather3A_920 = tpu.memref_slice %arg9[%scan3A_695, %gather3A_918, %gather3A_919] : memref<2x1024x8xf32, #tpu.memory_space<vmem>> -> memref<1x1024x8xf32, #tpu.memory_space<vmem>>
        %gather3A_921 = tpu.memref_squeeze %gather3A_920 : memref<1x1024x8xf32, #tpu.memory_space<vmem>> -> memref<1024x8xf32, #tpu.memory_space<vmem>>
        %gather3A_922 = tpu.vector_load_idx %gather3A_921[%add3A_891, %broadcast_in_dim3A_895] : memref<1024x8xf32, #tpu.memory_space<vmem>>[vector<16xi32>, vector<16xi32>], vector<16xf32>,
        %gather3A_923 = arith.constant 0 : i32
        %gather3A_924 = arith.constant 0 : i32
        %gather3A_925 = tpu.memref_slice %arg9[%scan3A_695, %gather3A_923, %gather3A_924] : memref<2x1024x8xf32, #tpu.memory_space<vmem>> -> memref<1x1024x8xf32, #tpu.memory_space<vmem>>
        %gather3A_926 = tpu.memref_squeeze %gather3A_925 : memref<1x1024x8xf32, #tpu.memory_space<vmem>> -> memref<1024x8xf32, #tpu.memory_space<vmem>>
        %gather3A_927 = tpu.vector_load_idx %gather3A_926[%add3A_891, %broadcast_in_dim3A_897] : memref<1024x8xf32, #tpu.memory_space<vmem>>[vector<16xi32>, vector<16xi32>], vector<16xf32>,
        %jit3A_928 = arith.constant 8 : i32
        %div3A_929 = arith.divsi %scan3A_887, %jit3A_928 : i32
        %sign3A_930 = arith.constant 0 : i32
        %sign3A_931 = arith.cmpi sgt, %scan3A_887, %sign3A_930 : i32
        %sign3A_932 = arith.extui %sign3A_931 : i1 to i32
        %sign3A_933 = arith.constant 0 : i32
        %sign3A_934 = arith.cmpi slt, %scan3A_887, %sign3A_933 : i32
        %sign3A_935 = arith.extui %sign3A_934 : i1 to i32
        %sign3A_936 = arith.subi %sign3A_932, %sign3A_935 : i32
        %sign3A_937 = arith.constant 0 : i32
        %sign3A_938 = arith.cmpi sgt, %jit3A_928, %sign3A_937 : i32
        %sign3A_939 = arith.extui %sign3A_938 : i1 to i32
        %sign3A_940 = arith.constant 0 : i32
        %sign3A_941 = arith.cmpi slt, %jit3A_928, %sign3A_940 : i32
        %sign3A_942 = arith.extui %sign3A_941 : i1 to i32
        %sign3A_943 = arith.subi %sign3A_939, %sign3A_942 : i32
        %ne3A_944 = arith.cmpi ne, %sign3A_936, %sign3A_943 : i32
        %rem3A_945 = arith.remsi %scan3A_887, %jit3A_928 : i32
        %ne3A_946 = arith.constant 0 : i32
        %ne3A_947 = arith.cmpi ne, %rem3A_945, %ne3A_946 : i32
        %and3A_948 = arith.andi %ne3A_944, %ne3A_947 : i1
        %sub3A_949 = arith.constant 1 : i32
        %sub3A_950 = arith.subi %div3A_929, %sub3A_949 : i32
        %select_n3A_951 = arith.select %and3A_948, %sub3A_950, %div3A_929 : i32
        %jit3A_952 = arith.constant 8 : i32
        %eq3A_953 = arith.constant 0 : i32
        %eq3A_954 = arith.cmpi eq, %jit3A_952, %eq3A_953 : i32
        %jit3A_955 = arith.constant 1 : i32
        %select_n3A_956 = arith.select %eq3A_954, %jit3A_955, %jit3A_952 : i32
        %rem3A_957 = arith.remsi %scan3A_887, %select_n3A_956 : i32
        %ne3A_958 = arith.constant 0 : i32
        %ne3A_959 = arith.cmpi ne, %rem3A_957, %ne3A_958 : i32
        %lt3A_960 = arith.constant 0 : i32
        %lt3A_961 = arith.cmpi slt, %rem3A_957, %lt3A_960 : i32
        %lt3A_962 = arith.constant 0 : i32
        %lt3A_963 = arith.cmpi slt, %select_n3A_956, %lt3A_962 : i32
        %ne3A_964 = arith.xori %lt3A_961, %lt3A_963 : i1
        %and3A_965 = arith.andi %ne3A_964, %ne3A_959 : i1
        %add3A_966 = arith.addi %rem3A_957, %select_n3A_956 : i32
        %select_n3A_967 = arith.select %and3A_965, %add3A_966, %rem3A_957 : i32
        %mul3A_968 = arith.constant 16 : i32
        %mul3A_969 = arith.muli %select_n3A_967, %mul3A_968 : i32
        %get3A_970 = arith.constant 0 : i32
        %get3A_971 = arith.constant 0 : i32
        %get3A_972 = arith.constant 0 : i32
        %get3A_973 = arith.constant 0 : i32
        %get3A_974 = tpu.memref_slice %arg10[%scan3A_696, %get3A_971, %get3A_972, %get3A_973] : memref<2x8x4x128xf32, #tpu.memory_space<vmem>> -> memref<1x8x4x128xf32, #tpu.memory_space<vmem>>
        %get3A_975 = tpu.memref_squeeze %get3A_974 : memref<1x8x4x128xf32, #tpu.memory_space<vmem>> -> memref<8x4x128xf32, #tpu.memory_space<vmem>>
        %get3A_976 = arith.index_cast %select_n3A_951 : i32 to index
        %get3A_977 = arith.index_cast %get3A_970 : i32 to index
        %get3A_978 = arith.index_cast %mul3A_969 : i32 to index
        %get3A_979 = tpu.vector_load %get3A_975[%get3A_976, %get3A_977, %get3A_978] {strides = array<i32>} : memref<8x4x128xf32, #tpu.memory_space<vmem>>, vector<16xf32>,
        %get3A_980 = arith.constant 1 : i32
        %get3A_981 = arith.constant 0 : i32
        %get3A_982 = arith.constant 0 : i32
        %get3A_983 = arith.constant 0 : i32
        %get3A_984 = tpu.memref_slice %arg10[%scan3A_696, %get3A_981, %get3A_982, %get3A_983] : memref<2x8x4x128xf32, #tpu.memory_space<vmem>> -> memref<1x8x4x128xf32, #tpu.memory_space<vmem>>
        %get3A_985 = tpu.memref_squeeze %get3A_984 : memref<1x8x4x128xf32, #tpu.memory_space<vmem>> -> memref<8x4x128xf32, #tpu.memory_space<vmem>>
        %get3A_986 = arith.index_cast %select_n3A_951 : i32 to index
        %get3A_987 = arith.index_cast %get3A_980 : i32 to index
        %get3A_988 = arith.index_cast %mul3A_969 : i32 to index
        %get3A_989 = tpu.vector_load %get3A_985[%get3A_986, %get3A_987, %get3A_988] {strides = array<i32>} : memref<8x4x128xf32, #tpu.memory_space<vmem>>, vector<16xf32>,
        %get3A_990 = arith.constant 2 : i32
        %get3A_991 = arith.constant 0 : i32
        %get3A_992 = arith.constant 0 : i32
        %get3A_993 = arith.constant 0 : i32
        %get3A_994 = tpu.memref_slice %arg10[%scan3A_696, %get3A_991, %get3A_992, %get3A_993] : memref<2x8x4x128xf32, #tpu.memory_space<vmem>> -> memref<1x8x4x128xf32, #tpu.memory_space<vmem>>
        %get3A_995 = tpu.memref_squeeze %get3A_994 : memref<1x8x4x128xf32, #tpu.memory_space<vmem>> -> memref<8x4x128xf32, #tpu.memory_space<vmem>>
        %get3A_996 = arith.index_cast %select_n3A_951 : i32 to index
        %get3A_997 = arith.index_cast %get3A_990 : i32 to index
        %get3A_998 = arith.index_cast %mul3A_969 : i32 to index
        %get3A_999 = tpu.vector_load %get3A_995[%get3A_996, %get3A_997, %get3A_998] {strides = array<i32>} : memref<8x4x128xf32, #tpu.memory_space<vmem>>, vector<16xf32>,
        %mul3A_1000 = arith.constant 16 : i32
        %mul3A_1001 = arith.muli %scan3A_887, %mul3A_1000 : i32
        %sub3A_1002 = arith.subf %gather3A_917, %gather3A_902 : vector<16xf32>
        %mul3A_1003 = arith.mulf %get3A_979, %get3A_3 : vector<16xf32>
        %mul3A_1004 = arith.mulf %get3A_989, %get3A_15 : vector<16xf32>
        %add3A_1005 = arith.addf %mul3A_1003, %mul3A_1004 : vector<16xf32>
        %mul3A_1006 = arith.mulf %get3A_999, %get3A_27 : vector<16xf32>
        %add3A_1007 = arith.addf %add3A_1005, %mul3A_1006 : vector<16xf32>
        %add3A_1008 = arith.addf %sub3A_1002, %add3A_1007 : vector<16xf32>
        %sub3A_1009 = arith.subf %gather3A_922, %gather3A_907 : vector<16xf32>
        %mul3A_1010 = arith.mulf %get3A_979, %get3A_7 : vector<16xf32>
        %mul3A_1011 = arith.mulf %get3A_989, %get3A_19 : vector<16xf32>
        %add3A_1012 = arith.addf %mul3A_1010, %mul3A_1011 : vector<16xf32>
        %mul3A_1013 = arith.mulf %get3A_999, %get3A_31 : vector<16xf32>
        %add3A_1014 = arith.addf %add3A_1012, %mul3A_1013 : vector<16xf32>
        %add3A_1015 = arith.addf %sub3A_1009, %add3A_1014 : vector<16xf32>
        %sub3A_1016 = arith.subf %gather3A_927, %gather3A_912 : vector<16xf32>
        %mul3A_1017 = arith.mulf %get3A_979, %get3A_11 : vector<16xf32>
        %mul3A_1018 = arith.mulf %get3A_989, %get3A_23 : vector<16xf32>
        %add3A_1019 = arith.addf %mul3A_1017, %mul3A_1018 : vector<16xf32>
        %mul3A_1020 = arith.mulf %get3A_999, %get3A_35 : vector<16xf32>
        %add3A_1021 = arith.addf %add3A_1019, %mul3A_1020 : vector<16xf32>
        %add3A_1022 = arith.addf %sub3A_1016, %add3A_1021 : vector<16xf32>
        %mul3A_1023 = arith.mulf %add3A_1008, %add3A_1008 : vector<16xf32>
        %mul3A_1024 = arith.mulf %add3A_1015, %add3A_1015 : vector<16xf32>
        %add3A_1025 = arith.addf %mul3A_1023, %mul3A_1024 : vector<16xf32>
        %mul3A_1026 = arith.mulf %add3A_1022, %add3A_1022 : vector<16xf32>
        %add3A_1027 = arith.addf %add3A_1025, %mul3A_1026 : vector<16xf32>
        %max3A_1028 = arith.constant 1.000000e-30 : f32
        %max3A_1029 = vector.broadcast %max3A_1028 : f32 to vector<16xf32>
        %max3A_1030 = arith.maximumf %add3A_1027, %max3A_1029 : vector<16xf32>
        %bitcast_convert_type3A_1031 = tpu.bitcast %max3A_1030 : vector<16xf32> -> vector<16xi32>
        %shift_right_arithmetic3A_1032 = arith.constant 1 : i32
        %shift_right_arithmetic3A_1033 = vector.broadcast %shift_right_arithmetic3A_1032 : i32 to vector<16xi32>
        %shift_right_arithmetic3A_1034 = arith.shrsi %bitcast_convert_type3A_1031, %shift_right_arithmetic3A_1033 : vector<16xi32>
        %sub3A_1035 = arith.constant 1597463007 : i32
        %sub3A_1036 = vector.broadcast %sub3A_1035 : i32 to vector<16xi32>
        %sub3A_1037 = arith.subi %sub3A_1036, %shift_right_arithmetic3A_1034 : vector<16xi32>
        %bitcast_convert_type3A_1038 = tpu.bitcast %sub3A_1037 : vector<16xi32> -> vector<16xf32>
        %mul3A_1039 = arith.constant 5.000000e-01 : f32
        %mul3A_1040 = vector.broadcast %mul3A_1039 : f32 to vector<16xf32>
        %mul3A_1041 = arith.mulf %mul3A_1040, %max3A_1030 : vector<16xf32>
        %mul3A_1042 = arith.mulf %mul3A_1041, %bitcast_convert_type3A_1038 : vector<16xf32>
        %mul3A_1043 = arith.mulf %mul3A_1042, %bitcast_convert_type3A_1038 : vector<16xf32>
        %sub3A_1044 = arith.constant 1.500000e+00 : f32
        %sub3A_1045 = vector.broadcast %sub3A_1044 : f32 to vector<16xf32>
        %sub3A_1046 = arith.subf %sub3A_1045, %mul3A_1043 : vector<16xf32>
        %mul3A_1047 = arith.mulf %bitcast_convert_type3A_1038, %sub3A_1046 : vector<16xf32>
        %mul3A_1048 = arith.constant 5.000000e-01 : f32
        %mul3A_1049 = vector.broadcast %mul3A_1048 : f32 to vector<16xf32>
        %mul3A_1050 = arith.mulf %mul3A_1049, %max3A_1030 : vector<16xf32>
        %mul3A_1051 = arith.mulf %mul3A_1050, %mul3A_1047 : vector<16xf32>
        %mul3A_1052 = arith.mulf %mul3A_1051, %mul3A_1047 : vector<16xf32>
        %sub3A_1053 = arith.constant 1.500000e+00 : f32
        %sub3A_1054 = vector.broadcast %sub3A_1053 : f32 to vector<16xf32>
        %sub3A_1055 = arith.subf %sub3A_1054, %mul3A_1052 : vector<16xf32>
        %mul3A_1056 = arith.mulf %mul3A_1047, %sub3A_1055 : vector<16xf32>
        %mul3A_1057 = arith.mulf %max3A_1030, %mul3A_1056 : vector<16xf32>
        %swap3A_1058 = arith.constant 0 : i32
        %swap3A_1059 = tpu.memref_slice %arg11[%scan3A_697, %swap3A_1058] : memref<2x1024xf32, #tpu.memory_space<vmem>> -> memref<1x1024xf32, #tpu.memory_space<vmem>>
        %swap3A_1060 = tpu.memref_squeeze %swap3A_1059 : memref<1x1024xf32, #tpu.memory_space<vmem>> -> memref<1024xf32, #tpu.memory_space<vmem>>
        %swap3A_1061 = arith.index_cast %mul3A_1001 : i32 to index
        %swap3A_1062 = tpu.vector_load %swap3A_1060[%swap3A_1061] {strides = array<i32>} : memref<1024xf32, #tpu.memory_space<vmem>>, vector<16xf32>,
        tpu.vector_store %swap3A_1060[%swap3A_1061], %mul3A_1057 {strides = array<i32>} : memref<1024xf32, #tpu.memory_space<vmem>>, vector<16xf32>,
      }
      %scan3A_702 = arith.constant 64 : i32
      %mul3A_703 = arith.constant 1024 : i32
      %mul3A_704 = arith.muli %add3A_387, %mul3A_703 : i32
      %dma_start3A_705 = arith.constant 0 : i32
      %dma_start3A_706 = arith.constant 0 : i32
      %dma_start3A_707 = tpu.memref_slice %arg11[%dma_start3A_705, %dma_start3A_706] : memref<2x1024xf32, #tpu.memory_space<vmem>> -> memref<1x1024xf32, #tpu.memory_space<vmem>>
      %dma_start3A_708 = tpu.memref_squeeze %dma_start3A_707 : memref<1x1024xf32, #tpu.memory_space<vmem>> -> memref<1024xf32, #tpu.memory_space<vmem>>
      %dma_start3A_709 = tpu.memref_slice %arg6[%mul3A_704] : memref<3200000xf32, #tpu.memory_space<hbm>> -> memref<1024xf32, #tpu.memory_space<hbm>>
      %dma_start3A_710 = tpu.memref_slice %arg6[%mul3A_704] : memref<3200000xf32, #tpu.memory_space<hbm>> -> memref<1024xf32, #tpu.memory_space<hbm>>
      %dma_start3A_711 = arith.constant 0 : i32
      %dma_start3A_712 = tpu.memref_slice %arg11[%dma_start3A_705, %dma_start3A_711] : memref<2x1024xf32, #tpu.memory_space<vmem>> -> memref<1x1024xf32, #tpu.memory_space<vmem>>
      %dma_start3A_713 = tpu.memref_squeeze %dma_start3A_712 : memref<1x1024xf32, #tpu.memory_space<vmem>> -> memref<1024xf32, #tpu.memory_space<vmem>>
      tpu.enqueue_dma source(%dma_start3A_713 : memref<1024xf32, #tpu.memory_space<vmem>>) target(%dma_start3A_710 : memref<1024xf32, #tpu.memory_space<hbm>>) target_semaphore(%arg14 : memref<!tpu.dma_semaphore, #tpu.memory_space<semaphore_mem>>)
      %convert_element_type3A_714 = arith.extui %lt3A_394 : i1 to i32
      %cond3A_715 = arith.constant 0 : i32
      %cond3A_716 = arith.cmpi ne, %convert_element_type3A_714, %cond3A_715 : i32
      scf.if %cond3A_716 {
        %mul3A_717 = arith.constant 2 : i32
        %mul3A_718 = arith.muli %mul3A_717, %while3A_382 : i32
        %add3A_719 = arith.constant 2 : i32
        %add3A_720 = arith.addi %mul3A_718, %add3A_719 : i32
        %lt3A_721 = arith.cmpi slt, %add3A_720, %add3A_39 : i32
        %mul3A_722 = arith.constant 2 : i32
        %mul3A_723 = arith.muli %mul3A_722, %while3A_382 : i32
        %add3A_724 = arith.constant 2 : i32
        %add3A_725 = arith.addi %mul3A_723, %add3A_724 : i32
        %mul3A_726 = arith.constant 32 : i32
        %mul3A_727 = arith.muli %add3A_725, %mul3A_726 : i32
        %add3A_728 = arith.addi %add3A, %mul3A_727 : i32
        %convert_element_type3A_729 = arith.extui %lt3A_721 : i1 to i32
        %cond3A_730 = arith.constant 0 : i32
        %cond3A_731 = arith.cmpi ne, %convert_element_type3A_729, %cond3A_730 : i32
        scf.if %cond3A_731 {
          %mul3A_1052 = arith.constant 8 : i32
          %mul3A_1053 = arith.muli %add3A_728, %mul3A_1052 : i32
          %dma_start3A_1054 = arith.constant 0 : i32
          %dma_start3A_1055 = arith.constant 0 : i32
          %dma_start3A_1056 = arith.constant 0 : i32
          %dma_start3A_1057 = arith.constant 0 : i32
          %dma_start3A_1058 = tpu.memref_slice %arg7[%dma_start3A_1054, %dma_start3A_1055, %dma_start3A_1056, %dma_start3A_1057] : memref<2x8x2x128xi32, #tpu.memory_space<vmem>> -> memref<1x8x2x128xi32, #tpu.memory_space<vmem>>
          %dma_start3A_1059 = tpu.memref_squeeze %dma_start3A_1058 : memref<1x8x2x128xi32, #tpu.memory_space<vmem>> -> memref<8x2x128xi32, #tpu.memory_space<vmem>>
          %dma_start3A_1060 = arith.constant 0 : i32
          %dma_start3A_1061 = arith.constant 0 : i32
          %dma_start3A_1062 = tpu.memref_slice %arg3[%mul3A_1053, %dma_start3A_1060, %dma_start3A_1061] : memref<25000x2x128xi32, #tpu.memory_space<hbm>> -> memref<8x2x128xi32, #tpu.memory_space<hbm>>
          %dma_start3A_1063 = arith.constant 0 : i32
          %dma_start3A_1064 = arith.constant 0 : i32
          %dma_start3A_1065 = arith.constant 0 : i32
          %dma_start3A_1066 = tpu.memref_slice %arg7[%dma_start3A_1054, %dma_start3A_1063, %dma_start3A_1064, %dma_start3A_1065] : memref<2x8x2x128xi32, #tpu.memory_space<vmem>> -> memref<1x8x2x128xi32, #tpu.memory_space<vmem>>
          %dma_start3A_1067 = tpu.memref_squeeze %dma_start3A_1066 : memref<1x8x2x128xi32, #tpu.memory_space<vmem>> -> memref<8x2x128xi32, #tpu.memory_space<vmem>>
          %dma_start3A_1068 = arith.constant 0 : i32
          %dma_start3A_1069 = arith.constant 0 : i32
          %dma_start3A_1070 = tpu.memref_slice %arg3[%mul3A_1053, %dma_start3A_1068, %dma_start3A_1069] : memref<25000x2x128xi32, #tpu.memory_space<hbm>> -> memref<8x2x128xi32, #tpu.memory_space<hbm>>
          tpu.enqueue_dma source(%dma_start3A_1070 : memref<8x2x128xi32, #tpu.memory_space<hbm>>) target(%dma_start3A_1067 : memref<8x2x128xi32, #tpu.memory_space<vmem>>) target_semaphore(%arg15 : memref<!tpu.dma_semaphore, #tpu.memory_space<semaphore_mem>>)
        } else {
        }
        %mul3A_732 = arith.constant 8 : i32
        %mul3A_733 = arith.muli %add3A_389, %mul3A_732 : i32
        %dma_wait3A_734 = arith.constant 1 : i32
        %dma_wait3A_735 = arith.constant 0 : i32
        %dma_wait3A_736 = arith.constant 0 : i32
        %dma_wait3A_737 = arith.constant 1 : i32
        %dma_wait3A_738 = arith.constant 0 : i32
        %dma_wait3A_739 = arith.constant 0 : i32
        %dma_wait3A_740 = tpu.memref_slice %arg8[%dma_wait3A_737, %dma_wait3A_738, %dma_wait3A_739] : memref<2x1024x8xf32, #tpu.memory_space<vmem>> -> memref<1x1024x8xf32, #tpu.memory_space<vmem>>
        %dma_wait3A_741 = tpu.memref_squeeze %dma_wait3A_740 : memref<1x1024x8xf32, #tpu.memory_space<vmem>> -> memref<1024x8xf32, #tpu.memory_space<vmem>>
        %dma_wait3A_742 = arith.constant 0 : i32
        %dma_wait3A_743 = arith.constant 0 : i32
        %dma_wait3A_744 = tpu.memref_slice %dma_wait3A_741[%dma_wait3A_742, %dma_wait3A_743] : memref<1024x8xf32, #tpu.memory_space<vmem>> -> memref<128x8xf32, #tpu.memory_space<vmem>>
        %dma_wait3A_745 = arith.constant 0 : i32
        %dma_wait3A_746 = tpu.memref_slice %arg7[%dma_wait3A_734, %dma_wait3A_735, %dma_wait3A_736, %dma_wait3A_745] : memref<2x8x2x128xi32, #tpu.memory_space<vmem>> -> memref<1x1x1x128xi32, #tpu.memory_space<vmem>>
        %dma_wait3A_747 = tpu.memref_squeeze %dma_wait3A_746 : memref<1x1x1x128xi32, #tpu.memory_space<vmem>> -> memref<128xi32, #tpu.memory_space<vmem>>
        %dma_wait3A_748 = arith.constant 0 : i32
        %dma_wait3A_749 = arith.constant 0 : i32
        %dma_wait3A_750 = tpu.memref_slice %arg2[%dma_wait3A_748, %dma_wait3A_749] : memref<100000x8xf32, #tpu.memory_space<hbm>> -> memref<100000x8xf32, #tpu.memory_space<hbm>>
        tpu.wait_indirect_dma semaphore(%arg13 : memref<!tpu.dma_semaphore, #tpu.memory_space<semaphore_mem>>) src(%dma_wait3A_750 : memref<100000x8xf32, #tpu.memory_space<hbm>>) dst(%dma_wait3A_744 : memref<128x8xf32, #tpu.memory_space<vmem>>)
        %dma_wait3A_751 = arith.constant 1 : i32
        %dma_wait3A_752 = arith.constant 0 : i32
        %dma_wait3A_753 = arith.constant 1 : i32
        %dma_wait3A_754 = arith.constant 1 : i32
        %dma_wait3A_755 = arith.constant 0 : i32
        %dma_wait3A_756 = arith.constant 0 : i32
        %dma_wait3A_757 = tpu.memref_slice %arg9[%dma_wait3A_754, %dma_wait3A_755, %dma_wait3A_756] : memref<2x1024x8xf32, #tpu.memory_space<vmem>> -> memref<1x1024x8xf32, #tpu.memory_space<vmem>>
        %dma_wait3A_758 = tpu.memref_squeeze %dma_wait3A_757 : memref<1x1024x8xf32, #tpu.memory_space<vmem>> -> memref<1024x8xf32, #tpu.memory_space<vmem>>
        %dma_wait3A_759 = arith.constant 0 : i32
        %dma_wait3A_760 = arith.constant 0 : i32
        %dma_wait3A_761 = tpu.memref_slice %dma_wait3A_758[%dma_wait3A_759, %dma_wait3A_760] : memref<1024x8xf32, #tpu.memory_space<vmem>> -> memref<128x8xf32, #tpu.memory_space<vmem>>
        %dma_wait3A_762 = arith.constant 0 : i32
        %dma_wait3A_763 = tpu.memref_slice %arg7[%dma_wait3A_751, %dma_wait3A_752, %dma_wait3A_753, %dma_wait3A_762] : memref<2x8x2x128xi32, #tpu.memory_space<vmem>> -> memref<1x1x1x128xi32, #tpu.memory_space<vmem>>
        %dma_wait3A_764 = tpu.memref_squeeze %dma_wait3A_763 : memref<1x1x1x128xi32, #tpu.memory_space<vmem>> -> memref<128xi32, #tpu.memory_space<vmem>>
        %dma_wait3A_765 = arith.constant 0 : i32
        %dma_wait3A_766 = arith.constant 0 : i32
        %dma_wait3A_767 = tpu.memref_slice %arg2[%dma_wait3A_765, %dma_wait3A_766] : memref<100000x8xf32, #tpu.memory_space<hbm>> -> memref<100000x8xf32, #tpu.memory_space<hbm>>
        tpu.wait_indirect_dma semaphore(%arg13 : memref<!tpu.dma_semaphore, #tpu.memory_space<semaphore_mem>>) src(%dma_wait3A_767 : memref<100000x8xf32, #tpu.memory_space<hbm>>) dst(%dma_wait3A_761 : memref<128x8xf32, #tpu.memory_space<vmem>>)
        %dma_wait3A_768 = arith.constant 1 : i32
        %dma_wait3A_769 = arith.constant 1 : i32
        %dma_wait3A_770 = arith.constant 0 : i32
        %dma_wait3A_771 = arith.constant 1 : i32
        %dma_wait3A_772 = arith.constant 0 : i32
        %dma_wait3A_773 = arith.constant 0 : i32
        %dma_wait3A_774 = tpu.memref_slice %arg8[%dma_wait3A_771, %dma_wait3A_772, %dma_wait3A_773] : memref<2x1024x8xf32, #tpu.memory_space<vmem>> -> memref<1x1024x8xf32, #tpu.memory_space<vmem>>
        %dma_wait3A_775 = tpu.memref_squeeze %dma_wait3A_774 : memref<1x1024x8xf32, #tpu.memory_space<vmem>> -> memref<1024x8xf32, #tpu.memory_space<vmem>>
        %dma_wait3A_776 = arith.constant 128 : i32
        %dma_wait3A_777 = arith.constant 0 : i32
        %dma_wait3A_778 = tpu.memref_slice %dma_wait3A_775[%dma_wait3A_776, %dma_wait3A_777] : memref<1024x8xf32, #tpu.memory_space<vmem>> -> memref<128x8xf32, #tpu.memory_space<vmem>>
        %dma_wait3A_779 = arith.constant 0 : i32
        %dma_wait3A_780 = tpu.memref_slice %arg7[%dma_wait3A_768, %dma_wait3A_769, %dma_wait3A_770, %dma_wait3A_779] : memref<2x8x2x128xi32, #tpu.memory_space<vmem>> -> memref<1x1x1x128xi32, #tpu.memory_space<vmem>>
        %dma_wait3A_781 = tpu.memref_squeeze %dma_wait3A_780 : memref<1x1x1x128xi32, #tpu.memory_space<vmem>> -> memref<128xi32, #tpu.memory_space<vmem>>
        %dma_wait3A_782 = arith.constant 0 : i32
        %dma_wait3A_783 = arith.constant 0 : i32
        %dma_wait3A_784 = tpu.memref_slice %arg2[%dma_wait3A_782, %dma_wait3A_783] : memref<100000x8xf32, #tpu.memory_space<hbm>> -> memref<100000x8xf32, #tpu.memory_space<hbm>>
        tpu.wait_indirect_dma semaphore(%arg13 : memref<!tpu.dma_semaphore, #tpu.memory_space<semaphore_mem>>) src(%dma_wait3A_784 : memref<100000x8xf32, #tpu.memory_space<hbm>>) dst(%dma_wait3A_778 : memref<128x8xf32, #tpu.memory_space<vmem>>)
        %dma_wait3A_785 = arith.constant 1 : i32
        %dma_wait3A_786 = arith.constant 1 : i32
        %dma_wait3A_787 = arith.constant 1 : i32
        %dma_wait3A_788 = arith.constant 1 : i32
        %dma_wait3A_789 = arith.constant 0 : i32
        %dma_wait3A_790 = arith.constant 0 : i32
        %dma_wait3A_791 = tpu.memref_slice %arg9[%dma_wait3A_788, %dma_wait3A_789, %dma_wait3A_790] : memref<2x1024x8xf32, #tpu.memory_space<vmem>> -> memref<1x1024x8xf32, #tpu.memory_space<vmem>>
        %dma_wait3A_792 = tpu.memref_squeeze %dma_wait3A_791 : memref<1x1024x8xf32, #tpu.memory_space<vmem>> -> memref<1024x8xf32, #tpu.memory_space<vmem>>
        %dma_wait3A_793 = arith.constant 128 : i32
        %dma_wait3A_794 = arith.constant 0 : i32
        %dma_wait3A_795 = tpu.memref_slice %dma_wait3A_792[%dma_wait3A_793, %dma_wait3A_794] : memref<1024x8xf32, #tpu.memory_space<vmem>> -> memref<128x8xf32, #tpu.memory_space<vmem>>
        %dma_wait3A_796 = arith.constant 0 : i32
        %dma_wait3A_797 = tpu.memref_slice %arg7[%dma_wait3A_785, %dma_wait3A_786, %dma_wait3A_787, %dma_wait3A_796] : memref<2x8x2x128xi32, #tpu.memory_space<vmem>> -> memref<1x1x1x128xi32, #tpu.memory_space<vmem>>
        %dma_wait3A_798 = tpu.memref_squeeze %dma_wait3A_797 : memref<1x1x1x128xi32, #tpu.memory_space<vmem>> -> memref<128xi32, #tpu.memory_space<vmem>>
        %dma_wait3A_799 = arith.constant 0 : i32
        %dma_wait3A_800 = arith.constant 0 : i32
        %dma_wait3A_801 = tpu.memref_slice %arg2[%dma_wait3A_799, %dma_wait3A_800] : memref<100000x8xf32, #tpu.memory_space<hbm>> -> memref<100000x8xf32, #tpu.memory_space<hbm>>
        tpu.wait_indirect_dma semaphore(%arg13 : memref<!tpu.dma_semaphore, #tpu.memory_space<semaphore_mem>>) src(%dma_wait3A_801 : memref<100000x8xf32, #tpu.memory_space<hbm>>) dst(%dma_wait3A_795 : memref<128x8xf32, #tpu.memory_space<vmem>>)
        %dma_wait3A_802 = arith.constant 1 : i32
        %dma_wait3A_803 = arith.constant 2 : i32
        %dma_wait3A_804 = arith.constant 0 : i32
        %dma_wait3A_805 = arith.constant 1 : i32
        %dma_wait3A_806 = arith.constant 0 : i32
        %dma_wait3A_807 = arith.constant 0 : i32
        %dma_wait3A_808 = tpu.memref_slice %arg8[%dma_wait3A_805, %dma_wait3A_806, %dma_wait3A_807] : memref<2x1024x8xf32, #tpu.memory_space<vmem>> -> memref<1x1024x8xf32, #tpu.memory_space<vmem>>
        %dma_wait3A_809 = tpu.memref_squeeze %dma_wait3A_808 : memref<1x1024x8xf32, #tpu.memory_space<vmem>> -> memref<1024x8xf32, #tpu.memory_space<vmem>>
        %dma_wait3A_810 = arith.constant 256 : i32
        %dma_wait3A_811 = arith.constant 0 : i32
        %dma_wait3A_812 = tpu.memref_slice %dma_wait3A_809[%dma_wait3A_810, %dma_wait3A_811] : memref<1024x8xf32, #tpu.memory_space<vmem>> -> memref<128x8xf32, #tpu.memory_space<vmem>>
        %dma_wait3A_813 = arith.constant 0 : i32
        %dma_wait3A_814 = tpu.memref_slice %arg7[%dma_wait3A_802, %dma_wait3A_803, %dma_wait3A_804, %dma_wait3A_813] : memref<2x8x2x128xi32, #tpu.memory_space<vmem>> -> memref<1x1x1x128xi32, #tpu.memory_space<vmem>>
        %dma_wait3A_815 = tpu.memref_squeeze %dma_wait3A_814 : memref<1x1x1x128xi32, #tpu.memory_space<vmem>> -> memref<128xi32, #tpu.memory_space<vmem>>
        %dma_wait3A_816 = arith.constant 0 : i32
        %dma_wait3A_817 = arith.constant 0 : i32
        %dma_wait3A_818 = tpu.memref_slice %arg2[%dma_wait3A_816, %dma_wait3A_817] : memref<100000x8xf32, #tpu.memory_space<hbm>> -> memref<100000x8xf32, #tpu.memory_space<hbm>>
        tpu.wait_indirect_dma semaphore(%arg13 : memref<!tpu.dma_semaphore, #tpu.memory_space<semaphore_mem>>) src(%dma_wait3A_818 : memref<100000x8xf32, #tpu.memory_space<hbm>>) dst(%dma_wait3A_812 : memref<128x8xf32, #tpu.memory_space<vmem>>)
        %dma_wait3A_819 = arith.constant 1 : i32
        %dma_wait3A_820 = arith.constant 2 : i32
        %dma_wait3A_821 = arith.constant 1 : i32
        %dma_wait3A_822 = arith.constant 1 : i32
        %dma_wait3A_823 = arith.constant 0 : i32
        %dma_wait3A_824 = arith.constant 0 : i32
        %dma_wait3A_825 = tpu.memref_slice %arg9[%dma_wait3A_822, %dma_wait3A_823, %dma_wait3A_824] : memref<2x1024x8xf32, #tpu.memory_space<vmem>> -> memref<1x1024x8xf32, #tpu.memory_space<vmem>>
        %dma_wait3A_826 = tpu.memref_squeeze %dma_wait3A_825 : memref<1x1024x8xf32, #tpu.memory_space<vmem>> -> memref<1024x8xf32, #tpu.memory_space<vmem>>
        %dma_wait3A_827 = arith.constant 256 : i32
        %dma_wait3A_828 = arith.constant 0 : i32
        %dma_wait3A_829 = tpu.memref_slice %dma_wait3A_826[%dma_wait3A_827, %dma_wait3A_828] : memref<1024x8xf32, #tpu.memory_space<vmem>> -> memref<128x8xf32, #tpu.memory_space<vmem>>
        %dma_wait3A_830 = arith.constant 0 : i32
        %dma_wait3A_831 = tpu.memref_slice %arg7[%dma_wait3A_819, %dma_wait3A_820, %dma_wait3A_821, %dma_wait3A_830] : memref<2x8x2x128xi32, #tpu.memory_space<vmem>> -> memref<1x1x1x128xi32, #tpu.memory_space<vmem>>
        %dma_wait3A_832 = tpu.memref_squeeze %dma_wait3A_831 : memref<1x1x1x128xi32, #tpu.memory_space<vmem>> -> memref<128xi32, #tpu.memory_space<vmem>>
        %dma_wait3A_833 = arith.constant 0 : i32
        %dma_wait3A_834 = arith.constant 0 : i32
        %dma_wait3A_835 = tpu.memref_slice %arg2[%dma_wait3A_833, %dma_wait3A_834] : memref<100000x8xf32, #tpu.memory_space<hbm>> -> memref<100000x8xf32, #tpu.memory_space<hbm>>
        tpu.wait_indirect_dma semaphore(%arg13 : memref<!tpu.dma_semaphore, #tpu.memory_space<semaphore_mem>>) src(%dma_wait3A_835 : memref<100000x8xf32, #tpu.memory_space<hbm>>) dst(%dma_wait3A_829 : memref<128x8xf32, #tpu.memory_space<vmem>>)
        %dma_wait3A_836 = arith.constant 1 : i32
        %dma_wait3A_837 = arith.constant 3 : i32
        %dma_wait3A_838 = arith.constant 0 : i32
        %dma_wait3A_839 = arith.constant 1 : i32
        %dma_wait3A_840 = arith.constant 0 : i32
        %dma_wait3A_841 = arith.constant 0 : i32
        %dma_wait3A_842 = tpu.memref_slice %arg8[%dma_wait3A_839, %dma_wait3A_840, %dma_wait3A_841] : memref<2x1024x8xf32, #tpu.memory_space<vmem>> -> memref<1x1024x8xf32, #tpu.memory_space<vmem>>
        %dma_wait3A_843 = tpu.memref_squeeze %dma_wait3A_842 : memref<1x1024x8xf32, #tpu.memory_space<vmem>> -> memref<1024x8xf32, #tpu.memory_space<vmem>>
        %dma_wait3A_844 = arith.constant 384 : i32
        %dma_wait3A_845 = arith.constant 0 : i32
        %dma_wait3A_846 = tpu.memref_slice %dma_wait3A_843[%dma_wait3A_844, %dma_wait3A_845] : memref<1024x8xf32, #tpu.memory_space<vmem>> -> memref<128x8xf32, #tpu.memory_space<vmem>>
        %dma_wait3A_847 = arith.constant 0 : i32
        %dma_wait3A_848 = tpu.memref_slice %arg7[%dma_wait3A_836, %dma_wait3A_837, %dma_wait3A_838, %dma_wait3A_847] : memref<2x8x2x128xi32, #tpu.memory_space<vmem>> -> memref<1x1x1x128xi32, #tpu.memory_space<vmem>>
        %dma_wait3A_849 = tpu.memref_squeeze %dma_wait3A_848 : memref<1x1x1x128xi32, #tpu.memory_space<vmem>> -> memref<128xi32, #tpu.memory_space<vmem>>
        %dma_wait3A_850 = arith.constant 0 : i32
        %dma_wait3A_851 = arith.constant 0 : i32
        %dma_wait3A_852 = tpu.memref_slice %arg2[%dma_wait3A_850, %dma_wait3A_851] : memref<100000x8xf32, #tpu.memory_space<hbm>> -> memref<100000x8xf32, #tpu.memory_space<hbm>>
        tpu.wait_indirect_dma semaphore(%arg13 : memref<!tpu.dma_semaphore, #tpu.memory_space<semaphore_mem>>) src(%dma_wait3A_852 : memref<100000x8xf32, #tpu.memory_space<hbm>>) dst(%dma_wait3A_846 : memref<128x8xf32, #tpu.memory_space<vmem>>)
        %dma_wait3A_853 = arith.constant 1 : i32
        %dma_wait3A_854 = arith.constant 3 : i32
        %dma_wait3A_855 = arith.constant 1 : i32
        %dma_wait3A_856 = arith.constant 1 : i32
        %dma_wait3A_857 = arith.constant 0 : i32
        %dma_wait3A_858 = arith.constant 0 : i32
        %dma_wait3A_859 = tpu.memref_slice %arg9[%dma_wait3A_856, %dma_wait3A_857, %dma_wait3A_858] : memref<2x1024x8xf32, #tpu.memory_space<vmem>> -> memref<1x1024x8xf32, #tpu.memory_space<vmem>>
        %dma_wait3A_860 = tpu.memref_squeeze %dma_wait3A_859 : memref<1x1024x8xf32, #tpu.memory_space<vmem>> -> memref<1024x8xf32, #tpu.memory_space<vmem>>
        %dma_wait3A_861 = arith.constant 384 : i32
        %dma_wait3A_862 = arith.constant 0 : i32
        %dma_wait3A_863 = tpu.memref_slice %dma_wait3A_860[%dma_wait3A_861, %dma_wait3A_862] : memref<1024x8xf32, #tpu.memory_space<vmem>> -> memref<128x8xf32, #tpu.memory_space<vmem>>
        %dma_wait3A_864 = arith.constant 0 : i32
        %dma_wait3A_865 = tpu.memref_slice %arg7[%dma_wait3A_853, %dma_wait3A_854, %dma_wait3A_855, %dma_wait3A_864] : memref<2x8x2x128xi32, #tpu.memory_space<vmem>> -> memref<1x1x1x128xi32, #tpu.memory_space<vmem>>
        %dma_wait3A_866 = tpu.memref_squeeze %dma_wait3A_865 : memref<1x1x1x128xi32, #tpu.memory_space<vmem>> -> memref<128xi32, #tpu.memory_space<vmem>>
        %dma_wait3A_867 = arith.constant 0 : i32
        %dma_wait3A_868 = arith.constant 0 : i32
        %dma_wait3A_869 = tpu.memref_slice %arg2[%dma_wait3A_867, %dma_wait3A_868] : memref<100000x8xf32, #tpu.memory_space<hbm>> -> memref<100000x8xf32, #tpu.memory_space<hbm>>
        tpu.wait_indirect_dma semaphore(%arg13 : memref<!tpu.dma_semaphore, #tpu.memory_space<semaphore_mem>>) src(%dma_wait3A_869 : memref<100000x8xf32, #tpu.memory_space<hbm>>) dst(%dma_wait3A_863 : memref<128x8xf32, #tpu.memory_space<vmem>>)
        %dma_wait3A_870 = arith.constant 1 : i32
        %dma_wait3A_871 = arith.constant 4 : i32
        %dma_wait3A_872 = arith.constant 0 : i32
        %dma_wait3A_873 = arith.constant 1 : i32
        %dma_wait3A_874 = arith.constant 0 : i32
        %dma_wait3A_875 = arith.constant 0 : i32
        %dma_wait3A_876 = tpu.memref_slice %arg8[%dma_wait3A_873, %dma_wait3A_874, %dma_wait3A_875] : memref<2x1024x8xf32, #tpu.memory_space<vmem>> -> memref<1x1024x8xf32, #tpu.memory_space<vmem>>
        %dma_wait3A_877 = tpu.memref_squeeze %dma_wait3A_876 : memref<1x1024x8xf32, #tpu.memory_space<vmem>> -> memref<1024x8xf32, #tpu.memory_space<vmem>>
        %dma_wait3A_878 = arith.constant 512 : i32
        %dma_wait3A_879 = arith.constant 0 : i32
        %dma_wait3A_880 = tpu.memref_slice %dma_wait3A_877[%dma_wait3A_878, %dma_wait3A_879] : memref<1024x8xf32, #tpu.memory_space<vmem>> -> memref<128x8xf32, #tpu.memory_space<vmem>>
        %dma_wait3A_881 = arith.constant 0 : i32
        %dma_wait3A_882 = tpu.memref_slice %arg7[%dma_wait3A_870, %dma_wait3A_871, %dma_wait3A_872, %dma_wait3A_881] : memref<2x8x2x128xi32, #tpu.memory_space<vmem>> -> memref<1x1x1x128xi32, #tpu.memory_space<vmem>>
        %dma_wait3A_883 = tpu.memref_squeeze %dma_wait3A_882 : memref<1x1x1x128xi32, #tpu.memory_space<vmem>> -> memref<128xi32, #tpu.memory_space<vmem>>
        %dma_wait3A_884 = arith.constant 0 : i32
        %dma_wait3A_885 = arith.constant 0 : i32
        %dma_wait3A_886 = tpu.memref_slice %arg2[%dma_wait3A_884, %dma_wait3A_885] : memref<100000x8xf32, #tpu.memory_space<hbm>> -> memref<100000x8xf32, #tpu.memory_space<hbm>>
        tpu.wait_indirect_dma semaphore(%arg13 : memref<!tpu.dma_semaphore, #tpu.memory_space<semaphore_mem>>) src(%dma_wait3A_886 : memref<100000x8xf32, #tpu.memory_space<hbm>>) dst(%dma_wait3A_880 : memref<128x8xf32, #tpu.memory_space<vmem>>)
        %dma_wait3A_887 = arith.constant 1 : i32
        %dma_wait3A_888 = arith.constant 4 : i32
        %dma_wait3A_889 = arith.constant 1 : i32
        %dma_wait3A_890 = arith.constant 1 : i32
        %dma_wait3A_891 = arith.constant 0 : i32
        %dma_wait3A_892 = arith.constant 0 : i32
        %dma_wait3A_893 = tpu.memref_slice %arg9[%dma_wait3A_890, %dma_wait3A_891, %dma_wait3A_892] : memref<2x1024x8xf32, #tpu.memory_space<vmem>> -> memref<1x1024x8xf32, #tpu.memory_space<vmem>>
        %dma_wait3A_894 = tpu.memref_squeeze %dma_wait3A_893 : memref<1x1024x8xf32, #tpu.memory_space<vmem>> -> memref<1024x8xf32, #tpu.memory_space<vmem>>
        %dma_wait3A_895 = arith.constant 512 : i32
        %dma_wait3A_896 = arith.constant 0 : i32
        %dma_wait3A_897 = tpu.memref_slice %dma_wait3A_894[%dma_wait3A_895, %dma_wait3A_896] : memref<1024x8xf32, #tpu.memory_space<vmem>> -> memref<128x8xf32, #tpu.memory_space<vmem>>
        %dma_wait3A_898 = arith.constant 0 : i32
        %dma_wait3A_899 = tpu.memref_slice %arg7[%dma_wait3A_887, %dma_wait3A_888, %dma_wait3A_889, %dma_wait3A_898] : memref<2x8x2x128xi32, #tpu.memory_space<vmem>> -> memref<1x1x1x128xi32, #tpu.memory_space<vmem>>
        %dma_wait3A_900 = tpu.memref_squeeze %dma_wait3A_899 : memref<1x1x1x128xi32, #tpu.memory_space<vmem>> -> memref<128xi32, #tpu.memory_space<vmem>>
        %dma_wait3A_901 = arith.constant 0 : i32
        %dma_wait3A_902 = arith.constant 0 : i32
        %dma_wait3A_903 = tpu.memref_slice %arg2[%dma_wait3A_901, %dma_wait3A_902] : memref<100000x8xf32, #tpu.memory_space<hbm>> -> memref<100000x8xf32, #tpu.memory_space<hbm>>
        tpu.wait_indirect_dma semaphore(%arg13 : memref<!tpu.dma_semaphore, #tpu.memory_space<semaphore_mem>>) src(%dma_wait3A_903 : memref<100000x8xf32, #tpu.memory_space<hbm>>) dst(%dma_wait3A_897 : memref<128x8xf32, #tpu.memory_space<vmem>>)
        %dma_wait3A_904 = arith.constant 1 : i32
        %dma_wait3A_905 = arith.constant 5 : i32
        %dma_wait3A_906 = arith.constant 0 : i32
        %dma_wait3A_907 = arith.constant 1 : i32
        %dma_wait3A_908 = arith.constant 0 : i32
        %dma_wait3A_909 = arith.constant 0 : i32
        %dma_wait3A_910 = tpu.memref_slice %arg8[%dma_wait3A_907, %dma_wait3A_908, %dma_wait3A_909] : memref<2x1024x8xf32, #tpu.memory_space<vmem>> -> memref<1x1024x8xf32, #tpu.memory_space<vmem>>
        %dma_wait3A_911 = tpu.memref_squeeze %dma_wait3A_910 : memref<1x1024x8xf32, #tpu.memory_space<vmem>> -> memref<1024x8xf32, #tpu.memory_space<vmem>>
        %dma_wait3A_912 = arith.constant 640 : i32
        %dma_wait3A_913 = arith.constant 0 : i32
        %dma_wait3A_914 = tpu.memref_slice %dma_wait3A_911[%dma_wait3A_912, %dma_wait3A_913] : memref<1024x8xf32, #tpu.memory_space<vmem>> -> memref<128x8xf32, #tpu.memory_space<vmem>>
        %dma_wait3A_915 = arith.constant 0 : i32
        %dma_wait3A_916 = tpu.memref_slice %arg7[%dma_wait3A_904, %dma_wait3A_905, %dma_wait3A_906, %dma_wait3A_915] : memref<2x8x2x128xi32, #tpu.memory_space<vmem>> -> memref<1x1x1x128xi32, #tpu.memory_space<vmem>>
        %dma_wait3A_917 = tpu.memref_squeeze %dma_wait3A_916 : memref<1x1x1x128xi32, #tpu.memory_space<vmem>> -> memref<128xi32, #tpu.memory_space<vmem>>
        %dma_wait3A_918 = arith.constant 0 : i32
        %dma_wait3A_919 = arith.constant 0 : i32
        %dma_wait3A_920 = tpu.memref_slice %arg2[%dma_wait3A_918, %dma_wait3A_919] : memref<100000x8xf32, #tpu.memory_space<hbm>> -> memref<100000x8xf32, #tpu.memory_space<hbm>>
        tpu.wait_indirect_dma semaphore(%arg13 : memref<!tpu.dma_semaphore, #tpu.memory_space<semaphore_mem>>) src(%dma_wait3A_920 : memref<100000x8xf32, #tpu.memory_space<hbm>>) dst(%dma_wait3A_914 : memref<128x8xf32, #tpu.memory_space<vmem>>)
        %dma_wait3A_921 = arith.constant 1 : i32
        %dma_wait3A_922 = arith.constant 5 : i32
        %dma_wait3A_923 = arith.constant 1 : i32
        %dma_wait3A_924 = arith.constant 1 : i32
        %dma_wait3A_925 = arith.constant 0 : i32
        %dma_wait3A_926 = arith.constant 0 : i32
        %dma_wait3A_927 = tpu.memref_slice %arg9[%dma_wait3A_924, %dma_wait3A_925, %dma_wait3A_926] : memref<2x1024x8xf32, #tpu.memory_space<vmem>> -> memref<1x1024x8xf32, #tpu.memory_space<vmem>>
        %dma_wait3A_928 = tpu.memref_squeeze %dma_wait3A_927 : memref<1x1024x8xf32, #tpu.memory_space<vmem>> -> memref<1024x8xf32, #tpu.memory_space<vmem>>
        %dma_wait3A_929 = arith.constant 640 : i32
        %dma_wait3A_930 = arith.constant 0 : i32
        %dma_wait3A_931 = tpu.memref_slice %dma_wait3A_928[%dma_wait3A_929, %dma_wait3A_930] : memref<1024x8xf32, #tpu.memory_space<vmem>> -> memref<128x8xf32, #tpu.memory_space<vmem>>
        %dma_wait3A_932 = arith.constant 0 : i32
        %dma_wait3A_933 = tpu.memref_slice %arg7[%dma_wait3A_921, %dma_wait3A_922, %dma_wait3A_923, %dma_wait3A_932] : memref<2x8x2x128xi32, #tpu.memory_space<vmem>> -> memref<1x1x1x128xi32, #tpu.memory_space<vmem>>
        %dma_wait3A_934 = tpu.memref_squeeze %dma_wait3A_933 : memref<1x1x1x128xi32, #tpu.memory_space<vmem>> -> memref<128xi32, #tpu.memory_space<vmem>>
        %dma_wait3A_935 = arith.constant 0 : i32
        %dma_wait3A_936 = arith.constant 0 : i32
        %dma_wait3A_937 = tpu.memref_slice %arg2[%dma_wait3A_935, %dma_wait3A_936] : memref<100000x8xf32, #tpu.memory_space<hbm>> -> memref<100000x8xf32, #tpu.memory_space<hbm>>
        tpu.wait_indirect_dma semaphore(%arg13 : memref<!tpu.dma_semaphore, #tpu.memory_space<semaphore_mem>>) src(%dma_wait3A_937 : memref<100000x8xf32, #tpu.memory_space<hbm>>) dst(%dma_wait3A_931 : memref<128x8xf32, #tpu.memory_space<vmem>>)
        %dma_wait3A_938 = arith.constant 1 : i32
        %dma_wait3A_939 = arith.constant 6 : i32
        %dma_wait3A_940 = arith.constant 0 : i32
        %dma_wait3A_941 = arith.constant 1 : i32
        %dma_wait3A_942 = arith.constant 0 : i32
        %dma_wait3A_943 = arith.constant 0 : i32
        %dma_wait3A_944 = tpu.memref_slice %arg8[%dma_wait3A_941, %dma_wait3A_942, %dma_wait3A_943] : memref<2x1024x8xf32, #tpu.memory_space<vmem>> -> memref<1x1024x8xf32, #tpu.memory_space<vmem>>
        %dma_wait3A_945 = tpu.memref_squeeze %dma_wait3A_944 : memref<1x1024x8xf32, #tpu.memory_space<vmem>> -> memref<1024x8xf32, #tpu.memory_space<vmem>>
        %dma_wait3A_946 = arith.constant 768 : i32
        %dma_wait3A_947 = arith.constant 0 : i32
        %dma_wait3A_948 = tpu.memref_slice %dma_wait3A_945[%dma_wait3A_946, %dma_wait3A_947] : memref<1024x8xf32, #tpu.memory_space<vmem>> -> memref<128x8xf32, #tpu.memory_space<vmem>>
        %dma_wait3A_949 = arith.constant 0 : i32
        %dma_wait3A_950 = tpu.memref_slice %arg7[%dma_wait3A_938, %dma_wait3A_939, %dma_wait3A_940, %dma_wait3A_949] : memref<2x8x2x128xi32, #tpu.memory_space<vmem>> -> memref<1x1x1x128xi32, #tpu.memory_space<vmem>>
        %dma_wait3A_951 = tpu.memref_squeeze %dma_wait3A_950 : memref<1x1x1x128xi32, #tpu.memory_space<vmem>> -> memref<128xi32, #tpu.memory_space<vmem>>
        %dma_wait3A_952 = arith.constant 0 : i32
        %dma_wait3A_953 = arith.constant 0 : i32
        %dma_wait3A_954 = tpu.memref_slice %arg2[%dma_wait3A_952, %dma_wait3A_953] : memref<100000x8xf32, #tpu.memory_space<hbm>> -> memref<100000x8xf32, #tpu.memory_space<hbm>>
        tpu.wait_indirect_dma semaphore(%arg13 : memref<!tpu.dma_semaphore, #tpu.memory_space<semaphore_mem>>) src(%dma_wait3A_954 : memref<100000x8xf32, #tpu.memory_space<hbm>>) dst(%dma_wait3A_948 : memref<128x8xf32, #tpu.memory_space<vmem>>)
        %dma_wait3A_955 = arith.constant 1 : i32
        %dma_wait3A_956 = arith.constant 6 : i32
        %dma_wait3A_957 = arith.constant 1 : i32
        %dma_wait3A_958 = arith.constant 1 : i32
        %dma_wait3A_959 = arith.constant 0 : i32
        %dma_wait3A_960 = arith.constant 0 : i32
        %dma_wait3A_961 = tpu.memref_slice %arg9[%dma_wait3A_958, %dma_wait3A_959, %dma_wait3A_960] : memref<2x1024x8xf32, #tpu.memory_space<vmem>> -> memref<1x1024x8xf32, #tpu.memory_space<vmem>>
        %dma_wait3A_962 = tpu.memref_squeeze %dma_wait3A_961 : memref<1x1024x8xf32, #tpu.memory_space<vmem>> -> memref<1024x8xf32, #tpu.memory_space<vmem>>
        %dma_wait3A_963 = arith.constant 768 : i32
        %dma_wait3A_964 = arith.constant 0 : i32
        %dma_wait3A_965 = tpu.memref_slice %dma_wait3A_962[%dma_wait3A_963, %dma_wait3A_964] : memref<1024x8xf32, #tpu.memory_space<vmem>> -> memref<128x8xf32, #tpu.memory_space<vmem>>
        %dma_wait3A_966 = arith.constant 0 : i32
        %dma_wait3A_967 = tpu.memref_slice %arg7[%dma_wait3A_955, %dma_wait3A_956, %dma_wait3A_957, %dma_wait3A_966] : memref<2x8x2x128xi32, #tpu.memory_space<vmem>> -> memref<1x1x1x128xi32, #tpu.memory_space<vmem>>
        %dma_wait3A_968 = tpu.memref_squeeze %dma_wait3A_967 : memref<1x1x1x128xi32, #tpu.memory_space<vmem>> -> memref<128xi32, #tpu.memory_space<vmem>>
        %dma_wait3A_969 = arith.constant 0 : i32
        %dma_wait3A_970 = arith.constant 0 : i32
        %dma_wait3A_971 = tpu.memref_slice %arg2[%dma_wait3A_969, %dma_wait3A_970] : memref<100000x8xf32, #tpu.memory_space<hbm>> -> memref<100000x8xf32, #tpu.memory_space<hbm>>
        tpu.wait_indirect_dma semaphore(%arg13 : memref<!tpu.dma_semaphore, #tpu.memory_space<semaphore_mem>>) src(%dma_wait3A_971 : memref<100000x8xf32, #tpu.memory_space<hbm>>) dst(%dma_wait3A_965 : memref<128x8xf32, #tpu.memory_space<vmem>>)
        %dma_wait3A_972 = arith.constant 1 : i32
        %dma_wait3A_973 = arith.constant 7 : i32
        %dma_wait3A_974 = arith.constant 0 : i32
        %dma_wait3A_975 = arith.constant 1 : i32
        %dma_wait3A_976 = arith.constant 0 : i32
        %dma_wait3A_977 = arith.constant 0 : i32
        %dma_wait3A_978 = tpu.memref_slice %arg8[%dma_wait3A_975, %dma_wait3A_976, %dma_wait3A_977] : memref<2x1024x8xf32, #tpu.memory_space<vmem>> -> memref<1x1024x8xf32, #tpu.memory_space<vmem>>
        %dma_wait3A_979 = tpu.memref_squeeze %dma_wait3A_978 : memref<1x1024x8xf32, #tpu.memory_space<vmem>> -> memref<1024x8xf32, #tpu.memory_space<vmem>>
        %dma_wait3A_980 = arith.constant 896 : i32
        %dma_wait3A_981 = arith.constant 0 : i32
        %dma_wait3A_982 = tpu.memref_slice %dma_wait3A_979[%dma_wait3A_980, %dma_wait3A_981] : memref<1024x8xf32, #tpu.memory_space<vmem>> -> memref<128x8xf32, #tpu.memory_space<vmem>>
        %dma_wait3A_983 = arith.constant 0 : i32
        %dma_wait3A_984 = tpu.memref_slice %arg7[%dma_wait3A_972, %dma_wait3A_973, %dma_wait3A_974, %dma_wait3A_983] : memref<2x8x2x128xi32, #tpu.memory_space<vmem>> -> memref<1x1x1x128xi32, #tpu.memory_space<vmem>>
        %dma_wait3A_985 = tpu.memref_squeeze %dma_wait3A_984 : memref<1x1x1x128xi32, #tpu.memory_space<vmem>> -> memref<128xi32, #tpu.memory_space<vmem>>
        %dma_wait3A_986 = arith.constant 0 : i32
        %dma_wait3A_987 = arith.constant 0 : i32
        %dma_wait3A_988 = tpu.memref_slice %arg2[%dma_wait3A_986, %dma_wait3A_987] : memref<100000x8xf32, #tpu.memory_space<hbm>> -> memref<100000x8xf32, #tpu.memory_space<hbm>>
        tpu.wait_indirect_dma semaphore(%arg13 : memref<!tpu.dma_semaphore, #tpu.memory_space<semaphore_mem>>) src(%dma_wait3A_988 : memref<100000x8xf32, #tpu.memory_space<hbm>>) dst(%dma_wait3A_982 : memref<128x8xf32, #tpu.memory_space<vmem>>)
        %dma_wait3A_989 = arith.constant 1 : i32
        %dma_wait3A_990 = arith.constant 7 : i32
        %dma_wait3A_991 = arith.constant 1 : i32
        %dma_wait3A_992 = arith.constant 1 : i32
        %dma_wait3A_993 = arith.constant 0 : i32
        %dma_wait3A_994 = arith.constant 0 : i32
        %dma_wait3A_995 = tpu.memref_slice %arg9[%dma_wait3A_992, %dma_wait3A_993, %dma_wait3A_994] : memref<2x1024x8xf32, #tpu.memory_space<vmem>> -> memref<1x1024x8xf32, #tpu.memory_space<vmem>>
        %dma_wait3A_996 = tpu.memref_squeeze %dma_wait3A_995 : memref<1x1024x8xf32, #tpu.memory_space<vmem>> -> memref<1024x8xf32, #tpu.memory_space<vmem>>
        %dma_wait3A_997 = arith.constant 896 : i32
        %dma_wait3A_998 = arith.constant 0 : i32
        %dma_wait3A_999 = tpu.memref_slice %dma_wait3A_996[%dma_wait3A_997, %dma_wait3A_998] : memref<1024x8xf32, #tpu.memory_space<vmem>> -> memref<128x8xf32, #tpu.memory_space<vmem>>
        %dma_wait3A_1000 = arith.constant 0 : i32
        %dma_wait3A_1001 = tpu.memref_slice %arg7[%dma_wait3A_989, %dma_wait3A_990, %dma_wait3A_991, %dma_wait3A_1000] : memref<2x8x2x128xi32, #tpu.memory_space<vmem>> -> memref<1x1x1x128xi32, #tpu.memory_space<vmem>>
        %dma_wait3A_1002 = tpu.memref_squeeze %dma_wait3A_1001 : memref<1x1x1x128xi32, #tpu.memory_space<vmem>> -> memref<128xi32, #tpu.memory_space<vmem>>
        %dma_wait3A_1003 = arith.constant 0 : i32
        %dma_wait3A_1004 = arith.constant 0 : i32
        %dma_wait3A_1005 = tpu.memref_slice %arg2[%dma_wait3A_1003, %dma_wait3A_1004] : memref<100000x8xf32, #tpu.memory_space<hbm>> -> memref<100000x8xf32, #tpu.memory_space<hbm>>
        tpu.wait_indirect_dma semaphore(%arg13 : memref<!tpu.dma_semaphore, #tpu.memory_space<semaphore_mem>>) src(%dma_wait3A_1005 : memref<100000x8xf32, #tpu.memory_space<hbm>>) dst(%dma_wait3A_999 : memref<128x8xf32, #tpu.memory_space<vmem>>)
        %dma_wait3A_1006 = arith.constant 1 : i32
        %dma_wait3A_1007 = arith.constant 0 : i32
        %dma_wait3A_1008 = arith.constant 0 : i32
        %dma_wait3A_1009 = arith.constant 0 : i32
        %dma_wait3A_1010 = tpu.memref_slice %arg10[%dma_wait3A_1006, %dma_wait3A_1007, %dma_wait3A_1008, %dma_wait3A_1009] : memref<2x8x4x128xf32, #tpu.memory_space<vmem>> -> memref<1x8x4x128xf32, #tpu.memory_space<vmem>>
        %dma_wait3A_1011 = tpu.memref_squeeze %dma_wait3A_1010 : memref<1x8x4x128xf32, #tpu.memory_space<vmem>> -> memref<8x4x128xf32, #tpu.memory_space<vmem>>
        %dma_wait3A_1012 = arith.constant 0 : i32
        %dma_wait3A_1013 = arith.constant 0 : i32
        %dma_wait3A_1014 = tpu.memref_slice %arg4[%mul3A_733, %dma_wait3A_1012, %dma_wait3A_1013] : memref<25000x4x128xf32, #tpu.memory_space<hbm>> -> memref<8x4x128xf32, #tpu.memory_space<hbm>>
        %dma_wait3A_1015 = arith.constant 0 : i32
        %dma_wait3A_1016 = arith.constant 0 : i32
        %dma_wait3A_1017 = arith.constant 0 : i32
        %dma_wait3A_1018 = tpu.memref_slice %arg10[%dma_wait3A_1006, %dma_wait3A_1015, %dma_wait3A_1016, %dma_wait3A_1017] : memref<2x8x4x128xf32, #tpu.memory_space<vmem>> -> memref<1x8x4x128xf32, #tpu.memory_space<vmem>>
        %dma_wait3A_1019 = tpu.memref_squeeze %dma_wait3A_1018 : memref<1x8x4x128xf32, #tpu.memory_space<vmem>> -> memref<8x4x128xf32, #tpu.memory_space<vmem>>
        %dma_wait3A_1020 = arith.constant 0 : i32
        %dma_wait3A_1021 = arith.constant 0 : i32
        %dma_wait3A_1022 = tpu.memref_slice %arg4[%mul3A_733, %dma_wait3A_1020, %dma_wait3A_1021] : memref<25000x4x128xf32, #tpu.memory_space<hbm>> -> memref<8x4x128xf32, #tpu.memory_space<hbm>>
        tpu.wait_dma2 semaphore(%arg13 : memref<!tpu.dma_semaphore, #tpu.memory_space<semaphore_mem>>) src(%dma_wait3A_1022 : memref<8x4x128xf32, #tpu.memory_space<hbm>>) dst(%dma_wait3A_1019 : memref<8x4x128xf32, #tpu.memory_space<vmem>>)
        %convert_element_type3A_1023 = arith.extui %lt3A_721 : i1 to i32
        %cond3A_1024 = arith.constant 0 : i32
        %cond3A_1025 = arith.cmpi ne, %convert_element_type3A_1023, %cond3A_1024 : i32
        scf.if %cond3A_1025 {
          %mul3A_1052 = arith.constant 8 : i32
          %mul3A_1053 = arith.muli %add3A_728, %mul3A_1052 : i32
          %dma_wait3A_1054 = arith.constant 0 : i32
          %dma_wait3A_1055 = arith.constant 0 : i32
          %dma_wait3A_1056 = arith.constant 0 : i32
          %dma_wait3A_1057 = arith.constant 0 : i32
          %dma_wait3A_1058 = tpu.memref_slice %arg7[%dma_wait3A_1054, %dma_wait3A_1055, %dma_wait3A_1056, %dma_wait3A_1057] : memref<2x8x2x128xi32, #tpu.memory_space<vmem>> -> memref<1x8x2x128xi32, #tpu.memory_space<vmem>>
          %dma_wait3A_1059 = tpu.memref_squeeze %dma_wait3A_1058 : memref<1x8x2x128xi32, #tpu.memory_space<vmem>> -> memref<8x2x128xi32, #tpu.memory_space<vmem>>
          %dma_wait3A_1060 = arith.constant 0 : i32
          %dma_wait3A_1061 = arith.constant 0 : i32
          %dma_wait3A_1062 = tpu.memref_slice %arg3[%mul3A_1053, %dma_wait3A_1060, %dma_wait3A_1061] : memref<25000x2x128xi32, #tpu.memory_space<hbm>> -> memref<8x2x128xi32, #tpu.memory_space<hbm>>
          %dma_wait3A_1063 = arith.constant 0 : i32
          %dma_wait3A_1064 = arith.constant 0 : i32
          %dma_wait3A_1065 = arith.constant 0 : i32
          %dma_wait3A_1066 = tpu.memref_slice %arg7[%dma_wait3A_1054, %dma_wait3A_1063, %dma_wait3A_1064, %dma_wait3A_1065] : memref<2x8x2x128xi32, #tpu.memory_space<vmem>> -> memref<1x8x2x128xi32, #tpu.memory_space<vmem>>
          %dma_wait3A_1067 = tpu.memref_squeeze %dma_wait3A_1066 : memref<1x8x2x128xi32, #tpu.memory_space<vmem>> -> memref<8x2x128xi32, #tpu.memory_space<vmem>>
          %dma_wait3A_1068 = arith.constant 0 : i32
          %dma_wait3A_1069 = arith.constant 0 : i32
          %dma_wait3A_1070 = tpu.memref_slice %arg3[%mul3A_1053, %dma_wait3A_1068, %dma_wait3A_1069] : memref<25000x2x128xi32, #tpu.memory_space<hbm>> -> memref<8x2x128xi32, #tpu.memory_space<hbm>>
          tpu.wait_dma2 semaphore(%arg15 : memref<!tpu.dma_semaphore, #tpu.memory_space<semaphore_mem>>) src(%dma_wait3A_1070 : memref<8x2x128xi32, #tpu.memory_space<hbm>>) dst(%dma_wait3A_1067 : memref<8x2x128xi32, #tpu.memory_space<vmem>>)
          %mul3A_1071 = arith.constant 8 : i32
          %mul3A_1072 = arith.muli %add3A_728, %mul3A_1071 : i32
          %dma_start3A_1073 = arith.constant 0 : i32
          %dma_start3A_1074 = arith.constant 0 : i32
          %dma_start3A_1075 = arith.constant 0 : i32
          %dma_start3A_1076 = arith.constant 0 : i32
          %dma_start3A_1077 = arith.constant 0 : i32
          %dma_start3A_1078 = arith.constant 0 : i32
          %dma_start3A_1079 = tpu.memref_slice %arg8[%dma_start3A_1076, %dma_start3A_1077, %dma_start3A_1078] : memref<2x1024x8xf32, #tpu.memory_space<vmem>> -> memref<1x1024x8xf32, #tpu.memory_space<vmem>>
          %dma_start3A_1080 = tpu.memref_squeeze %dma_start3A_1079 : memref<1x1024x8xf32, #tpu.memory_space<vmem>> -> memref<1024x8xf32, #tpu.memory_space<vmem>>
          %dma_start3A_1081 = arith.constant 0 : i32
          %dma_start3A_1082 = arith.constant 0 : i32
          %dma_start3A_1083 = tpu.memref_slice %dma_start3A_1080[%dma_start3A_1081, %dma_start3A_1082] : memref<1024x8xf32, #tpu.memory_space<vmem>> -> memref<128x8xf32, #tpu.memory_space<vmem>>
          %dma_start3A_1084 = arith.constant 0 : i32
          %dma_start3A_1085 = tpu.memref_slice %arg7[%dma_start3A_1073, %dma_start3A_1074, %dma_start3A_1075, %dma_start3A_1084] : memref<2x8x2x128xi32, #tpu.memory_space<vmem>> -> memref<1x1x1x128xi32, #tpu.memory_space<vmem>>
          %dma_start3A_1086 = tpu.memref_squeeze %dma_start3A_1085 : memref<1x1x1x128xi32, #tpu.memory_space<vmem>> -> memref<128xi32, #tpu.memory_space<vmem>>
          %dma_start3A_1087 = arith.constant 0 : i32
          %dma_start3A_1088 = arith.constant 0 : i32
          %dma_start3A_1089 = tpu.memref_slice %arg2[%dma_start3A_1087, %dma_start3A_1088] : memref<100000x8xf32, #tpu.memory_space<hbm>> -> memref<100000x8xf32, #tpu.memory_space<hbm>>
          tpu.enqueue_indirect_dma source(%dma_start3A_1089 : memref<100000x8xf32, #tpu.memory_space<hbm>>) target(%dma_start3A_1083 : memref<128x8xf32, #tpu.memory_space<vmem>>) offsets(%dma_start3A_1086 : memref<128xi32, #tpu.memory_space<vmem>>) semaphore(%arg13 : memref<!tpu.dma_semaphore, #tpu.memory_space<semaphore_mem>>)
          %dma_start3A_1090 = arith.constant 0 : i32
          %dma_start3A_1091 = arith.constant 0 : i32
          %dma_start3A_1092 = arith.constant 1 : i32
          %dma_start3A_1093 = arith.constant 0 : i32
          %dma_start3A_1094 = arith.constant 0 : i32
          %dma_start3A_1095 = arith.constant 0 : i32
          %dma_start3A_1096 = tpu.memref_slice %arg9[%dma_start3A_1093, %dma_start3A_1094, %dma_start3A_1095] : memref<2x1024x8xf32, #tpu.memory_space<vmem>> -> memref<1x1024x8xf32, #tpu.memory_space<vmem>>
          %dma_start3A_1097 = tpu.memref_squeeze %dma_start3A_1096 : memref<1x1024x8xf32, #tpu.memory_space<vmem>> -> memref<1024x8xf32, #tpu.memory_space<vmem>>
          %dma_start3A_1098 = arith.constant 0 : i32
          %dma_start3A_1099 = arith.constant 0 : i32
          %dma_start3A_1100 = tpu.memref_slice %dma_start3A_1097[%dma_start3A_1098, %dma_start3A_1099] : memref<1024x8xf32, #tpu.memory_space<vmem>> -> memref<128x8xf32, #tpu.memory_space<vmem>>
          %dma_start3A_1101 = arith.constant 0 : i32
          %dma_start3A_1102 = tpu.memref_slice %arg7[%dma_start3A_1090, %dma_start3A_1091, %dma_start3A_1092, %dma_start3A_1101] : memref<2x8x2x128xi32, #tpu.memory_space<vmem>> -> memref<1x1x1x128xi32, #tpu.memory_space<vmem>>
          %dma_start3A_1103 = tpu.memref_squeeze %dma_start3A_1102 : memref<1x1x1x128xi32, #tpu.memory_space<vmem>> -> memref<128xi32, #tpu.memory_space<vmem>>
          %dma_start3A_1104 = arith.constant 0 : i32
          %dma_start3A_1105 = arith.constant 0 : i32
          %dma_start3A_1106 = tpu.memref_slice %arg2[%dma_start3A_1104, %dma_start3A_1105] : memref<100000x8xf32, #tpu.memory_space<hbm>> -> memref<100000x8xf32, #tpu.memory_space<hbm>>
          tpu.enqueue_indirect_dma source(%dma_start3A_1106 : memref<100000x8xf32, #tpu.memory_space<hbm>>) target(%dma_start3A_1100 : memref<128x8xf32, #tpu.memory_space<vmem>>) offsets(%dma_start3A_1103 : memref<128xi32, #tpu.memory_space<vmem>>) semaphore(%arg13 : memref<!tpu.dma_semaphore, #tpu.memory_space<semaphore_mem>>)
          %dma_start3A_1107 = arith.constant 0 : i32
          %dma_start3A_1108 = arith.constant 1 : i32
          %dma_start3A_1109 = arith.constant 0 : i32
          %dma_start3A_1110 = arith.constant 0 : i32
          %dma_start3A_1111 = arith.constant 0 : i32
          %dma_start3A_1112 = arith.constant 0 : i32
          %dma_start3A_1113 = tpu.memref_slice %arg8[%dma_start3A_1110, %dma_start3A_1111, %dma_start3A_1112] : memref<2x1024x8xf32, #tpu.memory_space<vmem>> -> memref<1x1024x8xf32, #tpu.memory_space<vmem>>
          %dma_start3A_1114 = tpu.memref_squeeze %dma_start3A_1113 : memref<1x1024x8xf32, #tpu.memory_space<vmem>> -> memref<1024x8xf32, #tpu.memory_space<vmem>>
          %dma_start3A_1115 = arith.constant 128 : i32
          %dma_start3A_1116 = arith.constant 0 : i32
          %dma_start3A_1117 = tpu.memref_slice %dma_start3A_1114[%dma_start3A_1115, %dma_start3A_1116] : memref<1024x8xf32, #tpu.memory_space<vmem>> -> memref<128x8xf32, #tpu.memory_space<vmem>>
          %dma_start3A_1118 = arith.constant 0 : i32
          %dma_start3A_1119 = tpu.memref_slice %arg7[%dma_start3A_1107, %dma_start3A_1108, %dma_start3A_1109, %dma_start3A_1118] : memref<2x8x2x128xi32, #tpu.memory_space<vmem>> -> memref<1x1x1x128xi32, #tpu.memory_space<vmem>>
          %dma_start3A_1120 = tpu.memref_squeeze %dma_start3A_1119 : memref<1x1x1x128xi32, #tpu.memory_space<vmem>> -> memref<128xi32, #tpu.memory_space<vmem>>
          %dma_start3A_1121 = arith.constant 0 : i32
          %dma_start3A_1122 = arith.constant 0 : i32
          %dma_start3A_1123 = tpu.memref_slice %arg2[%dma_start3A_1121, %dma_start3A_1122] : memref<100000x8xf32, #tpu.memory_space<hbm>> -> memref<100000x8xf32, #tpu.memory_space<hbm>>
          tpu.enqueue_indirect_dma source(%dma_start3A_1123 : memref<100000x8xf32, #tpu.memory_space<hbm>>) target(%dma_start3A_1117 : memref<128x8xf32, #tpu.memory_space<vmem>>) offsets(%dma_start3A_1120 : memref<128xi32, #tpu.memory_space<vmem>>) semaphore(%arg13 : memref<!tpu.dma_semaphore, #tpu.memory_space<semaphore_mem>>)
          %dma_start3A_1124 = arith.constant 0 : i32
          %dma_start3A_1125 = arith.constant 1 : i32
          %dma_start3A_1126 = arith.constant 1 : i32
          %dma_start3A_1127 = arith.constant 0 : i32
          %dma_start3A_1128 = arith.constant 0 : i32
          %dma_start3A_1129 = arith.constant 0 : i32
          %dma_start3A_1130 = tpu.memref_slice %arg9[%dma_start3A_1127, %dma_start3A_1128, %dma_start3A_1129] : memref<2x1024x8xf32, #tpu.memory_space<vmem>> -> memref<1x1024x8xf32, #tpu.memory_space<vmem>>
          %dma_start3A_1131 = tpu.memref_squeeze %dma_start3A_1130 : memref<1x1024x8xf32, #tpu.memory_space<vmem>> -> memref<1024x8xf32, #tpu.memory_space<vmem>>
          %dma_start3A_1132 = arith.constant 128 : i32
          %dma_start3A_1133 = arith.constant 0 : i32
          %dma_start3A_1134 = tpu.memref_slice %dma_start3A_1131[%dma_start3A_1132, %dma_start3A_1133] : memref<1024x8xf32, #tpu.memory_space<vmem>> -> memref<128x8xf32, #tpu.memory_space<vmem>>
          %dma_start3A_1135 = arith.constant 0 : i32
          %dma_start3A_1136 = tpu.memref_slice %arg7[%dma_start3A_1124, %dma_start3A_1125, %dma_start3A_1126, %dma_start3A_1135] : memref<2x8x2x128xi32, #tpu.memory_space<vmem>> -> memref<1x1x1x128xi32, #tpu.memory_space<vmem>>
          %dma_start3A_1137 = tpu.memref_squeeze %dma_start3A_1136 : memref<1x1x1x128xi32, #tpu.memory_space<vmem>> -> memref<128xi32, #tpu.memory_space<vmem>>
          %dma_start3A_1138 = arith.constant 0 : i32
          %dma_start3A_1139 = arith.constant 0 : i32
          %dma_start3A_1140 = tpu.memref_slice %arg2[%dma_start3A_1138, %dma_start3A_1139] : memref<100000x8xf32, #tpu.memory_space<hbm>> -> memref<100000x8xf32, #tpu.memory_space<hbm>>
          tpu.enqueue_indirect_dma source(%dma_start3A_1140 : memref<100000x8xf32, #tpu.memory_space<hbm>>) target(%dma_start3A_1134 : memref<128x8xf32, #tpu.memory_space<vmem>>) offsets(%dma_start3A_1137 : memref<128xi32, #tpu.memory_space<vmem>>) semaphore(%arg13 : memref<!tpu.dma_semaphore, #tpu.memory_space<semaphore_mem>>)
          %dma_start3A_1141 = arith.constant 0 : i32
          %dma_start3A_1142 = arith.constant 2 : i32
          %dma_start3A_1143 = arith.constant 0 : i32
          %dma_start3A_1144 = arith.constant 0 : i32
          %dma_start3A_1145 = arith.constant 0 : i32
          %dma_start3A_1146 = arith.constant 0 : i32
          %dma_start3A_1147 = tpu.memref_slice %arg8[%dma_start3A_1144, %dma_start3A_1145, %dma_start3A_1146] : memref<2x1024x8xf32, #tpu.memory_space<vmem>> -> memref<1x1024x8xf32, #tpu.memory_space<vmem>>
          %dma_start3A_1148 = tpu.memref_squeeze %dma_start3A_1147 : memref<1x1024x8xf32, #tpu.memory_space<vmem>> -> memref<1024x8xf32, #tpu.memory_space<vmem>>
          %dma_start3A_1149 = arith.constant 256 : i32
          %dma_start3A_1150 = arith.constant 0 : i32
          %dma_start3A_1151 = tpu.memref_slice %dma_start3A_1148[%dma_start3A_1149, %dma_start3A_1150] : memref<1024x8xf32, #tpu.memory_space<vmem>> -> memref<128x8xf32, #tpu.memory_space<vmem>>
          %dma_start3A_1152 = arith.constant 0 : i32
          %dma_start3A_1153 = tpu.memref_slice %arg7[%dma_start3A_1141, %dma_start3A_1142, %dma_start3A_1143, %dma_start3A_1152] : memref<2x8x2x128xi32, #tpu.memory_space<vmem>> -> memref<1x1x1x128xi32, #tpu.memory_space<vmem>>
          %dma_start3A_1154 = tpu.memref_squeeze %dma_start3A_1153 : memref<1x1x1x128xi32, #tpu.memory_space<vmem>> -> memref<128xi32, #tpu.memory_space<vmem>>
          %dma_start3A_1155 = arith.constant 0 : i32
          %dma_start3A_1156 = arith.constant 0 : i32
          %dma_start3A_1157 = tpu.memref_slice %arg2[%dma_start3A_1155, %dma_start3A_1156] : memref<100000x8xf32, #tpu.memory_space<hbm>> -> memref<100000x8xf32, #tpu.memory_space<hbm>>
          tpu.enqueue_indirect_dma source(%dma_start3A_1157 : memref<100000x8xf32, #tpu.memory_space<hbm>>) target(%dma_start3A_1151 : memref<128x8xf32, #tpu.memory_space<vmem>>) offsets(%dma_start3A_1154 : memref<128xi32, #tpu.memory_space<vmem>>) semaphore(%arg13 : memref<!tpu.dma_semaphore, #tpu.memory_space<semaphore_mem>>)
          %dma_start3A_1158 = arith.constant 0 : i32
          %dma_start3A_1159 = arith.constant 2 : i32
          %dma_start3A_1160 = arith.constant 1 : i32
          %dma_start3A_1161 = arith.constant 0 : i32
          %dma_start3A_1162 = arith.constant 0 : i32
          %dma_start3A_1163 = arith.constant 0 : i32
          %dma_start3A_1164 = tpu.memref_slice %arg9[%dma_start3A_1161, %dma_start3A_1162, %dma_start3A_1163] : memref<2x1024x8xf32, #tpu.memory_space<vmem>> -> memref<1x1024x8xf32, #tpu.memory_space<vmem>>
          %dma_start3A_1165 = tpu.memref_squeeze %dma_start3A_1164 : memref<1x1024x8xf32, #tpu.memory_space<vmem>> -> memref<1024x8xf32, #tpu.memory_space<vmem>>
          %dma_start3A_1166 = arith.constant 256 : i32
          %dma_start3A_1167 = arith.constant 0 : i32
          %dma_start3A_1168 = tpu.memref_slice %dma_start3A_1165[%dma_start3A_1166, %dma_start3A_1167] : memref<1024x8xf32, #tpu.memory_space<vmem>> -> memref<128x8xf32, #tpu.memory_space<vmem>>
          %dma_start3A_1169 = arith.constant 0 : i32
          %dma_start3A_1170 = tpu.memref_slice %arg7[%dma_start3A_1158, %dma_start3A_1159, %dma_start3A_1160, %dma_start3A_1169] : memref<2x8x2x128xi32, #tpu.memory_space<vmem>> -> memref<1x1x1x128xi32, #tpu.memory_space<vmem>>
          %dma_start3A_1171 = tpu.memref_squeeze %dma_start3A_1170 : memref<1x1x1x128xi32, #tpu.memory_space<vmem>> -> memref<128xi32, #tpu.memory_space<vmem>>
          %dma_start3A_1172 = arith.constant 0 : i32
          %dma_start3A_1173 = arith.constant 0 : i32
          %dma_start3A_1174 = tpu.memref_slice %arg2[%dma_start3A_1172, %dma_start3A_1173] : memref<100000x8xf32, #tpu.memory_space<hbm>> -> memref<100000x8xf32, #tpu.memory_space<hbm>>
          tpu.enqueue_indirect_dma source(%dma_start3A_1174 : memref<100000x8xf32, #tpu.memory_space<hbm>>) target(%dma_start3A_1168 : memref<128x8xf32, #tpu.memory_space<vmem>>) offsets(%dma_start3A_1171 : memref<128xi32, #tpu.memory_space<vmem>>) semaphore(%arg13 : memref<!tpu.dma_semaphore, #tpu.memory_space<semaphore_mem>>)
          %dma_start3A_1175 = arith.constant 0 : i32
          %dma_start3A_1176 = arith.constant 3 : i32
          %dma_start3A_1177 = arith.constant 0 : i32
          %dma_start3A_1178 = arith.constant 0 : i32
          %dma_start3A_1179 = arith.constant 0 : i32
          %dma_start3A_1180 = arith.constant 0 : i32
          %dma_start3A_1181 = tpu.memref_slice %arg8[%dma_start3A_1178, %dma_start3A_1179, %dma_start3A_1180] : memref<2x1024x8xf32, #tpu.memory_space<vmem>> -> memref<1x1024x8xf32, #tpu.memory_space<vmem>>
          %dma_start3A_1182 = tpu.memref_squeeze %dma_start3A_1181 : memref<1x1024x8xf32, #tpu.memory_space<vmem>> -> memref<1024x8xf32, #tpu.memory_space<vmem>>
          %dma_start3A_1183 = arith.constant 384 : i32
          %dma_start3A_1184 = arith.constant 0 : i32
          %dma_start3A_1185 = tpu.memref_slice %dma_start3A_1182[%dma_start3A_1183, %dma_start3A_1184] : memref<1024x8xf32, #tpu.memory_space<vmem>> -> memref<128x8xf32, #tpu.memory_space<vmem>>
          %dma_start3A_1186 = arith.constant 0 : i32
          %dma_start3A_1187 = tpu.memref_slice %arg7[%dma_start3A_1175, %dma_start3A_1176, %dma_start3A_1177, %dma_start3A_1186] : memref<2x8x2x128xi32, #tpu.memory_space<vmem>> -> memref<1x1x1x128xi32, #tpu.memory_space<vmem>>
          %dma_start3A_1188 = tpu.memref_squeeze %dma_start3A_1187 : memref<1x1x1x128xi32, #tpu.memory_space<vmem>> -> memref<128xi32, #tpu.memory_space<vmem>>
          %dma_start3A_1189 = arith.constant 0 : i32
          %dma_start3A_1190 = arith.constant 0 : i32
          %dma_start3A_1191 = tpu.memref_slice %arg2[%dma_start3A_1189, %dma_start3A_1190] : memref<100000x8xf32, #tpu.memory_space<hbm>> -> memref<100000x8xf32, #tpu.memory_space<hbm>>
          tpu.enqueue_indirect_dma source(%dma_start3A_1191 : memref<100000x8xf32, #tpu.memory_space<hbm>>) target(%dma_start3A_1185 : memref<128x8xf32, #tpu.memory_space<vmem>>) offsets(%dma_start3A_1188 : memref<128xi32, #tpu.memory_space<vmem>>) semaphore(%arg13 : memref<!tpu.dma_semaphore, #tpu.memory_space<semaphore_mem>>)
          %dma_start3A_1192 = arith.constant 0 : i32
          %dma_start3A_1193 = arith.constant 3 : i32
          %dma_start3A_1194 = arith.constant 1 : i32
          %dma_start3A_1195 = arith.constant 0 : i32
          %dma_start3A_1196 = arith.constant 0 : i32
          %dma_start3A_1197 = arith.constant 0 : i32
          %dma_start3A_1198 = tpu.memref_slice %arg9[%dma_start3A_1195, %dma_start3A_1196, %dma_start3A_1197] : memref<2x1024x8xf32, #tpu.memory_space<vmem>> -> memref<1x1024x8xf32, #tpu.memory_space<vmem>>
          %dma_start3A_1199 = tpu.memref_squeeze %dma_start3A_1198 : memref<1x1024x8xf32, #tpu.memory_space<vmem>> -> memref<1024x8xf32, #tpu.memory_space<vmem>>
          %dma_start3A_1200 = arith.constant 384 : i32
          %dma_start3A_1201 = arith.constant 0 : i32
          %dma_start3A_1202 = tpu.memref_slice %dma_start3A_1199[%dma_start3A_1200, %dma_start3A_1201] : memref<1024x8xf32, #tpu.memory_space<vmem>> -> memref<128x8xf32, #tpu.memory_space<vmem>>
          %dma_start3A_1203 = arith.constant 0 : i32
          %dma_start3A_1204 = tpu.memref_slice %arg7[%dma_start3A_1192, %dma_start3A_1193, %dma_start3A_1194, %dma_start3A_1203] : memref<2x8x2x128xi32, #tpu.memory_space<vmem>> -> memref<1x1x1x128xi32, #tpu.memory_space<vmem>>
          %dma_start3A_1205 = tpu.memref_squeeze %dma_start3A_1204 : memref<1x1x1x128xi32, #tpu.memory_space<vmem>> -> memref<128xi32, #tpu.memory_space<vmem>>
          %dma_start3A_1206 = arith.constant 0 : i32
          %dma_start3A_1207 = arith.constant 0 : i32
          %dma_start3A_1208 = tpu.memref_slice %arg2[%dma_start3A_1206, %dma_start3A_1207] : memref<100000x8xf32, #tpu.memory_space<hbm>> -> memref<100000x8xf32, #tpu.memory_space<hbm>>
          tpu.enqueue_indirect_dma source(%dma_start3A_1208 : memref<100000x8xf32, #tpu.memory_space<hbm>>) target(%dma_start3A_1202 : memref<128x8xf32, #tpu.memory_space<vmem>>) offsets(%dma_start3A_1205 : memref<128xi32, #tpu.memory_space<vmem>>) semaphore(%arg13 : memref<!tpu.dma_semaphore, #tpu.memory_space<semaphore_mem>>)
          %dma_start3A_1209 = arith.constant 0 : i32
          %dma_start3A_1210 = arith.constant 4 : i32
          %dma_start3A_1211 = arith.constant 0 : i32
          %dma_start3A_1212 = arith.constant 0 : i32
          %dma_start3A_1213 = arith.constant 0 : i32
          %dma_start3A_1214 = arith.constant 0 : i32
          %dma_start3A_1215 = tpu.memref_slice %arg8[%dma_start3A_1212, %dma_start3A_1213, %dma_start3A_1214] : memref<2x1024x8xf32, #tpu.memory_space<vmem>> -> memref<1x1024x8xf32, #tpu.memory_space<vmem>>
          %dma_start3A_1216 = tpu.memref_squeeze %dma_start3A_1215 : memref<1x1024x8xf32, #tpu.memory_space<vmem>> -> memref<1024x8xf32, #tpu.memory_space<vmem>>
          %dma_start3A_1217 = arith.constant 512 : i32
          %dma_start3A_1218 = arith.constant 0 : i32
          %dma_start3A_1219 = tpu.memref_slice %dma_start3A_1216[%dma_start3A_1217, %dma_start3A_1218] : memref<1024x8xf32, #tpu.memory_space<vmem>> -> memref<128x8xf32, #tpu.memory_space<vmem>>
          %dma_start3A_1220 = arith.constant 0 : i32
          %dma_start3A_1221 = tpu.memref_slice %arg7[%dma_start3A_1209, %dma_start3A_1210, %dma_start3A_1211, %dma_start3A_1220] : memref<2x8x2x128xi32, #tpu.memory_space<vmem>> -> memref<1x1x1x128xi32, #tpu.memory_space<vmem>>
          %dma_start3A_1222 = tpu.memref_squeeze %dma_start3A_1221 : memref<1x1x1x128xi32, #tpu.memory_space<vmem>> -> memref<128xi32, #tpu.memory_space<vmem>>
          %dma_start3A_1223 = arith.constant 0 : i32
          %dma_start3A_1224 = arith.constant 0 : i32
          %dma_start3A_1225 = tpu.memref_slice %arg2[%dma_start3A_1223, %dma_start3A_1224] : memref<100000x8xf32, #tpu.memory_space<hbm>> -> memref<100000x8xf32, #tpu.memory_space<hbm>>
          tpu.enqueue_indirect_dma source(%dma_start3A_1225 : memref<100000x8xf32, #tpu.memory_space<hbm>>) target(%dma_start3A_1219 : memref<128x8xf32, #tpu.memory_space<vmem>>) offsets(%dma_start3A_1222 : memref<128xi32, #tpu.memory_space<vmem>>) semaphore(%arg13 : memref<!tpu.dma_semaphore, #tpu.memory_space<semaphore_mem>>)
          %dma_start3A_1226 = arith.constant 0 : i32
          %dma_start3A_1227 = arith.constant 4 : i32
          %dma_start3A_1228 = arith.constant 1 : i32
          %dma_start3A_1229 = arith.constant 0 : i32
          %dma_start3A_1230 = arith.constant 0 : i32
          %dma_start3A_1231 = arith.constant 0 : i32
          %dma_start3A_1232 = tpu.memref_slice %arg9[%dma_start3A_1229, %dma_start3A_1230, %dma_start3A_1231] : memref<2x1024x8xf32, #tpu.memory_space<vmem>> -> memref<1x1024x8xf32, #tpu.memory_space<vmem>>
          %dma_start3A_1233 = tpu.memref_squeeze %dma_start3A_1232 : memref<1x1024x8xf32, #tpu.memory_space<vmem>> -> memref<1024x8xf32, #tpu.memory_space<vmem>>
          %dma_start3A_1234 = arith.constant 512 : i32
          %dma_start3A_1235 = arith.constant 0 : i32
          %dma_start3A_1236 = tpu.memref_slice %dma_start3A_1233[%dma_start3A_1234, %dma_start3A_1235] : memref<1024x8xf32, #tpu.memory_space<vmem>> -> memref<128x8xf32, #tpu.memory_space<vmem>>
          %dma_start3A_1237 = arith.constant 0 : i32
          %dma_start3A_1238 = tpu.memref_slice %arg7[%dma_start3A_1226, %dma_start3A_1227, %dma_start3A_1228, %dma_start3A_1237] : memref<2x8x2x128xi32, #tpu.memory_space<vmem>> -> memref<1x1x1x128xi32, #tpu.memory_space<vmem>>
          %dma_start3A_1239 = tpu.memref_squeeze %dma_start3A_1238 : memref<1x1x1x128xi32, #tpu.memory_space<vmem>> -> memref<128xi32, #tpu.memory_space<vmem>>
          %dma_start3A_1240 = arith.constant 0 : i32
          %dma_start3A_1241 = arith.constant 0 : i32
          %dma_start3A_1242 = tpu.memref_slice %arg2[%dma_start3A_1240, %dma_start3A_1241] : memref<100000x8xf32, #tpu.memory_space<hbm>> -> memref<100000x8xf32, #tpu.memory_space<hbm>>
          tpu.enqueue_indirect_dma source(%dma_start3A_1242 : memref<100000x8xf32, #tpu.memory_space<hbm>>) target(%dma_start3A_1236 : memref<128x8xf32, #tpu.memory_space<vmem>>) offsets(%dma_start3A_1239 : memref<128xi32, #tpu.memory_space<vmem>>) semaphore(%arg13 : memref<!tpu.dma_semaphore, #tpu.memory_space<semaphore_mem>>)
          %dma_start3A_1243 = arith.constant 0 : i32
          %dma_start3A_1244 = arith.constant 5 : i32
          %dma_start3A_1245 = arith.constant 0 : i32
          %dma_start3A_1246 = arith.constant 0 : i32
          %dma_start3A_1247 = arith.constant 0 : i32
          %dma_start3A_1248 = arith.constant 0 : i32
          %dma_start3A_1249 = tpu.memref_slice %arg8[%dma_start3A_1246, %dma_start3A_1247, %dma_start3A_1248] : memref<2x1024x8xf32, #tpu.memory_space<vmem>> -> memref<1x1024x8xf32, #tpu.memory_space<vmem>>
          %dma_start3A_1250 = tpu.memref_squeeze %dma_start3A_1249 : memref<1x1024x8xf32, #tpu.memory_space<vmem>> -> memref<1024x8xf32, #tpu.memory_space<vmem>>
          %dma_start3A_1251 = arith.constant 640 : i32
          %dma_start3A_1252 = arith.constant 0 : i32
          %dma_start3A_1253 = tpu.memref_slice %dma_start3A_1250[%dma_start3A_1251, %dma_start3A_1252] : memref<1024x8xf32, #tpu.memory_space<vmem>> -> memref<128x8xf32, #tpu.memory_space<vmem>>
          %dma_start3A_1254 = arith.constant 0 : i32
          %dma_start3A_1255 = tpu.memref_slice %arg7[%dma_start3A_1243, %dma_start3A_1244, %dma_start3A_1245, %dma_start3A_1254] : memref<2x8x2x128xi32, #tpu.memory_space<vmem>> -> memref<1x1x1x128xi32, #tpu.memory_space<vmem>>
          %dma_start3A_1256 = tpu.memref_squeeze %dma_start3A_1255 : memref<1x1x1x128xi32, #tpu.memory_space<vmem>> -> memref<128xi32, #tpu.memory_space<vmem>>
          %dma_start3A_1257 = arith.constant 0 : i32
          %dma_start3A_1258 = arith.constant 0 : i32
          %dma_start3A_1259 = tpu.memref_slice %arg2[%dma_start3A_1257, %dma_start3A_1258] : memref<100000x8xf32, #tpu.memory_space<hbm>> -> memref<100000x8xf32, #tpu.memory_space<hbm>>
          tpu.enqueue_indirect_dma source(%dma_start3A_1259 : memref<100000x8xf32, #tpu.memory_space<hbm>>) target(%dma_start3A_1253 : memref<128x8xf32, #tpu.memory_space<vmem>>) offsets(%dma_start3A_1256 : memref<128xi32, #tpu.memory_space<vmem>>) semaphore(%arg13 : memref<!tpu.dma_semaphore, #tpu.memory_space<semaphore_mem>>)
          %dma_start3A_1260 = arith.constant 0 : i32
          %dma_start3A_1261 = arith.constant 5 : i32
          %dma_start3A_1262 = arith.constant 1 : i32
          %dma_start3A_1263 = arith.constant 0 : i32
          %dma_start3A_1264 = arith.constant 0 : i32
          %dma_start3A_1265 = arith.constant 0 : i32
          %dma_start3A_1266 = tpu.memref_slice %arg9[%dma_start3A_1263, %dma_start3A_1264, %dma_start3A_1265] : memref<2x1024x8xf32, #tpu.memory_space<vmem>> -> memref<1x1024x8xf32, #tpu.memory_space<vmem>>
          %dma_start3A_1267 = tpu.memref_squeeze %dma_start3A_1266 : memref<1x1024x8xf32, #tpu.memory_space<vmem>> -> memref<1024x8xf32, #tpu.memory_space<vmem>>
          %dma_start3A_1268 = arith.constant 640 : i32
          %dma_start3A_1269 = arith.constant 0 : i32
          %dma_start3A_1270 = tpu.memref_slice %dma_start3A_1267[%dma_start3A_1268, %dma_start3A_1269] : memref<1024x8xf32, #tpu.memory_space<vmem>> -> memref<128x8xf32, #tpu.memory_space<vmem>>
          %dma_start3A_1271 = arith.constant 0 : i32
          %dma_start3A_1272 = tpu.memref_slice %arg7[%dma_start3A_1260, %dma_start3A_1261, %dma_start3A_1262, %dma_start3A_1271] : memref<2x8x2x128xi32, #tpu.memory_space<vmem>> -> memref<1x1x1x128xi32, #tpu.memory_space<vmem>>
          %dma_start3A_1273 = tpu.memref_squeeze %dma_start3A_1272 : memref<1x1x1x128xi32, #tpu.memory_space<vmem>> -> memref<128xi32, #tpu.memory_space<vmem>>
          %dma_start3A_1274 = arith.constant 0 : i32
          %dma_start3A_1275 = arith.constant 0 : i32
          %dma_start3A_1276 = tpu.memref_slice %arg2[%dma_start3A_1274, %dma_start3A_1275] : memref<100000x8xf32, #tpu.memory_space<hbm>> -> memref<100000x8xf32, #tpu.memory_space<hbm>>
          tpu.enqueue_indirect_dma source(%dma_start3A_1276 : memref<100000x8xf32, #tpu.memory_space<hbm>>) target(%dma_start3A_1270 : memref<128x8xf32, #tpu.memory_space<vmem>>) offsets(%dma_start3A_1273 : memref<128xi32, #tpu.memory_space<vmem>>) semaphore(%arg13 : memref<!tpu.dma_semaphore, #tpu.memory_space<semaphore_mem>>)
          %dma_start3A_1277 = arith.constant 0 : i32
          %dma_start3A_1278 = arith.constant 6 : i32
          %dma_start3A_1279 = arith.constant 0 : i32
          %dma_start3A_1280 = arith.constant 0 : i32
          %dma_start3A_1281 = arith.constant 0 : i32
          %dma_start3A_1282 = arith.constant 0 : i32
          %dma_start3A_1283 = tpu.memref_slice %arg8[%dma_start3A_1280, %dma_start3A_1281, %dma_start3A_1282] : memref<2x1024x8xf32, #tpu.memory_space<vmem>> -> memref<1x1024x8xf32, #tpu.memory_space<vmem>>
          %dma_start3A_1284 = tpu.memref_squeeze %dma_start3A_1283 : memref<1x1024x8xf32, #tpu.memory_space<vmem>> -> memref<1024x8xf32, #tpu.memory_space<vmem>>
          %dma_start3A_1285 = arith.constant 768 : i32
          %dma_start3A_1286 = arith.constant 0 : i32
          %dma_start3A_1287 = tpu.memref_slice %dma_start3A_1284[%dma_start3A_1285, %dma_start3A_1286] : memref<1024x8xf32, #tpu.memory_space<vmem>> -> memref<128x8xf32, #tpu.memory_space<vmem>>
          %dma_start3A_1288 = arith.constant 0 : i32
          %dma_start3A_1289 = tpu.memref_slice %arg7[%dma_start3A_1277, %dma_start3A_1278, %dma_start3A_1279, %dma_start3A_1288] : memref<2x8x2x128xi32, #tpu.memory_space<vmem>> -> memref<1x1x1x128xi32, #tpu.memory_space<vmem>>
          %dma_start3A_1290 = tpu.memref_squeeze %dma_start3A_1289 : memref<1x1x1x128xi32, #tpu.memory_space<vmem>> -> memref<128xi32, #tpu.memory_space<vmem>>
          %dma_start3A_1291 = arith.constant 0 : i32
          %dma_start3A_1292 = arith.constant 0 : i32
          %dma_start3A_1293 = tpu.memref_slice %arg2[%dma_start3A_1291, %dma_start3A_1292] : memref<100000x8xf32, #tpu.memory_space<hbm>> -> memref<100000x8xf32, #tpu.memory_space<hbm>>
          tpu.enqueue_indirect_dma source(%dma_start3A_1293 : memref<100000x8xf32, #tpu.memory_space<hbm>>) target(%dma_start3A_1287 : memref<128x8xf32, #tpu.memory_space<vmem>>) offsets(%dma_start3A_1290 : memref<128xi32, #tpu.memory_space<vmem>>) semaphore(%arg13 : memref<!tpu.dma_semaphore, #tpu.memory_space<semaphore_mem>>)
          %dma_start3A_1294 = arith.constant 0 : i32
          %dma_start3A_1295 = arith.constant 6 : i32
          %dma_start3A_1296 = arith.constant 1 : i32
          %dma_start3A_1297 = arith.constant 0 : i32
          %dma_start3A_1298 = arith.constant 0 : i32
          %dma_start3A_1299 = arith.constant 0 : i32
          %dma_start3A_1300 = tpu.memref_slice %arg9[%dma_start3A_1297, %dma_start3A_1298, %dma_start3A_1299] : memref<2x1024x8xf32, #tpu.memory_space<vmem>> -> memref<1x1024x8xf32, #tpu.memory_space<vmem>>
          %dma_start3A_1301 = tpu.memref_squeeze %dma_start3A_1300 : memref<1x1024x8xf32, #tpu.memory_space<vmem>> -> memref<1024x8xf32, #tpu.memory_space<vmem>>
          %dma_start3A_1302 = arith.constant 768 : i32
          %dma_start3A_1303 = arith.constant 0 : i32
          %dma_start3A_1304 = tpu.memref_slice %dma_start3A_1301[%dma_start3A_1302, %dma_start3A_1303] : memref<1024x8xf32, #tpu.memory_space<vmem>> -> memref<128x8xf32, #tpu.memory_space<vmem>>
          %dma_start3A_1305 = arith.constant 0 : i32
          %dma_start3A_1306 = tpu.memref_slice %arg7[%dma_start3A_1294, %dma_start3A_1295, %dma_start3A_1296, %dma_start3A_1305] : memref<2x8x2x128xi32, #tpu.memory_space<vmem>> -> memref<1x1x1x128xi32, #tpu.memory_space<vmem>>
          %dma_start3A_1307 = tpu.memref_squeeze %dma_start3A_1306 : memref<1x1x1x128xi32, #tpu.memory_space<vmem>> -> memref<128xi32, #tpu.memory_space<vmem>>
          %dma_start3A_1308 = arith.constant 0 : i32
          %dma_start3A_1309 = arith.constant 0 : i32
          %dma_start3A_1310 = tpu.memref_slice %arg2[%dma_start3A_1308, %dma_start3A_1309] : memref<100000x8xf32, #tpu.memory_space<hbm>> -> memref<100000x8xf32, #tpu.memory_space<hbm>>
          tpu.enqueue_indirect_dma source(%dma_start3A_1310 : memref<100000x8xf32, #tpu.memory_space<hbm>>) target(%dma_start3A_1304 : memref<128x8xf32, #tpu.memory_space<vmem>>) offsets(%dma_start3A_1307 : memref<128xi32, #tpu.memory_space<vmem>>) semaphore(%arg13 : memref<!tpu.dma_semaphore, #tpu.memory_space<semaphore_mem>>)
          %dma_start3A_1311 = arith.constant 0 : i32
          %dma_start3A_1312 = arith.constant 7 : i32
          %dma_start3A_1313 = arith.constant 0 : i32
          %dma_start3A_1314 = arith.constant 0 : i32
          %dma_start3A_1315 = arith.constant 0 : i32
          %dma_start3A_1316 = arith.constant 0 : i32
          %dma_start3A_1317 = tpu.memref_slice %arg8[%dma_start3A_1314, %dma_start3A_1315, %dma_start3A_1316] : memref<2x1024x8xf32, #tpu.memory_space<vmem>> -> memref<1x1024x8xf32, #tpu.memory_space<vmem>>
          %dma_start3A_1318 = tpu.memref_squeeze %dma_start3A_1317 : memref<1x1024x8xf32, #tpu.memory_space<vmem>> -> memref<1024x8xf32, #tpu.memory_space<vmem>>
          %dma_start3A_1319 = arith.constant 896 : i32
          %dma_start3A_1320 = arith.constant 0 : i32
          %dma_start3A_1321 = tpu.memref_slice %dma_start3A_1318[%dma_start3A_1319, %dma_start3A_1320] : memref<1024x8xf32, #tpu.memory_space<vmem>> -> memref<128x8xf32, #tpu.memory_space<vmem>>
          %dma_start3A_1322 = arith.constant 0 : i32
          %dma_start3A_1323 = tpu.memref_slice %arg7[%dma_start3A_1311, %dma_start3A_1312, %dma_start3A_1313, %dma_start3A_1322] : memref<2x8x2x128xi32, #tpu.memory_space<vmem>> -> memref<1x1x1x128xi32, #tpu.memory_space<vmem>>
          %dma_start3A_1324 = tpu.memref_squeeze %dma_start3A_1323 : memref<1x1x1x128xi32, #tpu.memory_space<vmem>> -> memref<128xi32, #tpu.memory_space<vmem>>
          %dma_start3A_1325 = arith.constant 0 : i32
          %dma_start3A_1326 = arith.constant 0 : i32
          %dma_start3A_1327 = tpu.memref_slice %arg2[%dma_start3A_1325, %dma_start3A_1326] : memref<100000x8xf32, #tpu.memory_space<hbm>> -> memref<100000x8xf32, #tpu.memory_space<hbm>>
          tpu.enqueue_indirect_dma source(%dma_start3A_1327 : memref<100000x8xf32, #tpu.memory_space<hbm>>) target(%dma_start3A_1321 : memref<128x8xf32, #tpu.memory_space<vmem>>) offsets(%dma_start3A_1324 : memref<128xi32, #tpu.memory_space<vmem>>) semaphore(%arg13 : memref<!tpu.dma_semaphore, #tpu.memory_space<semaphore_mem>>)
          %dma_start3A_1328 = arith.constant 0 : i32
          %dma_start3A_1329 = arith.constant 7 : i32
          %dma_start3A_1330 = arith.constant 1 : i32
          %dma_start3A_1331 = arith.constant 0 : i32
          %dma_start3A_1332 = arith.constant 0 : i32
          %dma_start3A_1333 = arith.constant 0 : i32
          %dma_start3A_1334 = tpu.memref_slice %arg9[%dma_start3A_1331, %dma_start3A_1332, %dma_start3A_1333] : memref<2x1024x8xf32, #tpu.memory_space<vmem>> -> memref<1x1024x8xf32, #tpu.memory_space<vmem>>
          %dma_start3A_1335 = tpu.memref_squeeze %dma_start3A_1334 : memref<1x1024x8xf32, #tpu.memory_space<vmem>> -> memref<1024x8xf32, #tpu.memory_space<vmem>>
          %dma_start3A_1336 = arith.constant 896 : i32
          %dma_start3A_1337 = arith.constant 0 : i32
          %dma_start3A_1338 = tpu.memref_slice %dma_start3A_1335[%dma_start3A_1336, %dma_start3A_1337] : memref<1024x8xf32, #tpu.memory_space<vmem>> -> memref<128x8xf32, #tpu.memory_space<vmem>>
          %dma_start3A_1339 = arith.constant 0 : i32
          %dma_start3A_1340 = tpu.memref_slice %arg7[%dma_start3A_1328, %dma_start3A_1329, %dma_start3A_1330, %dma_start3A_1339] : memref<2x8x2x128xi32, #tpu.memory_space<vmem>> -> memref<1x1x1x128xi32, #tpu.memory_space<vmem>>
          %dma_start3A_1341 = tpu.memref_squeeze %dma_start3A_1340 : memref<1x1x1x128xi32, #tpu.memory_space<vmem>> -> memref<128xi32, #tpu.memory_space<vmem>>
          %dma_start3A_1342 = arith.constant 0 : i32
          %dma_start3A_1343 = arith.constant 0 : i32
          %dma_start3A_1344 = tpu.memref_slice %arg2[%dma_start3A_1342, %dma_start3A_1343] : memref<100000x8xf32, #tpu.memory_space<hbm>> -> memref<100000x8xf32, #tpu.memory_space<hbm>>
          tpu.enqueue_indirect_dma source(%dma_start3A_1344 : memref<100000x8xf32, #tpu.memory_space<hbm>>) target(%dma_start3A_1338 : memref<128x8xf32, #tpu.memory_space<vmem>>) offsets(%dma_start3A_1341 : memref<128xi32, #tpu.memory_space<vmem>>) semaphore(%arg13 : memref<!tpu.dma_semaphore, #tpu.memory_space<semaphore_mem>>)
          %dma_start3A_1345 = arith.constant 0 : i32
          %dma_start3A_1346 = arith.constant 0 : i32
          %dma_start3A_1347 = arith.constant 0 : i32
          %dma_start3A_1348 = arith.constant 0 : i32
          %dma_start3A_1349 = tpu.memref_slice %arg10[%dma_start3A_1345, %dma_start3A_1346, %dma_start3A_1347, %dma_start3A_1348] : memref<2x8x4x128xf32, #tpu.memory_space<vmem>> -> memref<1x8x4x128xf32, #tpu.memory_space<vmem>>
          %dma_start3A_1350 = tpu.memref_squeeze %dma_start3A_1349 : memref<1x8x4x128xf32, #tpu.memory_space<vmem>> -> memref<8x4x128xf32, #tpu.memory_space<vmem>>
          %dma_start3A_1351 = arith.constant 0 : i32
          %dma_start3A_1352 = arith.constant 0 : i32
          %dma_start3A_1353 = tpu.memref_slice %arg4[%mul3A_1072, %dma_start3A_1351, %dma_start3A_1352] : memref<25000x4x128xf32, #tpu.memory_space<hbm>> -> memref<8x4x128xf32, #tpu.memory_space<hbm>>
          %dma_start3A_1354 = arith.constant 0 : i32
          %dma_start3A_1355 = arith.constant 0 : i32
          %dma_start3A_1356 = arith.constant 0 : i32
          %dma_start3A_1357 = tpu.memref_slice %arg10[%dma_start3A_1345, %dma_start3A_1354, %dma_start3A_1355, %dma_start3A_1356] : memref<2x8x4x128xf32, #tpu.memory_space<vmem>> -> memref<1x8x4x128xf32, #tpu.memory_space<vmem>>
          %dma_start3A_1358 = tpu.memref_squeeze %dma_start3A_1357 : memref<1x8x4x128xf32, #tpu.memory_space<vmem>> -> memref<8x4x128xf32, #tpu.memory_space<vmem>>
          %dma_start3A_1359 = arith.constant 0 : i32
          %dma_start3A_1360 = arith.constant 0 : i32
          %dma_start3A_1361 = tpu.memref_slice %arg4[%mul3A_1072, %dma_start3A_1359, %dma_start3A_1360] : memref<25000x4x128xf32, #tpu.memory_space<hbm>> -> memref<8x4x128xf32, #tpu.memory_space<hbm>>
          tpu.enqueue_dma source(%dma_start3A_1361 : memref<8x4x128xf32, #tpu.memory_space<hbm>>) target(%dma_start3A_1358 : memref<8x4x128xf32, #tpu.memory_space<vmem>>) target_semaphore(%arg13 : memref<!tpu.dma_semaphore, #tpu.memory_space<semaphore_mem>>)
        } else {
        }
        %gt3A_1026 = arith.constant 0 : i32
        %gt3A_1027 = arith.cmpi sgt, %while3A_382, %gt3A_1026 : i32
        %convert_element_type3A_1028 = arith.extui %gt3A_1027 : i1 to i32
        %cond3A_1029 = arith.constant 0 : i32
        %cond3A_1030 = arith.cmpi ne, %convert_element_type3A_1028, %cond3A_1029 : i32
        scf.if %cond3A_1030 {
          %mul3A_1052 = arith.constant 1024 : i32
          %mul3A_1053 = arith.muli %add3A_389, %mul3A_1052 : i32
          %dma_wait3A_1054 = arith.constant 1 : i32
          %dma_wait3A_1055 = arith.constant 0 : i32
          %dma_wait3A_1056 = tpu.memref_slice %arg11[%dma_wait3A_1054, %dma_wait3A_1055] : memref<2x1024xf32, #tpu.memory_space<vmem>> -> memref<1x1024xf32, #tpu.memory_space<vmem>>
          %dma_wait3A_1057 = tpu.memref_squeeze %dma_wait3A_1056 : memref<1x1024xf32, #tpu.memory_space<vmem>> -> memref<1024xf32, #tpu.memory_space<vmem>>
          %dma_wait3A_1058 = tpu.memref_slice %arg6[%mul3A_1053] : memref<3200000xf32, #tpu.memory_space<hbm>> -> memref<1024xf32, #tpu.memory_space<hbm>>
          %dma_wait3A_1059 = tpu.memref_slice %arg6[%mul3A_1053] : memref<3200000xf32, #tpu.memory_space<hbm>> -> memref<1024xf32, #tpu.memory_space<hbm>>
          %dma_wait3A_1060 = arith.constant 0 : i32
          %dma_wait3A_1061 = tpu.memref_slice %arg11[%dma_wait3A_1054, %dma_wait3A_1060] : memref<2x1024xf32, #tpu.memory_space<vmem>> -> memref<1x1024xf32, #tpu.memory_space<vmem>>
          %dma_wait3A_1062 = tpu.memref_squeeze %dma_wait3A_1061 : memref<1x1024xf32, #tpu.memory_space<vmem>> -> memref<1024xf32, #tpu.memory_space<vmem>>
          tpu.wait_dma2 semaphore(%arg14 : memref<!tpu.dma_semaphore, #tpu.memory_space<semaphore_mem>>) src(%dma_wait3A_1062 : memref<1024xf32, #tpu.memory_space<vmem>>) dst(%dma_wait3A_1059 : memref<1024xf32, #tpu.memory_space<hbm>>)
        } else {
        }
        %scan3A_1031 = arith.constant 0 : i32
        %scan3A_1032 = arith.constant 1 : i32
        %scan3A_1033 = arith.constant 1 : i32
        %scan3A_1034 = arith.constant 1 : i32
        %scan3A_1035 = arith.constant 1 : i32
        %scan3A_1036 = arith.constant 0 : i32
        %scan3A_1037 = arith.constant 64 : i32
        %scan3A_1038 = arith.addi %scan3A_1036, %scan3A_1037 : i32
        %scan3A_1039 = arith.constant 2 : i32
        scf.for %scan3A_1052 = %scan3A_1036 to %scan3A_1038 step %scan3A_1039  : i32 {
          %mul3A_1053 = arith.constant 16 : i32
          %mul3A_1054 = arith.muli %scan3A_1052, %mul3A_1053 : i32
          %add3A_1055 = vector.broadcast %mul3A_1054 : i32 to vector<16xi32>
          %add3A_1056 = arith.addi %iota3A, %add3A_1055 : vector<16xi32>
          %broadcast_in_dim3A = arith.constant 0 : i32
          %broadcast_in_dim3A_1057 = vector.broadcast %broadcast_in_dim3A : i32 to vector<16xi32>
          %broadcast_in_dim3A_1058 = arith.constant 1 : i32
          %broadcast_in_dim3A_1059 = vector.broadcast %broadcast_in_dim3A_1058 : i32 to vector<16xi32>
          %broadcast_in_dim3A_1060 = arith.constant 2 : i32
          %broadcast_in_dim3A_1061 = vector.broadcast %broadcast_in_dim3A_1060 : i32 to vector<16xi32>
          %gather3A = arith.constant 0 : i32
          %gather3A_1062 = arith.constant 0 : i32
          %gather3A_1063 = tpu.memref_slice %arg8[%scan3A_1032, %gather3A, %gather3A_1062] : memref<2x1024x8xf32, #tpu.memory_space<vmem>> -> memref<1x1024x8xf32, #tpu.memory_space<vmem>>
          %gather3A_1064 = tpu.memref_squeeze %gather3A_1063 : memref<1x1024x8xf32, #tpu.memory_space<vmem>> -> memref<1024x8xf32, #tpu.memory_space<vmem>>
          %gather3A_1065 = tpu.vector_load_idx %gather3A_1064[%add3A_1056, %broadcast_in_dim3A_1057] : memref<1024x8xf32, #tpu.memory_space<vmem>>[vector<16xi32>, vector<16xi32>], vector<16xf32>,
          %gather3A_1066 = arith.constant 0 : i32
          %gather3A_1067 = arith.constant 0 : i32
          %gather3A_1068 = tpu.memref_slice %arg8[%scan3A_1032, %gather3A_1066, %gather3A_1067] : memref<2x1024x8xf32, #tpu.memory_space<vmem>> -> memref<1x1024x8xf32, #tpu.memory_space<vmem>>
          %gather3A_1069 = tpu.memref_squeeze %gather3A_1068 : memref<1x1024x8xf32, #tpu.memory_space<vmem>> -> memref<1024x8xf32, #tpu.memory_space<vmem>>
          %gather3A_1070 = tpu.vector_load_idx %gather3A_1069[%add3A_1056, %broadcast_in_dim3A_1059] : memref<1024x8xf32, #tpu.memory_space<vmem>>[vector<16xi32>, vector<16xi32>], vector<16xf32>,
          %gather3A_1071 = arith.constant 0 : i32
          %gather3A_1072 = arith.constant 0 : i32
          %gather3A_1073 = tpu.memref_slice %arg8[%scan3A_1032, %gather3A_1071, %gather3A_1072] : memref<2x1024x8xf32, #tpu.memory_space<vmem>> -> memref<1x1024x8xf32, #tpu.memory_space<vmem>>
          %gather3A_1074 = tpu.memref_squeeze %gather3A_1073 : memref<1x1024x8xf32, #tpu.memory_space<vmem>> -> memref<1024x8xf32, #tpu.memory_space<vmem>>
          %gather3A_1075 = tpu.vector_load_idx %gather3A_1074[%add3A_1056, %broadcast_in_dim3A_1061] : memref<1024x8xf32, #tpu.memory_space<vmem>>[vector<16xi32>, vector<16xi32>], vector<16xf32>,
          %gather3A_1076 = arith.constant 0 : i32
          %gather3A_1077 = arith.constant 0 : i32
          %gather3A_1078 = tpu.memref_slice %arg9[%scan3A_1033, %gather3A_1076, %gather3A_1077] : memref<2x1024x8xf32, #tpu.memory_space<vmem>> -> memref<1x1024x8xf32, #tpu.memory_space<vmem>>
          %gather3A_1079 = tpu.memref_squeeze %gather3A_1078 : memref<1x1024x8xf32, #tpu.memory_space<vmem>> -> memref<1024x8xf32, #tpu.memory_space<vmem>>
          %gather3A_1080 = tpu.vector_load_idx %gather3A_1079[%add3A_1056, %broadcast_in_dim3A_1057] : memref<1024x8xf32, #tpu.memory_space<vmem>>[vector<16xi32>, vector<16xi32>], vector<16xf32>,
          %gather3A_1081 = arith.constant 0 : i32
          %gather3A_1082 = arith.constant 0 : i32
          %gather3A_1083 = tpu.memref_slice %arg9[%scan3A_1033, %gather3A_1081, %gather3A_1082] : memref<2x1024x8xf32, #tpu.memory_space<vmem>> -> memref<1x1024x8xf32, #tpu.memory_space<vmem>>
          %gather3A_1084 = tpu.memref_squeeze %gather3A_1083 : memref<1x1024x8xf32, #tpu.memory_space<vmem>> -> memref<1024x8xf32, #tpu.memory_space<vmem>>
          %gather3A_1085 = tpu.vector_load_idx %gather3A_1084[%add3A_1056, %broadcast_in_dim3A_1059] : memref<1024x8xf32, #tpu.memory_space<vmem>>[vector<16xi32>, vector<16xi32>], vector<16xf32>,
          %gather3A_1086 = arith.constant 0 : i32
          %gather3A_1087 = arith.constant 0 : i32
          %gather3A_1088 = tpu.memref_slice %arg9[%scan3A_1033, %gather3A_1086, %gather3A_1087] : memref<2x1024x8xf32, #tpu.memory_space<vmem>> -> memref<1x1024x8xf32, #tpu.memory_space<vmem>>
          %gather3A_1089 = tpu.memref_squeeze %gather3A_1088 : memref<1x1024x8xf32, #tpu.memory_space<vmem>> -> memref<1024x8xf32, #tpu.memory_space<vmem>>
          %gather3A_1090 = tpu.vector_load_idx %gather3A_1089[%add3A_1056, %broadcast_in_dim3A_1061] : memref<1024x8xf32, #tpu.memory_space<vmem>>[vector<16xi32>, vector<16xi32>], vector<16xf32>,
          %jit3A_1091 = arith.constant 8 : i32
          %div3A_1092 = arith.divsi %scan3A_1052, %jit3A_1091 : i32
          %sign3A_1093 = arith.constant 0 : i32
          %sign3A_1094 = arith.cmpi sgt, %scan3A_1052, %sign3A_1093 : i32
          %sign3A_1095 = arith.extui %sign3A_1094 : i1 to i32
          %sign3A_1096 = arith.constant 0 : i32
          %sign3A_1097 = arith.cmpi slt, %scan3A_1052, %sign3A_1096 : i32
          %sign3A_1098 = arith.extui %sign3A_1097 : i1 to i32
          %sign3A_1099 = arith.subi %sign3A_1095, %sign3A_1098 : i32
          %sign3A_1100 = arith.constant 0 : i32
          %sign3A_1101 = arith.cmpi sgt, %jit3A_1091, %sign3A_1100 : i32
          %sign3A_1102 = arith.extui %sign3A_1101 : i1 to i32
          %sign3A_1103 = arith.constant 0 : i32
          %sign3A_1104 = arith.cmpi slt, %jit3A_1091, %sign3A_1103 : i32
          %sign3A_1105 = arith.extui %sign3A_1104 : i1 to i32
          %sign3A_1106 = arith.subi %sign3A_1102, %sign3A_1105 : i32
          %ne3A_1107 = arith.cmpi ne, %sign3A_1099, %sign3A_1106 : i32
          %rem3A_1108 = arith.remsi %scan3A_1052, %jit3A_1091 : i32
          %ne3A_1109 = arith.constant 0 : i32
          %ne3A_1110 = arith.cmpi ne, %rem3A_1108, %ne3A_1109 : i32
          %and3A_1111 = arith.andi %ne3A_1107, %ne3A_1110 : i1
          %sub3A_1112 = arith.constant 1 : i32
          %sub3A_1113 = arith.subi %div3A_1092, %sub3A_1112 : i32
          %select_n3A_1114 = arith.select %and3A_1111, %sub3A_1113, %div3A_1092 : i32
          %jit3A_1115 = arith.constant 8 : i32
          %eq3A = arith.constant 0 : i32
          %eq3A_1116 = arith.cmpi eq, %jit3A_1115, %eq3A : i32
          %jit3A_1117 = arith.constant 1 : i32
          %select_n3A_1118 = arith.select %eq3A_1116, %jit3A_1117, %jit3A_1115 : i32
          %rem3A_1119 = arith.remsi %scan3A_1052, %select_n3A_1118 : i32
          %ne3A_1120 = arith.constant 0 : i32
          %ne3A_1121 = arith.cmpi ne, %rem3A_1119, %ne3A_1120 : i32
          %lt3A_1122 = arith.constant 0 : i32
          %lt3A_1123 = arith.cmpi slt, %rem3A_1119, %lt3A_1122 : i32
          %lt3A_1124 = arith.constant 0 : i32
          %lt3A_1125 = arith.cmpi slt, %select_n3A_1118, %lt3A_1124 : i32
          %ne3A_1126 = arith.xori %lt3A_1123, %lt3A_1125 : i1
          %and3A_1127 = arith.andi %ne3A_1126, %ne3A_1121 : i1
          %add3A_1128 = arith.addi %rem3A_1119, %select_n3A_1118 : i32
          %select_n3A_1129 = arith.select %and3A_1127, %add3A_1128, %rem3A_1119 : i32
          %mul3A_1130 = arith.constant 16 : i32
          %mul3A_1131 = arith.muli %select_n3A_1129, %mul3A_1130 : i32
          %get3A_1132 = arith.constant 0 : i32
          %get3A_1133 = arith.constant 0 : i32
          %get3A_1134 = arith.constant 0 : i32
          %get3A_1135 = arith.constant 0 : i32
          %get3A_1136 = tpu.memref_slice %arg10[%scan3A_1034, %get3A_1133, %get3A_1134, %get3A_1135] : memref<2x8x4x128xf32, #tpu.memory_space<vmem>> -> memref<1x8x4x128xf32, #tpu.memory_space<vmem>>
          %get3A_1137 = tpu.memref_squeeze %get3A_1136 : memref<1x8x4x128xf32, #tpu.memory_space<vmem>> -> memref<8x4x128xf32, #tpu.memory_space<vmem>>
          %get3A_1138 = arith.index_cast %select_n3A_1114 : i32 to index
          %get3A_1139 = arith.index_cast %get3A_1132 : i32 to index
          %get3A_1140 = arith.index_cast %mul3A_1131 : i32 to index
          %get3A_1141 = tpu.vector_load %get3A_1137[%get3A_1138, %get3A_1139, %get3A_1140] {strides = array<i32>} : memref<8x4x128xf32, #tpu.memory_space<vmem>>, vector<16xf32>,
          %get3A_1142 = arith.constant 1 : i32
          %get3A_1143 = arith.constant 0 : i32
          %get3A_1144 = arith.constant 0 : i32
          %get3A_1145 = arith.constant 0 : i32
          %get3A_1146 = tpu.memref_slice %arg10[%scan3A_1034, %get3A_1143, %get3A_1144, %get3A_1145] : memref<2x8x4x128xf32, #tpu.memory_space<vmem>> -> memref<1x8x4x128xf32, #tpu.memory_space<vmem>>
          %get3A_1147 = tpu.memref_squeeze %get3A_1146 : memref<1x8x4x128xf32, #tpu.memory_space<vmem>> -> memref<8x4x128xf32, #tpu.memory_space<vmem>>
          %get3A_1148 = arith.index_cast %select_n3A_1114 : i32 to index
          %get3A_1149 = arith.index_cast %get3A_1142 : i32 to index
          %get3A_1150 = arith.index_cast %mul3A_1131 : i32 to index
          %get3A_1151 = tpu.vector_load %get3A_1147[%get3A_1148, %get3A_1149, %get3A_1150] {strides = array<i32>} : memref<8x4x128xf32, #tpu.memory_space<vmem>>, vector<16xf32>,
          %get3A_1152 = arith.constant 2 : i32
          %get3A_1153 = arith.constant 0 : i32
          %get3A_1154 = arith.constant 0 : i32
          %get3A_1155 = arith.constant 0 : i32
          %get3A_1156 = tpu.memref_slice %arg10[%scan3A_1034, %get3A_1153, %get3A_1154, %get3A_1155] : memref<2x8x4x128xf32, #tpu.memory_space<vmem>> -> memref<1x8x4x128xf32, #tpu.memory_space<vmem>>
          %get3A_1157 = tpu.memref_squeeze %get3A_1156 : memref<1x8x4x128xf32, #tpu.memory_space<vmem>> -> memref<8x4x128xf32, #tpu.memory_space<vmem>>
          %get3A_1158 = arith.index_cast %select_n3A_1114 : i32 to index
          %get3A_1159 = arith.index_cast %get3A_1152 : i32 to index
          %get3A_1160 = arith.index_cast %mul3A_1131 : i32 to index
          %get3A_1161 = tpu.vector_load %get3A_1157[%get3A_1158, %get3A_1159, %get3A_1160] {strides = array<i32>} : memref<8x4x128xf32, #tpu.memory_space<vmem>>, vector<16xf32>,
          %mul3A_1162 = arith.constant 16 : i32
          %mul3A_1163 = arith.muli %scan3A_1052, %mul3A_1162 : i32
          %sub3A_1164 = arith.subf %gather3A_1080, %gather3A_1065 : vector<16xf32>
          %mul3A_1165 = arith.mulf %get3A_1141, %get3A_3 : vector<16xf32>
          %mul3A_1166 = arith.mulf %get3A_1151, %get3A_15 : vector<16xf32>
          %add3A_1167 = arith.addf %mul3A_1165, %mul3A_1166 : vector<16xf32>
          %mul3A_1168 = arith.mulf %get3A_1161, %get3A_27 : vector<16xf32>
          %add3A_1169 = arith.addf %add3A_1167, %mul3A_1168 : vector<16xf32>
          %add3A_1170 = arith.addf %sub3A_1164, %add3A_1169 : vector<16xf32>
          %sub3A_1171 = arith.subf %gather3A_1085, %gather3A_1070 : vector<16xf32>
          %mul3A_1172 = arith.mulf %get3A_1141, %get3A_7 : vector<16xf32>
          %mul3A_1173 = arith.mulf %get3A_1151, %get3A_19 : vector<16xf32>
          %add3A_1174 = arith.addf %mul3A_1172, %mul3A_1173 : vector<16xf32>
          %mul3A_1175 = arith.mulf %get3A_1161, %get3A_31 : vector<16xf32>
          %add3A_1176 = arith.addf %add3A_1174, %mul3A_1175 : vector<16xf32>
          %add3A_1177 = arith.addf %sub3A_1171, %add3A_1176 : vector<16xf32>
          %sub3A_1178 = arith.subf %gather3A_1090, %gather3A_1075 : vector<16xf32>
          %mul3A_1179 = arith.mulf %get3A_1141, %get3A_11 : vector<16xf32>
          %mul3A_1180 = arith.mulf %get3A_1151, %get3A_23 : vector<16xf32>
          %add3A_1181 = arith.addf %mul3A_1179, %mul3A_1180 : vector<16xf32>
          %mul3A_1182 = arith.mulf %get3A_1161, %get3A_35 : vector<16xf32>
          %add3A_1183 = arith.addf %add3A_1181, %mul3A_1182 : vector<16xf32>
          %add3A_1184 = arith.addf %sub3A_1178, %add3A_1183 : vector<16xf32>
          %mul3A_1185 = arith.mulf %add3A_1170, %add3A_1170 : vector<16xf32>
          %mul3A_1186 = arith.mulf %add3A_1177, %add3A_1177 : vector<16xf32>
          %add3A_1187 = arith.addf %mul3A_1185, %mul3A_1186 : vector<16xf32>
          %mul3A_1188 = arith.mulf %add3A_1184, %add3A_1184 : vector<16xf32>
          %add3A_1189 = arith.addf %add3A_1187, %mul3A_1188 : vector<16xf32>
          %max3A = arith.constant 1.000000e-30 : f32
          %max3A_1190 = vector.broadcast %max3A : f32 to vector<16xf32>
          %max3A_1191 = arith.maximumf %add3A_1189, %max3A_1190 : vector<16xf32>
          %bitcast_convert_type3A = tpu.bitcast %max3A_1191 : vector<16xf32> -> vector<16xi32>
          %shift_right_arithmetic3A = arith.constant 1 : i32
          %shift_right_arithmetic3A_1192 = vector.broadcast %shift_right_arithmetic3A : i32 to vector<16xi32>
          %shift_right_arithmetic3A_1193 = arith.shrsi %bitcast_convert_type3A, %shift_right_arithmetic3A_1192 : vector<16xi32>
          %sub3A_1194 = arith.constant 1597463007 : i32
          %sub3A_1195 = vector.broadcast %sub3A_1194 : i32 to vector<16xi32>
          %sub3A_1196 = arith.subi %sub3A_1195, %shift_right_arithmetic3A_1193 : vector<16xi32>
          %bitcast_convert_type3A_1197 = tpu.bitcast %sub3A_1196 : vector<16xi32> -> vector<16xf32>
          %mul3A_1198 = arith.constant 5.000000e-01 : f32
          %mul3A_1199 = vector.broadcast %mul3A_1198 : f32 to vector<16xf32>
          %mul3A_1200 = arith.mulf %mul3A_1199, %max3A_1191 : vector<16xf32>
          %mul3A_1201 = arith.mulf %mul3A_1200, %bitcast_convert_type3A_1197 : vector<16xf32>
          %mul3A_1202 = arith.mulf %mul3A_1201, %bitcast_convert_type3A_1197 : vector<16xf32>
          %sub3A_1203 = arith.constant 1.500000e+00 : f32
          %sub3A_1204 = vector.broadcast %sub3A_1203 : f32 to vector<16xf32>
          %sub3A_1205 = arith.subf %sub3A_1204, %mul3A_1202 : vector<16xf32>
          %mul3A_1206 = arith.mulf %bitcast_convert_type3A_1197, %sub3A_1205 : vector<16xf32>
          %mul3A_1207 = arith.constant 5.000000e-01 : f32
          %mul3A_1208 = vector.broadcast %mul3A_1207 : f32 to vector<16xf32>
          %mul3A_1209 = arith.mulf %mul3A_1208, %max3A_1191 : vector<16xf32>
          %mul3A_1210 = arith.mulf %mul3A_1209, %mul3A_1206 : vector<16xf32>
          %mul3A_1211 = arith.mulf %mul3A_1210, %mul3A_1206 : vector<16xf32>
          %sub3A_1212 = arith.constant 1.500000e+00 : f32
          %sub3A_1213 = vector.broadcast %sub3A_1212 : f32 to vector<16xf32>
          %sub3A_1214 = arith.subf %sub3A_1213, %mul3A_1211 : vector<16xf32>
          %mul3A_1215 = arith.mulf %mul3A_1206, %sub3A_1214 : vector<16xf32>
          %mul3A_1216 = arith.mulf %max3A_1191, %mul3A_1215 : vector<16xf32>
          %swap3A = arith.constant 0 : i32
          %swap3A_1217 = tpu.memref_slice %arg11[%scan3A_1035, %swap3A] : memref<2x1024xf32, #tpu.memory_space<vmem>> -> memref<1x1024xf32, #tpu.memory_space<vmem>>
          %swap3A_1218 = tpu.memref_squeeze %swap3A_1217 : memref<1x1024xf32, #tpu.memory_space<vmem>> -> memref<1024xf32, #tpu.memory_space<vmem>>
          %swap3A_1219 = arith.index_cast %mul3A_1163 : i32 to index
          %swap3A_1220 = tpu.vector_load %swap3A_1218[%swap3A_1219] {strides = array<i32>} : memref<1024xf32, #tpu.memory_space<vmem>>, vector<16xf32>,
          tpu.vector_store %swap3A_1218[%swap3A_1219], %mul3A_1216 {strides = array<i32>} : memref<1024xf32, #tpu.memory_space<vmem>>, vector<16xf32>,
          %scan3A_1221 = arith.constant 1 : i32
          %scan3A_1222 = arith.addi %scan3A_1052, %scan3A_1221 : i32
          %mul3A_1223 = arith.constant 16 : i32
          %mul3A_1224 = arith.muli %scan3A_1222, %mul3A_1223 : i32
          %add3A_1225 = vector.broadcast %mul3A_1224 : i32 to vector<16xi32>
          %add3A_1226 = arith.addi %iota3A, %add3A_1225 : vector<16xi32>
          %broadcast_in_dim3A_1227 = arith.constant 0 : i32
          %broadcast_in_dim3A_1228 = vector.broadcast %broadcast_in_dim3A_1227 : i32 to vector<16xi32>
          %broadcast_in_dim3A_1229 = arith.constant 1 : i32
          %broadcast_in_dim3A_1230 = vector.broadcast %broadcast_in_dim3A_1229 : i32 to vector<16xi32>
          %broadcast_in_dim3A_1231 = arith.constant 2 : i32
          %broadcast_in_dim3A_1232 = vector.broadcast %broadcast_in_dim3A_1231 : i32 to vector<16xi32>
          %gather3A_1233 = arith.constant 0 : i32
          %gather3A_1234 = arith.constant 0 : i32
          %gather3A_1235 = tpu.memref_slice %arg8[%scan3A_1032, %gather3A_1233, %gather3A_1234] : memref<2x1024x8xf32, #tpu.memory_space<vmem>> -> memref<1x1024x8xf32, #tpu.memory_space<vmem>>
          %gather3A_1236 = tpu.memref_squeeze %gather3A_1235 : memref<1x1024x8xf32, #tpu.memory_space<vmem>> -> memref<1024x8xf32, #tpu.memory_space<vmem>>
          %gather3A_1237 = tpu.vector_load_idx %gather3A_1236[%add3A_1226, %broadcast_in_dim3A_1228] : memref<1024x8xf32, #tpu.memory_space<vmem>>[vector<16xi32>, vector<16xi32>], vector<16xf32>,
          %gather3A_1238 = arith.constant 0 : i32
          %gather3A_1239 = arith.constant 0 : i32
          %gather3A_1240 = tpu.memref_slice %arg8[%scan3A_1032, %gather3A_1238, %gather3A_1239] : memref<2x1024x8xf32, #tpu.memory_space<vmem>> -> memref<1x1024x8xf32, #tpu.memory_space<vmem>>
          %gather3A_1241 = tpu.memref_squeeze %gather3A_1240 : memref<1x1024x8xf32, #tpu.memory_space<vmem>> -> memref<1024x8xf32, #tpu.memory_space<vmem>>
          %gather3A_1242 = tpu.vector_load_idx %gather3A_1241[%add3A_1226, %broadcast_in_dim3A_1230] : memref<1024x8xf32, #tpu.memory_space<vmem>>[vector<16xi32>, vector<16xi32>], vector<16xf32>,
          %gather3A_1243 = arith.constant 0 : i32
          %gather3A_1244 = arith.constant 0 : i32
          %gather3A_1245 = tpu.memref_slice %arg8[%scan3A_1032, %gather3A_1243, %gather3A_1244] : memref<2x1024x8xf32, #tpu.memory_space<vmem>> -> memref<1x1024x8xf32, #tpu.memory_space<vmem>>
          %gather3A_1246 = tpu.memref_squeeze %gather3A_1245 : memref<1x1024x8xf32, #tpu.memory_space<vmem>> -> memref<1024x8xf32, #tpu.memory_space<vmem>>
          %gather3A_1247 = tpu.vector_load_idx %gather3A_1246[%add3A_1226, %broadcast_in_dim3A_1232] : memref<1024x8xf32, #tpu.memory_space<vmem>>[vector<16xi32>, vector<16xi32>], vector<16xf32>,
          %gather3A_1248 = arith.constant 0 : i32
          %gather3A_1249 = arith.constant 0 : i32
          %gather3A_1250 = tpu.memref_slice %arg9[%scan3A_1033, %gather3A_1248, %gather3A_1249] : memref<2x1024x8xf32, #tpu.memory_space<vmem>> -> memref<1x1024x8xf32, #tpu.memory_space<vmem>>
          %gather3A_1251 = tpu.memref_squeeze %gather3A_1250 : memref<1x1024x8xf32, #tpu.memory_space<vmem>> -> memref<1024x8xf32, #tpu.memory_space<vmem>>
          %gather3A_1252 = tpu.vector_load_idx %gather3A_1251[%add3A_1226, %broadcast_in_dim3A_1228] : memref<1024x8xf32, #tpu.memory_space<vmem>>[vector<16xi32>, vector<16xi32>], vector<16xf32>,
          %gather3A_1253 = arith.constant 0 : i32
          %gather3A_1254 = arith.constant 0 : i32
          %gather3A_1255 = tpu.memref_slice %arg9[%scan3A_1033, %gather3A_1253, %gather3A_1254] : memref<2x1024x8xf32, #tpu.memory_space<vmem>> -> memref<1x1024x8xf32, #tpu.memory_space<vmem>>
          %gather3A_1256 = tpu.memref_squeeze %gather3A_1255 : memref<1x1024x8xf32, #tpu.memory_space<vmem>> -> memref<1024x8xf32, #tpu.memory_space<vmem>>
          %gather3A_1257 = tpu.vector_load_idx %gather3A_1256[%add3A_1226, %broadcast_in_dim3A_1230] : memref<1024x8xf32, #tpu.memory_space<vmem>>[vector<16xi32>, vector<16xi32>], vector<16xf32>,
          %gather3A_1258 = arith.constant 0 : i32
          %gather3A_1259 = arith.constant 0 : i32
          %gather3A_1260 = tpu.memref_slice %arg9[%scan3A_1033, %gather3A_1258, %gather3A_1259] : memref<2x1024x8xf32, #tpu.memory_space<vmem>> -> memref<1x1024x8xf32, #tpu.memory_space<vmem>>
          %gather3A_1261 = tpu.memref_squeeze %gather3A_1260 : memref<1x1024x8xf32, #tpu.memory_space<vmem>> -> memref<1024x8xf32, #tpu.memory_space<vmem>>
          %gather3A_1262 = tpu.vector_load_idx %gather3A_1261[%add3A_1226, %broadcast_in_dim3A_1232] : memref<1024x8xf32, #tpu.memory_space<vmem>>[vector<16xi32>, vector<16xi32>], vector<16xf32>,
          %jit3A_1263 = arith.constant 8 : i32
          %div3A_1264 = arith.divsi %scan3A_1222, %jit3A_1263 : i32
          %sign3A_1265 = arith.constant 0 : i32
          %sign3A_1266 = arith.cmpi sgt, %scan3A_1222, %sign3A_1265 : i32
          %sign3A_1267 = arith.extui %sign3A_1266 : i1 to i32
          %sign3A_1268 = arith.constant 0 : i32
          %sign3A_1269 = arith.cmpi slt, %scan3A_1222, %sign3A_1268 : i32
          %sign3A_1270 = arith.extui %sign3A_1269 : i1 to i32
          %sign3A_1271 = arith.subi %sign3A_1267, %sign3A_1270 : i32
          %sign3A_1272 = arith.constant 0 : i32
          %sign3A_1273 = arith.cmpi sgt, %jit3A_1263, %sign3A_1272 : i32
          %sign3A_1274 = arith.extui %sign3A_1273 : i1 to i32
          %sign3A_1275 = arith.constant 0 : i32
          %sign3A_1276 = arith.cmpi slt, %jit3A_1263, %sign3A_1275 : i32
          %sign3A_1277 = arith.extui %sign3A_1276 : i1 to i32
          %sign3A_1278 = arith.subi %sign3A_1274, %sign3A_1277 : i32
          %ne3A_1279 = arith.cmpi ne, %sign3A_1271, %sign3A_1278 : i32
          %rem3A_1280 = arith.remsi %scan3A_1222, %jit3A_1263 : i32
          %ne3A_1281 = arith.constant 0 : i32
          %ne3A_1282 = arith.cmpi ne, %rem3A_1280, %ne3A_1281 : i32
          %and3A_1283 = arith.andi %ne3A_1279, %ne3A_1282 : i1
          %sub3A_1284 = arith.constant 1 : i32
          %sub3A_1285 = arith.subi %div3A_1264, %sub3A_1284 : i32
          %select_n3A_1286 = arith.select %and3A_1283, %sub3A_1285, %div3A_1264 : i32
          %jit3A_1287 = arith.constant 8 : i32
          %eq3A_1288 = arith.constant 0 : i32
          %eq3A_1289 = arith.cmpi eq, %jit3A_1287, %eq3A_1288 : i32
          %jit3A_1290 = arith.constant 1 : i32
          %select_n3A_1291 = arith.select %eq3A_1289, %jit3A_1290, %jit3A_1287 : i32
          %rem3A_1292 = arith.remsi %scan3A_1222, %select_n3A_1291 : i32
          %ne3A_1293 = arith.constant 0 : i32
          %ne3A_1294 = arith.cmpi ne, %rem3A_1292, %ne3A_1293 : i32
          %lt3A_1295 = arith.constant 0 : i32
          %lt3A_1296 = arith.cmpi slt, %rem3A_1292, %lt3A_1295 : i32
          %lt3A_1297 = arith.constant 0 : i32
          %lt3A_1298 = arith.cmpi slt, %select_n3A_1291, %lt3A_1297 : i32
          %ne3A_1299 = arith.xori %lt3A_1296, %lt3A_1298 : i1
          %and3A_1300 = arith.andi %ne3A_1299, %ne3A_1294 : i1
          %add3A_1301 = arith.addi %rem3A_1292, %select_n3A_1291 : i32
          %select_n3A_1302 = arith.select %and3A_1300, %add3A_1301, %rem3A_1292 : i32
          %mul3A_1303 = arith.constant 16 : i32
          %mul3A_1304 = arith.muli %select_n3A_1302, %mul3A_1303 : i32
          %get3A_1305 = arith.constant 0 : i32
          %get3A_1306 = arith.constant 0 : i32
          %get3A_1307 = arith.constant 0 : i32
          %get3A_1308 = arith.constant 0 : i32
          %get3A_1309 = tpu.memref_slice %arg10[%scan3A_1034, %get3A_1306, %get3A_1307, %get3A_1308] : memref<2x8x4x128xf32, #tpu.memory_space<vmem>> -> memref<1x8x4x128xf32, #tpu.memory_space<vmem>>
          %get3A_1310 = tpu.memref_squeeze %get3A_1309 : memref<1x8x4x128xf32, #tpu.memory_space<vmem>> -> memref<8x4x128xf32, #tpu.memory_space<vmem>>
          %get3A_1311 = arith.index_cast %select_n3A_1286 : i32 to index
          %get3A_1312 = arith.index_cast %get3A_1305 : i32 to index
          %get3A_1313 = arith.index_cast %mul3A_1304 : i32 to index
          %get3A_1314 = tpu.vector_load %get3A_1310[%get3A_1311, %get3A_1312, %get3A_1313] {strides = array<i32>} : memref<8x4x128xf32, #tpu.memory_space<vmem>>, vector<16xf32>,
          %get3A_1315 = arith.constant 1 : i32
          %get3A_1316 = arith.constant 0 : i32
          %get3A_1317 = arith.constant 0 : i32
          %get3A_1318 = arith.constant 0 : i32
          %get3A_1319 = tpu.memref_slice %arg10[%scan3A_1034, %get3A_1316, %get3A_1317, %get3A_1318] : memref<2x8x4x128xf32, #tpu.memory_space<vmem>> -> memref<1x8x4x128xf32, #tpu.memory_space<vmem>>
          %get3A_1320 = tpu.memref_squeeze %get3A_1319 : memref<1x8x4x128xf32, #tpu.memory_space<vmem>> -> memref<8x4x128xf32, #tpu.memory_space<vmem>>
          %get3A_1321 = arith.index_cast %select_n3A_1286 : i32 to index
          %get3A_1322 = arith.index_cast %get3A_1315 : i32 to index
          %get3A_1323 = arith.index_cast %mul3A_1304 : i32 to index
          %get3A_1324 = tpu.vector_load %get3A_1320[%get3A_1321, %get3A_1322, %get3A_1323] {strides = array<i32>} : memref<8x4x128xf32, #tpu.memory_space<vmem>>, vector<16xf32>,
          %get3A_1325 = arith.constant 2 : i32
          %get3A_1326 = arith.constant 0 : i32
          %get3A_1327 = arith.constant 0 : i32
          %get3A_1328 = arith.constant 0 : i32
          %get3A_1329 = tpu.memref_slice %arg10[%scan3A_1034, %get3A_1326, %get3A_1327, %get3A_1328] : memref<2x8x4x128xf32, #tpu.memory_space<vmem>> -> memref<1x8x4x128xf32, #tpu.memory_space<vmem>>
          %get3A_1330 = tpu.memref_squeeze %get3A_1329 : memref<1x8x4x128xf32, #tpu.memory_space<vmem>> -> memref<8x4x128xf32, #tpu.memory_space<vmem>>
          %get3A_1331 = arith.index_cast %select_n3A_1286 : i32 to index
          %get3A_1332 = arith.index_cast %get3A_1325 : i32 to index
          %get3A_1333 = arith.index_cast %mul3A_1304 : i32 to index
          %get3A_1334 = tpu.vector_load %get3A_1330[%get3A_1331, %get3A_1332, %get3A_1333] {strides = array<i32>} : memref<8x4x128xf32, #tpu.memory_space<vmem>>, vector<16xf32>,
          %mul3A_1335 = arith.constant 16 : i32
          %mul3A_1336 = arith.muli %scan3A_1222, %mul3A_1335 : i32
          %sub3A_1337 = arith.subf %gather3A_1252, %gather3A_1237 : vector<16xf32>
          %mul3A_1338 = arith.mulf %get3A_1314, %get3A_3 : vector<16xf32>
          %mul3A_1339 = arith.mulf %get3A_1324, %get3A_15 : vector<16xf32>
          %add3A_1340 = arith.addf %mul3A_1338, %mul3A_1339 : vector<16xf32>
          %mul3A_1341 = arith.mulf %get3A_1334, %get3A_27 : vector<16xf32>
          %add3A_1342 = arith.addf %add3A_1340, %mul3A_1341 : vector<16xf32>
          %add3A_1343 = arith.addf %sub3A_1337, %add3A_1342 : vector<16xf32>
          %sub3A_1344 = arith.subf %gather3A_1257, %gather3A_1242 : vector<16xf32>
          %mul3A_1345 = arith.mulf %get3A_1314, %get3A_7 : vector<16xf32>
          %mul3A_1346 = arith.mulf %get3A_1324, %get3A_19 : vector<16xf32>
          %add3A_1347 = arith.addf %mul3A_1345, %mul3A_1346 : vector<16xf32>
          %mul3A_1348 = arith.mulf %get3A_1334, %get3A_31 : vector<16xf32>
          %add3A_1349 = arith.addf %add3A_1347, %mul3A_1348 : vector<16xf32>
          %add3A_1350 = arith.addf %sub3A_1344, %add3A_1349 : vector<16xf32>
          %sub3A_1351 = arith.subf %gather3A_1262, %gather3A_1247 : vector<16xf32>
          %mul3A_1352 = arith.mulf %get3A_1314, %get3A_11 : vector<16xf32>
          %mul3A_1353 = arith.mulf %get3A_1324, %get3A_23 : vector<16xf32>
          %add3A_1354 = arith.addf %mul3A_1352, %mul3A_1353 : vector<16xf32>
          %mul3A_1355 = arith.mulf %get3A_1334, %get3A_35 : vector<16xf32>
          %add3A_1356 = arith.addf %add3A_1354, %mul3A_1355 : vector<16xf32>
          %add3A_1357 = arith.addf %sub3A_1351, %add3A_1356 : vector<16xf32>
          %mul3A_1358 = arith.mulf %add3A_1343, %add3A_1343 : vector<16xf32>
          %mul3A_1359 = arith.mulf %add3A_1350, %add3A_1350 : vector<16xf32>
          %add3A_1360 = arith.addf %mul3A_1358, %mul3A_1359 : vector<16xf32>
          %mul3A_1361 = arith.mulf %add3A_1357, %add3A_1357 : vector<16xf32>
          %add3A_1362 = arith.addf %add3A_1360, %mul3A_1361 : vector<16xf32>
          %max3A_1363 = arith.constant 1.000000e-30 : f32
          %max3A_1364 = vector.broadcast %max3A_1363 : f32 to vector<16xf32>
          %max3A_1365 = arith.maximumf %add3A_1362, %max3A_1364 : vector<16xf32>
          %bitcast_convert_type3A_1366 = tpu.bitcast %max3A_1365 : vector<16xf32> -> vector<16xi32>
          %shift_right_arithmetic3A_1367 = arith.constant 1 : i32
          %shift_right_arithmetic3A_1368 = vector.broadcast %shift_right_arithmetic3A_1367 : i32 to vector<16xi32>
          %shift_right_arithmetic3A_1369 = arith.shrsi %bitcast_convert_type3A_1366, %shift_right_arithmetic3A_1368 : vector<16xi32>
          %sub3A_1370 = arith.constant 1597463007 : i32
          %sub3A_1371 = vector.broadcast %sub3A_1370 : i32 to vector<16xi32>
          %sub3A_1372 = arith.subi %sub3A_1371, %shift_right_arithmetic3A_1369 : vector<16xi32>
          %bitcast_convert_type3A_1373 = tpu.bitcast %sub3A_1372 : vector<16xi32> -> vector<16xf32>
          %mul3A_1374 = arith.constant 5.000000e-01 : f32
          %mul3A_1375 = vector.broadcast %mul3A_1374 : f32 to vector<16xf32>
          %mul3A_1376 = arith.mulf %mul3A_1375, %max3A_1365 : vector<16xf32>
          %mul3A_1377 = arith.mulf %mul3A_1376, %bitcast_convert_type3A_1373 : vector<16xf32>
          %mul3A_1378 = arith.mulf %mul3A_1377, %bitcast_convert_type3A_1373 : vector<16xf32>
          %sub3A_1379 = arith.constant 1.500000e+00 : f32
          %sub3A_1380 = vector.broadcast %sub3A_1379 : f32 to vector<16xf32>
          %sub3A_1381 = arith.subf %sub3A_1380, %mul3A_1378 : vector<16xf32>
          %mul3A_1382 = arith.mulf %bitcast_convert_type3A_1373, %sub3A_1381 : vector<16xf32>
          %mul3A_1383 = arith.constant 5.000000e-01 : f32
          %mul3A_1384 = vector.broadcast %mul3A_1383 : f32 to vector<16xf32>
          %mul3A_1385 = arith.mulf %mul3A_1384, %max3A_1365 : vector<16xf32>
          %mul3A_1386 = arith.mulf %mul3A_1385, %mul3A_1382 : vector<16xf32>
          %mul3A_1387 = arith.mulf %mul3A_1386, %mul3A_1382 : vector<16xf32>
          %sub3A_1388 = arith.constant 1.500000e+00 : f32
          %sub3A_1389 = vector.broadcast %sub3A_1388 : f32 to vector<16xf32>
          %sub3A_1390 = arith.subf %sub3A_1389, %mul3A_1387 : vector<16xf32>
          %mul3A_1391 = arith.mulf %mul3A_1382, %sub3A_1390 : vector<16xf32>
          %mul3A_1392 = arith.mulf %max3A_1365, %mul3A_1391 : vector<16xf32>
          %swap3A_1393 = arith.constant 0 : i32
          %swap3A_1394 = tpu.memref_slice %arg11[%scan3A_1035, %swap3A_1393] : memref<2x1024xf32, #tpu.memory_space<vmem>> -> memref<1x1024xf32, #tpu.memory_space<vmem>>
          %swap3A_1395 = tpu.memref_squeeze %swap3A_1394 : memref<1x1024xf32, #tpu.memory_space<vmem>> -> memref<1024xf32, #tpu.memory_space<vmem>>
          %swap3A_1396 = arith.index_cast %mul3A_1336 : i32 to index
          %swap3A_1397 = tpu.vector_load %swap3A_1395[%swap3A_1396] {strides = array<i32>} : memref<1024xf32, #tpu.memory_space<vmem>>, vector<16xf32>,
          tpu.vector_store %swap3A_1395[%swap3A_1396], %mul3A_1392 {strides = array<i32>} : memref<1024xf32, #tpu.memory_space<vmem>>, vector<16xf32>,
        }
        %scan3A_1040 = arith.constant 64 : i32
        %mul3A_1041 = arith.constant 1024 : i32
        %mul3A_1042 = arith.muli %add3A_389, %mul3A_1041 : i32
        %dma_start3A_1043 = arith.constant 1 : i32
        %dma_start3A_1044 = arith.constant 0 : i32
        %dma_start3A_1045 = tpu.memref_slice %arg11[%dma_start3A_1043, %dma_start3A_1044] : memref<2x1024xf32, #tpu.memory_space<vmem>> -> memref<1x1024xf32, #tpu.memory_space<vmem>>
        %dma_start3A_1046 = tpu.memref_squeeze %dma_start3A_1045 : memref<1x1024xf32, #tpu.memory_space<vmem>> -> memref<1024xf32, #tpu.memory_space<vmem>>
        %dma_start3A_1047 = tpu.memref_slice %arg6[%mul3A_1042] : memref<3200000xf32, #tpu.memory_space<hbm>> -> memref<1024xf32, #tpu.memory_space<hbm>>
        %dma_start3A_1048 = tpu.memref_slice %arg6[%mul3A_1042] : memref<3200000xf32, #tpu.memory_space<hbm>> -> memref<1024xf32, #tpu.memory_space<hbm>>
        %dma_start3A_1049 = arith.constant 0 : i32
        %dma_start3A_1050 = tpu.memref_slice %arg11[%dma_start3A_1043, %dma_start3A_1049] : memref<2x1024xf32, #tpu.memory_space<vmem>> -> memref<1x1024xf32, #tpu.memory_space<vmem>>
        %dma_start3A_1051 = tpu.memref_squeeze %dma_start3A_1050 : memref<1x1024xf32, #tpu.memory_space<vmem>> -> memref<1024xf32, #tpu.memory_space<vmem>>
        tpu.enqueue_dma source(%dma_start3A_1051 : memref<1024xf32, #tpu.memory_space<vmem>>) target(%dma_start3A_1048 : memref<1024xf32, #tpu.memory_space<hbm>>) target_semaphore(%arg14 : memref<!tpu.dma_semaphore, #tpu.memory_space<semaphore_mem>>)
      } else {
      }
    }
    %mul3A_361 = arith.constant 1024 : i32
    %mul3A_362 = arith.muli %add3A, %mul3A_361 : i32
    %dma_wait3A = arith.constant 0 : i32
    %dma_wait3A_363 = arith.constant 0 : i32
    %dma_wait3A_364 = tpu.memref_slice %arg11[%dma_wait3A, %dma_wait3A_363] : memref<2x1024xf32, #tpu.memory_space<vmem>> -> memref<1x1024xf32, #tpu.memory_space<vmem>>
    %dma_wait3A_365 = tpu.memref_squeeze %dma_wait3A_364 : memref<1x1024xf32, #tpu.memory_space<vmem>> -> memref<1024xf32, #tpu.memory_space<vmem>>
    %dma_wait3A_366 = tpu.memref_slice %arg6[%mul3A_362] : memref<3200000xf32, #tpu.memory_space<hbm>> -> memref<1024xf32, #tpu.memory_space<hbm>>
    %dma_wait3A_367 = tpu.memref_slice %arg6[%mul3A_362] : memref<3200000xf32, #tpu.memory_space<hbm>> -> memref<1024xf32, #tpu.memory_space<hbm>>
    %dma_wait3A_368 = arith.constant 0 : i32
    %dma_wait3A_369 = tpu.memref_slice %arg11[%dma_wait3A, %dma_wait3A_368] : memref<2x1024xf32, #tpu.memory_space<vmem>> -> memref<1x1024xf32, #tpu.memory_space<vmem>>
    %dma_wait3A_370 = tpu.memref_squeeze %dma_wait3A_369 : memref<1x1024xf32, #tpu.memory_space<vmem>> -> memref<1024xf32, #tpu.memory_space<vmem>>
    tpu.wait_dma2 semaphore(%arg14 : memref<!tpu.dma_semaphore, #tpu.memory_space<semaphore_mem>>) src(%dma_wait3A_370 : memref<1024xf32, #tpu.memory_space<vmem>>) dst(%dma_wait3A_367 : memref<1024xf32, #tpu.memory_space<hbm>>)
    %mul3A_371 = arith.constant 1024 : i32
    %mul3A_372 = arith.muli %add3A, %mul3A_371 : i32
    %dma_wait3A_373 = arith.constant 1 : i32
    %dma_wait3A_374 = arith.constant 0 : i32
    %dma_wait3A_375 = tpu.memref_slice %arg11[%dma_wait3A_373, %dma_wait3A_374] : memref<2x1024xf32, #tpu.memory_space<vmem>> -> memref<1x1024xf32, #tpu.memory_space<vmem>>
    %dma_wait3A_376 = tpu.memref_squeeze %dma_wait3A_375 : memref<1x1024xf32, #tpu.memory_space<vmem>> -> memref<1024xf32, #tpu.memory_space<vmem>>
    %dma_wait3A_377 = tpu.memref_slice %arg6[%mul3A_372] : memref<3200000xf32, #tpu.memory_space<hbm>> -> memref<1024xf32, #tpu.memory_space<hbm>>
    %dma_wait3A_378 = tpu.memref_slice %arg6[%mul3A_372] : memref<3200000xf32, #tpu.memory_space<hbm>> -> memref<1024xf32, #tpu.memory_space<hbm>>
    %dma_wait3A_379 = arith.constant 0 : i32
    %dma_wait3A_380 = tpu.memref_slice %arg11[%dma_wait3A_373, %dma_wait3A_379] : memref<2x1024xf32, #tpu.memory_space<vmem>> -> memref<1x1024xf32, #tpu.memory_space<vmem>>
    %dma_wait3A_381 = tpu.memref_squeeze %dma_wait3A_380 : memref<1x1024xf32, #tpu.memory_space<vmem>> -> memref<1024xf32, #tpu.memory_space<vmem>>
    tpu.wait_dma2 semaphore(%arg14 : memref<!tpu.dma_semaphore, #tpu.memory_space<semaphore_mem>>) src(%dma_wait3A_381 : memref<1024xf32, #tpu.memory_space<vmem>>) dst(%dma_wait3A_378 : memref<1024xf32, #tpu.memory_space<hbm>>)
    return
  }
}

</mosaic_0001>

<sc_bundles>
// kernel: kernel.3.cloned.1.call-start
scs
__scs_entry_jumppad:
0x0: {  	(pc) =	sbr.rel $0x88, $3  }
0x1: {  	(tag) =	ssettag $0x0;
	lr =	simm.s32 $0x1  }
0x2: {  	[smem:$0x3F9D] =	sst lr;
	_ =	strace $0xD0000000  }
0x3: {  	_ = 	snop  }
0x4: {  	_ = 	snop  }
0x5: {  	_ = 	snop  }
0x6: {  	_ = 	snop  }
0x7: {  	_ = 	snop  }
__scs_overlays_trampoline_lowered:
0x8: {  	[smem:$0x3FAC] =	sst s0  }
0x9: {  	[smem:$0x3FAD] =	sst s1  }
0xa: {  	[smem:$0x3FAE] =	sst s2  }
0xb: {  	[smem:$0x3FAF] =	sst s3  }
0xc: {  	[smem:$0x3FB0] =	sst s4  }
0xd: {  	[smem:$0x3FB1] =	sst s5  }
0xe: {  	[smem:$0x3FB2] =	sst s6  }
0xf: {  	[smem:$0x3FB3] =	sst s7  }
0x10: {  	[smem:$0x3FB4] =	sst s8  }
0x11: {  	[smem:$0x3FB5] =	sst s9;
	s0 =	simm.s32 @!p0 $0x0  }
0x12: {  	s1 =	sld [smem:$0x3F9B];
	s0 =	simm.s32 @p0 $0x1  }
0x13: {  	[smem:$0x3FB6] =	sst s0;
	s0 =	simm.s32 @!p1 $0x0  }
0x14: {  	s2 =	sld [smem:$0x3F9A];
	s0 =	simm.s32 @p1 $0x1  }
0x15: {  	[smem:$0x3FB7] =	sst s0;
	s0 =	simm.s32 @!p2 $0x0  }
0x16: {  	s3 =	sld [smem:$0x3FDB];
	s0 =	simm.s32 @p2 $0x1  }
0x17: {  	s4 =	simm.s32 $0x1BF5;
	[smem:$0x3FB9] =	sst s0  }
0x18: {  	s0 =	sld [smem:$0x3F9C];
	_ =	swait.ge [sflag:s4], $0x0  }
0x19: {  	s7 =	sld [smem:$0x3F9D]  }
0x1a: {  	s8 =	sadd.s32 $0xFFFFE003, lr  }
0x1b: {  	s9 =	sadd.s32 $0xFFFFFEF7, lr;
	s5 =	simm.s32 $0xFFFFFFFF;
	p2 =	slt.u32 s8, $0xFFFFF086  }
0x1c: {  	p1 =	slt.u32 s9, $0xF7A;
	s5 =	simm.s32 @!p2 $0x0  }
0x1d: {  	s5 =	simm.s32 @p1 $0x1;
	p0 =	seq.s32 s7, s2  }
0x1e: {  	s7 =	smul.u32 @!p0 $0xF7A, s2;
	p2 =	seq.s32 @!p0 s5, $0x0  }
0x1f: {  	s9 =	smul.u32 $0xF7A, s1;
	s8 =	simm.s32 @!p0 $0x1BF5;
	p2 =	por !p2, p0  }
0x20: {  	[sflag:s8] =	ssyncset.s32 @!p0 $0xFFFFF086;
	s6 =	sadd.s32 @!p0 s3, s7;
	s7 =	simm.s32 @!p0 $0x108  }
0x21: {  	s3 =	sadd.s32 s3, s9;
	s6 =	sadd.s32 @!p0 $0x88, s6;
	s7 =	simm.s32 @p2 $0x1082  }
0x22: {  	[simem:s7], [sflag:s8] =	dma.local @!p0 [hbm:s6], $0xF7A  }
0x23: {  	s9 =	sor.u32 $0xD0000000, s2;
	s6 =	simm.s32 $0x108;
	_ =	swait.ge @!p0 [sflag:s8], $0x0  }
0x24: {  	s3 =	sadd.s32 $0x88, s3;
	s6 =	simm.s32 @!p1 $0x1082;
	[sflag:s4] =	ssyncset.s32 $0xFFFFF086  }
0x25: {  	[simem:s6], [sflag:s4] =	dma.local [hbm:s3], $0xF7A  }
0x26: {  	[smem:$0x3F9D] =	sst s1;
	(tag) =	ssettag s2;
	_ =	strace s9  }
0x27: {  	s1 =	sld [smem:$0x3FAD]  }
0x28: {  	s2 =	sld [smem:$0x3FAE]  }
0x29: {  	s4 =	sld [smem:$0x3FB0]  }
0x2a: {  	p0 =	seq.s32 s5, $0x0;
	s5 =	sld [smem:$0x3FB1]  }
0x2b: {  	s6 =	sld [smem:$0x3FB2]  }
0x2c: {  	s7 =	sld [smem:$0x3FB3]  }
0x2d: {  	s3 =	simm.s32 $0x108;
	s8 =	sld [smem:$0x3FB4]  }
0x2e: {  	s3 =	simm.s32 @!p0 $0x1082;
	s9 =	sld [smem:$0x3FB5]  }
0x2f: {  	lr =	sadd.s32 s0, s3;
	s0 =	sld [smem:$0x3FAC]  }
0x30: {  	s3 =	sld [smem:$0x3FAF]  }
0x31: {  	[smem:$0x3FB8] =	sst s10  }
0x32: {  	s10 =	sld [smem:$0x3FB6];
	_ =	sdelay $0x3  }
0x33: {  	p0 =	seq.s32 s10, $0x1;
	s10 =	sld [smem:$0x3FB8];
	_ =	sdelay $0x3  }
0x34: {  	[smem:$0x3FB8] =	sst s10  }
0x35: {  	s10 =	sld [smem:$0x3FB7];
	_ =	sdelay $0x3  }
0x36: {  	p1 =	seq.s32 s10, $0x1;
	s10 =	sld [smem:$0x3FB8];
	_ =	sdelay $0x3  }
0x37: {  	[smem:$0x3FB8] =	sst s10  }
0x38: {  	s10 =	sld [smem:$0x3FB9]  }
0x39: {  	_ = 	snop;
	(pc) =	sbr.ind lr, $3  }
0x3a: {  	_ = 	snop  }
0x3b: {  	_ = 	snop  }
0x3c: {  	p2 =	seq.s32 s10, $0x1;
	s10 =	sld [smem:$0x3FB8]  }
0x3d: {  	_ =	shalt  }
0x3e: {  	_ =	shalt  }
0x3f: {  	_ =	shalt  }
0x40: {  	_ =	shalt  }
0x41: {  	_ =	shalt  }
0x42: {  	_ =	shalt  }
0x43: {  	_ =	shalt  }
0x44: {  	_ =	shalt  }
0x45: {  	_ =	shalt  }
0x46: {  	_ =	shalt  }
0x47: {  	_ =	shalt  }
0x48: {  	_ =	shalt  }
0x49: {  	_ =	shalt  }
0x4a: {  	_ =	shalt  }
0x4b: {  	_ =	shalt  }
0x4c: {  	_ =	shalt  }
0x4d: {  	_ =	shalt  }
0x4e: {  	_ =	shalt  }
0x4f: {  	_ =	shalt  }
0x50: {  	_ =	shalt  }
0x51: {  	_ =	shalt  }
0x52: {  	_ =	shalt  }
0x53: {  	_ =	shalt  }
0x54: {  	_ =	shalt  }
0x55: {  	_ =	shalt  }
0x56: {  	_ =	shalt  }
0x57: {  	_ =	shalt  }
0x58: {  	_ =	shalt  }
0x59: {  	_ =	shalt  }
0x5a: {  	_ =	shalt  }
0x5b: {  	_ =	shalt  }
0x5c: {  	_ =	shalt  }
0x5d: {  	_ =	shalt  }
0x5e: {  	_ =	shalt  }
0x5f: {  	_ =	shalt  }
0x60: {  	_ =	shalt  }
0x61: {  	_ =	shalt  }
0x62: {  	_ =	shalt  }
0x63: {  	_ =	shalt  }
0x64: {  	_ =	shalt  }
0x65: {  	_ =	shalt  }
0x66: {  	_ =	shalt  }
0x67: {  	_ =	shalt  }
0x68: {  	_ =	shalt  }
0x69: {  	_ =	shalt  }
0x6a: {  	_ =	shalt  }
0x6b: {  	_ =	shalt  }
0x6c: {  	_ =	shalt  }
0x6d: {  	_ =	shalt  }
0x6e: {  	_ =	shalt  }
0x6f: {  	_ =	shalt  }
0x70: {  	_ =	shalt  }
0x71: {  	_ =	shalt  }
0x72: {  	_ =	shalt  }
0x73: {  	_ =	shalt  }
0x74: {  	_ =	shalt  }
0x75: {  	_ =	shalt  }
0x76: {  	_ =	shalt  }
0x77: {  	_ =	shalt  }
0x78: {  	_ =	shalt  }
0x79: {  	_ =	shalt  }
0x7a: {  	_ =	shalt  }
0x7b: {  	_ =	shalt  }
0x7c: {  	_ =	shalt  }
0x7d: {  	_ =	shalt  }
0x7e: {  	_ =	shalt  }
0x7f: {  	_ =	shalt  }
0x80: {  	_ =	shalt  }
0x81: {  	_ =	shalt  }
0x82: {  	_ =	shalt  }
0x83: {  	_ =	shalt  }
0x84: {  	_ =	shalt  }
0x85: {  	_ =	shalt  }
0x86: {  	_ =	shalt  }
0x87: {  	_ =	shalt  }
.Lfunc_end0:
.L_simem_size_0:
called_computation_lowered:
.L_overlay_start_0:
0x88: {  	s2 =	sld [smem:$0x3FD9]  }
0x89: {  	s3 =	sld [smem:$0x3FFE];
	_ =	sdelay $0x1  }
0x8a: {  	s1 =	srdreg.scid  }
0x8b: {  	s0 =	sand.u32 $0x1, s1  }
0x8c: {  	s17 =	sshll.u32 s0, $0xA;
	s2 =	sadd.s32 s3, s2  }
0x8d: {  	s2 =	sadd.s32 s2, s17  }
0x8e: {  	[smem:$0x3FC4] =	sst s2  }
0x8f: {  	_ = 	snop  }
0x90: {  	s2 =	sld [smem:$0x3FC8]  }
0x91: {  	s18 =	sld [smem:$0x3FD0];
	(tm) =	ssettm $0x1  }
0x92: {  	s4 =	sld [smem:$0x3FFB];
	_ =	sdelay $0x3  }
0x93: {  	_ =	strace s4  }
0x94: {  	s4 =	sld [smem:$0x3FFC];
	_ =	sdelay $0x3  }
0x95: {  	_ =	strace s4  }
0x96: {  	s4 =	sld [smem:$0x3FFD];
	_ =	sdelay $0x3  }
0x97: {  	_ =	strace s4  }
0x98: {  	_ =	strace $0x8FFFFFFF  }
0x99: {  	s19 =	sld [smem:$0x3FDB];
	_ =	sdelay $0x1  }
0x9a: {  	s5 =	simm.s32 $_scs_section_size  }
0x9b: {  	s6 =	simm.s32 $_size__tile_overlayer_lowered;
	s7 =	simm.s32 $_tile_overlayer_lowered  }
0x9c: {  	s22 =	simm.s32 $0x1BFF;
	s21 =	sshll.u32 s7, $0x1;
	s4 =	sadd.s32 s5, s19  }
0x9d: {  	s8 =	simm.s32 $0x0;
	s20 =	sshll.u32 s6, $0x1;
	s6 =	sadd.s32 s21, s4  }
0x9e: {  	[timem:s8], [sflag:s22] =	dma.local [hbm:s6], s20  }
0x9f: {  	_ =	swait.ge [sflag:s22], s20  }
0xa0: {  	s5 =	ssub.s32 $0x0, s20;
	[sflag:s22] =	ssyncset.done $0x0  }
0xa1: {  	[sflag:s22] =	ssyncadd.s32 s5;
	_ =	sdelay $0x1  }
0xa2: {  	s23 =	simm.s32 $0x1B8B  }
0xa3: {  	_ =	swait.ge [sflag:s23], $0x1  }
0xa4: {  	[sflag:s23] =	ssyncset.done $0x0  }
0xa5: {  	s25 =	simm.s32 $0x1B8E;
	s24 =	sld [smem:$0x3FFE];
	[sflag:s23] =	ssyncadd.s32 $0xFFFFFFFF  }
0xa6: {  	s26 =	simm.s32 $execute0_lowered;
	[smem:$0x3FD2] =	sst s25  }
0xa7: {  	s6 =	sshll.u32 s26, $0x1;
	_ =	strace $0x80000046;
	[dreg:$0x1] =	wrdreg $0xFFFFFFFF  }
0xa8: {  	s28 =	simm.s32 $_size_execute0_lowered;
	s4 =	sadd.s32 s4, s6;
	[dreg:$0x0] =	wrdreg $0x0  }
0xa9: {  	s6 =	sshll.u32 s28, $0x1;
	[dreg:$0x2] =	wrdreg s4  }
0xaa: {  	[dreg:$0x3] =	wrdreg s6  }
0xab: {  	[dreg:$0x4] =	wrdreg $0xC0  }
0xac: {  	_ =	task [dreg:s8], $0x5FFFF  }
0xad: {  	[dreg:$0x1] =	wrdreg $0xFFFFFFFF  }
0xae: {  	[dreg:$0x0] =	wrdreg $0x60  }
0xaf: {  	[dreg:$0x2] =	wrdreg s24  }
0xb0: {  	[dreg:$0x3] =	wrdreg s2  }
0xb1: {  	[dreg:$0x4] =	wrdreg s18  }
0xb2: {  	[dreg:$0x5] =	wrdreg $0x9  }
0xb3: {  	_ =	task.clear_ibuf [dreg:s8], $0x6FFFF;
	_ =	strace $0x90000046  }
0xb4: {  	s29 =	simm.s32 $0x9;
	_ =	strace $0x80000048  }
0xb5: {  	_ =	swait.ge [sflag:s29], $0x1  }
0xb6: {  	[sflag:s29] =	ssyncadd.s32 $0xFFFFFFFF  }
0xb7: {  	_ =	strace $0x90000048  }
0xb8: {  	_ =	sfence  }
0xb9: {  	s30 =	sld [smem:$0x0];
	_ =	sdelay $0x2  }
0xba: {  	s31 =	sshll.u32 s1, $0xD;
	s1 =	sshrl.u32 s1, $0x2  }
0xbb: {  	s3 =	sand.u32 $0x4000, s31;
	s1 =	sadd.s32 s1, s30  }
0xbc: {  	s0 =	sor.u32 s3, s0;
	s1 =	sshll.u32 s1, $0x11  }
0xbd: {  	s0 =	sor.u32 s1, s0  }
0xbe: {  	s0 =	sadd.s32 $0x8F2B, s0  }
0xbf: {  	[sflag:s0] =	ssyncadd.remote.s32 $0x1  }
0xc0: {  	_ =	sfence.sel $0xFFFF  }
0xc1: {  	[dreg:$0x0] =	wrdreg $0xFFFFFFFF;
	(pc) =	sbr.abs _section_cstart, $3  }
0xc2: {  	[dreg:$0x1] =	wrdreg $0xFFFFFFFF  }
0xc3: {  	_ =	task.clear_ibuf [dreg:s8], $0x2FFFF;
	_ =	strace $0x9FFFFFFF  }
0xc4: {  	(tm) =	ssettm $0x7FFFFFFF  }
0xc5: {  	_ =	shalt  }
tec
execute0_lowered:
.L_overlay_start_1:
0x0: {  	(tag) =	ssettag $0x1  }
0x1: {  	s0 =	rddreg [dreg:$0x0]  }
0x2: {  	s1 =	rddreg [dreg:$0x1]  }
0x3: {  	s2 =	rddreg [dreg:$0x2];
	s3 =	simm.s32 $0x0;
	s4 =	srdreg.scid  }
0x4: {  	s8 =	stileid.u32;
	s9 =	simm.s32 $0x62;
	s15 =	simm.s32 $0x4  }
0x5: {  	s16 =	simm.s32 $0x80;
	s17 =	simm.s32 $0x1000;
	s18 =	simm.s32 $0x5000  }
0x6: {  	s14 =	simm.s32 $0x1;
	s19 =	simm.s32 $0xB000;
	s20 =	simm.s32 $0x3000  }
0x7: {  	s21 =	simm.s32 $0x7000;
	s22 =	simm.s32 $0xB400;
	s23 =	simm.s32 $0x2  }
0x8: {  	s24 =	simm.s32 $0x0;
	[smem:$0x7FF] =	sst s3;
	s5 =	sadd.s32 $0x200, s0  }
0x9: {  	s4 =	sand.u32 $0x1, s4;
	s6 =	sadd.s32 $0x18A00, s0;
	s8 =	sshll.u32 s8, $0x1  }
0xa: {  	s0 =	sadd.s32 $0x19F400, s0;
	_ =	strace $0x80000047;
	s7 =	ssub.s32 $0x2, s4  }
.Ltmp0:
0xb: {  	[dreg:$0x4] =	wrdreg s0;
	s8 =	sor.u32 s4, s8;
	(pc) =	sbr.rel .LBB2_1-.Ltmp0, $4  }
0xc: {  	s29 =	sshrl.u32 s7, $0x1;
	p0 =	slt.u32 s8, $0x15;
	s4 =	sshll.u32 s8, $0x8  }
0xd: {  	s30 =	sshll.u32 s8, $0x9;
	s0 =	ssub.s32 s7, s29;
	s4 =	sadd.s32 s1, s4  }
0xe: {  	v0 =	vlaneseq.u32;
	s9 =	simm.s32 @!p0 $0x61;
	s31 =	sadd.s32 s6, s30;
	[dreg:$0x5] =	wrdreg s4  }
0xf: {  	v0 =	vmul.u32 $0x8, v0;
	[dreg:$0x6] =	wrdreg s31;
	s12 =	sadd.s32 $0xFFFFFFFF, s9;
	s13 =	smax.u32 s0, $0x1  }
.LBB2_9:
0x10: {  	s24 =	sadd.s32 $0x1, s24  }
0x11: {  	_ =	swait.ge [sflag:s23], $0x400;
	p0 =	sne.s32 s24, s13  }
.Ltmp1:
0x12: {  	[sflag:s23] =	ssyncset.done $0x0;
	(pc) =	sbr.rel @!p0 .LBB2_10-.Ltmp1, $4  }
0x13: {  	[sflag:s23] =	ssyncadd.s32 $0xFFFFFC00  }
0x14: {  	_ =	swait.ge [sflag:s23], $0x400  }
0x15: {  	[sflag:s23] =	ssyncset.done $0x0  }
0x16: {  	[sflag:s23] =	ssyncadd.s32 $0xFFFFFC00  }
.LBB2_1:
0x17: {  	s0 =	rddreg [dreg:$0x4];
	s4 =	simm.s32 $0xB800  }
0x18: {  	[tilespmem:s4], [sflag:$0x4] =	stream.linear.gather [hbm4b:s0+s3], $0x90, $0x38;
	[tilespmem:$0xB890] =	vst v63  }
0x19: {  	_ =	swait.ge [sflag:s15], $0x90  }
0x1a: {  	[sflag:s15] =	ssyncset.done $0x0  }
0x1b: {  	[sflag:s15] =	ssyncadd.s32 $0xFFFFFF70  }
0x1c: {  	v1 =	vld [tilespmem:$0xB800]  }
0x1d: {  	v2 =	vld [tilespmem:$0xB810]  }
0x1e: {  	v3 =	vld [tilespmem:$0xB820]  }
0x1f: {  	v4 =	vld [tilespmem:$0xB830]  }
0x20: {  	v5 =	vld [tilespmem:$0xB840]  }
0x21: {  	v6 =	vld [tilespmem:$0xB850]  }
0x22: {  	v7 =	vld [tilespmem:$0xB860]  }
0x23: {  	s31 =	rddreg [dreg:$0x5];
	v8 =	vld [tilespmem:$0xB870]  }
0x24: {  	v9 =	vld [tilespmem:$0xB880];
	[tilespmem:s3], [sflag:$0x4] =	stream.linear.gather [hbm4b:s31+s3], $0x800, $0x38  }
0x25: {  	_ =	swait.ge [sflag:s15], $0x800  }
0x26: {  	[sflag:s15] =	ssyncset.done $0x0  }
0x27: {  	[sflag:s15] =	ssyncadd.s32 $0xFFFFF800  }
0x28: {  	[tilespmem:s17], [sflag:$0x1] =	stream.indirect.gather [hbm4b:s5+s16], $0x8, s3, s16, $0xb8;
	[tilespmem:$0xB890] =	vst v63  }
0x29: {  	_ = 	snop  }
0x2a: {  	[tilespmem:s18], [sflag:$0x1] =	stream.indirect.gather [hbm4b:s5+s16], $0x8, s16, s16, $0xb8;
	[tilespmem:$0xB890] =	vst v63  }
0x2b: {  	s7 =	simm.s32 $0x1400;
	s4 =	simm.s32 $0x100  }
0x2c: {  	[tilespmem:s7], [sflag:$0x1] =	stream.indirect.gather [hbm4b:s5+s16], $0x8, s4, s16, $0xb8;
	[tilespmem:$0xB890] =	vst v63  }
0x2d: {  	s10 =	simm.s32 $0x180;
	s11 =	simm.s32 $0x5400  }
0x2e: {  	[tilespmem:s11], [sflag:$0x1] =	stream.indirect.gather [hbm4b:s5+s16], $0x8, s10, s16, $0xb8;
	[tilespmem:$0xB890] =	vst v63  }
0x2f: {  	s25 =	simm.s32 $0x200;
	s26 =	simm.s32 $0x1800  }
0x30: {  	[tilespmem:s26], [sflag:$0x1] =	stream.indirect.gather [hbm4b:s5+s16], $0x8, s25, s16, $0xb8;
	[tilespmem:$0xB890] =	vst v63  }
0x31: {  	s28 =	simm.s32 $0x280;
	s29 =	simm.s32 $0x5800  }
0x32: {  	[tilespmem:s29], [sflag:$0x1] =	stream.indirect.gather [hbm4b:s5+s16], $0x8, s28, s16, $0xb8;
	[tilespmem:$0xB890] =	vst v63  }
0x33: {  	s30 =	simm.s32 $0x300;
	s31 =	simm.s32 $0x1C00  }
0x34: {  	[tilespmem:s31], [sflag:$0x1] =	stream.indirect.gather [hbm4b:s5+s16], $0x8, s30, s16, $0xb8;
	[tilespmem:$0xB890] =	vst v63  }
0x35: {  	s4 =	simm.s32 $0x380;
	s7 =	simm.s32 $0x5C00  }
0x36: {  	[tilespmem:s7], [sflag:$0x1] =	stream.indirect.gather [hbm4b:s5+s16], $0x8, s4, s16, $0xb8;
	[tilespmem:$0xB890] =	vst v63  }
0x37: {  	s10 =	simm.s32 $0x400;
	s11 =	simm.s32 $0x2000  }
0x38: {  	[tilespmem:s11], [sflag:$0x1] =	stream.indirect.gather [hbm4b:s5+s16], $0x8, s10, s16, $0xb8;
	[tilespmem:$0xB890] =	vst v63  }
0x39: {  	s25 =	simm.s32 $0x480;
	s26 =	simm.s32 $0x6000  }
0x3a: {  	[tilespmem:s26], [sflag:$0x1] =	stream.indirect.gather [hbm4b:s5+s16], $0x8, s25, s16, $0xb8;
	[tilespmem:$0xB890] =	vst v63  }
0x3b: {  	s28 =	simm.s32 $0x500;
	s29 =	simm.s32 $0x2400  }
0x3c: {  	[tilespmem:s29], [sflag:$0x1] =	stream.indirect.gather [hbm4b:s5+s16], $0x8, s28, s16, $0xb8;
	[tilespmem:$0xB890] =	vst v63  }
0x3d: {  	s30 =	simm.s32 $0x580;
	s31 =	simm.s32 $0x6400  }
0x3e: {  	[tilespmem:s31], [sflag:$0x1] =	stream.indirect.gather [hbm4b:s5+s16], $0x8, s30, s16, $0xb8;
	[tilespmem:$0xB890] =	vst v63  }
0x3f: {  	s4 =	simm.s32 $0x600;
	s7 =	simm.s32 $0x2800  }
0x40: {  	[tilespmem:s7], [sflag:$0x1] =	stream.indirect.gather [hbm4b:s5+s16], $0x8, s4, s16, $0xb8;
	[tilespmem:$0xB890] =	vst v63  }
0x41: {  	s10 =	simm.s32 $0x680;
	s11 =	simm.s32 $0x6800  }
0x42: {  	[tilespmem:s11], [sflag:$0x1] =	stream.indirect.gather [hbm4b:s5+s16], $0x8, s10, s16, $0xb8;
	[tilespmem:$0xB890] =	vst v63  }
0x43: {  	s25 =	simm.s32 $0x700;
	s26 =	simm.s32 $0x2C00  }
0x44: {  	[tilespmem:s26], [sflag:$0x1] =	stream.indirect.gather [hbm4b:s5+s16], $0x8, s25, s16, $0xb8;
	[tilespmem:$0xB890] =	vst v63  }
.Ltmp2:
0x45: {  	_ = 	snop;
	(pc) =	sbr.rel .LBB2_2-.Ltmp2, $4  }
0x46: {  	s28 =	simm.s32 $0x780;
	s29 =	simm.s32 $0x6C00  }
0x47: {  	[tilespmem:s29], [sflag:$0x1] =	stream.indirect.gather [hbm4b:s5+s16], $0x8, s28, s16, $0xb8;
	[tilespmem:$0xB890] =	vst v63  }
0x48: {  	s30 =	rddreg [dreg:$0x6];
	s31 =	simm.s32 $0x9000;
	s25 =	simm.s32 $0x0  }
0x49: {  	[tilespmem:s31], [sflag:$0x1] =	stream.linear.gather [hbm4b:s30+s3], $0x1000, $0x38;
	[tilespmem:$0xB890] =	vst v63  }
.LBB2_8:
0x4a: {  	s25 =	sadd.s32 $0x1, s25  }
0x4b: {  	p0 =	sne.s32 s25, $0x31  }
.Ltmp3:
0x4c: {  	_ = 	snop;
	(pc) =	sbr.rel @!p0 .LBB2_9-.Ltmp3, $1  }
0x4d: {  	_ =	sdelay $0x3  }
.LBB2_2:
0x4e: {  	s0 =	sshll.u32 s25, $0x6  }
0x4f: {  	s28 =	sshll.u32 s25, $0x1;
	s29 =	sor.u32 s8, s0  }
0x50: {  	p1 =	sge.u32 s28, s12;
	s26 =	sor.u32 $0x20, s29  }
0x51: {  	s0 =	sshll.u32 @!p1 s26, $0x8  }
0x52: {  	s0 =	sand.u32 @!p1 $0x1FFFFF00, s0  }
0x53: {  	s7 =	simm.s32 @!p1 $0x800;
	s4 =	sadd.s32 @!p1 s1, s0;
	s0 =	simm.s32 @!p1 $0x0  }
0x54: {  	[tilespmem:s7], [sflag:$0x3] =	stream.linear.gather @!p1 [hbm4b:s4+s0], $0x800, $0x38;
	[tilespmem:$0xB890] =	vst v63  }
0x55: {  	_ =	swait.ge [sflag:s14], $0x400  }
0x56: {  	[sflag:s14] =	ssyncset.done $0x0  }
0x57: {  	[sflag:s14] =	ssyncadd.s32 $0xFFFFFC00  }
0x58: {  	_ =	swait.ge [sflag:s14], $0x400  }
0x59: {  	[sflag:s14] =	ssyncset.done $0x0  }
0x5a: {  	[sflag:s14] =	ssyncadd.s32 $0xFFFFFC00  }
0x5b: {  	_ =	swait.ge [sflag:s14], $0x400  }
0x5c: {  	[sflag:s14] =	ssyncset.done $0x0  }
0x5d: {  	[sflag:s14] =	ssyncadd.s32 $0xFFFFFC00  }
0x5e: {  	_ =	swait.ge [sflag:s14], $0x400  }
0x5f: {  	[sflag:s14] =	ssyncset.done $0x0  }
0x60: {  	[sflag:s14] =	ssyncadd.s32 $0xFFFFFC00  }
0x61: {  	_ =	swait.ge [sflag:s14], $0x400  }
0x62: {  	[sflag:s14] =	ssyncset.done $0x0  }
0x63: {  	[sflag:s14] =	ssyncadd.s32 $0xFFFFFC00  }
0x64: {  	_ =	swait.ge [sflag:s14], $0x400  }
0x65: {  	[sflag:s14] =	ssyncset.done $0x0  }
0x66: {  	[sflag:s14] =	ssyncadd.s32 $0xFFFFFC00  }
0x67: {  	_ =	swait.ge [sflag:s14], $0x400  }
0x68: {  	[sflag:s14] =	ssyncset.done $0x0  }
0x69: {  	[sflag:s14] =	ssyncadd.s32 $0xFFFFFC00  }
0x6a: {  	_ =	swait.ge [sflag:s14], $0x400  }
0x6b: {  	[sflag:s14] =	ssyncset.done $0x0  }
0x6c: {  	[sflag:s14] =	ssyncadd.s32 $0xFFFFFC00  }
0x6d: {  	_ =	swait.ge [sflag:s14], $0x400  }
0x6e: {  	[sflag:s14] =	ssyncset.done $0x0  }
0x6f: {  	[sflag:s14] =	ssyncadd.s32 $0xFFFFFC00  }
0x70: {  	_ =	swait.ge [sflag:s14], $0x400  }
0x71: {  	[sflag:s14] =	ssyncset.done $0x0  }
0x72: {  	[sflag:s14] =	ssyncadd.s32 $0xFFFFFC00  }
0x73: {  	_ =	swait.ge [sflag:s14], $0x400  }
0x74: {  	[sflag:s14] =	ssyncset.done $0x0  }
0x75: {  	[sflag:s14] =	ssyncadd.s32 $0xFFFFFC00  }
0x76: {  	_ =	swait.ge [sflag:s14], $0x400  }
0x77: {  	[sflag:s14] =	ssyncset.done $0x0  }
0x78: {  	[sflag:s14] =	ssyncadd.s32 $0xFFFFFC00  }
0x79: {  	_ =	swait.ge [sflag:s14], $0x400  }
0x7a: {  	[sflag:s14] =	ssyncset.done $0x0  }
0x7b: {  	[sflag:s14] =	ssyncadd.s32 $0xFFFFFC00  }
0x7c: {  	_ =	swait.ge [sflag:s14], $0x400  }
0x7d: {  	[sflag:s14] =	ssyncset.done $0x0  }
0x7e: {  	[sflag:s14] =	ssyncadd.s32 $0xFFFFFC00  }
0x7f: {  	_ =	swait.ge [sflag:s14], $0x400  }
0x80: {  	[sflag:s14] =	ssyncset.done $0x0  }
0x81: {  	[sflag:s14] =	ssyncadd.s32 $0xFFFFFC00  }
0x82: {  	_ =	swait.ge [sflag:s14], $0x400  }
0x83: {  	[sflag:s14] =	ssyncset.done $0x0  }
0x84: {  	[sflag:s14] =	ssyncadd.s32 $0xFFFFFC00  }
0x85: {  	_ =	swait.ge [sflag:s14], $0x1000  }
0x86: {  	[sflag:s14] =	ssyncset.done $0x0  }
0x87: {  	s4 =	simm.s32 @!p1 $0x3;
	[sflag:s14] =	ssyncadd.s32 $0xFFFFF000  }
0x88: {  	_ =	swait.ge @!p1 [sflag:s4], $0x800  }
0x89: {  	[sflag:s4] =	ssyncset.done @!p1 $0x0  }
0x8a: {  	s30 =	simm.s32 @!p1 $0x3000;
	[sflag:s4] =	ssyncadd.s32 @!p1 $0xFFFFF800;
	s4 =	simm.s32 @!p1 $0x80  }
0x8b: {  	[tilespmem:s30], [sflag:$0x1] =	stream.indirect.gather @!p1 [hbm4b:s5+s4], $0x8, s7, s4, $0xb8;
	[tilespmem:$0xB890] =	vst v63  }
0x8c: {  	s7 =	simm.s32 @!p1 $0x880;
	s30 =	simm.s32 @!p1 $0x7000  }
0x8d: {  	[tilespmem:s30], [sflag:$0x1] =	stream.indirect.gather @!p1 [hbm4b:s5+s4], $0x8, s7, s4, $0xb8;
	[tilespmem:$0xB890] =	vst v63  }
0x8e: {  	s7 =	simm.s32 @!p1 $0x900;
	s30 =	simm.s32 @!p1 $0x3400  }
0x8f: {  	[tilespmem:s30], [sflag:$0x1] =	stream.indirect.gather @!p1 [hbm4b:s5+s4], $0x8, s7, s4, $0xb8;
	[tilespmem:$0xB890] =	vst v63  }
0x90: {  	s7 =	simm.s32 @!p1 $0x980;
	s30 =	simm.s32 @!p1 $0x7400  }
0x91: {  	[tilespmem:s30], [sflag:$0x1] =	stream.indirect.gather @!p1 [hbm4b:s5+s4], $0x8, s7, s4, $0xb8;
	[tilespmem:$0xB890] =	vst v63  }
0x92: {  	s7 =	simm.s32 @!p1 $0xA00;
	s30 =	simm.s32 @!p1 $0x3800  }
0x93: {  	[tilespmem:s30], [sflag:$0x1] =	stream.indirect.gather @!p1 [hbm4b:s5+s4], $0x8, s7, s4, $0xb8;
	[tilespmem:$0xB890] =	vst v63  }
0x94: {  	s7 =	simm.s32 @!p1 $0xA80;
	s30 =	simm.s32 @!p1 $0x7800  }
0x95: {  	[tilespmem:s30], [sflag:$0x1] =	stream.indirect.gather @!p1 [hbm4b:s5+s4], $0x8, s7, s4, $0xb8;
	[tilespmem:$0xB890] =	vst v63  }
0x96: {  	s7 =	simm.s32 @!p1 $0xB00;
	s30 =	simm.s32 @!p1 $0x3C00  }
0x97: {  	[tilespmem:s30], [sflag:$0x1] =	stream.indirect.gather @!p1 [hbm4b:s5+s4], $0x8, s7, s4, $0xb8;
	[tilespmem:$0xB890] =	vst v63  }
0x98: {  	s7 =	simm.s32 @!p1 $0xB80;
	s30 =	simm.s32 @!p1 $0x7C00  }
0x99: {  	[tilespmem:s30], [sflag:$0x1] =	stream.indirect.gather @!p1 [hbm4b:s5+s4], $0x8, s7, s4, $0xb8;
	[tilespmem:$0xB890] =	vst v63  }
0x9a: {  	s7 =	simm.s32 @!p1 $0xC00;
	s30 =	simm.s32 @!p1 $0x4000  }
0x9b: {  	[tilespmem:s30], [sflag:$0x1] =	stream.indirect.gather @!p1 [hbm4b:s5+s4], $0x8, s7, s4, $0xb8;
	[tilespmem:$0xB890] =	vst v63  }
0x9c: {  	s7 =	simm.s32 @!p1 $0xC80;
	s30 =	simm.s32 @!p1 $0x8000  }
0x9d: {  	[tilespmem:s30], [sflag:$0x1] =	stream.indirect.gather @!p1 [hbm4b:s5+s4], $0x8, s7, s4, $0xb8;
	[tilespmem:$0xB890] =	vst v63  }
0x9e: {  	s7 =	simm.s32 @!p1 $0xD00;
	s30 =	simm.s32 @!p1 $0x4400  }
0x9f: {  	[tilespmem:s30], [sflag:$0x1] =	stream.indirect.gather @!p1 [hbm4b:s5+s4], $0x8, s7, s4, $0xb8;
	[tilespmem:$0xB890] =	vst v63  }
0xa0: {  	s7 =	simm.s32 @!p1 $0xD80;
	s30 =	simm.s32 @!p1 $0x8400  }
0xa1: {  	[tilespmem:s30], [sflag:$0x1] =	stream.indirect.gather @!p1 [hbm4b:s5+s4], $0x8, s7, s4, $0xb8;
	[tilespmem:$0xB890] =	vst v63  }
0xa2: {  	s7 =	simm.s32 @!p1 $0xE00;
	s30 =	simm.s32 @!p1 $0x4800  }
0xa3: {  	[tilespmem:s30], [sflag:$0x1] =	stream.indirect.gather @!p1 [hbm4b:s5+s4], $0x8, s7, s4, $0xb8;
	[tilespmem:$0xB890] =	vst v63  }
0xa4: {  	s7 =	simm.s32 @!p1 $0xE80;
	s30 =	simm.s32 @!p1 $0x8800  }
0xa5: {  	[tilespmem:s30], [sflag:$0x1] =	stream.indirect.gather @!p1 [hbm4b:s5+s4], $0x8, s7, s4, $0xb8;
	[tilespmem:$0xB890] =	vst v63  }
0xa6: {  	s7 =	simm.s32 @!p1 $0xF00;
	s30 =	simm.s32 @!p1 $0x4C00  }
0xa7: {  	[tilespmem:s30], [sflag:$0x1] =	stream.indirect.gather @!p1 [hbm4b:s5+s4], $0x8, s7, s4, $0xb8;
	[tilespmem:$0xB890] =	vst v63  }
0xa8: {  	s7 =	simm.s32 @!p1 $0xF80;
	s30 =	simm.s32 @!p1 $0x8C00  }
0xa9: {  	[tilespmem:s30], [sflag:$0x1] =	stream.indirect.gather @!p1 [hbm4b:s5+s4], $0x8, s7, s4, $0xb8;
	[tilespmem:$0xB890] =	vst v63  }
0xaa: {  	s4 =	sshll.u32 @!p1 s26, $0x9  }
0xab: {  	s4 =	sand.u32 @!p1 $0x1FFFFE00, s4  }
0xac: {  	s7 =	simm.s32 @!p1 $0xA000;
	s4 =	sadd.s32 @!p1 s6, s4  }
0xad: {  	[tilespmem:s7], [sflag:$0x1] =	stream.linear.gather @!p1 [hbm4b:s4+s0], $0x1000, $0x38;
	[tilespmem:$0xB890] =	vst v63  }
0xae: {  	p0 =	seq.s32 s25, $0x0;
	s7 =	simm.s32 $0x0  }
0xaf: {  	s30 =	simm.s32 $0x0;
	s4 =	simm.s32 @!p0 $0x2;
	v10 =	vmov s7  }
0xb0: {  	s10 =	sand.u32 $0xE00, s30;
	_ =	swait.ge @!p0 [sflag:s4], $0x400;
	v10 =	vshll.u32 v10, $0x3  }
0xb1: {  	s0 =	sand.u32 $0x60, s7;
	s7 =	sor.u32 $0x9000, s10;
	[sflag:s4] =	ssyncset.done @!p0 $0x0;
	v10 =	vor.u32 v0, v10  }
0xb2: {  	s0 =	sor.u32 s0, s7;
	[sflag:s4] =	ssyncadd.s32 @!p0 $0xFFFFFC00  }
0xb3: {  	v11 =	vor.u32 $0x1, v10;
	v12 =	vld [tilespmem:s0+$0x80]  }
0xb4: {  	v13 =	vld [tilespmem:s0+$0x0]  }
0xb5: {  	v14 =	vor.u32 $0x2, v10;
	v15 =	vld [tilespmem:s0+$0x100]  }
0xb6: {  	v16 =	vld.idx.msk [tilespmem:v10+s17+$0x0], $0xffff  }
0xb7: {  	v10 =	vld.idx.msk [tilespmem:v10+s18+$0x0], $0xffff  }
0xb8: {  	v17 =	vld.idx.msk [tilespmem:v11+s17+$0x0], $0xffff;
	v18 =	vmul.f32 v12, v4;
	v19 =	vmul.f32 v12, v5  }
0xb9: {  	v11 =	vld.idx.msk [tilespmem:v11+s18+$0x0], $0xffff;
	v20 =	vmul.f32 v13, v1;
	v21 =	vmul.f32 v13, v2  }
0xba: {  	v22 =	vld.idx.msk [tilespmem:v14+s18+$0x0], $0xffff;
	v13 =	vmul.f32 v13, v3;
	v12 =	vmul.f32 v12, v6  }
0xbb: {  	v14 =	vld.idx.msk [tilespmem:v14+s17+$0x0], $0xffff;
	v52 =	vmul.f32 v15, v7;
	v18 =	vadd.f32 v18, v20  }
0xbc: {  	v53 =	vmul.f32 v15, v8;
	v19 =	vadd.f32 v19, v21;
	v12 =	vadd.f32 v12, v13  }
0xbd: {  	v15 =	vmul.f32 v15, v9;
	v10 =	vsub.f32 v10, v16;
	v13 =	vadd.f32 v52, v18  }
0xbe: {  	v54 =	vadd.f32 v53, v19;
	v11 =	vsub.f32 v11, v17  }
0xbf: {  	v12 =	vadd.f32 v15, v12;
	v10 =	vadd.f32 v13, v10  }
0xc0: {  	v13 =	vsub.f32 v22, v14;
	v11 =	vadd.f32 v54, v11;
	_ =	sdelay $0x1  }
0xc1: {  	v12 =	vadd.f32 v12, v13;
	v10 =	vmul.f32 v10, v10;
	v11 =	vmul.f32 v11, v11;
	_ =	sdelay $0x1  }
0xc2: {  	v10 =	vadd.f32 v11, v10;
	v11 =	vmul.f32 v12, v12;
	_ =	sdelay $0x1  }
0xc3: {  	v10 =	vadd.f32 v10, v11;
	_ =	sdelay $0x1  }
0xc4: {  	v10 =	vmax.f32 v10, $1.000000000e-30  }
0xc5: {  	v11 =	vshra.s32 v10, $0x1;
	v12 =	vmul.f32 $5.000000000e-01, v10  }
0xc6: {  	v11 =	vsub.s32 $0x5F3759DF, v11  }
0xc7: {  	v13 =	vmul.f32 v11, v12;
	_ =	sdelay $0x1  }
0xc8: {  	v13 =	vmul.f32 v11, v13;
	_ =	sdelay $0x1  }
0xc9: {  	v13 =	vsub.f32 $1.500000000e+00, v13;
	_ =	sdelay $0x1  }
0xca: {  	v11 =	vmul.f32 v11, v13;
	_ =	sdelay $0x1  }
0xcb: {  	v12 =	vmul.f32 v11, v12;
	_ =	sdelay $0x1  }
0xcc: {  	v12 =	vmul.f32 v12, v11;
	_ =	sdelay $0x1  }
0xcd: {  	v12 =	vsub.f32 $1.500000000e+00, v12;
	_ =	sdelay $0x1  }
0xce: {  	s31 =	simm.s32 $0x10;
	v11 =	vmul.f32 v12, v11  }
0xcf: {  	v12 =	vmov s31  }
0xd0: {  	v10 =	vmul.f32 v11, v10;
	v11 =	vshll.u32 v12, $0x3  }
0xd1: {  	s11 =	sand.u32 $0x70, s31;
	s4 =	simm.s32 $0x0;
	v11 =	vor.u32 v0, v11  }
0xd2: {  	s0 =	sor.u32 s11, s7;
	[tilespmem:s4+$0xB000] =	vst v10  }
0xd3: {  	v12 =	vor.u32 $0x1, v11;
	v13 =	vld [tilespmem:s0+$0x0]  }
0xd4: {  	v14 =	vld [tilespmem:s0+$0x80]  }
0xd5: {  	v15 =	vor.u32 $0x2, v11;
	v10 =	vld [tilespmem:s0+$0x100]  }
0xd6: {  	v55 =	vld.idx.msk [tilespmem:v11+s18+$0x0], $0xffff  }
0xd7: {  	v11 =	vld.idx.msk [tilespmem:v11+s17+$0x0], $0xffff  }
0xd8: {  	v56 =	vld.idx.msk [tilespmem:v12+s17+$0x0], $0xffff  }
0xd9: {  	v12 =	vld.idx.msk [tilespmem:v12+s18+$0x0], $0xffff;
	v58 =	vmul.f32 v13, v1;
	v59 =	vmul.f32 v14, v4  }
0xda: {  	v61 =	vld.idx.msk [tilespmem:v15+s17+$0x0], $0xffff;
	v60 =	vmul.f32 v13, v2;
	v23 =	vmul.f32 v14, v5  }
0xdb: {  	v15 =	vld.idx.msk [tilespmem:v15+s18+$0x0], $0xffff;
	v13 =	vmul.f32 v13, v3;
	v14 =	vmul.f32 v14, v6  }
0xdc: {  	v57 =	vmul.f32 v10, v7;
	v19 =	vadd.f32 v59, v58  }
0xdd: {  	v62 =	vmul.f32 v10, v8;
	v63 =	vadd.f32 v23, v60;
	v13 =	vadd.f32 v14, v13  }
0xde: {  	v10 =	vmul.f32 v10, v9;
	v11 =	vsub.f32 v55, v11;
	v18 =	vadd.f32 v57, v19  }
0xdf: {  	v12 =	vsub.f32 v12, v56;
	v14 =	vadd.f32 v62, v63  }
0xe0: {  	v10 =	vadd.f32 v10, v13;
	v13 =	vsub.f32 v15, v61  }
0xe1: {  	v11 =	vadd.f32 v18, v11;
	v12 =	vadd.f32 v14, v12;
	_ =	sdelay $0x1  }
0xe2: {  	v10 =	vadd.f32 v10, v13;
	v11 =	vmul.f32 v11, v11;
	v12 =	vmul.f32 v12, v12;
	_ =	sdelay $0x1  }
0xe3: {  	v10 =	vmul.f32 v10, v10;
	v11 =	vadd.f32 v12, v11;
	_ =	sdelay $0x1  }
0xe4: {  	v10 =	vadd.f32 v11, v10;
	_ =	sdelay $0x1  }
0xe5: {  	v10 =	vmax.f32 v10, $1.000000000e-30  }
0xe6: {  	v11 =	vshra.s32 v10, $0x1;
	v12 =	vmul.f32 $5.000000000e-01, v10  }
0xe7: {  	v11 =	vsub.s32 $0x5F3759DF, v11  }
0xe8: {  	v13 =	vmul.f32 v11, v12;
	_ =	sdelay $0x1  }
0xe9: {  	v13 =	vmul.f32 v11, v13;
	_ =	sdelay $0x1  }
0xea: {  	v13 =	vsub.f32 $1.500000000e+00, v13;
	_ =	sdelay $0x1  }
0xeb: {  	v11 =	vmul.f32 v11, v13;
	_ =	sdelay $0x1  }
0xec: {  	v12 =	vmul.f32 v11, v12;
	_ =	sdelay $0x1  }
0xed: {  	s0 =	simm.s32 $0x0;
	v12 =	vmul.f32 v12, v11  }
.LBB2_3:
0xee: {  	s0 =	sadd.s32 $0x2, s0;
	s31 =	sadd.s32 $0x20, s31;
	s30 =	sadd.s32 $0x80, s30  }
0xef: {  	p2 =	slt.u32 s0, $0x3E;
	v12 =	vsub.f32 $1.500000000e+00, v12;
	_ =	sdelay $0x1  }
0xf0: {  	s7 =	sadd.s32 $0xFFFFFFF0, s31;
	s10 =	sand.u32 $0xE00, s30;
	v11 =	vmul.f32 v12, v11  }
0xf1: {  	s11 =	sand.u32 $0x60, s7;
	v12 =	vmov s7;
	s7 =	sor.u32 $0x9000, s10  }
0xf2: {  	v12 =	vshll.u32 v12, $0x3;
	s10 =	sor.u32 s11, s7;
	v10 =	vmul.f32 v11, v10  }
0xf3: {  	v11 =	vor.u32 v0, v12  }
0xf4: {  	v12 =	vor.u32 $0x1, v11;
	v13 =	vor.u32 $0x2, v11;
	[tilespmem:s4+$0xB010] =	vst v10  }
0xf5: {  	v10 =	vld [tilespmem:s10+$0x80]  }
0xf6: {  	v14 =	vld [tilespmem:s10+$0x0]  }
0xf7: {  	v15 =	vld [tilespmem:s10+$0x100]  }
0xf8: {  	v16 =	vld.idx.msk [tilespmem:v11+s17+$0x0], $0xffff  }
0xf9: {  	v11 =	vld.idx.msk [tilespmem:v11+s18+$0x0], $0xffff  }
0xfa: {  	v17 =	vld.idx.msk [tilespmem:v12+s17+$0x0], $0xffff;
	v18 =	vmul.f32 v10, v4;
	v19 =	vmul.f32 v10, v5  }
0xfb: {  	v12 =	vld.idx.msk [tilespmem:v12+s18+$0x0], $0xffff;
	v20 =	vmul.f32 v14, v1;
	v21 =	vmul.f32 v14, v2  }
0xfc: {  	v10 =	vmul.f32 v10, v6;
	v14 =	vmul.f32 v14, v3;
	v22 =	vld.idx.msk [tilespmem:v13+s18+$0x0], $0xffff  }
0xfd: {  	v13 =	vld.idx.msk [tilespmem:v13+s17+$0x0], $0xffff;
	v18 =	vadd.f32 v18, v20;
	v20 =	vmul.f32 v15, v7;
	v19 =	vadd.f32 v19, v21  }
0xfe: {  	v21 =	vmul.f32 v15, v8;
	v10 =	vadd.f32 v10, v14  }
0xff: {  	v11 =	vsub.f32 v11, v16;
	v14 =	vadd.f32 v20, v18  }
0x100: {  	v15 =	vmul.f32 v15, v9;
	v16 =	vadd.f32 v21, v19  }
0x101: {  	v12 =	vsub.f32 v12, v17;
	v11 =	vadd.f32 v14, v11  }
0x102: {  	v10 =	vadd.f32 v15, v10  }
0x103: {  	v12 =	vadd.f32 v16, v12;
	v13 =	vsub.f32 v22, v13;
	_ =	sdelay $0x1  }
0x104: {  	v11 =	vmul.f32 v11, v11;
	v10 =	vadd.f32 v10, v13;
	v12 =	vmul.f32 v12, v12;
	_ =	sdelay $0x1  }
0x105: {  	v11 =	vadd.f32 v12, v11;
	v10 =	vmul.f32 v10, v10;
	_ =	sdelay $0x1  }
0x106: {  	v10 =	vadd.f32 v11, v10;
	_ =	sdelay $0x1  }
0x107: {  	v10 =	vmax.f32 v10, $1.000000000e-30  }
0x108: {  	v11 =	vshra.s32 v10, $0x1;
	v12 =	vmul.f32 $5.000000000e-01, v10  }
0x109: {  	v11 =	vsub.s32 $0x5F3759DF, v11  }
0x10a: {  	v13 =	vmul.f32 v11, v12;
	_ =	sdelay $0x1  }
0x10b: {  	v13 =	vmul.f32 v11, v13;
	_ =	sdelay $0x1  }
0x10c: {  	v13 =	vsub.f32 $1.500000000e+00, v13;
	_ =	sdelay $0x1  }
0x10d: {  	v11 =	vmul.f32 v11, v13;
	_ =	sdelay $0x1  }
0x10e: {  	v12 =	vmul.f32 v11, v12;
	_ =	sdelay $0x1  }
0x10f: {  	v12 =	vmul.f32 v12, v11;
	_ =	sdelay $0x1  }
0x110: {  	v13 =	vmov s31;
	v12 =	vsub.f32 $1.500000000e+00, v12  }
0x111: {  	v13 =	vshll.u32 v13, $0x3  }
0x112: {  	v11 =	vmul.f32 v12, v11;
	v12 =	vor.u32 v0, v13;
	_ =	sdelay $0x1  }
0x113: {  	v10 =	vmul.f32 v11, v10  }
0x114: {  	s4 =	sshra.s32 s30, $0x2  }
0x115: {  	s10 =	sand.u32 $0x70, s31;
	[tilespmem:s4+$0xB000] =	vst v10  }
0x116: {  	s7 =	sor.u32 s10, s7;
	v10 =	vld.idx.msk [tilespmem:v12+s18+$0x0], $0xffff  }
0x117: {  	v11 =	vld [tilespmem:s7+$0x100]  }
0x118: {  	v13 =	vor.u32 $0x1, v12;
	v14 =	vld [tilespmem:s7+$0x0]  }
0x119: {  	v15 =	vld.idx.msk [tilespmem:v12+s17+$0x0], $0xffff  }
0x11a: {  	v12 =	vor.u32 $0x2, v12;
	v16 =	vld [tilespmem:s7+$0x80];
	_ =	sdelay $0x2  }
0x11b: {  	v18 =	vmul.f32 v11, v7;
	v17 =	vld.idx.msk [tilespmem:v13+s17+$0x0], $0xffff;
	v19 =	vmul.f32 v14, v2  }
0x11c: {  	v20 =	vmul.f32 v14, v1;
	v13 =	vld.idx.msk [tilespmem:v13+s18+$0x0], $0xffff  }
0x11d: {  	v22 =	vmul.f32 v11, v8;
	v10 =	vsub.f32 v10, v15;
	v21 =	vld.idx.msk [tilespmem:v12+s17+$0x0], $0xffff;
	v15 =	vmul.f32 v16, v4  }
0x11e: {  	v11 =	vmul.f32 v11, v9;
	v23 =	vmul.f32 v16, v5;
	v12 =	vld.idx.msk [tilespmem:v12+s18+$0x0], $0xffff  }
0x11f: {  	v14 =	vmul.f32 v14, v3;
	v16 =	vmul.f32 v16, v6;
	v15 =	vadd.f32 v15, v20  }
0x120: {  	v19 =	vadd.f32 v23, v19  }
0x121: {  	v14 =	vadd.f32 v16, v14;
	v15 =	vadd.f32 v18, v15  }
0x122: {  	v13 =	vsub.f32 v13, v17;
	v16 =	vadd.f32 v22, v19  }
0x123: {  	v11 =	vadd.f32 v11, v14;
	v10 =	vadd.f32 v15, v10  }
0x124: {  	v13 =	vadd.f32 v16, v13;
	v12 =	vsub.f32 v12, v21  }
0x125: {  	v10 =	vmul.f32 v10, v10  }
0x126: {  	v11 =	vadd.f32 v11, v12;
	v12 =	vmul.f32 v13, v13;
	_ =	sdelay $0x1  }
0x127: {  	v10 =	vadd.f32 v12, v10;
	v11 =	vmul.f32 v11, v11;
	_ =	sdelay $0x1  }
0x128: {  	v10 =	vadd.f32 v10, v11;
	_ =	sdelay $0x1  }
0x129: {  	v10 =	vmax.f32 v10, $1.000000000e-30  }
0x12a: {  	v11 =	vshra.s32 v10, $0x1;
	v12 =	vmul.f32 $5.000000000e-01, v10  }
0x12b: {  	v11 =	vsub.s32 $0x5F3759DF, v11  }
0x12c: {  	v13 =	vmul.f32 v11, v12;
	_ =	sdelay $0x1  }
0x12d: {  	v13 =	vmul.f32 v11, v13;
	_ =	sdelay $0x1  }
0x12e: {  	v13 =	vsub.f32 $1.500000000e+00, v13;
	_ =	sdelay $0x1  }
.Ltmp4:
0x12f: {  	v11 =	vmul.f32 v11, v13;
	(pc) =	sbr.rel @p2 .LBB2_3-.Ltmp4, $3  }
0x130: {  	_ = 	snop  }
0x131: {  	v12 =	vmul.f32 v11, v12;
	_ =	sdelay $0x1  }
0x132: {  	v12 =	vmul.f32 v12, v11  }
0x133: {  	_ = 	snop  }
0x134: {  	v12 =	vsub.f32 $1.500000000e+00, v12;
	_ =	sdelay $0x1  }
0x135: {  	v11 =	vmul.f32 v12, v11  }
.Ltmp5:
0x136: {  	_ = 	snop;
	(pc) =	sbr.rel @p1 .LBB2_8-.Ltmp5, $4  }
0x137: {  	v10 =	vmul.f32 v11, v10  }
0x138: {  	s0 =	sshll.u32 s29, $0x7  }
0x139: {  	s0 =	sadd.s32 s2, s0;
	[tilespmem:s4+$0xB010] =	vst v10  }
0x13a: {  	[hbm4b:s0+s3] =	stream.linear.scatter [tilespmem:s19], [sflag:$0x2], $0x400, $0x38;
	[tilespmem:$0xB890] =	vst v63  }
0x13b: {  	s0 =	sadd.s32 $0x2, s28  }
0x13c: {  	s4 =	sshll.u32 s0, $0x5  }
0x13d: {  	p1 =	sge.u32 s0, s9;
	s0 =	sor.u32 s8, s4  }
0x13e: {  	s4 =	sshll.u32 @!p1 s0, $0x8  }
0x13f: {  	s4 =	sand.u32 @!p1 $0x1FFFDF00, s4  }
0x140: {  	s7 =	sadd.s32 @!p1 s1, s4;
	s4 =	simm.s32 @!p1 $0x0  }
0x141: {  	[tilespmem:s4], [sflag:$0x3] =	stream.linear.gather @!p1 [hbm4b:s7+s4], $0x800, $0x38;
	[tilespmem:$0xB890] =	vst v63  }
0x142: {  	_ =	swait.ge [sflag:s14], $0x400  }
0x143: {  	[sflag:s14] =	ssyncset.done $0x0  }
0x144: {  	[sflag:s14] =	ssyncadd.s32 $0xFFFFFC00  }
0x145: {  	_ =	swait.ge [sflag:s14], $0x400  }
0x146: {  	[sflag:s14] =	ssyncset.done $0x0  }
0x147: {  	[sflag:s14] =	ssyncadd.s32 $0xFFFFFC00  }
0x148: {  	_ =	swait.ge [sflag:s14], $0x400  }
0x149: {  	[sflag:s14] =	ssyncset.done $0x0  }
0x14a: {  	[sflag:s14] =	ssyncadd.s32 $0xFFFFFC00  }
0x14b: {  	_ =	swait.ge [sflag:s14], $0x400  }
0x14c: {  	[sflag:s14] =	ssyncset.done $0x0  }
0x14d: {  	[sflag:s14] =	ssyncadd.s32 $0xFFFFFC00  }
0x14e: {  	_ =	swait.ge [sflag:s14], $0x400  }
0x14f: {  	[sflag:s14] =	ssyncset.done $0x0  }
0x150: {  	[sflag:s14] =	ssyncadd.s32 $0xFFFFFC00  }
0x151: {  	_ =	swait.ge [sflag:s14], $0x400  }
0x152: {  	[sflag:s14] =	ssyncset.done $0x0  }
0x153: {  	[sflag:s14] =	ssyncadd.s32 $0xFFFFFC00  }
0x154: {  	_ =	swait.ge [sflag:s14], $0x400  }
0x155: {  	[sflag:s14] =	ssyncset.done $0x0  }
0x156: {  	[sflag:s14] =	ssyncadd.s32 $0xFFFFFC00  }
0x157: {  	_ =	swait.ge [sflag:s14], $0x400  }
0x158: {  	[sflag:s14] =	ssyncset.done $0x0  }
0x159: {  	[sflag:s14] =	ssyncadd.s32 $0xFFFFFC00  }
0x15a: {  	_ =	swait.ge [sflag:s14], $0x400  }
0x15b: {  	[sflag:s14] =	ssyncset.done $0x0  }
0x15c: {  	[sflag:s14] =	ssyncadd.s32 $0xFFFFFC00  }
0x15d: {  	_ =	swait.ge [sflag:s14], $0x400  }
0x15e: {  	[sflag:s14] =	ssyncset.done $0x0  }
0x15f: {  	[sflag:s14] =	ssyncadd.s32 $0xFFFFFC00  }
0x160: {  	_ =	swait.ge [sflag:s14], $0x400  }
0x161: {  	[sflag:s14] =	ssyncset.done $0x0  }
0x162: {  	[sflag:s14] =	ssyncadd.s32 $0xFFFFFC00  }
0x163: {  	_ =	swait.ge [sflag:s14], $0x400  }
0x164: {  	[sflag:s14] =	ssyncset.done $0x0  }
0x165: {  	[sflag:s14] =	ssyncadd.s32 $0xFFFFFC00  }
0x166: {  	_ =	swait.ge [sflag:s14], $0x400  }
0x167: {  	[sflag:s14] =	ssyncset.done $0x0  }
0x168: {  	[sflag:s14] =	ssyncadd.s32 $0xFFFFFC00  }
0x169: {  	_ =	swait.ge [sflag:s14], $0x400  }
0x16a: {  	[sflag:s14] =	ssyncset.done $0x0  }
0x16b: {  	[sflag:s14] =	ssyncadd.s32 $0xFFFFFC00  }
0x16c: {  	_ =	swait.ge [sflag:s14], $0x400  }
0x16d: {  	[sflag:s14] =	ssyncset.done $0x0  }
0x16e: {  	[sflag:s14] =	ssyncadd.s32 $0xFFFFFC00  }
0x16f: {  	_ =	swait.ge [sflag:s14], $0x400  }
0x170: {  	[sflag:s14] =	ssyncset.done $0x0  }
0x171: {  	[sflag:s14] =	ssyncadd.s32 $0xFFFFFC00  }
0x172: {  	_ =	swait.ge [sflag:s14], $0x1000  }
0x173: {  	[sflag:s14] =	ssyncset.done $0x0  }
0x174: {  	s7 =	simm.s32 @!p1 $0x3;
	[sflag:s14] =	ssyncadd.s32 $0xFFFFF000  }
0x175: {  	_ =	swait.ge @!p1 [sflag:s7], $0x800  }
0x176: {  	[sflag:s7] =	ssyncset.done @!p1 $0x0  }
0x177: {  	s10 =	simm.s32 @!p1 $0x1000;
	[sflag:s7] =	ssyncadd.s32 @!p1 $0xFFFFF800;
	s7 =	simm.s32 @!p1 $0x80  }
0x178: {  	[tilespmem:s10], [sflag:$0x1] =	stream.indirect.gather @!p1 [hbm4b:s5+s7], $0x8, s4, s7, $0xb8;
	[tilespmem:$0xB890] =	vst v63  }
0x179: {  	s10 =	simm.s32 @!p1 $0x5000  }
0x17a: {  	[tilespmem:s10], [sflag:$0x1] =	stream.indirect.gather @!p1 [hbm4b:s5+s7], $0x8, s7, s7, $0xb8;
	[tilespmem:$0xB890] =	vst v63  }
0x17b: {  	s11 =	simm.s32 @!p1 $0x1400;
	s10 =	simm.s32 @!p1 $0x100  }
0x17c: {  	[tilespmem:s11], [sflag:$0x1] =	stream.indirect.gather @!p1 [hbm4b:s5+s7], $0x8, s10, s7, $0xb8;
	[tilespmem:$0xB890] =	vst v63  }
0x17d: {  	s10 =	simm.s32 @!p1 $0x180;
	s11 =	simm.s32 @!p1 $0x5400  }
0x17e: {  	[tilespmem:s11], [sflag:$0x1] =	stream.indirect.gather @!p1 [hbm4b:s5+s7], $0x8, s10, s7, $0xb8;
	[tilespmem:$0xB890] =	vst v63  }
0x17f: {  	s10 =	simm.s32 @!p1 $0x200;
	s11 =	simm.s32 @!p1 $0x1800  }
0x180: {  	[tilespmem:s11], [sflag:$0x1] =	stream.indirect.gather @!p1 [hbm4b:s5+s7], $0x8, s10, s7, $0xb8;
	[tilespmem:$0xB890] =	vst v63  }
0x181: {  	s10 =	simm.s32 @!p1 $0x280;
	s11 =	simm.s32 @!p1 $0x5800  }
0x182: {  	[tilespmem:s11], [sflag:$0x1] =	stream.indirect.gather @!p1 [hbm4b:s5+s7], $0x8, s10, s7, $0xb8;
	[tilespmem:$0xB890] =	vst v63  }
0x183: {  	s10 =	simm.s32 @!p1 $0x300;
	s11 =	simm.s32 @!p1 $0x1C00  }
0x184: {  	[tilespmem:s11], [sflag:$0x1] =	stream.indirect.gather @!p1 [hbm4b:s5+s7], $0x8, s10, s7, $0xb8;
	[tilespmem:$0xB890] =	vst v63  }
0x185: {  	s10 =	simm.s32 @!p1 $0x380;
	s11 =	simm.s32 @!p1 $0x5C00  }
0x186: {  	[tilespmem:s11], [sflag:$0x1] =	stream.indirect.gather @!p1 [hbm4b:s5+s7], $0x8, s10, s7, $0xb8;
	[tilespmem:$0xB890] =	vst v63  }
0x187: {  	s10 =	simm.s32 @!p1 $0x400;
	s11 =	simm.s32 @!p1 $0x2000  }
0x188: {  	[tilespmem:s11], [sflag:$0x1] =	stream.indirect.gather @!p1 [hbm4b:s5+s7], $0x8, s10, s7, $0xb8;
	[tilespmem:$0xB890] =	vst v63  }
0x189: {  	s10 =	simm.s32 @!p1 $0x480;
	s11 =	simm.s32 @!p1 $0x6000  }
0x18a: {  	[tilespmem:s11], [sflag:$0x1] =	stream.indirect.gather @!p1 [hbm4b:s5+s7], $0x8, s10, s7, $0xb8;
	[tilespmem:$0xB890] =	vst v63  }
0x18b: {  	s10 =	simm.s32 @!p1 $0x500;
	s11 =	simm.s32 @!p1 $0x2400  }
0x18c: {  	[tilespmem:s11], [sflag:$0x1] =	stream.indirect.gather @!p1 [hbm4b:s5+s7], $0x8, s10, s7, $0xb8;
	[tilespmem:$0xB890] =	vst v63  }
0x18d: {  	s10 =	simm.s32 @!p1 $0x580;
	s11 =	simm.s32 @!p1 $0x6400  }
0x18e: {  	[tilespmem:s11], [sflag:$0x1] =	stream.indirect.gather @!p1 [hbm4b:s5+s7], $0x8, s10, s7, $0xb8;
	[tilespmem:$0xB890] =	vst v63  }
0x18f: {  	s10 =	simm.s32 @!p1 $0x600;
	s11 =	simm.s32 @!p1 $0x2800  }
0x190: {  	[tilespmem:s11], [sflag:$0x1] =	stream.indirect.gather @!p1 [hbm4b:s5+s7], $0x8, s10, s7, $0xb8;
	[tilespmem:$0xB890] =	vst v63  }
0x191: {  	s10 =	simm.s32 @!p1 $0x680;
	s11 =	simm.s32 @!p1 $0x6800  }
0x192: {  	[tilespmem:s11], [sflag:$0x1] =	stream.indirect.gather @!p1 [hbm4b:s5+s7], $0x8, s10, s7, $0xb8;
	[tilespmem:$0xB890] =	vst v63  }
0x193: {  	s0 =	sshll.u32 @!p1 s0, $0x9;
	s10 =	simm.s32 @!p1 $0x700;
	s11 =	simm.s32 @!p1 $0x2C00  }
0x194: {  	[tilespmem:s11], [sflag:$0x1] =	stream.indirect.gather @!p1 [hbm4b:s5+s7], $0x8, s10, s7, $0xb8;
	[tilespmem:$0xB890] =	vst v63  }
0x195: {  	s0 =	sand.u32 @!p1 $0x1FFFBE00, s0;
	s10 =	simm.s32 @!p1 $0x780;
	s11 =	simm.s32 @!p1 $0x6C00  }
0x196: {  	[tilespmem:s11], [sflag:$0x1] =	stream.indirect.gather @!p1 [hbm4b:s5+s7], $0x8, s10, s7, $0xb8;
	[tilespmem:$0xB890] =	vst v63  }
0x197: {  	s0 =	sadd.s32 @!p1 s6, s0;
	s7 =	simm.s32 @!p1 $0x9000;
	s10 =	simm.s32 $0x0  }
0x198: {  	[tilespmem:s7], [sflag:$0x1] =	stream.linear.gather @!p1 [hbm4b:s0+s4], $0x1000, $0x38;
	[tilespmem:$0xB890] =	vst v63  }
0x199: {  	s28 =	simm.s32 $0x0;
	v10 =	vmov s10;
	s4 =	simm.s32 @!p0 $0x2  }
0x19a: {  	s11 =	sand.u32 $0xE00, s28;
	v10 =	vshll.u32 v10, $0x3;
	_ =	swait.ge @!p0 [sflag:s4], $0x400  }
0x19b: {  	s0 =	sand.u32 $0x60, s10;
	s7 =	sor.u32 $0xA000, s11;
	v10 =	vor.u32 v0, v10;
	[sflag:s4] =	ssyncset.done @!p0 $0x0  }
0x19c: {  	s0 =	sor.u32 s0, s7;
	[sflag:s4] =	ssyncadd.s32 @!p0 $0xFFFFFC00  }
0x19d: {  	v11 =	vor.u32 $0x1, v10;
	v12 =	vld [tilespmem:s0+$0x80]  }
0x19e: {  	v13 =	vld [tilespmem:s0+$0x0]  }
0x19f: {  	v14 =	vor.u32 $0x2, v10;
	v15 =	vld [tilespmem:s0+$0x100]  }
0x1a0: {  	v16 =	vld.idx.msk [tilespmem:v10+s20+$0x0], $0xffff  }
0x1a1: {  	v10 =	vld.idx.msk [tilespmem:v10+s21+$0x0], $0xffff  }
0x1a2: {  	v17 =	vld.idx.msk [tilespmem:v11+s20+$0x0], $0xffff;
	v18 =	vmul.f32 v12, v4;
	v19 =	vmul.f32 v12, v5  }
0x1a3: {  	v11 =	vld.idx.msk [tilespmem:v11+s21+$0x0], $0xffff;
	v20 =	vmul.f32 v13, v1;
	v21 =	vmul.f32 v13, v2  }
0x1a4: {  	v22 =	vld.idx.msk [tilespmem:v14+s21+$0x0], $0xffff;
	v13 =	vmul.f32 v13, v3;
	v12 =	vmul.f32 v12, v6  }
0x1a5: {  	v14 =	vld.idx.msk [tilespmem:v14+s20+$0x0], $0xffff;
	v52 =	vmul.f32 v15, v7;
	v18 =	vadd.f32 v18, v20  }
0x1a6: {  	v53 =	vmul.f32 v15, v8;
	v19 =	vadd.f32 v19, v21;
	v12 =	vadd.f32 v12, v13  }
0x1a7: {  	v15 =	vmul.f32 v15, v9;
	v10 =	vsub.f32 v10, v16;
	v13 =	vadd.f32 v52, v18  }
0x1a8: {  	v11 =	vsub.f32 v11, v17;
	v54 =	vadd.f32 v53, v19  }
0x1a9: {  	v12 =	vadd.f32 v15, v12;
	v10 =	vadd.f32 v13, v10  }
0x1aa: {  	v11 =	vadd.f32 v54, v11;
	v13 =	vsub.f32 v22, v14;
	_ =	sdelay $0x1  }
0x1ab: {  	v12 =	vadd.f32 v12, v13;
	v10 =	vmul.f32 v10, v10;
	v11 =	vmul.f32 v11, v11;
	_ =	sdelay $0x1  }
0x1ac: {  	v10 =	vadd.f32 v11, v10;
	v11 =	vmul.f32 v12, v12;
	_ =	sdelay $0x1  }
0x1ad: {  	v10 =	vadd.f32 v10, v11;
	_ =	sdelay $0x1  }
0x1ae: {  	v10 =	vmax.f32 v10, $1.000000000e-30  }
0x1af: {  	v11 =	vshra.s32 v10, $0x1;
	v12 =	vmul.f32 $5.000000000e-01, v10  }
0x1b0: {  	v11 =	vsub.s32 $0x5F3759DF, v11  }
0x1b1: {  	v13 =	vmul.f32 v11, v12;
	_ =	sdelay $0x1  }
0x1b2: {  	v13 =	vmul.f32 v11, v13;
	_ =	sdelay $0x1  }
0x1b3: {  	v13 =	vsub.f32 $1.500000000e+00, v13;
	_ =	sdelay $0x1  }
0x1b4: {  	v11 =	vmul.f32 v11, v13;
	_ =	sdelay $0x1  }
0x1b5: {  	v12 =	vmul.f32 v11, v12;
	_ =	sdelay $0x1  }
0x1b6: {  	v12 =	vmul.f32 v12, v11;
	_ =	sdelay $0x1  }
0x1b7: {  	v12 =	vsub.f32 $1.500000000e+00, v12;
	_ =	sdelay $0x1  }
0x1b8: {  	s29 =	simm.s32 $0x10;
	v11 =	vmul.f32 v12, v11  }
0x1b9: {  	v12 =	vmov s29  }
0x1ba: {  	v10 =	vmul.f32 v11, v10;
	v11 =	vshll.u32 v12, $0x3  }
0x1bb: {  	s30 =	simm.s32 $0x0;
	s31 =	sand.u32 $0x70, s29;
	v11 =	vor.u32 v0, v11  }
0x1bc: {  	s0 =	sor.u32 s31, s7;
	[tilespmem:s30+$0xB400] =	vst v10  }
0x1bd: {  	v12 =	vor.u32 $0x1, v11;
	v13 =	vld [tilespmem:s0+$0x0]  }
0x1be: {  	v14 =	vld [tilespmem:s0+$0x80]  }
0x1bf: {  	v15 =	vor.u32 $0x2, v11;
	v10 =	vld [tilespmem:s0+$0x100]  }
0x1c0: {  	v55 =	vld.idx.msk [tilespmem:v11+s21+$0x0], $0xffff  }
0x1c1: {  	v11 =	vld.idx.msk [tilespmem:v11+s20+$0x0], $0xffff  }
0x1c2: {  	v56 =	vld.idx.msk [tilespmem:v12+s20+$0x0], $0xffff  }
0x1c3: {  	v12 =	vld.idx.msk [tilespmem:v12+s21+$0x0], $0xffff;
	v58 =	vmul.f32 v13, v1;
	v59 =	vmul.f32 v14, v4  }
0x1c4: {  	v61 =	vld.idx.msk [tilespmem:v15+s20+$0x0], $0xffff;
	v60 =	vmul.f32 v13, v2;
	v23 =	vmul.f32 v14, v5  }
0x1c5: {  	v15 =	vld.idx.msk [tilespmem:v15+s21+$0x0], $0xffff;
	v13 =	vmul.f32 v13, v3;
	v14 =	vmul.f32 v14, v6  }
0x1c6: {  	v57 =	vmul.f32 v10, v7;
	v19 =	vadd.f32 v59, v58  }
0x1c7: {  	v62 =	vmul.f32 v10, v8;
	v63 =	vadd.f32 v23, v60;
	v13 =	vadd.f32 v14, v13  }
0x1c8: {  	v10 =	vmul.f32 v10, v9;
	v11 =	vsub.f32 v55, v11;
	v18 =	vadd.f32 v57, v19  }
0x1c9: {  	v12 =	vsub.f32 v12, v56;
	v14 =	vadd.f32 v62, v63  }
0x1ca: {  	v10 =	vadd.f32 v10, v13;
	v13 =	vsub.f32 v15, v61  }
0x1cb: {  	v11 =	vadd.f32 v18, v11;
	v12 =	vadd.f32 v14, v12;
	_ =	sdelay $0x1  }
0x1cc: {  	v10 =	vadd.f32 v10, v13;
	v11 =	vmul.f32 v11, v11;
	v12 =	vmul.f32 v12, v12;
	_ =	sdelay $0x1  }
0x1cd: {  	v10 =	vmul.f32 v10, v10;
	v11 =	vadd.f32 v12, v11;
	_ =	sdelay $0x1  }
0x1ce: {  	v10 =	vadd.f32 v11, v10;
	_ =	sdelay $0x1  }
0x1cf: {  	v10 =	vmax.f32 v10, $1.000000000e-30  }
0x1d0: {  	v11 =	vshra.s32 v10, $0x1;
	v12 =	vmul.f32 $5.000000000e-01, v10  }
0x1d1: {  	v11 =	vsub.s32 $0x5F3759DF, v11  }
0x1d2: {  	v13 =	vmul.f32 v11, v12;
	_ =	sdelay $0x1  }
0x1d3: {  	v13 =	vmul.f32 v11, v13;
	_ =	sdelay $0x1  }
0x1d4: {  	v13 =	vsub.f32 $1.500000000e+00, v13;
	_ =	sdelay $0x1  }
0x1d5: {  	v11 =	vmul.f32 v11, v13;
	_ =	sdelay $0x1  }
0x1d6: {  	v12 =	vmul.f32 v11, v12;
	_ =	sdelay $0x1  }
0x1d7: {  	s0 =	simm.s32 $0x0;
	v12 =	vmul.f32 v12, v11  }
.LBB2_6:
0x1d8: {  	s0 =	sadd.s32 $0x2, s0;
	s29 =	sadd.s32 $0x20, s29;
	s28 =	sadd.s32 $0x80, s28  }
0x1d9: {  	p0 =	slt.u32 s0, $0x3E;
	v12 =	vsub.f32 $1.500000000e+00, v12;
	_ =	sdelay $0x1  }
0x1da: {  	s4 =	sadd.s32 $0xFFFFFFF0, s29;
	s7 =	sand.u32 $0xE00, s28;
	v11 =	vmul.f32 v12, v11  }
0x1db: {  	s10 =	sand.u32 $0x60, s4;
	v12 =	vmov s4;
	s4 =	sor.u32 $0xA000, s7  }
0x1dc: {  	v12 =	vshll.u32 v12, $0x3;
	s7 =	sor.u32 s10, s4;
	v10 =	vmul.f32 v11, v10  }
0x1dd: {  	v11 =	vor.u32 v0, v12  }
0x1de: {  	v12 =	vor.u32 $0x1, v11;
	v13 =	vor.u32 $0x2, v11;
	[tilespmem:s30+$0xB410] =	vst v10  }
0x1df: {  	v10 =	vld [tilespmem:s7+$0x80]  }
0x1e0: {  	v14 =	vld [tilespmem:s7+$0x0]  }
0x1e1: {  	v15 =	vld [tilespmem:s7+$0x100]  }
0x1e2: {  	v16 =	vld.idx.msk [tilespmem:v11+s20+$0x0], $0xffff  }
0x1e3: {  	v11 =	vld.idx.msk [tilespmem:v11+s21+$0x0], $0xffff  }
0x1e4: {  	v17 =	vld.idx.msk [tilespmem:v12+s20+$0x0], $0xffff;
	v18 =	vmul.f32 v10, v4;
	v19 =	vmul.f32 v10, v5  }
0x1e5: {  	v12 =	vld.idx.msk [tilespmem:v12+s21+$0x0], $0xffff;
	v20 =	vmul.f32 v14, v1;
	v21 =	vmul.f32 v14, v2  }
0x1e6: {  	v10 =	vmul.f32 v10, v6;
	v14 =	vmul.f32 v14, v3;
	v22 =	vld.idx.msk [tilespmem:v13+s21+$0x0], $0xffff  }
0x1e7: {  	v13 =	vld.idx.msk [tilespmem:v13+s20+$0x0], $0xffff;
	v18 =	vadd.f32 v18, v20;
	v20 =	vmul.f32 v15, v7;
	v19 =	vadd.f32 v19, v21  }
0x1e8: {  	v21 =	vmul.f32 v15, v8;
	v10 =	vadd.f32 v10, v14  }
0x1e9: {  	v11 =	vsub.f32 v11, v16;
	v14 =	vadd.f32 v20, v18  }
0x1ea: {  	v15 =	vmul.f32 v15, v9;
	v16 =	vadd.f32 v21, v19  }
0x1eb: {  	v12 =	vsub.f32 v12, v17;
	v11 =	vadd.f32 v14, v11  }
0x1ec: {  	v10 =	vadd.f32 v15, v10  }
0x1ed: {  	v12 =	vadd.f32 v16, v12;
	v13 =	vsub.f32 v22, v13;
	_ =	sdelay $0x1  }
0x1ee: {  	v11 =	vmul.f32 v11, v11;
	v10 =	vadd.f32 v10, v13;
	v12 =	vmul.f32 v12, v12;
	_ =	sdelay $0x1  }
0x1ef: {  	v11 =	vadd.f32 v12, v11;
	v10 =	vmul.f32 v10, v10;
	_ =	sdelay $0x1  }
0x1f0: {  	v10 =	vadd.f32 v11, v10;
	_ =	sdelay $0x1  }
0x1f1: {  	v10 =	vmax.f32 v10, $1.000000000e-30  }
0x1f2: {  	v11 =	vshra.s32 v10, $0x1;
	v12 =	vmul.f32 $5.000000000e-01, v10  }
0x1f3: {  	v11 =	vsub.s32 $0x5F3759DF, v11  }
0x1f4: {  	v13 =	vmul.f32 v11, v12;
	_ =	sdelay $0x1  }
0x1f5: {  	v13 =	vmul.f32 v11, v13;
	_ =	sdelay $0x1  }
0x1f6: {  	v13 =	vsub.f32 $1.500000000e+00, v13;
	_ =	sdelay $0x1  }
0x1f7: {  	v11 =	vmul.f32 v11, v13;
	_ =	sdelay $0x1  }
0x1f8: {  	v12 =	vmul.f32 v11, v12;
	_ =	sdelay $0x1  }
0x1f9: {  	v12 =	vmul.f32 v12, v11;
	_ =	sdelay $0x1  }
0x1fa: {  	v13 =	vmov s29;
	v12 =	vsub.f32 $1.500000000e+00, v12  }
0x1fb: {  	v13 =	vshll.u32 v13, $0x3  }
0x1fc: {  	v11 =	vmul.f32 v12, v11;
	v12 =	vor.u32 v0, v13;
	_ =	sdelay $0x1  }
0x1fd: {  	v10 =	vmul.f32 v11, v10  }
0x1fe: {  	s30 =	sshra.s32 s28, $0x2  }
0x1ff: {  	s7 =	sand.u32 $0x70, s29;
	[tilespmem:s30+$0xB400] =	vst v10  }
0x200: {  	s4 =	sor.u32 s7, s4;
	v10 =	vld.idx.msk [tilespmem:v12+s21+$0x0], $0xffff  }
0x201: {  	v11 =	vld [tilespmem:s4+$0x100]  }
0x202: {  	v13 =	vor.u32 $0x1, v12;
	v14 =	vld [tilespmem:s4+$0x0]  }
0x203: {  	v15 =	vld.idx.msk [tilespmem:v12+s20+$0x0], $0xffff  }
0x204: {  	v12 =	vor.u32 $0x2, v12;
	v16 =	vld [tilespmem:s4+$0x80];
	_ =	sdelay $0x2  }
0x205: {  	v18 =	vmul.f32 v11, v7;
	v17 =	vld.idx.msk [tilespmem:v13+s20+$0x0], $0xffff;
	v19 =	vmul.f32 v14, v2  }
0x206: {  	v20 =	vmul.f32 v14, v1;
	v13 =	vld.idx.msk [tilespmem:v13+s21+$0x0], $0xffff  }
0x207: {  	v22 =	vmul.f32 v11, v8;
	v10 =	vsub.f32 v10, v15;
	v21 =	vld.idx.msk [tilespmem:v12+s20+$0x0], $0xffff;
	v15 =	vmul.f32 v16, v4  }
0x208: {  	v11 =	vmul.f32 v11, v9;
	v23 =	vmul.f32 v16, v5;
	v12 =	vld.idx.msk [tilespmem:v12+s21+$0x0], $0xffff  }
0x209: {  	v14 =	vmul.f32 v14, v3;
	v16 =	vmul.f32 v16, v6;
	v15 =	vadd.f32 v15, v20  }
0x20a: {  	v19 =	vadd.f32 v23, v19  }
0x20b: {  	v14 =	vadd.f32 v16, v14;
	v15 =	vadd.f32 v18, v15  }
0x20c: {  	v13 =	vsub.f32 v13, v17;
	v16 =	vadd.f32 v22, v19  }
0x20d: {  	v11 =	vadd.f32 v11, v14;
	v10 =	vadd.f32 v15, v10  }
0x20e: {  	v13 =	vadd.f32 v16, v13;
	v12 =	vsub.f32 v12, v21  }
0x20f: {  	v10 =	vmul.f32 v10, v10  }
0x210: {  	v11 =	vadd.f32 v11, v12;
	v12 =	vmul.f32 v13, v13;
	_ =	sdelay $0x1  }
0x211: {  	v10 =	vadd.f32 v12, v10;
	v11 =	vmul.f32 v11, v11;
	_ =	sdelay $0x1  }
0x212: {  	v10 =	vadd.f32 v10, v11;
	_ =	sdelay $0x1  }
0x213: {  	v10 =	vmax.f32 v10, $1.000000000e-30  }
0x214: {  	v11 =	vshra.s32 v10, $0x1;
	v12 =	vmul.f32 $5.000000000e-01, v10  }
0x215: {  	v11 =	vsub.s32 $0x5F3759DF, v11  }
0x216: {  	v13 =	vmul.f32 v11, v12;
	_ =	sdelay $0x1  }
0x217: {  	v13 =	vmul.f32 v11, v13;
	_ =	sdelay $0x1  }
0x218: {  	v13 =	vsub.f32 $1.500000000e+00, v13;
	_ =	sdelay $0x1  }
.Ltmp6:
0x219: {  	v11 =	vmul.f32 v11, v13;
	(pc) =	sbr.rel @p0 .LBB2_6-.Ltmp6, $3  }
0x21a: {  	_ = 	snop  }
0x21b: {  	v12 =	vmul.f32 v11, v12;
	_ =	sdelay $0x1  }
0x21c: {  	v12 =	vmul.f32 v12, v11  }
0x21d: {  	_ = 	snop  }
0x21e: {  	v12 =	vsub.f32 $1.500000000e+00, v12;
	_ =	sdelay $0x1  }
0x21f: {  	v11 =	vmul.f32 v12, v11  }
.Ltmp7:
0x220: {  	_ = 	snop;
	(pc) =	sbr.rel .LBB2_8-.Ltmp7, $4  }
0x221: {  	s0 =	sshll.u32 s26, $0x7;
	v10 =	vmul.f32 v11, v10  }
0x222: {  	s0 =	sand.u32 $0x1FFFFF80, s0  }
0x223: {  	s0 =	sadd.s32 s2, s0;
	[tilespmem:s30+$0xB410] =	vst v10  }
0x224: {  	[hbm4b:s0+s3] =	stream.linear.scatter [tilespmem:s22], [sflag:$0x2], $0x400, $0x38;
	[tilespmem:$0xB890] =	vst v63  }
.LBB2_10:
0x225: {  	_ =	sfence.sel $0x180000  }
0x226: {  	[bflag:$0x0] =	sbarrier.arrive $0xFFFF  }
0x227: {  	_ =	strace $0x90000047  }
0x228: {  	s0 =	stileid.u32;
	[bflag:$0x2] =	sbarrier.arrive $0xFFFF  }
0x229: {  	p0 =	sne.s32 s0, $0x0;
	s0 =	rddreg [dreg:$0x3]  }
0x22a: {  	s0 =	sadd.s32 @!p0 $0x100000, s0  }
0x22b: {  	[sflag:s0] =	ssyncadd.tile.s32 @!p0 $0x1;
	_ =	shalt  }
.Lfunc_end2:
_tile_overlayer_lowered:
.L_overlay_start_2:
0x22c: {  	(tag) =	ssettag $0x2  }
0x22d: {  	s0 =	rddreg [dreg:$0x0];
	s2 =	stileid.u32  }
0x22e: {  	s1 =	rddreg [dreg:$0x1];
	p0 =	sne.s32 s2, $0x0  }
0x22f: {  	s3 =	rddreg [dreg:$0x2];
	[bflag:$0x3] =	sbarrier.arrive $0xFFFF;
	s2 =	simm.s32 @!p0 $0x1C04  }
0x230: {  	[timem:s3], [sflag:s2] =	dma.local @!p0 [hbm:s0], s1  }
0x231: {  	s0 =	simm.s32 @!p0 $0x4  }
0x232: {  	_ =	swait.ge @!p0 [sflag:s0], s1  }
0x233: {  	s1 =	ssub.s32 @!p0 $0x0, s1;
	[sflag:s0] =	ssyncset.done @!p0 $0x0  }
0x234: {  	[sflag:s0] =	ssyncadd.s32 @!p0 s1  }
0x235: {  	[bflag:$0x3] =	sbarrier.arrive $0xFFFF  }
0x236: {  	_ =	shalt  }

</sc_bundles>
